<compile_context>
chip_gen: v7x
topology: tpu7x:2x2x1
jax: 0.10.2.dev20260603
libtpu: 0.0.44.dev20260713+nightly
codegen_flags: <defaults>
</compile_context>

<pallas_src>
import functools
import jax
import jax.numpy as jnp
from jax import lax
from jax.experimental import pallas as pl
from jax.experimental.pallas import tpu as pltpu
from jax.experimental.pallas import tpu_sc as plsc

B, S, D, H, E, K = 2, 2048, 1024, 512, 8, 2
T = B * S
TK = T * K
EP = 128
MA = 256
M = 256
NT = TK // M + E
NROWS = NT * M
DP = D // 2

NC, NS = 2, 16
NW = NC * NS
RW = NROWS // NW
GC = 40
GSLOT = 4
NCH = RW // GC
TW = T // NW
CC = 16
CSLOT = 2
NCC = TW // CC


def _silu(x):
    return x * jax.nn.sigmoid(x)


def _shared_kernel(x_ref, wrp_ref, wgs_ref, wus_ref, wds_ref,
                   shared_ref, logits_ref, xpack_ref):
    xt = x_ref[...]
    xb = xt.astype(jnp.bfloat16)
    lo32 = lax.bitcast_convert_type(xb[:, :DP], jnp.uint16).astype(jnp.uint32)
    hi32 = lax.bitcast_convert_type(xb[:, DP:], jnp.uint16).astype(jnp.uint32)
    xpack_ref[...] = lax.bitcast_convert_type((hi32 << 16) | lo32, jnp.int32)
    gate = lax.dot_general(xb, wgs_ref[...], (((1,), (1,)), ((), ())),
                           preferred_element_type=jnp.float32)
    up = lax.dot_general(xb, wus_ref[...], (((1,), (1,)), ((), ())),
                         preferred_element_type=jnp.float32)
    act = (_silu(gate) * up).astype(jnp.bfloat16)
    shared_ref[...] = lax.dot_general(act, wds_ref[...],
                                      (((1,), (1,)), ((), ())),
                                      preferred_element_type=jnp.float32)
    logits_ref[...] = lax.dot_general(xt, wrp_ref[...],
                                      (((1,), (1,)), ((), ())),
                                      preferred_element_type=jnp.float32)


def _shared_and_logits(x, Wrp, Wg_s, Wu_s, Wd_s):
    return pl.pallas_call(
        _shared_kernel,
        grid=(T // MA,),
        in_specs=[
            pl.BlockSpec((MA, D), lambda t: (t, 0)),
            pl.BlockSpec((EP, D), lambda t: (0, 0)),
            pl.BlockSpec((H, D), lambda t: (0, 0)),
            pl.BlockSpec((H, D), lambda t: (0, 0)),
            pl.BlockSpec((D, H), lambda t: (0, 0)),
        ],
        out_specs=[
            pl.BlockSpec((MA, D), lambda t: (t, 0)),
            pl.BlockSpec((MA, EP), lambda t: (t, 0)),
            pl.BlockSpec((MA, DP), lambda t: (t, 0)),
        ],
        out_shape=[
            jax.ShapeDtypeStruct((T, D), jnp.float32),
            jax.ShapeDtypeStruct((T, EP), jnp.float32),
            jax.ShapeDtypeStruct((T, DP), jnp.int32),
        ],
        compiler_params=pltpu.CompilerParams(
            dimension_semantics=("arbitrary",)),
    )(x, Wrp, Wg_s, Wu_s, Wd_s)


def _sc_gather_call(xb, row_token):
    mesh = plsc.VectorSubcoreMesh(core_axis_name="c", subcore_axis_name="s")

    @functools.partial(
        pl.kernel, mesh=mesh,
        out_type=jax.ShapeDtypeStruct((NROWS, DP), jnp.int32),
        scratch_types=[
            pltpu.VMEM((RW,), jnp.int32),
            pltpu.VMEM((GSLOT, GC, DP), jnp.int32),
        ] + [pltpu.SemaphoreType.DMA] * (2 * GSLOT),
    )
    def _gather(x_hbm, tok_hbm, xg_hbm, idx_v, rows_v, *sems):
        gsems = sems[:GSLOT]
        wsems = sems[GSLOT:]
        wid = lax.axis_index("s") * NC + lax.axis_index("c")
        base = wid * RW
        pltpu.sync_copy(tok_hbm.at[pl.ds(base, RW)], idx_v)
        hg = [None] * NCH
        hw = [None] * NCH

        def writeback(i):
            hg[i].wait()
            hw[i] = pltpu.async_copy(
                rows_v.at[i % GSLOT],
                xg_hbm.at[pl.ds(base + i * GC, GC)],
                wsems[i % GSLOT])

        for j in range(NCH):
            s = j % GSLOT
            if j >= GSLOT:
                hw[j - GSLOT].wait()
            hg[j] = pltpu.async_copy(
                x_hbm.at[idx_v.at[pl.ds(j * GC, GC)]], rows_v.at[s],
                gsems[s])
            if j >= GSLOT - 1:
                writeback(j - (GSLOT - 1))
        for i in range(NCH - (GSLOT - 1), NCH):
            writeback(i)
        for i in range(NCH - GSLOT, NCH):
            hw[i].wait()

    return _gather(xb, row_token)


def _gmm_kernel(te_ref, xg_ref, w_ref, wg_ref, wu_ref, wd_ref, out_ref):
    u = lax.bitcast_convert_type(xg_ref[...], jnp.uint32)
    lo = lax.bitcast_convert_type((u & 0xFFFF).astype(jnp.uint16),
                                  jnp.bfloat16)
    hi = lax.bitcast_convert_type((u >> 16).astype(jnp.uint16),
                                  jnp.bfloat16)
    wg = wg_ref[0]
    wu = wu_ref[0]
    dn = (((1,), (1,)), ((), ()))
    gate = (lax.dot_general(lo, wg[:, :DP], dn,
                            preferred_element_type=jnp.float32)
            + lax.dot_general(hi, wg[:, DP:], dn,
                              preferred_element_type=jnp.float32))
    up = (lax.dot_general(lo, wu[:, :DP], dn,
                          preferred_element_type=jnp.float32)
          + lax.dot_general(hi, wu[:, DP:], dn,
                            preferred_element_type=jnp.float32))
    act = (_silu(gate) * up).astype(jnp.bfloat16)
    eo = lax.dot_general(act, wd_ref[0], (((1,), (1,)), ((), ())),
                         preferred_element_type=jnp.float32)
    out_ref[...] = eo * w_ref[...]


def _gmm_call(tile_expert, xg, row_weight, Wg_e, Wu_e, Wd_e):
    grid_spec = pltpu.PrefetchScalarGridSpec(
        num_scalar_prefetch=1,
        grid=(NT,),
        in_specs=[
            pl.BlockSpec((M, DP), lambda i, te: (i, 0)),
            pl.BlockSpec((M, 1), lambda i, te: (i, 0)),
            pl.BlockSpec((1, H, D), lambda i, te: (te[i], 0, 0)),
            pl.BlockSpec((1, H, D), lambda i, te: (te[i], 0, 0)),
            pl.BlockSpec((1, D, H), lambda i, te: (te[i], 0, 0)),
        ],
        out_specs=pl.BlockSpec((M, D), lambda i, te: (i, 0)),
    )
    return pl.pallas_call(
        _gmm_kernel,
        grid_spec=grid_spec,
        out_shape=jax.ShapeDtypeStruct((NROWS, D), jnp.float32),
        compiler_params=pltpu.CompilerParams(
            dimension_semantics=("arbitrary",)),
    )(tile_expert, xg, row_weight, Wg_e, Wu_e, Wd_e)


def _sc_combine_call(shared, yg, posA, posB):
    mesh = plsc.VectorSubcoreMesh(core_axis_name="c", subcore_axis_name="s")

    @functools.partial(
        pl.kernel, mesh=mesh,
        out_type=jax.ShapeDtypeStruct((T, D), jnp.float32),
        scratch_types=[
            pltpu.VMEM((TW,), jnp.int32),
            pltpu.VMEM((TW,), jnp.int32),
            pltpu.VMEM((CSLOT, CC, D), jnp.float32),
            pltpu.VMEM((CSLOT, CC, D), jnp.float32),
            pltpu.VMEM((CSLOT, CC, D), jnp.float32),
        ] + [pltpu.SemaphoreType.DMA] * (4 * CSLOT),
    )
    def _combine(shared_hbm, yg_hbm, posa_hbm, posb_hbm, out_hbm,
                 ia_v, ib_v, ya_v, yb_v, s_v, *sems):
        asems = sems[0:CSLOT]
        bsems = sems[CSLOT:2 * CSLOT]
        ssems = sems[2 * CSLOT:3 * CSLOT]
        osems = sems[3 * CSLOT:4 * CSLOT]
        wid = lax.axis_index("s") * NC + lax.axis_index("c")
        base = wid * TW
        pltpu.sync_copy(posa_hbm.at[pl.ds(base, TW)], ia_v)
        pltpu.sync_copy(posb_hbm.at[pl.ds(base, TW)], ib_v)
        ha = [None] * NCC
        hb = [None] * NCC
        hs = [None] * NCC
        ho = [None] * NCC

        def fetch(c):
            s = c % CSLOT
            ha[c] = pltpu.async_copy(
                yg_hbm.at[ia_v.at[pl.ds(c * CC, CC)]], ya_v.at[s], asems[s])
            hb[c] = pltpu.async_copy(
                yg_hbm.at[ib_v.at[pl.ds(c * CC, CC)]], yb_v.at[s], bsems[s])
            hs[c] = pltpu.async_copy(
                shared_hbm.at[pl.ds(base + c * CC, CC)], s_v.at[s], ssems[s])

        def process(c):
            s = c % CSLOT
            ha[c].wait()
            hb[c].wait()
            hs[c].wait()

            def row(r, c2):
                def col(cl, c3):
                    for k in range(4):
                        sl = pl.ds(cl * 64 + k * 16, 16)
                        s_v[s, r, sl] = (s_v[s, r, sl] + ya_v[s, r, sl]
                                         + yb_v[s, r, sl])
                    return c3
                return lax.fori_loop(0, D // 64, col, c2)

            lax.fori_loop(0, CC, row, 0)
            ho[c] = pltpu.async_copy(
                s_v.at[s], out_hbm.at[pl.ds(base + c * CC, CC)], osems[s])

        for c in range(NCC):
            if c >= CSLOT:
                ho[c - CSLOT].wait()
            fetch(c)
            if c >= CSLOT - 1:
                process(c - (CSLOT - 1))
        for c in range(NCC - (CSLOT - 1), NCC):
            process(c)
        for c in range(NCC - CSLOT, NCC):
            ho[c].wait()

    return _combine(shared, yg, posA, posB)


def kernel(hidden_states, Wr, Wg_s, Wu_s, Wd_s, Wg_e, Wu_e, Wd_e):
    b, s, d = hidden_states.shape
    x = hidden_states.reshape(T, d)
    Wrp = jnp.zeros((EP, d), jnp.float32).at[:E].set(Wr)

    shared, logits, xpack = _shared_and_logits(
        x, Wrp, Wg_s.astype(jnp.bfloat16), Wu_s.astype(jnp.bfloat16),
        Wd_s.astype(jnp.bfloat16))

    probs = jax.nn.softmax(logits[:, :E].astype(jnp.float32), axis=-1)
    tkw, tki = lax.top_k(probs, K)
    tkw = tkw / jnp.sum(tkw, axis=-1, keepdims=True)
    flat_e = tki.reshape(-1).astype(jnp.int32)
    flat_w = tkw.reshape(-1).astype(jnp.float32)
    oh = (flat_e[:, None] == jnp.arange(E, dtype=jnp.int32)[None, :])
    ohi = oh.astype(jnp.int32)
    rank = jnp.sum((jnp.cumsum(ohi, axis=0) - 1) * ohi, axis=1)
    counts = jnp.sum(ohi, axis=0)
    tiles_e = (counts + M - 1) // M
    tile_end = jnp.cumsum(tiles_e)
    padded_start = (tile_end - tiles_e) * M
    dest = (padded_start[flat_e] + rank).astype(jnp.int32)
    arange_tk = jnp.arange(TK, dtype=jnp.int32)
    row_token = jnp.zeros((NROWS,), jnp.int32).at[dest].set(arange_tk // K)
    row_weight = jnp.zeros((NROWS, 1), jnp.float32).at[dest, 0].set(flat_w)
    tile_expert = jnp.searchsorted(
        tile_end, jnp.arange(NT, dtype=jnp.int32), side='right')
    tile_expert = jnp.minimum(tile_expert, E - 1).astype(jnp.int32)
    pos = dest.reshape(T, K)
    posA = pos[:, 0]
    posB = pos[:, 1]

    xg = _sc_gather_call(xpack, row_token)
    yg = _gmm_call(tile_expert, xg, row_weight,
                   Wg_e.astype(jnp.bfloat16), Wu_e.astype(jnp.bfloat16),
                   Wd_e.astype(jnp.bfloat16))
    out = _sc_combine_call(shared, yg, posA, posB)
    return out.reshape(b, s, d)

# --- scband reference (transcript-rebuilt; emitter-appended) ---
"""Pipeline reference for scband-shared-mo-eblock-82411832475880 (READ-ONLY COPY).

The authoritative reference and input builder live on the scoring server;
editing this copy changes nothing except your own understanding.
"""

import jax, jax.numpy as jnp
import numpy as np

B, S, D, H, E, K = 2, 2048, 1024, 512, 8, 2

def setup_inputs(seed: int = 0) -> dict:
    key = jax.random.key(seed)
    ks = jax.random.split(key, 8)
    hidden_states = jax.random.normal(ks[0], (B, S, D), dtype=jnp.float32)
    Wr = jax.random.normal(ks[1], (E, D), dtype=jnp.float32) * 0.02
    Wg_s = jax.random.normal(ks[2], (H, D), dtype=jnp.float32) * 0.02
    Wu_s = jax.random.normal(ks[3], (H, D), dtype=jnp.float32) * 0.02
    Wd_s = jax.random.normal(ks[4], (D, H), dtype=jnp.float32) * 0.02
    Wg_e = jax.random.normal(ks[5], (E, H, D), dtype=jnp.float32) * 0.02
    Wu_e = jax.random.normal(ks[6], (E, H, D), dtype=jnp.float32) * 0.02
    Wd_e = jax.random.normal(ks[7], (E, D, H), dtype=jnp.float32) * 0.02
    return {"hidden_states": hidden_states, "Wr": Wr, "Wg_s": Wg_s, "Wu_s": Wu_s, "Wd_s": Wd_s, "Wg_e": Wg_e, "Wu_e": Wu_e, "Wd_e": Wd_e}

def _silu(x):
    return x * jax.nn.sigmoid(x)

def reference(hidden_states, Wr, Wg_s, Wu_s, Wd_s, Wg_e, Wu_e, Wd_e):
    b, s, d = hidden_states.shape
    # shared expert (SwiGLU)
    shared_out = (_silu(hidden_states @ Wg_s.T) * (hidden_states @ Wu_s.T)) @ Wd_s.T
    flat = hidden_states.reshape(-1, d)
    # router
    router_logits = flat @ Wr.T
    router_probs = jax.nn.softmax(router_logits.astype(jnp.float32), axis=-1)
    top_k_weights, top_k_indices = jax.lax.top_k(router_probs, K)
    top_k_weights = top_k_weights / jnp.sum(top_k_weights, axis=-1, keepdims=True)
    top_k_weights = top_k_weights.astype(hidden_states.dtype)
    # routed experts: compute all experts densely, combine with top-k weights
    gate = jnp.einsum('td,ehd->teh', flat, Wg_e)
    up = jnp.einsum('td,ehd->teh', flat, Wu_e)
    h = _silu(gate) * up
    expert_out = jnp.einsum('teh,eoh->teo', h, Wd_e)
    combine = jnp.sum(jax.nn.one_hot(top_k_indices, E, dtype=top_k_weights.dtype) * top_k_weights[..., None], axis=1)
    routed = jnp.einsum('te,teo->to', combine, expert_out)
    routed = routed.reshape(b, s, -1)
    return shared_out + routed

if __name__ == "__main__":
    import jax
    _d = setup_inputs()
    print(jax.jit(kernel)(*tuple(_d.values())))

</pallas_src>

<mosaic_0001>
#map = affine_map<(d0, d1) -> (0, 0)>
#map1 = affine_map<(d0, d1) -> (0)>
module attributes {stable_mosaic.version = 14 : i64} {
  func.func @_combine(%arg0: i32, %arg1: i32, %arg2: memref<4096x1024xf32, #tpu.memory_space<hbm>>, %arg3: memref<10240x1024xf32, #tpu.memory_space<hbm>>, %arg4: memref<4096xi32, #tpu.memory_space<hbm>>, %arg5: memref<4096xi32, #tpu.memory_space<hbm>>, %arg6: memref<4096x1024xf32, #tpu.memory_space<hbm>>, %arg7: memref<128xi32, #tpu.memory_space<vmem>>, %arg8: memref<128xi32, #tpu.memory_space<vmem>>, %arg9: memref<2x16x1024xf32, #tpu.memory_space<vmem>>, %arg10: memref<2x16x1024xf32, #tpu.memory_space<vmem>>, %arg11: memref<2x16x1024xf32, #tpu.memory_space<vmem>>, %arg12: memref<!tpu.dma_semaphore, #tpu.memory_space<semaphore_mem>>, %arg13: memref<!tpu.dma_semaphore, #tpu.memory_space<semaphore_mem>>, %arg14: memref<!tpu.dma_semaphore, #tpu.memory_space<semaphore_mem>>, %arg15: memref<!tpu.dma_semaphore, #tpu.memory_space<semaphore_mem>>, %arg16: memref<!tpu.dma_semaphore, #tpu.memory_space<semaphore_mem>>, %arg17: memref<!tpu.dma_semaphore, #tpu.memory_space<semaphore_mem>>, %arg18: memref<!tpu.dma_semaphore, #tpu.memory_space<semaphore_mem>>, %arg19: memref<!tpu.dma_semaphore, #tpu.memory_space<semaphore_mem>>) attributes {dimension_semantics = [#tpu.dimension_semantics<core_parallel>, #tpu.dimension_semantics<subcore_parallel>], iteration_bounds = array<i64: 2, 16>, scalar_prefetch = 0 : i64, scratch_operands = 13 : i64, tpu.core_type = #tpu.core_type<sc_vector_subcore>, window_params = [{transform_indices = #map}, {transform_indices = #map}, {transform_indices = #map1}, {transform_indices = #map1}, {transform_indices = #map}]} {
    %mul3A = arith.constant 2 : i32
    %mul3A_0 = arith.muli %arg1, %mul3A : i32
    %add3A = arith.addi %mul3A_0, %arg0 : i32
    %mul3A_1 = arith.constant 128 : i32
    %mul3A_2 = arith.muli %add3A, %mul3A_1 : i32
    "tpu.region"() ({
      %run_scoped3A = tpu.sem_alloc : memref<!tpu.dma_semaphore, #tpu.memory_space<semaphore_mem>>
      %dma_start3A_816 = tpu.memref_slice %arg4[%mul3A_2] : memref<4096xi32, #tpu.memory_space<hbm>> -> memref<128xi32, #tpu.memory_space<hbm>>
      %dma_start3A_817 = tpu.memref_slice %arg4[%mul3A_2] : memref<4096xi32, #tpu.memory_space<hbm>> -> memref<128xi32, #tpu.memory_space<hbm>>
      tpu.enqueue_dma source(%dma_start3A_817 : memref<128xi32, #tpu.memory_space<hbm>>) target(%arg7 : memref<128xi32, #tpu.memory_space<vmem>>) target_semaphore(%run_scoped3A : memref<!tpu.dma_semaphore, #tpu.memory_space<semaphore_mem>>)
      %dma_wait3A_818 = tpu.memref_slice %arg4[%mul3A_2] : memref<4096xi32, #tpu.memory_space<hbm>> -> memref<128xi32, #tpu.memory_space<hbm>>
      %dma_wait3A_819 = tpu.memref_slice %arg4[%mul3A_2] : memref<4096xi32, #tpu.memory_space<hbm>> -> memref<128xi32, #tpu.memory_space<hbm>>
      tpu.wait_dma2 semaphore(%run_scoped3A : memref<!tpu.dma_semaphore, #tpu.memory_space<semaphore_mem>>) src(%dma_wait3A_819 : memref<128xi32, #tpu.memory_space<hbm>>) dst(%arg7 : memref<128xi32, #tpu.memory_space<vmem>>)
      tpu.yield
    }) : () -> ()
    "tpu.region"() ({
      %run_scoped3A = tpu.sem_alloc : memref<!tpu.dma_semaphore, #tpu.memory_space<semaphore_mem>>
      %dma_start3A_816 = tpu.memref_slice %arg5[%mul3A_2] : memref<4096xi32, #tpu.memory_space<hbm>> -> memref<128xi32, #tpu.memory_space<hbm>>
      %dma_start3A_817 = tpu.memref_slice %arg5[%mul3A_2] : memref<4096xi32, #tpu.memory_space<hbm>> -> memref<128xi32, #tpu.memory_space<hbm>>
      tpu.enqueue_dma source(%dma_start3A_817 : memref<128xi32, #tpu.memory_space<hbm>>) target(%arg8 : memref<128xi32, #tpu.memory_space<vmem>>) target_semaphore(%run_scoped3A : memref<!tpu.dma_semaphore, #tpu.memory_space<semaphore_mem>>)
      %dma_wait3A_818 = tpu.memref_slice %arg5[%mul3A_2] : memref<4096xi32, #tpu.memory_space<hbm>> -> memref<128xi32, #tpu.memory_space<hbm>>
      %dma_wait3A_819 = tpu.memref_slice %arg5[%mul3A_2] : memref<4096xi32, #tpu.memory_space<hbm>> -> memref<128xi32, #tpu.memory_space<hbm>>
      tpu.wait_dma2 semaphore(%run_scoped3A : memref<!tpu.dma_semaphore, #tpu.memory_space<semaphore_mem>>) src(%dma_wait3A_819 : memref<128xi32, #tpu.memory_space<hbm>>) dst(%arg8 : memref<128xi32, #tpu.memory_space<vmem>>)
      tpu.yield
    }) : () -> ()
    %dma_start3A = arith.constant 0 : i32
    %dma_start3A_3 = arith.constant 0 : i32
    %dma_start3A_4 = arith.constant 0 : i32
    %dma_start3A_5 = tpu.memref_slice %arg9[%dma_start3A, %dma_start3A_3, %dma_start3A_4] : memref<2x16x1024xf32, #tpu.memory_space<vmem>> -> memref<1x16x1024xf32, #tpu.memory_space<vmem>>
    %dma_start3A_6 = tpu.memref_squeeze %dma_start3A_5 : memref<1x16x1024xf32, #tpu.memory_space<vmem>> -> memref<16x1024xf32, #tpu.memory_space<vmem>>
    %dma_start3A_7 = arith.constant 0 : i32
    %dma_start3A_8 = tpu.memref_slice %arg7[%dma_start3A_7] : memref<128xi32, #tpu.memory_space<vmem>> -> memref<16xi32, #tpu.memory_space<vmem>>
    %dma_start3A_9 = arith.constant 0 : i32
    %dma_start3A_10 = arith.constant 0 : i32
    %dma_start3A_11 = tpu.memref_slice %arg3[%dma_start3A_9, %dma_start3A_10] : memref<10240x1024xf32, #tpu.memory_space<hbm>> -> memref<10240x1024xf32, #tpu.memory_space<hbm>>
    tpu.enqueue_indirect_dma source(%dma_start3A_11 : memref<10240x1024xf32, #tpu.memory_space<hbm>>) target(%dma_start3A_6 : memref<16x1024xf32, #tpu.memory_space<vmem>>) offsets(%dma_start3A_8 : memref<16xi32, #tpu.memory_space<vmem>>) semaphore(%arg12 : memref<!tpu.dma_semaphore, #tpu.memory_space<semaphore_mem>>)
    %dma_start3A_12 = arith.constant 0 : i32
    %dma_start3A_13 = arith.constant 0 : i32
    %dma_start3A_14 = arith.constant 0 : i32
    %dma_start3A_15 = tpu.memref_slice %arg10[%dma_start3A_12, %dma_start3A_13, %dma_start3A_14] : memref<2x16x1024xf32, #tpu.memory_space<vmem>> -> memref<1x16x1024xf32, #tpu.memory_space<vmem>>
    %dma_start3A_16 = tpu.memref_squeeze %dma_start3A_15 : memref<1x16x1024xf32, #tpu.memory_space<vmem>> -> memref<16x1024xf32, #tpu.memory_space<vmem>>
    %dma_start3A_17 = arith.constant 0 : i32
    %dma_start3A_18 = tpu.memref_slice %arg8[%dma_start3A_17] : memref<128xi32, #tpu.memory_space<vmem>> -> memref<16xi32, #tpu.memory_space<vmem>>
    %dma_start3A_19 = arith.constant 0 : i32
    %dma_start3A_20 = arith.constant 0 : i32
    %dma_start3A_21 = tpu.memref_slice %arg3[%dma_start3A_19, %dma_start3A_20] : memref<10240x1024xf32, #tpu.memory_space<hbm>> -> memref<10240x1024xf32, #tpu.memory_space<hbm>>
    tpu.enqueue_indirect_dma source(%dma_start3A_21 : memref<10240x1024xf32, #tpu.memory_space<hbm>>) target(%dma_start3A_16 : memref<16x1024xf32, #tpu.memory_space<vmem>>) offsets(%dma_start3A_18 : memref<16xi32, #tpu.memory_space<vmem>>) semaphore(%arg14 : memref<!tpu.dma_semaphore, #tpu.memory_space<semaphore_mem>>)
    %add3A_22 = arith.constant 0 : i32
    %add3A_23 = arith.addi %mul3A_2, %add3A_22 : i32
    %dma_start3A_24 = arith.constant 0 : i32
    %dma_start3A_25 = arith.constant 0 : i32
    %dma_start3A_26 = arith.constant 0 : i32
    %dma_start3A_27 = tpu.memref_slice %arg11[%dma_start3A_24, %dma_start3A_25, %dma_start3A_26] : memref<2x16x1024xf32, #tpu.memory_space<vmem>> -> memref<1x16x1024xf32, #tpu.memory_space<vmem>>
    %dma_start3A_28 = tpu.memref_squeeze %dma_start3A_27 : memref<1x16x1024xf32, #tpu.memory_space<vmem>> -> memref<16x1024xf32, #tpu.memory_space<vmem>>
    %dma_start3A_29 = arith.constant 0 : i32
    %dma_start3A_30 = tpu.memref_slice %arg2[%add3A_23, %dma_start3A_29] : memref<4096x1024xf32, #tpu.memory_space<hbm>> -> memref<16x1024xf32, #tpu.memory_space<hbm>>
    %dma_start3A_31 = arith.constant 0 : i32
    %dma_start3A_32 = arith.constant 0 : i32
    %dma_start3A_33 = tpu.memref_slice %arg11[%dma_start3A_24, %dma_start3A_31, %dma_start3A_32] : memref<2x16x1024xf32, #tpu.memory_space<vmem>> -> memref<1x16x1024xf32, #tpu.memory_space<vmem>>
    %dma_start3A_34 = tpu.memref_squeeze %dma_start3A_33 : memref<1x16x1024xf32, #tpu.memory_space<vmem>> -> memref<16x1024xf32, #tpu.memory_space<vmem>>
    %dma_start3A_35 = arith.constant 0 : i32
    %dma_start3A_36 = tpu.memref_slice %arg2[%add3A_23, %dma_start3A_35] : memref<4096x1024xf32, #tpu.memory_space<hbm>> -> memref<16x1024xf32, #tpu.memory_space<hbm>>
    tpu.enqueue_dma source(%dma_start3A_36 : memref<16x1024xf32, #tpu.memory_space<hbm>>) target(%dma_start3A_34 : memref<16x1024xf32, #tpu.memory_space<vmem>>) target_semaphore(%arg16 : memref<!tpu.dma_semaphore, #tpu.memory_space<semaphore_mem>>)
    %dma_start3A_37 = arith.constant 1 : i32
    %dma_start3A_38 = arith.constant 0 : i32
    %dma_start3A_39 = arith.constant 0 : i32
    %dma_start3A_40 = tpu.memref_slice %arg9[%dma_start3A_37, %dma_start3A_38, %dma_start3A_39] : memref<2x16x1024xf32, #tpu.memory_space<vmem>> -> memref<1x16x1024xf32, #tpu.memory_space<vmem>>
    %dma_start3A_41 = tpu.memref_squeeze %dma_start3A_40 : memref<1x16x1024xf32, #tpu.memory_space<vmem>> -> memref<16x1024xf32, #tpu.memory_space<vmem>>
    %dma_start3A_42 = arith.constant 16 : i32
    %dma_start3A_43 = tpu.memref_slice %arg7[%dma_start3A_42] : memref<128xi32, #tpu.memory_space<vmem>> -> memref<16xi32, #tpu.memory_space<vmem>>
    %dma_start3A_44 = arith.constant 0 : i32
    %dma_start3A_45 = arith.constant 0 : i32
    %dma_start3A_46 = tpu.memref_slice %arg3[%dma_start3A_44, %dma_start3A_45] : memref<10240x1024xf32, #tpu.memory_space<hbm>> -> memref<10240x1024xf32, #tpu.memory_space<hbm>>
    tpu.enqueue_indirect_dma source(%dma_start3A_46 : memref<10240x1024xf32, #tpu.memory_space<hbm>>) target(%dma_start3A_41 : memref<16x1024xf32, #tpu.memory_space<vmem>>) offsets(%dma_start3A_43 : memref<16xi32, #tpu.memory_space<vmem>>) semaphore(%arg13 : memref<!tpu.dma_semaphore, #tpu.memory_space<semaphore_mem>>)
    %dma_start3A_47 = arith.constant 1 : i32
    %dma_start3A_48 = arith.constant 0 : i32
    %dma_start3A_49 = arith.constant 0 : i32
    %dma_start3A_50 = tpu.memref_slice %arg10[%dma_start3A_47, %dma_start3A_48, %dma_start3A_49] : memref<2x16x1024xf32, #tpu.memory_space<vmem>> -> memref<1x16x1024xf32, #tpu.memory_space<vmem>>
    %dma_start3A_51 = tpu.memref_squeeze %dma_start3A_50 : memref<1x16x1024xf32, #tpu.memory_space<vmem>> -> memref<16x1024xf32, #tpu.memory_space<vmem>>
    %dma_start3A_52 = arith.constant 16 : i32
    %dma_start3A_53 = tpu.memref_slice %arg8[%dma_start3A_52] : memref<128xi32, #tpu.memory_space<vmem>> -> memref<16xi32, #tpu.memory_space<vmem>>
    %dma_start3A_54 = arith.constant 0 : i32
    %dma_start3A_55 = arith.constant 0 : i32
    %dma_start3A_56 = tpu.memref_slice %arg3[%dma_start3A_54, %dma_start3A_55] : memref<10240x1024xf32, #tpu.memory_space<hbm>> -> memref<10240x1024xf32, #tpu.memory_space<hbm>>
    tpu.enqueue_indirect_dma source(%dma_start3A_56 : memref<10240x1024xf32, #tpu.memory_space<hbm>>) target(%dma_start3A_51 : memref<16x1024xf32, #tpu.memory_space<vmem>>) offsets(%dma_start3A_53 : memref<16xi32, #tpu.memory_space<vmem>>) semaphore(%arg15 : memref<!tpu.dma_semaphore, #tpu.memory_space<semaphore_mem>>)
    %add3A_57 = arith.constant 16 : i32
    %add3A_58 = arith.addi %mul3A_2, %add3A_57 : i32
    %dma_start3A_59 = arith.constant 1 : i32
    %dma_start3A_60 = arith.constant 0 : i32
    %dma_start3A_61 = arith.constant 0 : i32
    %dma_start3A_62 = tpu.memref_slice %arg11[%dma_start3A_59, %dma_start3A_60, %dma_start3A_61] : memref<2x16x1024xf32, #tpu.memory_space<vmem>> -> memref<1x16x1024xf32, #tpu.memory_space<vmem>>
    %dma_start3A_63 = tpu.memref_squeeze %dma_start3A_62 : memref<1x16x1024xf32, #tpu.memory_space<vmem>> -> memref<16x1024xf32, #tpu.memory_space<vmem>>
    %dma_start3A_64 = arith.constant 0 : i32
    %dma_start3A_65 = tpu.memref_slice %arg2[%add3A_58, %dma_start3A_64] : memref<4096x1024xf32, #tpu.memory_space<hbm>> -> memref<16x1024xf32, #tpu.memory_space<hbm>>
    %dma_start3A_66 = arith.constant 0 : i32
    %dma_start3A_67 = arith.constant 0 : i32
    %dma_start3A_68 = tpu.memref_slice %arg11[%dma_start3A_59, %dma_start3A_66, %dma_start3A_67] : memref<2x16x1024xf32, #tpu.memory_space<vmem>> -> memref<1x16x1024xf32, #tpu.memory_space<vmem>>
    %dma_start3A_69 = tpu.memref_squeeze %dma_start3A_68 : memref<1x16x1024xf32, #tpu.memory_space<vmem>> -> memref<16x1024xf32, #tpu.memory_space<vmem>>
    %dma_start3A_70 = arith.constant 0 : i32
    %dma_start3A_71 = tpu.memref_slice %arg2[%add3A_58, %dma_start3A_70] : memref<4096x1024xf32, #tpu.memory_space<hbm>> -> memref<16x1024xf32, #tpu.memory_space<hbm>>
    tpu.enqueue_dma source(%dma_start3A_71 : memref<16x1024xf32, #tpu.memory_space<hbm>>) target(%dma_start3A_69 : memref<16x1024xf32, #tpu.memory_space<vmem>>) target_semaphore(%arg17 : memref<!tpu.dma_semaphore, #tpu.memory_space<semaphore_mem>>)
    %dma_wait3A = arith.constant 0 : i32
    %dma_wait3A_72 = arith.constant 0 : i32
    %dma_wait3A_73 = arith.constant 0 : i32
    %dma_wait3A_74 = tpu.memref_slice %arg9[%dma_wait3A, %dma_wait3A_72, %dma_wait3A_73] : memref<2x16x1024xf32, #tpu.memory_space<vmem>> -> memref<1x16x1024xf32, #tpu.memory_space<vmem>>
    %dma_wait3A_75 = tpu.memref_squeeze %dma_wait3A_74 : memref<1x16x1024xf32, #tpu.memory_space<vmem>> -> memref<16x1024xf32, #tpu.memory_space<vmem>>
    %dma_wait3A_76 = arith.constant 0 : i32
    %dma_wait3A_77 = tpu.memref_slice %arg7[%dma_wait3A_76] : memref<128xi32, #tpu.memory_space<vmem>> -> memref<16xi32, #tpu.memory_space<vmem>>
    %dma_wait3A_78 = arith.constant 0 : i32
    %dma_wait3A_79 = arith.constant 0 : i32
    %dma_wait3A_80 = tpu.memref_slice %arg3[%dma_wait3A_78, %dma_wait3A_79] : memref<10240x1024xf32, #tpu.memory_space<hbm>> -> memref<10240x1024xf32, #tpu.memory_space<hbm>>
    tpu.wait_indirect_dma semaphore(%arg12 : memref<!tpu.dma_semaphore, #tpu.memory_space<semaphore_mem>>) src(%dma_wait3A_80 : memref<10240x1024xf32, #tpu.memory_space<hbm>>) dst(%dma_wait3A_75 : memref<16x1024xf32, #tpu.memory_space<vmem>>)
    %dma_wait3A_81 = arith.constant 0 : i32
    %dma_wait3A_82 = arith.constant 0 : i32
    %dma_wait3A_83 = arith.constant 0 : i32
    %dma_wait3A_84 = tpu.memref_slice %arg10[%dma_wait3A_81, %dma_wait3A_82, %dma_wait3A_83] : memref<2x16x1024xf32, #tpu.memory_space<vmem>> -> memref<1x16x1024xf32, #tpu.memory_space<vmem>>
    %dma_wait3A_85 = tpu.memref_squeeze %dma_wait3A_84 : memref<1x16x1024xf32, #tpu.memory_space<vmem>> -> memref<16x1024xf32, #tpu.memory_space<vmem>>
    %dma_wait3A_86 = arith.constant 0 : i32
    %dma_wait3A_87 = tpu.memref_slice %arg8[%dma_wait3A_86] : memref<128xi32, #tpu.memory_space<vmem>> -> memref<16xi32, #tpu.memory_space<vmem>>
    %dma_wait3A_88 = arith.constant 0 : i32
    %dma_wait3A_89 = arith.constant 0 : i32
    %dma_wait3A_90 = tpu.memref_slice %arg3[%dma_wait3A_88, %dma_wait3A_89] : memref<10240x1024xf32, #tpu.memory_space<hbm>> -> memref<10240x1024xf32, #tpu.memory_space<hbm>>
    tpu.wait_indirect_dma semaphore(%arg14 : memref<!tpu.dma_semaphore, #tpu.memory_space<semaphore_mem>>) src(%dma_wait3A_90 : memref<10240x1024xf32, #tpu.memory_space<hbm>>) dst(%dma_wait3A_85 : memref<16x1024xf32, #tpu.memory_space<vmem>>)
    %dma_wait3A_91 = arith.constant 0 : i32
    %dma_wait3A_92 = arith.constant 0 : i32
    %dma_wait3A_93 = arith.constant 0 : i32
    %dma_wait3A_94 = tpu.memref_slice %arg11[%dma_wait3A_91, %dma_wait3A_92, %dma_wait3A_93] : memref<2x16x1024xf32, #tpu.memory_space<vmem>> -> memref<1x16x1024xf32, #tpu.memory_space<vmem>>
    %dma_wait3A_95 = tpu.memref_squeeze %dma_wait3A_94 : memref<1x16x1024xf32, #tpu.memory_space<vmem>> -> memref<16x1024xf32, #tpu.memory_space<vmem>>
    %dma_wait3A_96 = arith.constant 0 : i32
    %dma_wait3A_97 = tpu.memref_slice %arg2[%add3A_23, %dma_wait3A_96] : memref<4096x1024xf32, #tpu.memory_space<hbm>> -> memref<16x1024xf32, #tpu.memory_space<hbm>>
    %dma_wait3A_98 = arith.constant 0 : i32
    %dma_wait3A_99 = arith.constant 0 : i32
    %dma_wait3A_100 = tpu.memref_slice %arg11[%dma_wait3A_91, %dma_wait3A_98, %dma_wait3A_99] : memref<2x16x1024xf32, #tpu.memory_space<vmem>> -> memref<1x16x1024xf32, #tpu.memory_space<vmem>>
    %dma_wait3A_101 = tpu.memref_squeeze %dma_wait3A_100 : memref<1x16x1024xf32, #tpu.memory_space<vmem>> -> memref<16x1024xf32, #tpu.memory_space<vmem>>
    %dma_wait3A_102 = arith.constant 0 : i32
    %dma_wait3A_103 = tpu.memref_slice %arg2[%add3A_23, %dma_wait3A_102] : memref<4096x1024xf32, #tpu.memory_space<hbm>> -> memref<16x1024xf32, #tpu.memory_space<hbm>>
    tpu.wait_dma2 semaphore(%arg16 : memref<!tpu.dma_semaphore, #tpu.memory_space<semaphore_mem>>) src(%dma_wait3A_103 : memref<16x1024xf32, #tpu.memory_space<hbm>>) dst(%dma_wait3A_101 : memref<16x1024xf32, #tpu.memory_space<vmem>>)
    %scan3A = arith.constant 0 : i32
    %scan3A_104 = arith.constant 0 : i32
    %scan3A_105 = arith.constant 16 : i32
    %scan3A_106 = arith.addi %scan3A_104, %scan3A_105 : i32
    %scan3A_107 = arith.constant 1 : i32
    scf.for %scan3A_816 = %scan3A_104 to %scan3A_106 step %scan3A_107  : i32 {
      %scan3A_817 = arith.constant 0 : i32
      %scan3A_818 = arith.constant 16 : i32
      %scan3A_819 = arith.addi %scan3A_817, %scan3A_818 : i32
      %scan3A_820 = arith.constant 1 : i32
      scf.for %scan3A_822 = %scan3A_817 to %scan3A_819 step %scan3A_820  : i32 {
        %mul3A_823 = arith.constant 64 : i32
        %mul3A_824 = arith.muli %scan3A_822, %mul3A_823 : i32
        %add3A_825 = arith.constant 0 : i32
        %add3A_826 = arith.addi %mul3A_824, %add3A_825 : i32
        %get3A = arith.constant 0 : i32
        %get3A_827 = arith.index_cast %get3A : i32 to index
        %get3A_828 = arith.index_cast %scan3A_816 : i32 to index
        %get3A_829 = arith.index_cast %add3A_826 : i32 to index
        %get3A_830 = tpu.vector_load %arg11[%get3A_827, %get3A_828, %get3A_829] {strides = array<i32>} : memref<2x16x1024xf32, #tpu.memory_space<vmem>>, vector<1x1x16xf32>,
        %get3A_831 = vector.shape_cast %get3A_830 : vector<1x1x16xf32> to vector<16xf32>
        %get3A_832 = arith.constant 0 : i32
        %get3A_833 = arith.index_cast %get3A_832 : i32 to index
        %get3A_834 = arith.index_cast %scan3A_816 : i32 to index
        %get3A_835 = arith.index_cast %add3A_826 : i32 to index
        %get3A_836 = tpu.vector_load %arg9[%get3A_833, %get3A_834, %get3A_835] {strides = array<i32>} : memref<2x16x1024xf32, #tpu.memory_space<vmem>>, vector<1x1x16xf32>,
        %get3A_837 = vector.shape_cast %get3A_836 : vector<1x1x16xf32> to vector<16xf32>
        %add3A_838 = arith.addf %get3A_831, %get3A_837 : vector<16xf32>
        %get3A_839 = arith.constant 0 : i32
        %get3A_840 = arith.index_cast %get3A_839 : i32 to index
        %get3A_841 = arith.index_cast %scan3A_816 : i32 to index
        %get3A_842 = arith.index_cast %add3A_826 : i32 to index
        %get3A_843 = tpu.vector_load %arg10[%get3A_840, %get3A_841, %get3A_842] {strides = array<i32>} : memref<2x16x1024xf32, #tpu.memory_space<vmem>>, vector<1x1x16xf32>,
        %get3A_844 = vector.shape_cast %get3A_843 : vector<1x1x16xf32> to vector<16xf32>
        %add3A_845 = arith.addf %add3A_838, %get3A_844 : vector<16xf32>
        %swap3A = arith.constant 0 : i32
        %swap3A_846 = arith.index_cast %swap3A : i32 to index
        %swap3A_847 = arith.index_cast %scan3A_816 : i32 to index
        %swap3A_848 = arith.index_cast %add3A_826 : i32 to index
        %swap3A_849 = tpu.vector_load %arg11[%swap3A_846, %swap3A_847, %swap3A_848] {strides = array<i32>} : memref<2x16x1024xf32, #tpu.memory_space<vmem>>, vector<1x1x16xf32>,
        %swap3A_850 = vector.shape_cast %swap3A_849 : vector<1x1x16xf32> to vector<16xf32>
        %swap3A_851 = vector.shape_cast %add3A_845 : vector<16xf32> to vector<1x1x16xf32>
        tpu.vector_store %arg11[%swap3A_846, %swap3A_847, %swap3A_848], %swap3A_851 {strides = array<i32>} : memref<2x16x1024xf32, #tpu.memory_space<vmem>>, vector<1x1x16xf32>,
        %mul3A_852 = arith.constant 64 : i32
        %mul3A_853 = arith.muli %scan3A_822, %mul3A_852 : i32
        %add3A_854 = arith.constant 16 : i32
        %add3A_855 = arith.addi %mul3A_853, %add3A_854 : i32
        %get3A_856 = arith.constant 0 : i32
        %get3A_857 = arith.index_cast %get3A_856 : i32 to index
        %get3A_858 = arith.index_cast %scan3A_816 : i32 to index
        %get3A_859 = arith.index_cast %add3A_855 : i32 to index
        %get3A_860 = tpu.vector_load %arg11[%get3A_857, %get3A_858, %get3A_859] {strides = array<i32>} : memref<2x16x1024xf32, #tpu.memory_space<vmem>>, vector<1x1x16xf32>,
        %get3A_861 = vector.shape_cast %get3A_860 : vector<1x1x16xf32> to vector<16xf32>
        %get3A_862 = arith.constant 0 : i32
        %get3A_863 = arith.index_cast %get3A_862 : i32 to index
        %get3A_864 = arith.index_cast %scan3A_816 : i32 to index
        %get3A_865 = arith.index_cast %add3A_855 : i32 to index
        %get3A_866 = tpu.vector_load %arg9[%get3A_863, %get3A_864, %get3A_865] {strides = array<i32>} : memref<2x16x1024xf32, #tpu.memory_space<vmem>>, vector<1x1x16xf32>,
        %get3A_867 = vector.shape_cast %get3A_866 : vector<1x1x16xf32> to vector<16xf32>
        %add3A_868 = arith.addf %get3A_861, %get3A_867 : vector<16xf32>
        %get3A_869 = arith.constant 0 : i32
        %get3A_870 = arith.index_cast %get3A_869 : i32 to index
        %get3A_871 = arith.index_cast %scan3A_816 : i32 to index
        %get3A_872 = arith.index_cast %add3A_855 : i32 to index
        %get3A_873 = tpu.vector_load %arg10[%get3A_870, %get3A_871, %get3A_872] {strides = array<i32>} : memref<2x16x1024xf32, #tpu.memory_space<vmem>>, vector<1x1x16xf32>,
        %get3A_874 = vector.shape_cast %get3A_873 : vector<1x1x16xf32> to vector<16xf32>
        %add3A_875 = arith.addf %add3A_868, %get3A_874 : vector<16xf32>
        %swap3A_876 = arith.constant 0 : i32
        %swap3A_877 = arith.index_cast %swap3A_876 : i32 to index
        %swap3A_878 = arith.index_cast %scan3A_816 : i32 to index
        %swap3A_879 = arith.index_cast %add3A_855 : i32 to index
        %swap3A_880 = tpu.vector_load %arg11[%swap3A_877, %swap3A_878, %swap3A_879] {strides = array<i32>} : memref<2x16x1024xf32, #tpu.memory_space<vmem>>, vector<1x1x16xf32>,
        %swap3A_881 = vector.shape_cast %swap3A_880 : vector<1x1x16xf32> to vector<16xf32>
        %swap3A_882 = vector.shape_cast %add3A_875 : vector<16xf32> to vector<1x1x16xf32>
        tpu.vector_store %arg11[%swap3A_877, %swap3A_878, %swap3A_879], %swap3A_882 {strides = array<i32>} : memref<2x16x1024xf32, #tpu.memory_space<vmem>>, vector<1x1x16xf32>,
        %mul3A_883 = arith.constant 64 : i32
        %mul3A_884 = arith.muli %scan3A_822, %mul3A_883 : i32
        %add3A_885 = arith.constant 32 : i32
        %add3A_886 = arith.addi %mul3A_884, %add3A_885 : i32
        %get3A_887 = arith.constant 0 : i32
        %get3A_888 = arith.index_cast %get3A_887 : i32 to index
        %get3A_889 = arith.index_cast %scan3A_816 : i32 to index
        %get3A_890 = arith.index_cast %add3A_886 : i32 to index
        %get3A_891 = tpu.vector_load %arg11[%get3A_888, %get3A_889, %get3A_890] {strides = array<i32>} : memref<2x16x1024xf32, #tpu.memory_space<vmem>>, vector<1x1x16xf32>,
        %get3A_892 = vector.shape_cast %get3A_891 : vector<1x1x16xf32> to vector<16xf32>
        %get3A_893 = arith.constant 0 : i32
        %get3A_894 = arith.index_cast %get3A_893 : i32 to index
        %get3A_895 = arith.index_cast %scan3A_816 : i32 to index
        %get3A_896 = arith.index_cast %add3A_886 : i32 to index
        %get3A_897 = tpu.vector_load %arg9[%get3A_894, %get3A_895, %get3A_896] {strides = array<i32>} : memref<2x16x1024xf32, #tpu.memory_space<vmem>>, vector<1x1x16xf32>,
        %get3A_898 = vector.shape_cast %get3A_897 : vector<1x1x16xf32> to vector<16xf32>
        %add3A_899 = arith.addf %get3A_892, %get3A_898 : vector<16xf32>
        %get3A_900 = arith.constant 0 : i32
        %get3A_901 = arith.index_cast %get3A_900 : i32 to index
        %get3A_902 = arith.index_cast %scan3A_816 : i32 to index
        %get3A_903 = arith.index_cast %add3A_886 : i32 to index
        %get3A_904 = tpu.vector_load %arg10[%get3A_901, %get3A_902, %get3A_903] {strides = array<i32>} : memref<2x16x1024xf32, #tpu.memory_space<vmem>>, vector<1x1x16xf32>,
        %get3A_905 = vector.shape_cast %get3A_904 : vector<1x1x16xf32> to vector<16xf32>
        %add3A_906 = arith.addf %add3A_899, %get3A_905 : vector<16xf32>
        %swap3A_907 = arith.constant 0 : i32
        %swap3A_908 = arith.index_cast %swap3A_907 : i32 to index
        %swap3A_909 = arith.index_cast %scan3A_816 : i32 to index
        %swap3A_910 = arith.index_cast %add3A_886 : i32 to index
        %swap3A_911 = tpu.vector_load %arg11[%swap3A_908, %swap3A_909, %swap3A_910] {strides = array<i32>} : memref<2x16x1024xf32, #tpu.memory_space<vmem>>, vector<1x1x16xf32>,
        %swap3A_912 = vector.shape_cast %swap3A_911 : vector<1x1x16xf32> to vector<16xf32>
        %swap3A_913 = vector.shape_cast %add3A_906 : vector<16xf32> to vector<1x1x16xf32>
        tpu.vector_store %arg11[%swap3A_908, %swap3A_909, %swap3A_910], %swap3A_913 {strides = array<i32>} : memref<2x16x1024xf32, #tpu.memory_space<vmem>>, vector<1x1x16xf32>,
        %mul3A_914 = arith.constant 64 : i32
        %mul3A_915 = arith.muli %scan3A_822, %mul3A_914 : i32
        %add3A_916 = arith.constant 48 : i32
        %add3A_917 = arith.addi %mul3A_915, %add3A_916 : i32
        %get3A_918 = arith.constant 0 : i32
        %get3A_919 = arith.index_cast %get3A_918 : i32 to index
        %get3A_920 = arith.index_cast %scan3A_816 : i32 to index
        %get3A_921 = arith.index_cast %add3A_917 : i32 to index
        %get3A_922 = tpu.vector_load %arg11[%get3A_919, %get3A_920, %get3A_921] {strides = array<i32>} : memref<2x16x1024xf32, #tpu.memory_space<vmem>>, vector<1x1x16xf32>,
        %get3A_923 = vector.shape_cast %get3A_922 : vector<1x1x16xf32> to vector<16xf32>
        %get3A_924 = arith.constant 0 : i32
        %get3A_925 = arith.index_cast %get3A_924 : i32 to index
        %get3A_926 = arith.index_cast %scan3A_816 : i32 to index
        %get3A_927 = arith.index_cast %add3A_917 : i32 to index
        %get3A_928 = tpu.vector_load %arg9[%get3A_925, %get3A_926, %get3A_927] {strides = array<i32>} : memref<2x16x1024xf32, #tpu.memory_space<vmem>>, vector<1x1x16xf32>,
        %get3A_929 = vector.shape_cast %get3A_928 : vector<1x1x16xf32> to vector<16xf32>
        %add3A_930 = arith.addf %get3A_923, %get3A_929 : vector<16xf32>
        %get3A_931 = arith.constant 0 : i32
        %get3A_932 = arith.index_cast %get3A_931 : i32 to index
        %get3A_933 = arith.index_cast %scan3A_816 : i32 to index
        %get3A_934 = arith.index_cast %add3A_917 : i32 to index
        %get3A_935 = tpu.vector_load %arg10[%get3A_932, %get3A_933, %get3A_934] {strides = array<i32>} : memref<2x16x1024xf32, #tpu.memory_space<vmem>>, vector<1x1x16xf32>,
        %get3A_936 = vector.shape_cast %get3A_935 : vector<1x1x16xf32> to vector<16xf32>
        %add3A_937 = arith.addf %add3A_930, %get3A_936 : vector<16xf32>
        %swap3A_938 = arith.constant 0 : i32
        %swap3A_939 = arith.index_cast %swap3A_938 : i32 to index
        %swap3A_940 = arith.index_cast %scan3A_816 : i32 to index
        %swap3A_941 = arith.index_cast %add3A_917 : i32 to index
        %swap3A_942 = tpu.vector_load %arg11[%swap3A_939, %swap3A_940, %swap3A_941] {strides = array<i32>} : memref<2x16x1024xf32, #tpu.memory_space<vmem>>, vector<1x1x16xf32>,
        %swap3A_943 = vector.shape_cast %swap3A_942 : vector<1x1x16xf32> to vector<16xf32>
        %swap3A_944 = vector.shape_cast %add3A_937 : vector<16xf32> to vector<1x1x16xf32>
        tpu.vector_store %arg11[%swap3A_939, %swap3A_940, %swap3A_941], %swap3A_944 {strides = array<i32>} : memref<2x16x1024xf32, #tpu.memory_space<vmem>>, vector<1x1x16xf32>,
      }
      %scan3A_821 = arith.constant 16 : i32
    }
    %scan3A_108 = arith.constant 16 : i32
    %add3A_109 = arith.constant 0 : i32
    %add3A_110 = arith.addi %mul3A_2, %add3A_109 : i32
    %dma_start3A_111 = arith.constant 0 : i32
    %dma_start3A_112 = arith.constant 0 : i32
    %dma_start3A_113 = arith.constant 0 : i32
    %dma_start3A_114 = tpu.memref_slice %arg11[%dma_start3A_111, %dma_start3A_112, %dma_start3A_113] : memref<2x16x1024xf32, #tpu.memory_space<vmem>> -> memref<1x16x1024xf32, #tpu.memory_space<vmem>>
    %dma_start3A_115 = tpu.memref_squeeze %dma_start3A_114 : memref<1x16x1024xf32, #tpu.memory_space<vmem>> -> memref<16x1024xf32, #tpu.memory_space<vmem>>
    %dma_start3A_116 = arith.constant 0 : i32
    %dma_start3A_117 = tpu.memref_slice %arg6[%add3A_110, %dma_start3A_116] : memref<4096x1024xf32, #tpu.memory_space<hbm>> -> memref<16x1024xf32, #tpu.memory_space<hbm>>
    %dma_start3A_118 = arith.constant 0 : i32
    %dma_start3A_119 = tpu.memref_slice %arg6[%add3A_110, %dma_start3A_118] : memref<4096x1024xf32, #tpu.memory_space<hbm>> -> memref<16x1024xf32, #tpu.memory_space<hbm>>
    %dma_start3A_120 = arith.constant 0 : i32
    %dma_start3A_121 = arith.constant 0 : i32
    %dma_start3A_122 = tpu.memref_slice %arg11[%dma_start3A_111, %dma_start3A_120, %dma_start3A_121] : memref<2x16x1024xf32, #tpu.memory_space<vmem>> -> memref<1x16x1024xf32, #tpu.memory_space<vmem>>
    %dma_start3A_123 = tpu.memref_squeeze %dma_start3A_122 : memref<1x16x1024xf32, #tpu.memory_space<vmem>> -> memref<16x1024xf32, #tpu.memory_space<vmem>>
    tpu.enqueue_dma source(%dma_start3A_123 : memref<16x1024xf32, #tpu.memory_space<vmem>>) target(%dma_start3A_119 : memref<16x1024xf32, #tpu.memory_space<hbm>>) target_semaphore(%arg18 : memref<!tpu.dma_semaphore, #tpu.memory_space<semaphore_mem>>)
    %dma_wait3A_124 = arith.constant 0 : i32
    %dma_wait3A_125 = arith.constant 0 : i32
    %dma_wait3A_126 = arith.constant 0 : i32
    %dma_wait3A_127 = tpu.memref_slice %arg11[%dma_wait3A_124, %dma_wait3A_125, %dma_wait3A_126] : memref<2x16x1024xf32, #tpu.memory_space<vmem>> -> memref<1x16x1024xf32, #tpu.memory_space<vmem>>
    %dma_wait3A_128 = tpu.memref_squeeze %dma_wait3A_127 : memref<1x16x1024xf32, #tpu.memory_space<vmem>> -> memref<16x1024xf32, #tpu.memory_space<vmem>>
    %dma_wait3A_129 = arith.constant 0 : i32
    %dma_wait3A_130 = tpu.memref_slice %arg6[%add3A_110, %dma_wait3A_129] : memref<4096x1024xf32, #tpu.memory_space<hbm>> -> memref<16x1024xf32, #tpu.memory_space<hbm>>
    %dma_wait3A_131 = arith.constant 0 : i32
    %dma_wait3A_132 = tpu.memref_slice %arg6[%add3A_110, %dma_wait3A_131] : memref<4096x1024xf32, #tpu.memory_space<hbm>> -> memref<16x1024xf32, #tpu.memory_space<hbm>>
    %dma_wait3A_133 = arith.constant 0 : i32
    %dma_wait3A_134 = arith.constant 0 : i32
    %dma_wait3A_135 = tpu.memref_slice %arg11[%dma_wait3A_124, %dma_wait3A_133, %dma_wait3A_134] : memref<2x16x1024xf32, #tpu.memory_space<vmem>> -> memref<1x16x1024xf32, #tpu.memory_space<vmem>>
    %dma_wait3A_136 = tpu.memref_squeeze %dma_wait3A_135 : memref<1x16x1024xf32, #tpu.memory_space<vmem>> -> memref<16x1024xf32, #tpu.memory_space<vmem>>
    tpu.wait_dma2 semaphore(%arg18 : memref<!tpu.dma_semaphore, #tpu.memory_space<semaphore_mem>>) src(%dma_wait3A_136 : memref<16x1024xf32, #tpu.memory_space<vmem>>) dst(%dma_wait3A_132 : memref<16x1024xf32, #tpu.memory_space<hbm>>)
    %dma_start3A_137 = arith.constant 0 : i32
    %dma_start3A_138 = arith.constant 0 : i32
    %dma_start3A_139 = arith.constant 0 : i32
    %dma_start3A_140 = tpu.memref_slice %arg9[%dma_start3A_137, %dma_start3A_138, %dma_start3A_139] : memref<2x16x1024xf32, #tpu.memory_space<vmem>> -> memref<1x16x1024xf32, #tpu.memory_space<vmem>>
    %dma_start3A_141 = tpu.memref_squeeze %dma_start3A_140 : memref<1x16x1024xf32, #tpu.memory_space<vmem>> -> memref<16x1024xf32, #tpu.memory_space<vmem>>
    %dma_start3A_142 = arith.constant 32 : i32
    %dma_start3A_143 = tpu.memref_slice %arg7[%dma_start3A_142] : memref<128xi32, #tpu.memory_space<vmem>> -> memref<16xi32, #tpu.memory_space<vmem>>
    %dma_start3A_144 = arith.constant 0 : i32
    %dma_start3A_145 = arith.constant 0 : i32
    %dma_start3A_146 = tpu.memref_slice %arg3[%dma_start3A_144, %dma_start3A_145] : memref<10240x1024xf32, #tpu.memory_space<hbm>> -> memref<10240x1024xf32, #tpu.memory_space<hbm>>
    tpu.enqueue_indirect_dma source(%dma_start3A_146 : memref<10240x1024xf32, #tpu.memory_space<hbm>>) target(%dma_start3A_141 : memref<16x1024xf32, #tpu.memory_space<vmem>>) offsets(%dma_start3A_143 : memref<16xi32, #tpu.memory_space<vmem>>) semaphore(%arg12 : memref<!tpu.dma_semaphore, #tpu.memory_space<semaphore_mem>>)
    %dma_start3A_147 = arith.constant 0 : i32
    %dma_start3A_148 = arith.constant 0 : i32
    %dma_start3A_149 = arith.constant 0 : i32
    %dma_start3A_150 = tpu.memref_slice %arg10[%dma_start3A_147, %dma_start3A_148, %dma_start3A_149] : memref<2x16x1024xf32, #tpu.memory_space<vmem>> -> memref<1x16x1024xf32, #tpu.memory_space<vmem>>
    %dma_start3A_151 = tpu.memref_squeeze %dma_start3A_150 : memref<1x16x1024xf32, #tpu.memory_space<vmem>> -> memref<16x1024xf32, #tpu.memory_space<vmem>>
    %dma_start3A_152 = arith.constant 32 : i32
    %dma_start3A_153 = tpu.memref_slice %arg8[%dma_start3A_152] : memref<128xi32, #tpu.memory_space<vmem>> -> memref<16xi32, #tpu.memory_space<vmem>>
    %dma_start3A_154 = arith.constant 0 : i32
    %dma_start3A_155 = arith.constant 0 : i32
    %dma_start3A_156 = tpu.memref_slice %arg3[%dma_start3A_154, %dma_start3A_155] : memref<10240x1024xf32, #tpu.memory_space<hbm>> -> memref<10240x1024xf32, #tpu.memory_space<hbm>>
    tpu.enqueue_indirect_dma source(%dma_start3A_156 : memref<10240x1024xf32, #tpu.memory_space<hbm>>) target(%dma_start3A_151 : memref<16x1024xf32, #tpu.memory_space<vmem>>) offsets(%dma_start3A_153 : memref<16xi32, #tpu.memory_space<vmem>>) semaphore(%arg14 : memref<!tpu.dma_semaphore, #tpu.memory_space<semaphore_mem>>)
    %add3A_157 = arith.constant 32 : i32
    %add3A_158 = arith.addi %mul3A_2, %add3A_157 : i32
    %dma_start3A_159 = arith.constant 0 : i32
    %dma_start3A_160 = arith.constant 0 : i32
    %dma_start3A_161 = arith.constant 0 : i32
    %dma_start3A_162 = tpu.memref_slice %arg11[%dma_start3A_159, %dma_start3A_160, %dma_start3A_161] : memref<2x16x1024xf32, #tpu.memory_space<vmem>> -> memref<1x16x1024xf32, #tpu.memory_space<vmem>>
    %dma_start3A_163 = tpu.memref_squeeze %dma_start3A_162 : memref<1x16x1024xf32, #tpu.memory_space<vmem>> -> memref<16x1024xf32, #tpu.memory_space<vmem>>
    %dma_start3A_164 = arith.constant 0 : i32
    %dma_start3A_165 = tpu.memref_slice %arg2[%add3A_158, %dma_start3A_164] : memref<4096x1024xf32, #tpu.memory_space<hbm>> -> memref<16x1024xf32, #tpu.memory_space<hbm>>
    %dma_start3A_166 = arith.constant 0 : i32
    %dma_start3A_167 = arith.constant 0 : i32
    %dma_start3A_168 = tpu.memref_slice %arg11[%dma_start3A_159, %dma_start3A_166, %dma_start3A_167] : memref<2x16x1024xf32, #tpu.memory_space<vmem>> -> memref<1x16x1024xf32, #tpu.memory_space<vmem>>
    %dma_start3A_169 = tpu.memref_squeeze %dma_start3A_168 : memref<1x16x1024xf32, #tpu.memory_space<vmem>> -> memref<16x1024xf32, #tpu.memory_space<vmem>>
    %dma_start3A_170 = arith.constant 0 : i32
    %dma_start3A_171 = tpu.memref_slice %arg2[%add3A_158, %dma_start3A_170] : memref<4096x1024xf32, #tpu.memory_space<hbm>> -> memref<16x1024xf32, #tpu.memory_space<hbm>>
    tpu.enqueue_dma source(%dma_start3A_171 : memref<16x1024xf32, #tpu.memory_space<hbm>>) target(%dma_start3A_169 : memref<16x1024xf32, #tpu.memory_space<vmem>>) target_semaphore(%arg16 : memref<!tpu.dma_semaphore, #tpu.memory_space<semaphore_mem>>)
    %dma_wait3A_172 = arith.constant 1 : i32
    %dma_wait3A_173 = arith.constant 0 : i32
    %dma_wait3A_174 = arith.constant 0 : i32
    %dma_wait3A_175 = tpu.memref_slice %arg9[%dma_wait3A_172, %dma_wait3A_173, %dma_wait3A_174] : memref<2x16x1024xf32, #tpu.memory_space<vmem>> -> memref<1x16x1024xf32, #tpu.memory_space<vmem>>
    %dma_wait3A_176 = tpu.memref_squeeze %dma_wait3A_175 : memref<1x16x1024xf32, #tpu.memory_space<vmem>> -> memref<16x1024xf32, #tpu.memory_space<vmem>>
    %dma_wait3A_177 = arith.constant 16 : i32
    %dma_wait3A_178 = tpu.memref_slice %arg7[%dma_wait3A_177] : memref<128xi32, #tpu.memory_space<vmem>> -> memref<16xi32, #tpu.memory_space<vmem>>
    %dma_wait3A_179 = arith.constant 0 : i32
    %dma_wait3A_180 = arith.constant 0 : i32
    %dma_wait3A_181 = tpu.memref_slice %arg3[%dma_wait3A_179, %dma_wait3A_180] : memref<10240x1024xf32, #tpu.memory_space<hbm>> -> memref<10240x1024xf32, #tpu.memory_space<hbm>>
    tpu.wait_indirect_dma semaphore(%arg13 : memref<!tpu.dma_semaphore, #tpu.memory_space<semaphore_mem>>) src(%dma_wait3A_181 : memref<10240x1024xf32, #tpu.memory_space<hbm>>) dst(%dma_wait3A_176 : memref<16x1024xf32, #tpu.memory_space<vmem>>)
    %dma_wait3A_182 = arith.constant 1 : i32
    %dma_wait3A_183 = arith.constant 0 : i32
    %dma_wait3A_184 = arith.constant 0 : i32
    %dma_wait3A_185 = tpu.memref_slice %arg10[%dma_wait3A_182, %dma_wait3A_183, %dma_wait3A_184] : memref<2x16x1024xf32, #tpu.memory_space<vmem>> -> memref<1x16x1024xf32, #tpu.memory_space<vmem>>
    %dma_wait3A_186 = tpu.memref_squeeze %dma_wait3A_185 : memref<1x16x1024xf32, #tpu.memory_space<vmem>> -> memref<16x1024xf32, #tpu.memory_space<vmem>>
    %dma_wait3A_187 = arith.constant 16 : i32
    %dma_wait3A_188 = tpu.memref_slice %arg8[%dma_wait3A_187] : memref<128xi32, #tpu.memory_space<vmem>> -> memref<16xi32, #tpu.memory_space<vmem>>
    %dma_wait3A_189 = arith.constant 0 : i32
    %dma_wait3A_190 = arith.constant 0 : i32
    %dma_wait3A_191 = tpu.memref_slice %arg3[%dma_wait3A_189, %dma_wait3A_190] : memref<10240x1024xf32, #tpu.memory_space<hbm>> -> memref<10240x1024xf32, #tpu.memory_space<hbm>>
    tpu.wait_indirect_dma semaphore(%arg15 : memref<!tpu.dma_semaphore, #tpu.memory_space<semaphore_mem>>) src(%dma_wait3A_191 : memref<10240x1024xf32, #tpu.memory_space<hbm>>) dst(%dma_wait3A_186 : memref<16x1024xf32, #tpu.memory_space<vmem>>)
    %dma_wait3A_192 = arith.constant 1 : i32
    %dma_wait3A_193 = arith.constant 0 : i32
    %dma_wait3A_194 = arith.constant 0 : i32
    %dma_wait3A_195 = tpu.memref_slice %arg11[%dma_wait3A_192, %dma_wait3A_193, %dma_wait3A_194] : memref<2x16x1024xf32, #tpu.memory_space<vmem>> -> memref<1x16x1024xf32, #tpu.memory_space<vmem>>
    %dma_wait3A_196 = tpu.memref_squeeze %dma_wait3A_195 : memref<1x16x1024xf32, #tpu.memory_space<vmem>> -> memref<16x1024xf32, #tpu.memory_space<vmem>>
    %dma_wait3A_197 = arith.constant 0 : i32
    %dma_wait3A_198 = tpu.memref_slice %arg2[%add3A_58, %dma_wait3A_197] : memref<4096x1024xf32, #tpu.memory_space<hbm>> -> memref<16x1024xf32, #tpu.memory_space<hbm>>
    %dma_wait3A_199 = arith.constant 0 : i32
    %dma_wait3A_200 = arith.constant 0 : i32
    %dma_wait3A_201 = tpu.memref_slice %arg11[%dma_wait3A_192, %dma_wait3A_199, %dma_wait3A_200] : memref<2x16x1024xf32, #tpu.memory_space<vmem>> -> memref<1x16x1024xf32, #tpu.memory_space<vmem>>
    %dma_wait3A_202 = tpu.memref_squeeze %dma_wait3A_201 : memref<1x16x1024xf32, #tpu.memory_space<vmem>> -> memref<16x1024xf32, #tpu.memory_space<vmem>>
    %dma_wait3A_203 = arith.constant 0 : i32
    %dma_wait3A_204 = tpu.memref_slice %arg2[%add3A_58, %dma_wait3A_203] : memref<4096x1024xf32, #tpu.memory_space<hbm>> -> memref<16x1024xf32, #tpu.memory_space<hbm>>
    tpu.wait_dma2 semaphore(%arg17 : memref<!tpu.dma_semaphore, #tpu.memory_space<semaphore_mem>>) src(%dma_wait3A_204 : memref<16x1024xf32, #tpu.memory_space<hbm>>) dst(%dma_wait3A_202 : memref<16x1024xf32, #tpu.memory_space<vmem>>)
    %scan3A_205 = arith.constant 0 : i32
    %scan3A_206 = arith.constant 0 : i32
    %scan3A_207 = arith.constant 16 : i32
    %scan3A_208 = arith.addi %scan3A_206, %scan3A_207 : i32
    %scan3A_209 = arith.constant 1 : i32
    scf.for %scan3A_816 = %scan3A_206 to %scan3A_208 step %scan3A_209  : i32 {
      %scan3A_817 = arith.constant 0 : i32
      %scan3A_818 = arith.constant 16 : i32
      %scan3A_819 = arith.addi %scan3A_817, %scan3A_818 : i32
      %scan3A_820 = arith.constant 1 : i32
      scf.for %scan3A_822 = %scan3A_817 to %scan3A_819 step %scan3A_820  : i32 {
        %mul3A_823 = arith.constant 64 : i32
        %mul3A_824 = arith.muli %scan3A_822, %mul3A_823 : i32
        %add3A_825 = arith.constant 0 : i32
        %add3A_826 = arith.addi %mul3A_824, %add3A_825 : i32
        %get3A = arith.constant 1 : i32
        %get3A_827 = arith.index_cast %get3A : i32 to index
        %get3A_828 = arith.index_cast %scan3A_816 : i32 to index
        %get3A_829 = arith.index_cast %add3A_826 : i32 to index
        %get3A_830 = tpu.vector_load %arg11[%get3A_827, %get3A_828, %get3A_829] {strides = array<i32>} : memref<2x16x1024xf32, #tpu.memory_space<vmem>>, vector<1x1x16xf32>,
        %get3A_831 = vector.shape_cast %get3A_830 : vector<1x1x16xf32> to vector<16xf32>
        %get3A_832 = arith.constant 1 : i32
        %get3A_833 = arith.index_cast %get3A_832 : i32 to index
        %get3A_834 = arith.index_cast %scan3A_816 : i32 to index
        %get3A_835 = arith.index_cast %add3A_826 : i32 to index
        %get3A_836 = tpu.vector_load %arg9[%get3A_833, %get3A_834, %get3A_835] {strides = array<i32>} : memref<2x16x1024xf32, #tpu.memory_space<vmem>>, vector<1x1x16xf32>,
        %get3A_837 = vector.shape_cast %get3A_836 : vector<1x1x16xf32> to vector<16xf32>
        %add3A_838 = arith.addf %get3A_831, %get3A_837 : vector<16xf32>
        %get3A_839 = arith.constant 1 : i32
        %get3A_840 = arith.index_cast %get3A_839 : i32 to index
        %get3A_841 = arith.index_cast %scan3A_816 : i32 to index
        %get3A_842 = arith.index_cast %add3A_826 : i32 to index
        %get3A_843 = tpu.vector_load %arg10[%get3A_840, %get3A_841, %get3A_842] {strides = array<i32>} : memref<2x16x1024xf32, #tpu.memory_space<vmem>>, vector<1x1x16xf32>,
        %get3A_844 = vector.shape_cast %get3A_843 : vector<1x1x16xf32> to vector<16xf32>
        %add3A_845 = arith.addf %add3A_838, %get3A_844 : vector<16xf32>
        %swap3A = arith.constant 1 : i32
        %swap3A_846 = arith.index_cast %swap3A : i32 to index
        %swap3A_847 = arith.index_cast %scan3A_816 : i32 to index
        %swap3A_848 = arith.index_cast %add3A_826 : i32 to index
        %swap3A_849 = tpu.vector_load %arg11[%swap3A_846, %swap3A_847, %swap3A_848] {strides = array<i32>} : memref<2x16x1024xf32, #tpu.memory_space<vmem>>, vector<1x1x16xf32>,
        %swap3A_850 = vector.shape_cast %swap3A_849 : vector<1x1x16xf32> to vector<16xf32>
        %swap3A_851 = vector.shape_cast %add3A_845 : vector<16xf32> to vector<1x1x16xf32>
        tpu.vector_store %arg11[%swap3A_846, %swap3A_847, %swap3A_848], %swap3A_851 {strides = array<i32>} : memref<2x16x1024xf32, #tpu.memory_space<vmem>>, vector<1x1x16xf32>,
        %mul3A_852 = arith.constant 64 : i32
        %mul3A_853 = arith.muli %scan3A_822, %mul3A_852 : i32
        %add3A_854 = arith.constant 16 : i32
        %add3A_855 = arith.addi %mul3A_853, %add3A_854 : i32
        %get3A_856 = arith.constant 1 : i32
        %get3A_857 = arith.index_cast %get3A_856 : i32 to index
        %get3A_858 = arith.index_cast %scan3A_816 : i32 to index
        %get3A_859 = arith.index_cast %add3A_855 : i32 to index
        %get3A_860 = tpu.vector_load %arg11[%get3A_857, %get3A_858, %get3A_859] {strides = array<i32>} : memref<2x16x1024xf32, #tpu.memory_space<vmem>>, vector<1x1x16xf32>,
        %get3A_861 = vector.shape_cast %get3A_860 : vector<1x1x16xf32> to vector<16xf32>
        %get3A_862 = arith.constant 1 : i32
        %get3A_863 = arith.index_cast %get3A_862 : i32 to index
        %get3A_864 = arith.index_cast %scan3A_816 : i32 to index
        %get3A_865 = arith.index_cast %add3A_855 : i32 to index
        %get3A_866 = tpu.vector_load %arg9[%get3A_863, %get3A_864, %get3A_865] {strides = array<i32>} : memref<2x16x1024xf32, #tpu.memory_space<vmem>>, vector<1x1x16xf32>,
        %get3A_867 = vector.shape_cast %get3A_866 : vector<1x1x16xf32> to vector<16xf32>
        %add3A_868 = arith.addf %get3A_861, %get3A_867 : vector<16xf32>
        %get3A_869 = arith.constant 1 : i32
        %get3A_870 = arith.index_cast %get3A_869 : i32 to index
        %get3A_871 = arith.index_cast %scan3A_816 : i32 to index
        %get3A_872 = arith.index_cast %add3A_855 : i32 to index
        %get3A_873 = tpu.vector_load %arg10[%get3A_870, %get3A_871, %get3A_872] {strides = array<i32>} : memref<2x16x1024xf32, #tpu.memory_space<vmem>>, vector<1x1x16xf32>,
        %get3A_874 = vector.shape_cast %get3A_873 : vector<1x1x16xf32> to vector<16xf32>
        %add3A_875 = arith.addf %add3A_868, %get3A_874 : vector<16xf32>
        %swap3A_876 = arith.constant 1 : i32
        %swap3A_877 = arith.index_cast %swap3A_876 : i32 to index
        %swap3A_878 = arith.index_cast %scan3A_816 : i32 to index
        %swap3A_879 = arith.index_cast %add3A_855 : i32 to index
        %swap3A_880 = tpu.vector_load %arg11[%swap3A_877, %swap3A_878, %swap3A_879] {strides = array<i32>} : memref<2x16x1024xf32, #tpu.memory_space<vmem>>, vector<1x1x16xf32>,
        %swap3A_881 = vector.shape_cast %swap3A_880 : vector<1x1x16xf32> to vector<16xf32>
        %swap3A_882 = vector.shape_cast %add3A_875 : vector<16xf32> to vector<1x1x16xf32>
        tpu.vector_store %arg11[%swap3A_877, %swap3A_878, %swap3A_879], %swap3A_882 {strides = array<i32>} : memref<2x16x1024xf32, #tpu.memory_space<vmem>>, vector<1x1x16xf32>,
        %mul3A_883 = arith.constant 64 : i32
        %mul3A_884 = arith.muli %scan3A_822, %mul3A_883 : i32
        %add3A_885 = arith.constant 32 : i32
        %add3A_886 = arith.addi %mul3A_884, %add3A_885 : i32
        %get3A_887 = arith.constant 1 : i32
        %get3A_888 = arith.index_cast %get3A_887 : i32 to index
        %get3A_889 = arith.index_cast %scan3A_816 : i32 to index
        %get3A_890 = arith.index_cast %add3A_886 : i32 to index
        %get3A_891 = tpu.vector_load %arg11[%get3A_888, %get3A_889, %get3A_890] {strides = array<i32>} : memref<2x16x1024xf32, #tpu.memory_space<vmem>>, vector<1x1x16xf32>,
        %get3A_892 = vector.shape_cast %get3A_891 : vector<1x1x16xf32> to vector<16xf32>
        %get3A_893 = arith.constant 1 : i32
        %get3A_894 = arith.index_cast %get3A_893 : i32 to index
        %get3A_895 = arith.index_cast %scan3A_816 : i32 to index
        %get3A_896 = arith.index_cast %add3A_886 : i32 to index
        %get3A_897 = tpu.vector_load %arg9[%get3A_894, %get3A_895, %get3A_896] {strides = array<i32>} : memref<2x16x1024xf32, #tpu.memory_space<vmem>>, vector<1x1x16xf32>,
        %get3A_898 = vector.shape_cast %get3A_897 : vector<1x1x16xf32> to vector<16xf32>
        %add3A_899 = arith.addf %get3A_892, %get3A_898 : vector<16xf32>
        %get3A_900 = arith.constant 1 : i32
        %get3A_901 = arith.index_cast %get3A_900 : i32 to index
        %get3A_902 = arith.index_cast %scan3A_816 : i32 to index
        %get3A_903 = arith.index_cast %add3A_886 : i32 to index
        %get3A_904 = tpu.vector_load %arg10[%get3A_901, %get3A_902, %get3A_903] {strides = array<i32>} : memref<2x16x1024xf32, #tpu.memory_space<vmem>>, vector<1x1x16xf32>,
        %get3A_905 = vector.shape_cast %get3A_904 : vector<1x1x16xf32> to vector<16xf32>
        %add3A_906 = arith.addf %add3A_899, %get3A_905 : vector<16xf32>
        %swap3A_907 = arith.constant 1 : i32
        %swap3A_908 = arith.index_cast %swap3A_907 : i32 to index
        %swap3A_909 = arith.index_cast %scan3A_816 : i32 to index
        %swap3A_910 = arith.index_cast %add3A_886 : i32 to index
        %swap3A_911 = tpu.vector_load %arg11[%swap3A_908, %swap3A_909, %swap3A_910] {strides = array<i32>} : memref<2x16x1024xf32, #tpu.memory_space<vmem>>, vector<1x1x16xf32>,
        %swap3A_912 = vector.shape_cast %swap3A_911 : vector<1x1x16xf32> to vector<16xf32>
        %swap3A_913 = vector.shape_cast %add3A_906 : vector<16xf32> to vector<1x1x16xf32>
        tpu.vector_store %arg11[%swap3A_908, %swap3A_909, %swap3A_910], %swap3A_913 {strides = array<i32>} : memref<2x16x1024xf32, #tpu.memory_space<vmem>>, vector<1x1x16xf32>,
        %mul3A_914 = arith.constant 64 : i32
        %mul3A_915 = arith.muli %scan3A_822, %mul3A_914 : i32
        %add3A_916 = arith.constant 48 : i32
        %add3A_917 = arith.addi %mul3A_915, %add3A_916 : i32
        %get3A_918 = arith.constant 1 : i32
        %get3A_919 = arith.index_cast %get3A_918 : i32 to index
        %get3A_920 = arith.index_cast %scan3A_816 : i32 to index
        %get3A_921 = arith.index_cast %add3A_917 : i32 to index
        %get3A_922 = tpu.vector_load %arg11[%get3A_919, %get3A_920, %get3A_921] {strides = array<i32>} : memref<2x16x1024xf32, #tpu.memory_space<vmem>>, vector<1x1x16xf32>,
        %get3A_923 = vector.shape_cast %get3A_922 : vector<1x1x16xf32> to vector<16xf32>
        %get3A_924 = arith.constant 1 : i32
        %get3A_925 = arith.index_cast %get3A_924 : i32 to index
        %get3A_926 = arith.index_cast %scan3A_816 : i32 to index
        %get3A_927 = arith.index_cast %add3A_917 : i32 to index
        %get3A_928 = tpu.vector_load %arg9[%get3A_925, %get3A_926, %get3A_927] {strides = array<i32>} : memref<2x16x1024xf32, #tpu.memory_space<vmem>>, vector<1x1x16xf32>,
        %get3A_929 = vector.shape_cast %get3A_928 : vector<1x1x16xf32> to vector<16xf32>
        %add3A_930 = arith.addf %get3A_923, %get3A_929 : vector<16xf32>
        %get3A_931 = arith.constant 1 : i32
        %get3A_932 = arith.index_cast %get3A_931 : i32 to index
        %get3A_933 = arith.index_cast %scan3A_816 : i32 to index
        %get3A_934 = arith.index_cast %add3A_917 : i32 to index
        %get3A_935 = tpu.vector_load %arg10[%get3A_932, %get3A_933, %get3A_934] {strides = array<i32>} : memref<2x16x1024xf32, #tpu.memory_space<vmem>>, vector<1x1x16xf32>,
        %get3A_936 = vector.shape_cast %get3A_935 : vector<1x1x16xf32> to vector<16xf32>
        %add3A_937 = arith.addf %add3A_930, %get3A_936 : vector<16xf32>
        %swap3A_938 = arith.constant 1 : i32
        %swap3A_939 = arith.index_cast %swap3A_938 : i32 to index
        %swap3A_940 = arith.index_cast %scan3A_816 : i32 to index
        %swap3A_941 = arith.index_cast %add3A_917 : i32 to index
        %swap3A_942 = tpu.vector_load %arg11[%swap3A_939, %swap3A_940, %swap3A_941] {strides = array<i32>} : memref<2x16x1024xf32, #tpu.memory_space<vmem>>, vector<1x1x16xf32>,
        %swap3A_943 = vector.shape_cast %swap3A_942 : vector<1x1x16xf32> to vector<16xf32>
        %swap3A_944 = vector.shape_cast %add3A_937 : vector<16xf32> to vector<1x1x16xf32>
        tpu.vector_store %arg11[%swap3A_939, %swap3A_940, %swap3A_941], %swap3A_944 {strides = array<i32>} : memref<2x16x1024xf32, #tpu.memory_space<vmem>>, vector<1x1x16xf32>,
      }
      %scan3A_821 = arith.constant 16 : i32
    }
    %scan3A_210 = arith.constant 16 : i32
    %add3A_211 = arith.constant 16 : i32
    %add3A_212 = arith.addi %mul3A_2, %add3A_211 : i32
    %dma_start3A_213 = arith.constant 1 : i32
    %dma_start3A_214 = arith.constant 0 : i32
    %dma_start3A_215 = arith.constant 0 : i32
    %dma_start3A_216 = tpu.memref_slice %arg11[%dma_start3A_213, %dma_start3A_214, %dma_start3A_215] : memref<2x16x1024xf32, #tpu.memory_space<vmem>> -> memref<1x16x1024xf32, #tpu.memory_space<vmem>>
    %dma_start3A_217 = tpu.memref_squeeze %dma_start3A_216 : memref<1x16x1024xf32, #tpu.memory_space<vmem>> -> memref<16x1024xf32, #tpu.memory_space<vmem>>
    %dma_start3A_218 = arith.constant 0 : i32
    %dma_start3A_219 = tpu.memref_slice %arg6[%add3A_212, %dma_start3A_218] : memref<4096x1024xf32, #tpu.memory_space<hbm>> -> memref<16x1024xf32, #tpu.memory_space<hbm>>
    %dma_start3A_220 = arith.constant 0 : i32
    %dma_start3A_221 = tpu.memref_slice %arg6[%add3A_212, %dma_start3A_220] : memref<4096x1024xf32, #tpu.memory_space<hbm>> -> memref<16x1024xf32, #tpu.memory_space<hbm>>
    %dma_start3A_222 = arith.constant 0 : i32
    %dma_start3A_223 = arith.constant 0 : i32
    %dma_start3A_224 = tpu.memref_slice %arg11[%dma_start3A_213, %dma_start3A_222, %dma_start3A_223] : memref<2x16x1024xf32, #tpu.memory_space<vmem>> -> memref<1x16x1024xf32, #tpu.memory_space<vmem>>
    %dma_start3A_225 = tpu.memref_squeeze %dma_start3A_224 : memref<1x16x1024xf32, #tpu.memory_space<vmem>> -> memref<16x1024xf32, #tpu.memory_space<vmem>>
    tpu.enqueue_dma source(%dma_start3A_225 : memref<16x1024xf32, #tpu.memory_space<vmem>>) target(%dma_start3A_221 : memref<16x1024xf32, #tpu.memory_space<hbm>>) target_semaphore(%arg19 : memref<!tpu.dma_semaphore, #tpu.memory_space<semaphore_mem>>)
    %dma_wait3A_226 = arith.constant 1 : i32
    %dma_wait3A_227 = arith.constant 0 : i32
    %dma_wait3A_228 = arith.constant 0 : i32
    %dma_wait3A_229 = tpu.memref_slice %arg11[%dma_wait3A_226, %dma_wait3A_227, %dma_wait3A_228] : memref<2x16x1024xf32, #tpu.memory_space<vmem>> -> memref<1x16x1024xf32, #tpu.memory_space<vmem>>
    %dma_wait3A_230 = tpu.memref_squeeze %dma_wait3A_229 : memref<1x16x1024xf32, #tpu.memory_space<vmem>> -> memref<16x1024xf32, #tpu.memory_space<vmem>>
    %dma_wait3A_231 = arith.constant 0 : i32
    %dma_wait3A_232 = tpu.memref_slice %arg6[%add3A_212, %dma_wait3A_231] : memref<4096x1024xf32, #tpu.memory_space<hbm>> -> memref<16x1024xf32, #tpu.memory_space<hbm>>
    %dma_wait3A_233 = arith.constant 0 : i32
    %dma_wait3A_234 = tpu.memref_slice %arg6[%add3A_212, %dma_wait3A_233] : memref<4096x1024xf32, #tpu.memory_space<hbm>> -> memref<16x1024xf32, #tpu.memory_space<hbm>>
    %dma_wait3A_235 = arith.constant 0 : i32
    %dma_wait3A_236 = arith.constant 0 : i32
    %dma_wait3A_237 = tpu.memref_slice %arg11[%dma_wait3A_226, %dma_wait3A_235, %dma_wait3A_236] : memref<2x16x1024xf32, #tpu.memory_space<vmem>> -> memref<1x16x1024xf32, #tpu.memory_space<vmem>>
    %dma_wait3A_238 = tpu.memref_squeeze %dma_wait3A_237 : memref<1x16x1024xf32, #tpu.memory_space<vmem>> -> memref<16x1024xf32, #tpu.memory_space<vmem>>
    tpu.wait_dma2 semaphore(%arg19 : memref<!tpu.dma_semaphore, #tpu.memory_space<semaphore_mem>>) src(%dma_wait3A_238 : memref<16x1024xf32, #tpu.memory_space<vmem>>) dst(%dma_wait3A_234 : memref<16x1024xf32, #tpu.memory_space<hbm>>)
    %dma_start3A_239 = arith.constant 1 : i32
    %dma_start3A_240 = arith.constant 0 : i32
    %dma_start3A_241 = arith.constant 0 : i32
    %dma_start3A_242 = tpu.memref_slice %arg9[%dma_start3A_239, %dma_start3A_240, %dma_start3A_241] : memref<2x16x1024xf32, #tpu.memory_space<vmem>> -> memref<1x16x1024xf32, #tpu.memory_space<vmem>>
    %dma_start3A_243 = tpu.memref_squeeze %dma_start3A_242 : memref<1x16x1024xf32, #tpu.memory_space<vmem>> -> memref<16x1024xf32, #tpu.memory_space<vmem>>
    %dma_start3A_244 = arith.constant 48 : i32
    %dma_start3A_245 = tpu.memref_slice %arg7[%dma_start3A_244] : memref<128xi32, #tpu.memory_space<vmem>> -> memref<16xi32, #tpu.memory_space<vmem>>
    %dma_start3A_246 = arith.constant 0 : i32
    %dma_start3A_247 = arith.constant 0 : i32
    %dma_start3A_248 = tpu.memref_slice %arg3[%dma_start3A_246, %dma_start3A_247] : memref<10240x1024xf32, #tpu.memory_space<hbm>> -> memref<10240x1024xf32, #tpu.memory_space<hbm>>
    tpu.enqueue_indirect_dma source(%dma_start3A_248 : memref<10240x1024xf32, #tpu.memory_space<hbm>>) target(%dma_start3A_243 : memref<16x1024xf32, #tpu.memory_space<vmem>>) offsets(%dma_start3A_245 : memref<16xi32, #tpu.memory_space<vmem>>) semaphore(%arg13 : memref<!tpu.dma_semaphore, #tpu.memory_space<semaphore_mem>>)
    %dma_start3A_249 = arith.constant 1 : i32
    %dma_start3A_250 = arith.constant 0 : i32
    %dma_start3A_251 = arith.constant 0 : i32
    %dma_start3A_252 = tpu.memref_slice %arg10[%dma_start3A_249, %dma_start3A_250, %dma_start3A_251] : memref<2x16x1024xf32, #tpu.memory_space<vmem>> -> memref<1x16x1024xf32, #tpu.memory_space<vmem>>
    %dma_start3A_253 = tpu.memref_squeeze %dma_start3A_252 : memref<1x16x1024xf32, #tpu.memory_space<vmem>> -> memref<16x1024xf32, #tpu.memory_space<vmem>>
    %dma_start3A_254 = arith.constant 48 : i32
    %dma_start3A_255 = tpu.memref_slice %arg8[%dma_start3A_254] : memref<128xi32, #tpu.memory_space<vmem>> -> memref<16xi32, #tpu.memory_space<vmem>>
    %dma_start3A_256 = arith.constant 0 : i32
    %dma_start3A_257 = arith.constant 0 : i32
    %dma_start3A_258 = tpu.memref_slice %arg3[%dma_start3A_256, %dma_start3A_257] : memref<10240x1024xf32, #tpu.memory_space<hbm>> -> memref<10240x1024xf32, #tpu.memory_space<hbm>>
    tpu.enqueue_indirect_dma source(%dma_start3A_258 : memref<10240x1024xf32, #tpu.memory_space<hbm>>) target(%dma_start3A_253 : memref<16x1024xf32, #tpu.memory_space<vmem>>) offsets(%dma_start3A_255 : memref<16xi32, #tpu.memory_space<vmem>>) semaphore(%arg15 : memref<!tpu.dma_semaphore, #tpu.memory_space<semaphore_mem>>)
    %add3A_259 = arith.constant 48 : i32
    %add3A_260 = arith.addi %mul3A_2, %add3A_259 : i32
    %dma_start3A_261 = arith.constant 1 : i32
    %dma_start3A_262 = arith.constant 0 : i32
    %dma_start3A_263 = arith.constant 0 : i32
    %dma_start3A_264 = tpu.memref_slice %arg11[%dma_start3A_261, %dma_start3A_262, %dma_start3A_263] : memref<2x16x1024xf32, #tpu.memory_space<vmem>> -> memref<1x16x1024xf32, #tpu.memory_space<vmem>>
    %dma_start3A_265 = tpu.memref_squeeze %dma_start3A_264 : memref<1x16x1024xf32, #tpu.memory_space<vmem>> -> memref<16x1024xf32, #tpu.memory_space<vmem>>
    %dma_start3A_266 = arith.constant 0 : i32
    %dma_start3A_267 = tpu.memref_slice %arg2[%add3A_260, %dma_start3A_266] : memref<4096x1024xf32, #tpu.memory_space<hbm>> -> memref<16x1024xf32, #tpu.memory_space<hbm>>
    %dma_start3A_268 = arith.constant 0 : i32
    %dma_start3A_269 = arith.constant 0 : i32
    %dma_start3A_270 = tpu.memref_slice %arg11[%dma_start3A_261, %dma_start3A_268, %dma_start3A_269] : memref<2x16x1024xf32, #tpu.memory_space<vmem>> -> memref<1x16x1024xf32, #tpu.memory_space<vmem>>
    %dma_start3A_271 = tpu.memref_squeeze %dma_start3A_270 : memref<1x16x1024xf32, #tpu.memory_space<vmem>> -> memref<16x1024xf32, #tpu.memory_space<vmem>>
    %dma_start3A_272 = arith.constant 0 : i32
    %dma_start3A_273 = tpu.memref_slice %arg2[%add3A_260, %dma_start3A_272] : memref<4096x1024xf32, #tpu.memory_space<hbm>> -> memref<16x1024xf32, #tpu.memory_space<hbm>>
    tpu.enqueue_dma source(%dma_start3A_273 : memref<16x1024xf32, #tpu.memory_space<hbm>>) target(%dma_start3A_271 : memref<16x1024xf32, #tpu.memory_space<vmem>>) target_semaphore(%arg17 : memref<!tpu.dma_semaphore, #tpu.memory_space<semaphore_mem>>)
    %dma_wait3A_274 = arith.constant 0 : i32
    %dma_wait3A_275 = arith.constant 0 : i32
    %dma_wait3A_276 = arith.constant 0 : i32
    %dma_wait3A_277 = tpu.memref_slice %arg9[%dma_wait3A_274, %dma_wait3A_275, %dma_wait3A_276] : memref<2x16x1024xf32, #tpu.memory_space<vmem>> -> memref<1x16x1024xf32, #tpu.memory_space<vmem>>
    %dma_wait3A_278 = tpu.memref_squeeze %dma_wait3A_277 : memref<1x16x1024xf32, #tpu.memory_space<vmem>> -> memref<16x1024xf32, #tpu.memory_space<vmem>>
    %dma_wait3A_279 = arith.constant 32 : i32
    %dma_wait3A_280 = tpu.memref_slice %arg7[%dma_wait3A_279] : memref<128xi32, #tpu.memory_space<vmem>> -> memref<16xi32, #tpu.memory_space<vmem>>
    %dma_wait3A_281 = arith.constant 0 : i32
    %dma_wait3A_282 = arith.constant 0 : i32
    %dma_wait3A_283 = tpu.memref_slice %arg3[%dma_wait3A_281, %dma_wait3A_282] : memref<10240x1024xf32, #tpu.memory_space<hbm>> -> memref<10240x1024xf32, #tpu.memory_space<hbm>>
    tpu.wait_indirect_dma semaphore(%arg12 : memref<!tpu.dma_semaphore, #tpu.memory_space<semaphore_mem>>) src(%dma_wait3A_283 : memref<10240x1024xf32, #tpu.memory_space<hbm>>) dst(%dma_wait3A_278 : memref<16x1024xf32, #tpu.memory_space<vmem>>)
    %dma_wait3A_284 = arith.constant 0 : i32
    %dma_wait3A_285 = arith.constant 0 : i32
    %dma_wait3A_286 = arith.constant 0 : i32
    %dma_wait3A_287 = tpu.memref_slice %arg10[%dma_wait3A_284, %dma_wait3A_285, %dma_wait3A_286] : memref<2x16x1024xf32, #tpu.memory_space<vmem>> -> memref<1x16x1024xf32, #tpu.memory_space<vmem>>
    %dma_wait3A_288 = tpu.memref_squeeze %dma_wait3A_287 : memref<1x16x1024xf32, #tpu.memory_space<vmem>> -> memref<16x1024xf32, #tpu.memory_space<vmem>>
    %dma_wait3A_289 = arith.constant 32 : i32
    %dma_wait3A_290 = tpu.memref_slice %arg8[%dma_wait3A_289] : memref<128xi32, #tpu.memory_space<vmem>> -> memref<16xi32, #tpu.memory_space<vmem>>
    %dma_wait3A_291 = arith.constant 0 : i32
    %dma_wait3A_292 = arith.constant 0 : i32
    %dma_wait3A_293 = tpu.memref_slice %arg3[%dma_wait3A_291, %dma_wait3A_292] : memref<10240x1024xf32, #tpu.memory_space<hbm>> -> memref<10240x1024xf32, #tpu.memory_space<hbm>>
    tpu.wait_indirect_dma semaphore(%arg14 : memref<!tpu.dma_semaphore, #tpu.memory_space<semaphore_mem>>) src(%dma_wait3A_293 : memref<10240x1024xf32, #tpu.memory_space<hbm>>) dst(%dma_wait3A_288 : memref<16x1024xf32, #tpu.memory_space<vmem>>)
    %dma_wait3A_294 = arith.constant 0 : i32
    %dma_wait3A_295 = arith.constant 0 : i32
    %dma_wait3A_296 = arith.constant 0 : i32
    %dma_wait3A_297 = tpu.memref_slice %arg11[%dma_wait3A_294, %dma_wait3A_295, %dma_wait3A_296] : memref<2x16x1024xf32, #tpu.memory_space<vmem>> -> memref<1x16x1024xf32, #tpu.memory_space<vmem>>
    %dma_wait3A_298 = tpu.memref_squeeze %dma_wait3A_297 : memref<1x16x1024xf32, #tpu.memory_space<vmem>> -> memref<16x1024xf32, #tpu.memory_space<vmem>>
    %dma_wait3A_299 = arith.constant 0 : i32
    %dma_wait3A_300 = tpu.memref_slice %arg2[%add3A_158, %dma_wait3A_299] : memref<4096x1024xf32, #tpu.memory_space<hbm>> -> memref<16x1024xf32, #tpu.memory_space<hbm>>
    %dma_wait3A_301 = arith.constant 0 : i32
    %dma_wait3A_302 = arith.constant 0 : i32
    %dma_wait3A_303 = tpu.memref_slice %arg11[%dma_wait3A_294, %dma_wait3A_301, %dma_wait3A_302] : memref<2x16x1024xf32, #tpu.memory_space<vmem>> -> memref<1x16x1024xf32, #tpu.memory_space<vmem>>
    %dma_wait3A_304 = tpu.memref_squeeze %dma_wait3A_303 : memref<1x16x1024xf32, #tpu.memory_space<vmem>> -> memref<16x1024xf32, #tpu.memory_space<vmem>>
    %dma_wait3A_305 = arith.constant 0 : i32
    %dma_wait3A_306 = tpu.memref_slice %arg2[%add3A_158, %dma_wait3A_305] : memref<4096x1024xf32, #tpu.memory_space<hbm>> -> memref<16x1024xf32, #tpu.memory_space<hbm>>
    tpu.wait_dma2 semaphore(%arg16 : memref<!tpu.dma_semaphore, #tpu.memory_space<semaphore_mem>>) src(%dma_wait3A_306 : memref<16x1024xf32, #tpu.memory_space<hbm>>) dst(%dma_wait3A_304 : memref<16x1024xf32, #tpu.memory_space<vmem>>)
    %scan3A_307 = arith.constant 0 : i32
    %scan3A_308 = arith.constant 0 : i32
    %scan3A_309 = arith.constant 16 : i32
    %scan3A_310 = arith.addi %scan3A_308, %scan3A_309 : i32
    %scan3A_311 = arith.constant 1 : i32
    scf.for %scan3A_816 = %scan3A_308 to %scan3A_310 step %scan3A_311  : i32 {
      %scan3A_817 = arith.constant 0 : i32
      %scan3A_818 = arith.constant 16 : i32
      %scan3A_819 = arith.addi %scan3A_817, %scan3A_818 : i32
      %scan3A_820 = arith.constant 1 : i32
      scf.for %scan3A_822 = %scan3A_817 to %scan3A_819 step %scan3A_820  : i32 {
        %mul3A_823 = arith.constant 64 : i32
        %mul3A_824 = arith.muli %scan3A_822, %mul3A_823 : i32
        %add3A_825 = arith.constant 0 : i32
        %add3A_826 = arith.addi %mul3A_824, %add3A_825 : i32
        %get3A = arith.constant 0 : i32
        %get3A_827 = arith.index_cast %get3A : i32 to index
        %get3A_828 = arith.index_cast %scan3A_816 : i32 to index
        %get3A_829 = arith.index_cast %add3A_826 : i32 to index
        %get3A_830 = tpu.vector_load %arg11[%get3A_827, %get3A_828, %get3A_829] {strides = array<i32>} : memref<2x16x1024xf32, #tpu.memory_space<vmem>>, vector<1x1x16xf32>,
        %get3A_831 = vector.shape_cast %get3A_830 : vector<1x1x16xf32> to vector<16xf32>
        %get3A_832 = arith.constant 0 : i32
        %get3A_833 = arith.index_cast %get3A_832 : i32 to index
        %get3A_834 = arith.index_cast %scan3A_816 : i32 to index
        %get3A_835 = arith.index_cast %add3A_826 : i32 to index
        %get3A_836 = tpu.vector_load %arg9[%get3A_833, %get3A_834, %get3A_835] {strides = array<i32>} : memref<2x16x1024xf32, #tpu.memory_space<vmem>>, vector<1x1x16xf32>,
        %get3A_837 = vector.shape_cast %get3A_836 : vector<1x1x16xf32> to vector<16xf32>
        %add3A_838 = arith.addf %get3A_831, %get3A_837 : vector<16xf32>
        %get3A_839 = arith.constant 0 : i32
        %get3A_840 = arith.index_cast %get3A_839 : i32 to index
        %get3A_841 = arith.index_cast %scan3A_816 : i32 to index
        %get3A_842 = arith.index_cast %add3A_826 : i32 to index
        %get3A_843 = tpu.vector_load %arg10[%get3A_840, %get3A_841, %get3A_842] {strides = array<i32>} : memref<2x16x1024xf32, #tpu.memory_space<vmem>>, vector<1x1x16xf32>,
        %get3A_844 = vector.shape_cast %get3A_843 : vector<1x1x16xf32> to vector<16xf32>
        %add3A_845 = arith.addf %add3A_838, %get3A_844 : vector<16xf32>
        %swap3A = arith.constant 0 : i32
        %swap3A_846 = arith.index_cast %swap3A : i32 to index
        %swap3A_847 = arith.index_cast %scan3A_816 : i32 to index
        %swap3A_848 = arith.index_cast %add3A_826 : i32 to index
        %swap3A_849 = tpu.vector_load %arg11[%swap3A_846, %swap3A_847, %swap3A_848] {strides = array<i32>} : memref<2x16x1024xf32, #tpu.memory_space<vmem>>, vector<1x1x16xf32>,
        %swap3A_850 = vector.shape_cast %swap3A_849 : vector<1x1x16xf32> to vector<16xf32>
        %swap3A_851 = vector.shape_cast %add3A_845 : vector<16xf32> to vector<1x1x16xf32>
        tpu.vector_store %arg11[%swap3A_846, %swap3A_847, %swap3A_848], %swap3A_851 {strides = array<i32>} : memref<2x16x1024xf32, #tpu.memory_space<vmem>>, vector<1x1x16xf32>,
        %mul3A_852 = arith.constant 64 : i32
        %mul3A_853 = arith.muli %scan3A_822, %mul3A_852 : i32
        %add3A_854 = arith.constant 16 : i32
        %add3A_855 = arith.addi %mul3A_853, %add3A_854 : i32
        %get3A_856 = arith.constant 0 : i32
        %get3A_857 = arith.index_cast %get3A_856 : i32 to index
        %get3A_858 = arith.index_cast %scan3A_816 : i32 to index
        %get3A_859 = arith.index_cast %add3A_855 : i32 to index
        %get3A_860 = tpu.vector_load %arg11[%get3A_857, %get3A_858, %get3A_859] {strides = array<i32>} : memref<2x16x1024xf32, #tpu.memory_space<vmem>>, vector<1x1x16xf32>,
        %get3A_861 = vector.shape_cast %get3A_860 : vector<1x1x16xf32> to vector<16xf32>
        %get3A_862 = arith.constant 0 : i32
        %get3A_863 = arith.index_cast %get3A_862 : i32 to index
        %get3A_864 = arith.index_cast %scan3A_816 : i32 to index
        %get3A_865 = arith.index_cast %add3A_855 : i32 to index
        %get3A_866 = tpu.vector_load %arg9[%get3A_863, %get3A_864, %get3A_865] {strides = array<i32>} : memref<2x16x1024xf32, #tpu.memory_space<vmem>>, vector<1x1x16xf32>,
        %get3A_867 = vector.shape_cast %get3A_866 : vector<1x1x16xf32> to vector<16xf32>
        %add3A_868 = arith.addf %get3A_861, %get3A_867 : vector<16xf32>
        %get3A_869 = arith.constant 0 : i32
        %get3A_870 = arith.index_cast %get3A_869 : i32 to index
        %get3A_871 = arith.index_cast %scan3A_816 : i32 to index
        %get3A_872 = arith.index_cast %add3A_855 : i32 to index
        %get3A_873 = tpu.vector_load %arg10[%get3A_870, %get3A_871, %get3A_872] {strides = array<i32>} : memref<2x16x1024xf32, #tpu.memory_space<vmem>>, vector<1x1x16xf32>,
        %get3A_874 = vector.shape_cast %get3A_873 : vector<1x1x16xf32> to vector<16xf32>
        %add3A_875 = arith.addf %add3A_868, %get3A_874 : vector<16xf32>
        %swap3A_876 = arith.constant 0 : i32
        %swap3A_877 = arith.index_cast %swap3A_876 : i32 to index
        %swap3A_878 = arith.index_cast %scan3A_816 : i32 to index
        %swap3A_879 = arith.index_cast %add3A_855 : i32 to index
        %swap3A_880 = tpu.vector_load %arg11[%swap3A_877, %swap3A_878, %swap3A_879] {strides = array<i32>} : memref<2x16x1024xf32, #tpu.memory_space<vmem>>, vector<1x1x16xf32>,
        %swap3A_881 = vector.shape_cast %swap3A_880 : vector<1x1x16xf32> to vector<16xf32>
        %swap3A_882 = vector.shape_cast %add3A_875 : vector<16xf32> to vector<1x1x16xf32>
        tpu.vector_store %arg11[%swap3A_877, %swap3A_878, %swap3A_879], %swap3A_882 {strides = array<i32>} : memref<2x16x1024xf32, #tpu.memory_space<vmem>>, vector<1x1x16xf32>,
        %mul3A_883 = arith.constant 64 : i32
        %mul3A_884 = arith.muli %scan3A_822, %mul3A_883 : i32
        %add3A_885 = arith.constant 32 : i32
        %add3A_886 = arith.addi %mul3A_884, %add3A_885 : i32
        %get3A_887 = arith.constant 0 : i32
        %get3A_888 = arith.index_cast %get3A_887 : i32 to index
        %get3A_889 = arith.index_cast %scan3A_816 : i32 to index
        %get3A_890 = arith.index_cast %add3A_886 : i32 to index
        %get3A_891 = tpu.vector_load %arg11[%get3A_888, %get3A_889, %get3A_890] {strides = array<i32>} : memref<2x16x1024xf32, #tpu.memory_space<vmem>>, vector<1x1x16xf32>,
        %get3A_892 = vector.shape_cast %get3A_891 : vector<1x1x16xf32> to vector<16xf32>
        %get3A_893 = arith.constant 0 : i32
        %get3A_894 = arith.index_cast %get3A_893 : i32 to index
        %get3A_895 = arith.index_cast %scan3A_816 : i32 to index
        %get3A_896 = arith.index_cast %add3A_886 : i32 to index
        %get3A_897 = tpu.vector_load %arg9[%get3A_894, %get3A_895, %get3A_896] {strides = array<i32>} : memref<2x16x1024xf32, #tpu.memory_space<vmem>>, vector<1x1x16xf32>,
        %get3A_898 = vector.shape_cast %get3A_897 : vector<1x1x16xf32> to vector<16xf32>
        %add3A_899 = arith.addf %get3A_892, %get3A_898 : vector<16xf32>
        %get3A_900 = arith.constant 0 : i32
        %get3A_901 = arith.index_cast %get3A_900 : i32 to index
        %get3A_902 = arith.index_cast %scan3A_816 : i32 to index
        %get3A_903 = arith.index_cast %add3A_886 : i32 to index
        %get3A_904 = tpu.vector_load %arg10[%get3A_901, %get3A_902, %get3A_903] {strides = array<i32>} : memref<2x16x1024xf32, #tpu.memory_space<vmem>>, vector<1x1x16xf32>,
        %get3A_905 = vector.shape_cast %get3A_904 : vector<1x1x16xf32> to vector<16xf32>
        %add3A_906 = arith.addf %add3A_899, %get3A_905 : vector<16xf32>
        %swap3A_907 = arith.constant 0 : i32
        %swap3A_908 = arith.index_cast %swap3A_907 : i32 to index
        %swap3A_909 = arith.index_cast %scan3A_816 : i32 to index
        %swap3A_910 = arith.index_cast %add3A_886 : i32 to index
        %swap3A_911 = tpu.vector_load %arg11[%swap3A_908, %swap3A_909, %swap3A_910] {strides = array<i32>} : memref<2x16x1024xf32, #tpu.memory_space<vmem>>, vector<1x1x16xf32>,
        %swap3A_912 = vector.shape_cast %swap3A_911 : vector<1x1x16xf32> to vector<16xf32>
        %swap3A_913 = vector.shape_cast %add3A_906 : vector<16xf32> to vector<1x1x16xf32>
        tpu.vector_store %arg11[%swap3A_908, %swap3A_909, %swap3A_910], %swap3A_913 {strides = array<i32>} : memref<2x16x1024xf32, #tpu.memory_space<vmem>>, vector<1x1x16xf32>,
        %mul3A_914 = arith.constant 64 : i32
        %mul3A_915 = arith.muli %scan3A_822, %mul3A_914 : i32
        %add3A_916 = arith.constant 48 : i32
        %add3A_917 = arith.addi %mul3A_915, %add3A_916 : i32
        %get3A_918 = arith.constant 0 : i32
        %get3A_919 = arith.index_cast %get3A_918 : i32 to index
        %get3A_920 = arith.index_cast %scan3A_816 : i32 to index
        %get3A_921 = arith.index_cast %add3A_917 : i32 to index
        %get3A_922 = tpu.vector_load %arg11[%get3A_919, %get3A_920, %get3A_921] {strides = array<i32>} : memref<2x16x1024xf32, #tpu.memory_space<vmem>>, vector<1x1x16xf32>,
        %get3A_923 = vector.shape_cast %get3A_922 : vector<1x1x16xf32> to vector<16xf32>
        %get3A_924 = arith.constant 0 : i32
        %get3A_925 = arith.index_cast %get3A_924 : i32 to index
        %get3A_926 = arith.index_cast %scan3A_816 : i32 to index
        %get3A_927 = arith.index_cast %add3A_917 : i32 to index
        %get3A_928 = tpu.vector_load %arg9[%get3A_925, %get3A_926, %get3A_927] {strides = array<i32>} : memref<2x16x1024xf32, #tpu.memory_space<vmem>>, vector<1x1x16xf32>,
        %get3A_929 = vector.shape_cast %get3A_928 : vector<1x1x16xf32> to vector<16xf32>
        %add3A_930 = arith.addf %get3A_923, %get3A_929 : vector<16xf32>
        %get3A_931 = arith.constant 0 : i32
        %get3A_932 = arith.index_cast %get3A_931 : i32 to index
        %get3A_933 = arith.index_cast %scan3A_816 : i32 to index
        %get3A_934 = arith.index_cast %add3A_917 : i32 to index
        %get3A_935 = tpu.vector_load %arg10[%get3A_932, %get3A_933, %get3A_934] {strides = array<i32>} : memref<2x16x1024xf32, #tpu.memory_space<vmem>>, vector<1x1x16xf32>,
        %get3A_936 = vector.shape_cast %get3A_935 : vector<1x1x16xf32> to vector<16xf32>
        %add3A_937 = arith.addf %add3A_930, %get3A_936 : vector<16xf32>
        %swap3A_938 = arith.constant 0 : i32
        %swap3A_939 = arith.index_cast %swap3A_938 : i32 to index
        %swap3A_940 = arith.index_cast %scan3A_816 : i32 to index
        %swap3A_941 = arith.index_cast %add3A_917 : i32 to index
        %swap3A_942 = tpu.vector_load %arg11[%swap3A_939, %swap3A_940, %swap3A_941] {strides = array<i32>} : memref<2x16x1024xf32, #tpu.memory_space<vmem>>, vector<1x1x16xf32>,
        %swap3A_943 = vector.shape_cast %swap3A_942 : vector<1x1x16xf32> to vector<16xf32>
        %swap3A_944 = vector.shape_cast %add3A_937 : vector<16xf32> to vector<1x1x16xf32>
        tpu.vector_store %arg11[%swap3A_939, %swap3A_940, %swap3A_941], %swap3A_944 {strides = array<i32>} : memref<2x16x1024xf32, #tpu.memory_space<vmem>>, vector<1x1x16xf32>,
      }
      %scan3A_821 = arith.constant 16 : i32
    }
    %scan3A_312 = arith.constant 16 : i32
    %add3A_313 = arith.constant 32 : i32
    %add3A_314 = arith.addi %mul3A_2, %add3A_313 : i32
    %dma_start3A_315 = arith.constant 0 : i32
    %dma_start3A_316 = arith.constant 0 : i32
    %dma_start3A_317 = arith.constant 0 : i32
    %dma_start3A_318 = tpu.memref_slice %arg11[%dma_start3A_315, %dma_start3A_316, %dma_start3A_317] : memref<2x16x1024xf32, #tpu.memory_space<vmem>> -> memref<1x16x1024xf32, #tpu.memory_space<vmem>>
    %dma_start3A_319 = tpu.memref_squeeze %dma_start3A_318 : memref<1x16x1024xf32, #tpu.memory_space<vmem>> -> memref<16x1024xf32, #tpu.memory_space<vmem>>
    %dma_start3A_320 = arith.constant 0 : i32
    %dma_start3A_321 = tpu.memref_slice %arg6[%add3A_314, %dma_start3A_320] : memref<4096x1024xf32, #tpu.memory_space<hbm>> -> memref<16x1024xf32, #tpu.memory_space<hbm>>
    %dma_start3A_322 = arith.constant 0 : i32
    %dma_start3A_323 = tpu.memref_slice %arg6[%add3A_314, %dma_start3A_322] : memref<4096x1024xf32, #tpu.memory_space<hbm>> -> memref<16x1024xf32, #tpu.memory_space<hbm>>
    %dma_start3A_324 = arith.constant 0 : i32
    %dma_start3A_325 = arith.constant 0 : i32
    %dma_start3A_326 = tpu.memref_slice %arg11[%dma_start3A_315, %dma_start3A_324, %dma_start3A_325] : memref<2x16x1024xf32, #tpu.memory_space<vmem>> -> memref<1x16x1024xf32, #tpu.memory_space<vmem>>
    %dma_start3A_327 = tpu.memref_squeeze %dma_start3A_326 : memref<1x16x1024xf32, #tpu.memory_space<vmem>> -> memref<16x1024xf32, #tpu.memory_space<vmem>>
    tpu.enqueue_dma source(%dma_start3A_327 : memref<16x1024xf32, #tpu.memory_space<vmem>>) target(%dma_start3A_323 : memref<16x1024xf32, #tpu.memory_space<hbm>>) target_semaphore(%arg18 : memref<!tpu.dma_semaphore, #tpu.memory_space<semaphore_mem>>)
    %dma_wait3A_328 = arith.constant 0 : i32
    %dma_wait3A_329 = arith.constant 0 : i32
    %dma_wait3A_330 = arith.constant 0 : i32
    %dma_wait3A_331 = tpu.memref_slice %arg11[%dma_wait3A_328, %dma_wait3A_329, %dma_wait3A_330] : memref<2x16x1024xf32, #tpu.memory_space<vmem>> -> memref<1x16x1024xf32, #tpu.memory_space<vmem>>
    %dma_wait3A_332 = tpu.memref_squeeze %dma_wait3A_331 : memref<1x16x1024xf32, #tpu.memory_space<vmem>> -> memref<16x1024xf32, #tpu.memory_space<vmem>>
    %dma_wait3A_333 = arith.constant 0 : i32
    %dma_wait3A_334 = tpu.memref_slice %arg6[%add3A_314, %dma_wait3A_333] : memref<4096x1024xf32, #tpu.memory_space<hbm>> -> memref<16x1024xf32, #tpu.memory_space<hbm>>
    %dma_wait3A_335 = arith.constant 0 : i32
    %dma_wait3A_336 = tpu.memref_slice %arg6[%add3A_314, %dma_wait3A_335] : memref<4096x1024xf32, #tpu.memory_space<hbm>> -> memref<16x1024xf32, #tpu.memory_space<hbm>>
    %dma_wait3A_337 = arith.constant 0 : i32
    %dma_wait3A_338 = arith.constant 0 : i32
    %dma_wait3A_339 = tpu.memref_slice %arg11[%dma_wait3A_328, %dma_wait3A_337, %dma_wait3A_338] : memref<2x16x1024xf32, #tpu.memory_space<vmem>> -> memref<1x16x1024xf32, #tpu.memory_space<vmem>>
    %dma_wait3A_340 = tpu.memref_squeeze %dma_wait3A_339 : memref<1x16x1024xf32, #tpu.memory_space<vmem>> -> memref<16x1024xf32, #tpu.memory_space<vmem>>
    tpu.wait_dma2 semaphore(%arg18 : memref<!tpu.dma_semaphore, #tpu.memory_space<semaphore_mem>>) src(%dma_wait3A_340 : memref<16x1024xf32, #tpu.memory_space<vmem>>) dst(%dma_wait3A_336 : memref<16x1024xf32, #tpu.memory_space<hbm>>)
    %dma_start3A_341 = arith.constant 0 : i32
    %dma_start3A_342 = arith.constant 0 : i32
    %dma_start3A_343 = arith.constant 0 : i32
    %dma_start3A_344 = tpu.memref_slice %arg9[%dma_start3A_341, %dma_start3A_342, %dma_start3A_343] : memref<2x16x1024xf32, #tpu.memory_space<vmem>> -> memref<1x16x1024xf32, #tpu.memory_space<vmem>>
    %dma_start3A_345 = tpu.memref_squeeze %dma_start3A_344 : memref<1x16x1024xf32, #tpu.memory_space<vmem>> -> memref<16x1024xf32, #tpu.memory_space<vmem>>
    %dma_start3A_346 = arith.constant 64 : i32
    %dma_start3A_347 = tpu.memref_slice %arg7[%dma_start3A_346] : memref<128xi32, #tpu.memory_space<vmem>> -> memref<16xi32, #tpu.memory_space<vmem>>
    %dma_start3A_348 = arith.constant 0 : i32
    %dma_start3A_349 = arith.constant 0 : i32
    %dma_start3A_350 = tpu.memref_slice %arg3[%dma_start3A_348, %dma_start3A_349] : memref<10240x1024xf32, #tpu.memory_space<hbm>> -> memref<10240x1024xf32, #tpu.memory_space<hbm>>
    tpu.enqueue_indirect_dma source(%dma_start3A_350 : memref<10240x1024xf32, #tpu.memory_space<hbm>>) target(%dma_start3A_345 : memref<16x1024xf32, #tpu.memory_space<vmem>>) offsets(%dma_start3A_347 : memref<16xi32, #tpu.memory_space<vmem>>) semaphore(%arg12 : memref<!tpu.dma_semaphore, #tpu.memory_space<semaphore_mem>>)
    %dma_start3A_351 = arith.constant 0 : i32
    %dma_start3A_352 = arith.constant 0 : i32
    %dma_start3A_353 = arith.constant 0 : i32
    %dma_start3A_354 = tpu.memref_slice %arg10[%dma_start3A_351, %dma_start3A_352, %dma_start3A_353] : memref<2x16x1024xf32, #tpu.memory_space<vmem>> -> memref<1x16x1024xf32, #tpu.memory_space<vmem>>
    %dma_start3A_355 = tpu.memref_squeeze %dma_start3A_354 : memref<1x16x1024xf32, #tpu.memory_space<vmem>> -> memref<16x1024xf32, #tpu.memory_space<vmem>>
    %dma_start3A_356 = arith.constant 64 : i32
    %dma_start3A_357 = tpu.memref_slice %arg8[%dma_start3A_356] : memref<128xi32, #tpu.memory_space<vmem>> -> memref<16xi32, #tpu.memory_space<vmem>>
    %dma_start3A_358 = arith.constant 0 : i32
    %dma_start3A_359 = arith.constant 0 : i32
    %dma_start3A_360 = tpu.memref_slice %arg3[%dma_start3A_358, %dma_start3A_359] : memref<10240x1024xf32, #tpu.memory_space<hbm>> -> memref<10240x1024xf32, #tpu.memory_space<hbm>>
    tpu.enqueue_indirect_dma source(%dma_start3A_360 : memref<10240x1024xf32, #tpu.memory_space<hbm>>) target(%dma_start3A_355 : memref<16x1024xf32, #tpu.memory_space<vmem>>) offsets(%dma_start3A_357 : memref<16xi32, #tpu.memory_space<vmem>>) semaphore(%arg14 : memref<!tpu.dma_semaphore, #tpu.memory_space<semaphore_mem>>)
    %add3A_361 = arith.constant 64 : i32
    %add3A_362 = arith.addi %mul3A_2, %add3A_361 : i32
    %dma_start3A_363 = arith.constant 0 : i32
    %dma_start3A_364 = arith.constant 0 : i32
    %dma_start3A_365 = arith.constant 0 : i32
    %dma_start3A_366 = tpu.memref_slice %arg11[%dma_start3A_363, %dma_start3A_364, %dma_start3A_365] : memref<2x16x1024xf32, #tpu.memory_space<vmem>> -> memref<1x16x1024xf32, #tpu.memory_space<vmem>>
    %dma_start3A_367 = tpu.memref_squeeze %dma_start3A_366 : memref<1x16x1024xf32, #tpu.memory_space<vmem>> -> memref<16x1024xf32, #tpu.memory_space<vmem>>
    %dma_start3A_368 = arith.constant 0 : i32
    %dma_start3A_369 = tpu.memref_slice %arg2[%add3A_362, %dma_start3A_368] : memref<4096x1024xf32, #tpu.memory_space<hbm>> -> memref<16x1024xf32, #tpu.memory_space<hbm>>
    %dma_start3A_370 = arith.constant 0 : i32
    %dma_start3A_371 = arith.constant 0 : i32
    %dma_start3A_372 = tpu.memref_slice %arg11[%dma_start3A_363, %dma_start3A_370, %dma_start3A_371] : memref<2x16x1024xf32, #tpu.memory_space<vmem>> -> memref<1x16x1024xf32, #tpu.memory_space<vmem>>
    %dma_start3A_373 = tpu.memref_squeeze %dma_start3A_372 : memref<1x16x1024xf32, #tpu.memory_space<vmem>> -> memref<16x1024xf32, #tpu.memory_space<vmem>>
    %dma_start3A_374 = arith.constant 0 : i32
    %dma_start3A_375 = tpu.memref_slice %arg2[%add3A_362, %dma_start3A_374] : memref<4096x1024xf32, #tpu.memory_space<hbm>> -> memref<16x1024xf32, #tpu.memory_space<hbm>>
    tpu.enqueue_dma source(%dma_start3A_375 : memref<16x1024xf32, #tpu.memory_space<hbm>>) target(%dma_start3A_373 : memref<16x1024xf32, #tpu.memory_space<vmem>>) target_semaphore(%arg16 : memref<!tpu.dma_semaphore, #tpu.memory_space<semaphore_mem>>)
    %dma_wait3A_376 = arith.constant 1 : i32
    %dma_wait3A_377 = arith.constant 0 : i32
    %dma_wait3A_378 = arith.constant 0 : i32
    %dma_wait3A_379 = tpu.memref_slice %arg9[%dma_wait3A_376, %dma_wait3A_377, %dma_wait3A_378] : memref<2x16x1024xf32, #tpu.memory_space<vmem>> -> memref<1x16x1024xf32, #tpu.memory_space<vmem>>
    %dma_wait3A_380 = tpu.memref_squeeze %dma_wait3A_379 : memref<1x16x1024xf32, #tpu.memory_space<vmem>> -> memref<16x1024xf32, #tpu.memory_space<vmem>>
    %dma_wait3A_381 = arith.constant 48 : i32
    %dma_wait3A_382 = tpu.memref_slice %arg7[%dma_wait3A_381] : memref<128xi32, #tpu.memory_space<vmem>> -> memref<16xi32, #tpu.memory_space<vmem>>
    %dma_wait3A_383 = arith.constant 0 : i32
    %dma_wait3A_384 = arith.constant 0 : i32
    %dma_wait3A_385 = tpu.memref_slice %arg3[%dma_wait3A_383, %dma_wait3A_384] : memref<10240x1024xf32, #tpu.memory_space<hbm>> -> memref<10240x1024xf32, #tpu.memory_space<hbm>>
    tpu.wait_indirect_dma semaphore(%arg13 : memref<!tpu.dma_semaphore, #tpu.memory_space<semaphore_mem>>) src(%dma_wait3A_385 : memref<10240x1024xf32, #tpu.memory_space<hbm>>) dst(%dma_wait3A_380 : memref<16x1024xf32, #tpu.memory_space<vmem>>)
    %dma_wait3A_386 = arith.constant 1 : i32
    %dma_wait3A_387 = arith.constant 0 : i32
    %dma_wait3A_388 = arith.constant 0 : i32
    %dma_wait3A_389 = tpu.memref_slice %arg10[%dma_wait3A_386, %dma_wait3A_387, %dma_wait3A_388] : memref<2x16x1024xf32, #tpu.memory_space<vmem>> -> memref<1x16x1024xf32, #tpu.memory_space<vmem>>
    %dma_wait3A_390 = tpu.memref_squeeze %dma_wait3A_389 : memref<1x16x1024xf32, #tpu.memory_space<vmem>> -> memref<16x1024xf32, #tpu.memory_space<vmem>>
    %dma_wait3A_391 = arith.constant 48 : i32
    %dma_wait3A_392 = tpu.memref_slice %arg8[%dma_wait3A_391] : memref<128xi32, #tpu.memory_space<vmem>> -> memref<16xi32, #tpu.memory_space<vmem>>
    %dma_wait3A_393 = arith.constant 0 : i32
    %dma_wait3A_394 = arith.constant 0 : i32
    %dma_wait3A_395 = tpu.memref_slice %arg3[%dma_wait3A_393, %dma_wait3A_394] : memref<10240x1024xf32, #tpu.memory_space<hbm>> -> memref<10240x1024xf32, #tpu.memory_space<hbm>>
    tpu.wait_indirect_dma semaphore(%arg15 : memref<!tpu.dma_semaphore, #tpu.memory_space<semaphore_mem>>) src(%dma_wait3A_395 : memref<10240x1024xf32, #tpu.memory_space<hbm>>) dst(%dma_wait3A_390 : memref<16x1024xf32, #tpu.memory_space<vmem>>)
    %dma_wait3A_396 = arith.constant 1 : i32
    %dma_wait3A_397 = arith.constant 0 : i32
    %dma_wait3A_398 = arith.constant 0 : i32
    %dma_wait3A_399 = tpu.memref_slice %arg11[%dma_wait3A_396, %dma_wait3A_397, %dma_wait3A_398] : memref<2x16x1024xf32, #tpu.memory_space<vmem>> -> memref<1x16x1024xf32, #tpu.memory_space<vmem>>
    %dma_wait3A_400 = tpu.memref_squeeze %dma_wait3A_399 : memref<1x16x1024xf32, #tpu.memory_space<vmem>> -> memref<16x1024xf32, #tpu.memory_space<vmem>>
    %dma_wait3A_401 = arith.constant 0 : i32
    %dma_wait3A_402 = tpu.memref_slice %arg2[%add3A_260, %dma_wait3A_401] : memref<4096x1024xf32, #tpu.memory_space<hbm>> -> memref<16x1024xf32, #tpu.memory_space<hbm>>
    %dma_wait3A_403 = arith.constant 0 : i32
    %dma_wait3A_404 = arith.constant 0 : i32
    %dma_wait3A_405 = tpu.memref_slice %arg11[%dma_wait3A_396, %dma_wait3A_403, %dma_wait3A_404] : memref<2x16x1024xf32, #tpu.memory_space<vmem>> -> memref<1x16x1024xf32, #tpu.memory_space<vmem>>
    %dma_wait3A_406 = tpu.memref_squeeze %dma_wait3A_405 : memref<1x16x1024xf32, #tpu.memory_space<vmem>> -> memref<16x1024xf32, #tpu.memory_space<vmem>>
    %dma_wait3A_407 = arith.constant 0 : i32
    %dma_wait3A_408 = tpu.memref_slice %arg2[%add3A_260, %dma_wait3A_407] : memref<4096x1024xf32, #tpu.memory_space<hbm>> -> memref<16x1024xf32, #tpu.memory_space<hbm>>
    tpu.wait_dma2 semaphore(%arg17 : memref<!tpu.dma_semaphore, #tpu.memory_space<semaphore_mem>>) src(%dma_wait3A_408 : memref<16x1024xf32, #tpu.memory_space<hbm>>) dst(%dma_wait3A_406 : memref<16x1024xf32, #tpu.memory_space<vmem>>)
    %scan3A_409 = arith.constant 0 : i32
    %scan3A_410 = arith.constant 0 : i32
    %scan3A_411 = arith.constant 16 : i32
    %scan3A_412 = arith.addi %scan3A_410, %scan3A_411 : i32
    %scan3A_413 = arith.constant 1 : i32
    scf.for %scan3A_816 = %scan3A_410 to %scan3A_412 step %scan3A_413  : i32 {
      %scan3A_817 = arith.constant 0 : i32
      %scan3A_818 = arith.constant 16 : i32
      %scan3A_819 = arith.addi %scan3A_817, %scan3A_818 : i32
      %scan3A_820 = arith.constant 1 : i32
      scf.for %scan3A_822 = %scan3A_817 to %scan3A_819 step %scan3A_820  : i32 {
        %mul3A_823 = arith.constant 64 : i32
        %mul3A_824 = arith.muli %scan3A_822, %mul3A_823 : i32
        %add3A_825 = arith.constant 0 : i32
        %add3A_826 = arith.addi %mul3A_824, %add3A_825 : i32
        %get3A = arith.constant 1 : i32
        %get3A_827 = arith.index_cast %get3A : i32 to index
        %get3A_828 = arith.index_cast %scan3A_816 : i32 to index
        %get3A_829 = arith.index_cast %add3A_826 : i32 to index
        %get3A_830 = tpu.vector_load %arg11[%get3A_827, %get3A_828, %get3A_829] {strides = array<i32>} : memref<2x16x1024xf32, #tpu.memory_space<vmem>>, vector<1x1x16xf32>,
        %get3A_831 = vector.shape_cast %get3A_830 : vector<1x1x16xf32> to vector<16xf32>
        %get3A_832 = arith.constant 1 : i32
        %get3A_833 = arith.index_cast %get3A_832 : i32 to index
        %get3A_834 = arith.index_cast %scan3A_816 : i32 to index
        %get3A_835 = arith.index_cast %add3A_826 : i32 to index
        %get3A_836 = tpu.vector_load %arg9[%get3A_833, %get3A_834, %get3A_835] {strides = array<i32>} : memref<2x16x1024xf32, #tpu.memory_space<vmem>>, vector<1x1x16xf32>,
        %get3A_837 = vector.shape_cast %get3A_836 : vector<1x1x16xf32> to vector<16xf32>
        %add3A_838 = arith.addf %get3A_831, %get3A_837 : vector<16xf32>
        %get3A_839 = arith.constant 1 : i32
        %get3A_840 = arith.index_cast %get3A_839 : i32 to index
        %get3A_841 = arith.index_cast %scan3A_816 : i32 to index
        %get3A_842 = arith.index_cast %add3A_826 : i32 to index
        %get3A_843 = tpu.vector_load %arg10[%get3A_840, %get3A_841, %get3A_842] {strides = array<i32>} : memref<2x16x1024xf32, #tpu.memory_space<vmem>>, vector<1x1x16xf32>,
        %get3A_844 = vector.shape_cast %get3A_843 : vector<1x1x16xf32> to vector<16xf32>
        %add3A_845 = arith.addf %add3A_838, %get3A_844 : vector<16xf32>
        %swap3A = arith.constant 1 : i32
        %swap3A_846 = arith.index_cast %swap3A : i32 to index
        %swap3A_847 = arith.index_cast %scan3A_816 : i32 to index
        %swap3A_848 = arith.index_cast %add3A_826 : i32 to index
        %swap3A_849 = tpu.vector_load %arg11[%swap3A_846, %swap3A_847, %swap3A_848] {strides = array<i32>} : memref<2x16x1024xf32, #tpu.memory_space<vmem>>, vector<1x1x16xf32>,
        %swap3A_850 = vector.shape_cast %swap3A_849 : vector<1x1x16xf32> to vector<16xf32>
        %swap3A_851 = vector.shape_cast %add3A_845 : vector<16xf32> to vector<1x1x16xf32>
        tpu.vector_store %arg11[%swap3A_846, %swap3A_847, %swap3A_848], %swap3A_851 {strides = array<i32>} : memref<2x16x1024xf32, #tpu.memory_space<vmem>>, vector<1x1x16xf32>,
        %mul3A_852 = arith.constant 64 : i32
        %mul3A_853 = arith.muli %scan3A_822, %mul3A_852 : i32
        %add3A_854 = arith.constant 16 : i32
        %add3A_855 = arith.addi %mul3A_853, %add3A_854 : i32
        %get3A_856 = arith.constant 1 : i32
        %get3A_857 = arith.index_cast %get3A_856 : i32 to index
        %get3A_858 = arith.index_cast %scan3A_816 : i32 to index
        %get3A_859 = arith.index_cast %add3A_855 : i32 to index
        %get3A_860 = tpu.vector_load %arg11[%get3A_857, %get3A_858, %get3A_859] {strides = array<i32>} : memref<2x16x1024xf32, #tpu.memory_space<vmem>>, vector<1x1x16xf32>,
        %get3A_861 = vector.shape_cast %get3A_860 : vector<1x1x16xf32> to vector<16xf32>
        %get3A_862 = arith.constant 1 : i32
        %get3A_863 = arith.index_cast %get3A_862 : i32 to index
        %get3A_864 = arith.index_cast %scan3A_816 : i32 to index
        %get3A_865 = arith.index_cast %add3A_855 : i32 to index
        %get3A_866 = tpu.vector_load %arg9[%get3A_863, %get3A_864, %get3A_865] {strides = array<i32>} : memref<2x16x1024xf32, #tpu.memory_space<vmem>>, vector<1x1x16xf32>,
        %get3A_867 = vector.shape_cast %get3A_866 : vector<1x1x16xf32> to vector<16xf32>
        %add3A_868 = arith.addf %get3A_861, %get3A_867 : vector<16xf32>
        %get3A_869 = arith.constant 1 : i32
        %get3A_870 = arith.index_cast %get3A_869 : i32 to index
        %get3A_871 = arith.index_cast %scan3A_816 : i32 to index
        %get3A_872 = arith.index_cast %add3A_855 : i32 to index
        %get3A_873 = tpu.vector_load %arg10[%get3A_870, %get3A_871, %get3A_872] {strides = array<i32>} : memref<2x16x1024xf32, #tpu.memory_space<vmem>>, vector<1x1x16xf32>,
        %get3A_874 = vector.shape_cast %get3A_873 : vector<1x1x16xf32> to vector<16xf32>
        %add3A_875 = arith.addf %add3A_868, %get3A_874 : vector<16xf32>
        %swap3A_876 = arith.constant 1 : i32
        %swap3A_877 = arith.index_cast %swap3A_876 : i32 to index
        %swap3A_878 = arith.index_cast %scan3A_816 : i32 to index
        %swap3A_879 = arith.index_cast %add3A_855 : i32 to index
        %swap3A_880 = tpu.vector_load %arg11[%swap3A_877, %swap3A_878, %swap3A_879] {strides = array<i32>} : memref<2x16x1024xf32, #tpu.memory_space<vmem>>, vector<1x1x16xf32>,
        %swap3A_881 = vector.shape_cast %swap3A_880 : vector<1x1x16xf32> to vector<16xf32>
        %swap3A_882 = vector.shape_cast %add3A_875 : vector<16xf32> to vector<1x1x16xf32>
        tpu.vector_store %arg11[%swap3A_877, %swap3A_878, %swap3A_879], %swap3A_882 {strides = array<i32>} : memref<2x16x1024xf32, #tpu.memory_space<vmem>>, vector<1x1x16xf32>,
        %mul3A_883 = arith.constant 64 : i32
        %mul3A_884 = arith.muli %scan3A_822, %mul3A_883 : i32
        %add3A_885 = arith.constant 32 : i32
        %add3A_886 = arith.addi %mul3A_884, %add3A_885 : i32
        %get3A_887 = arith.constant 1 : i32
        %get3A_888 = arith.index_cast %get3A_887 : i32 to index
        %get3A_889 = arith.index_cast %scan3A_816 : i32 to index
        %get3A_890 = arith.index_cast %add3A_886 : i32 to index
        %get3A_891 = tpu.vector_load %arg11[%get3A_888, %get3A_889, %get3A_890] {strides = array<i32>} : memref<2x16x1024xf32, #tpu.memory_space<vmem>>, vector<1x1x16xf32>,
        %get3A_892 = vector.shape_cast %get3A_891 : vector<1x1x16xf32> to vector<16xf32>
        %get3A_893 = arith.constant 1 : i32
        %get3A_894 = arith.index_cast %get3A_893 : i32 to index
        %get3A_895 = arith.index_cast %scan3A_816 : i32 to index
        %get3A_896 = arith.index_cast %add3A_886 : i32 to index
        %get3A_897 = tpu.vector_load %arg9[%get3A_894, %get3A_895, %get3A_896] {strides = array<i32>} : memref<2x16x1024xf32, #tpu.memory_space<vmem>>, vector<1x1x16xf32>,
        %get3A_898 = vector.shape_cast %get3A_897 : vector<1x1x16xf32> to vector<16xf32>
        %add3A_899 = arith.addf %get3A_892, %get3A_898 : vector<16xf32>
        %get3A_900 = arith.constant 1 : i32
        %get3A_901 = arith.index_cast %get3A_900 : i32 to index
        %get3A_902 = arith.index_cast %scan3A_816 : i32 to index
        %get3A_903 = arith.index_cast %add3A_886 : i32 to index
        %get3A_904 = tpu.vector_load %arg10[%get3A_901, %get3A_902, %get3A_903] {strides = array<i32>} : memref<2x16x1024xf32, #tpu.memory_space<vmem>>, vector<1x1x16xf32>,
        %get3A_905 = vector.shape_cast %get3A_904 : vector<1x1x16xf32> to vector<16xf32>
        %add3A_906 = arith.addf %add3A_899, %get3A_905 : vector<16xf32>
        %swap3A_907 = arith.constant 1 : i32
        %swap3A_908 = arith.index_cast %swap3A_907 : i32 to index
        %swap3A_909 = arith.index_cast %scan3A_816 : i32 to index
        %swap3A_910 = arith.index_cast %add3A_886 : i32 to index
        %swap3A_911 = tpu.vector_load %arg11[%swap3A_908, %swap3A_909, %swap3A_910] {strides = array<i32>} : memref<2x16x1024xf32, #tpu.memory_space<vmem>>, vector<1x1x16xf32>,
        %swap3A_912 = vector.shape_cast %swap3A_911 : vector<1x1x16xf32> to vector<16xf32>
        %swap3A_913 = vector.shape_cast %add3A_906 : vector<16xf32> to vector<1x1x16xf32>
        tpu.vector_store %arg11[%swap3A_908, %swap3A_909, %swap3A_910], %swap3A_913 {strides = array<i32>} : memref<2x16x1024xf32, #tpu.memory_space<vmem>>, vector<1x1x16xf32>,
        %mul3A_914 = arith.constant 64 : i32
        %mul3A_915 = arith.muli %scan3A_822, %mul3A_914 : i32
        %add3A_916 = arith.constant 48 : i32
        %add3A_917 = arith.addi %mul3A_915, %add3A_916 : i32
        %get3A_918 = arith.constant 1 : i32
        %get3A_919 = arith.index_cast %get3A_918 : i32 to index
        %get3A_920 = arith.index_cast %scan3A_816 : i32 to index
        %get3A_921 = arith.index_cast %add3A_917 : i32 to index
        %get3A_922 = tpu.vector_load %arg11[%get3A_919, %get3A_920, %get3A_921] {strides = array<i32>} : memref<2x16x1024xf32, #tpu.memory_space<vmem>>, vector<1x1x16xf32>,
        %get3A_923 = vector.shape_cast %get3A_922 : vector<1x1x16xf32> to vector<16xf32>
        %get3A_924 = arith.constant 1 : i32
        %get3A_925 = arith.index_cast %get3A_924 : i32 to index
        %get3A_926 = arith.index_cast %scan3A_816 : i32 to index
        %get3A_927 = arith.index_cast %add3A_917 : i32 to index
        %get3A_928 = tpu.vector_load %arg9[%get3A_925, %get3A_926, %get3A_927] {strides = array<i32>} : memref<2x16x1024xf32, #tpu.memory_space<vmem>>, vector<1x1x16xf32>,
        %get3A_929 = vector.shape_cast %get3A_928 : vector<1x1x16xf32> to vector<16xf32>
        %add3A_930 = arith.addf %get3A_923, %get3A_929 : vector<16xf32>
        %get3A_931 = arith.constant 1 : i32
        %get3A_932 = arith.index_cast %get3A_931 : i32 to index
        %get3A_933 = arith.index_cast %scan3A_816 : i32 to index
        %get3A_934 = arith.index_cast %add3A_917 : i32 to index
        %get3A_935 = tpu.vector_load %arg10[%get3A_932, %get3A_933, %get3A_934] {strides = array<i32>} : memref<2x16x1024xf32, #tpu.memory_space<vmem>>, vector<1x1x16xf32>,
        %get3A_936 = vector.shape_cast %get3A_935 : vector<1x1x16xf32> to vector<16xf32>
        %add3A_937 = arith.addf %add3A_930, %get3A_936 : vector<16xf32>
        %swap3A_938 = arith.constant 1 : i32
        %swap3A_939 = arith.index_cast %swap3A_938 : i32 to index
        %swap3A_940 = arith.index_cast %scan3A_816 : i32 to index
        %swap3A_941 = arith.index_cast %add3A_917 : i32 to index
        %swap3A_942 = tpu.vector_load %arg11[%swap3A_939, %swap3A_940, %swap3A_941] {strides = array<i32>} : memref<2x16x1024xf32, #tpu.memory_space<vmem>>, vector<1x1x16xf32>,
        %swap3A_943 = vector.shape_cast %swap3A_942 : vector<1x1x16xf32> to vector<16xf32>
        %swap3A_944 = vector.shape_cast %add3A_937 : vector<16xf32> to vector<1x1x16xf32>
        tpu.vector_store %arg11[%swap3A_939, %swap3A_940, %swap3A_941], %swap3A_944 {strides = array<i32>} : memref<2x16x1024xf32, #tpu.memory_space<vmem>>, vector<1x1x16xf32>,
      }
      %scan3A_821 = arith.constant 16 : i32
    }
    %scan3A_414 = arith.constant 16 : i32
    %add3A_415 = arith.constant 48 : i32
    %add3A_416 = arith.addi %mul3A_2, %add3A_415 : i32
    %dma_start3A_417 = arith.constant 1 : i32
    %dma_start3A_418 = arith.constant 0 : i32
    %dma_start3A_419 = arith.constant 0 : i32
    %dma_start3A_420 = tpu.memref_slice %arg11[%dma_start3A_417, %dma_start3A_418, %dma_start3A_419] : memref<2x16x1024xf32, #tpu.memory_space<vmem>> -> memref<1x16x1024xf32, #tpu.memory_space<vmem>>
    %dma_start3A_421 = tpu.memref_squeeze %dma_start3A_420 : memref<1x16x1024xf32, #tpu.memory_space<vmem>> -> memref<16x1024xf32, #tpu.memory_space<vmem>>
    %dma_start3A_422 = arith.constant 0 : i32
    %dma_start3A_423 = tpu.memref_slice %arg6[%add3A_416, %dma_start3A_422] : memref<4096x1024xf32, #tpu.memory_space<hbm>> -> memref<16x1024xf32, #tpu.memory_space<hbm>>
    %dma_start3A_424 = arith.constant 0 : i32
    %dma_start3A_425 = tpu.memref_slice %arg6[%add3A_416, %dma_start3A_424] : memref<4096x1024xf32, #tpu.memory_space<hbm>> -> memref<16x1024xf32, #tpu.memory_space<hbm>>
    %dma_start3A_426 = arith.constant 0 : i32
    %dma_start3A_427 = arith.constant 0 : i32
    %dma_start3A_428 = tpu.memref_slice %arg11[%dma_start3A_417, %dma_start3A_426, %dma_start3A_427] : memref<2x16x1024xf32, #tpu.memory_space<vmem>> -> memref<1x16x1024xf32, #tpu.memory_space<vmem>>
    %dma_start3A_429 = tpu.memref_squeeze %dma_start3A_428 : memref<1x16x1024xf32, #tpu.memory_space<vmem>> -> memref<16x1024xf32, #tpu.memory_space<vmem>>
    tpu.enqueue_dma source(%dma_start3A_429 : memref<16x1024xf32, #tpu.memory_space<vmem>>) target(%dma_start3A_425 : memref<16x1024xf32, #tpu.memory_space<hbm>>) target_semaphore(%arg19 : memref<!tpu.dma_semaphore, #tpu.memory_space<semaphore_mem>>)
    %dma_wait3A_430 = arith.constant 1 : i32
    %dma_wait3A_431 = arith.constant 0 : i32
    %dma_wait3A_432 = arith.constant 0 : i32
    %dma_wait3A_433 = tpu.memref_slice %arg11[%dma_wait3A_430, %dma_wait3A_431, %dma_wait3A_432] : memref<2x16x1024xf32, #tpu.memory_space<vmem>> -> memref<1x16x1024xf32, #tpu.memory_space<vmem>>
    %dma_wait3A_434 = tpu.memref_squeeze %dma_wait3A_433 : memref<1x16x1024xf32, #tpu.memory_space<vmem>> -> memref<16x1024xf32, #tpu.memory_space<vmem>>
    %dma_wait3A_435 = arith.constant 0 : i32
    %dma_wait3A_436 = tpu.memref_slice %arg6[%add3A_416, %dma_wait3A_435] : memref<4096x1024xf32, #tpu.memory_space<hbm>> -> memref<16x1024xf32, #tpu.memory_space<hbm>>
    %dma_wait3A_437 = arith.constant 0 : i32
    %dma_wait3A_438 = tpu.memref_slice %arg6[%add3A_416, %dma_wait3A_437] : memref<4096x1024xf32, #tpu.memory_space<hbm>> -> memref<16x1024xf32, #tpu.memory_space<hbm>>
    %dma_wait3A_439 = arith.constant 0 : i32
    %dma_wait3A_440 = arith.constant 0 : i32
    %dma_wait3A_441 = tpu.memref_slice %arg11[%dma_wait3A_430, %dma_wait3A_439, %dma_wait3A_440] : memref<2x16x1024xf32, #tpu.memory_space<vmem>> -> memref<1x16x1024xf32, #tpu.memory_space<vmem>>
    %dma_wait3A_442 = tpu.memref_squeeze %dma_wait3A_441 : memref<1x16x1024xf32, #tpu.memory_space<vmem>> -> memref<16x1024xf32, #tpu.memory_space<vmem>>
    tpu.wait_dma2 semaphore(%arg19 : memref<!tpu.dma_semaphore, #tpu.memory_space<semaphore_mem>>) src(%dma_wait3A_442 : memref<16x1024xf32, #tpu.memory_space<vmem>>) dst(%dma_wait3A_438 : memref<16x1024xf32, #tpu.memory_space<hbm>>)
    %dma_start3A_443 = arith.constant 1 : i32
    %dma_start3A_444 = arith.constant 0 : i32
    %dma_start3A_445 = arith.constant 0 : i32
    %dma_start3A_446 = tpu.memref_slice %arg9[%dma_start3A_443, %dma_start3A_444, %dma_start3A_445] : memref<2x16x1024xf32, #tpu.memory_space<vmem>> -> memref<1x16x1024xf32, #tpu.memory_space<vmem>>
    %dma_start3A_447 = tpu.memref_squeeze %dma_start3A_446 : memref<1x16x1024xf32, #tpu.memory_space<vmem>> -> memref<16x1024xf32, #tpu.memory_space<vmem>>
    %dma_start3A_448 = arith.constant 80 : i32
    %dma_start3A_449 = tpu.memref_slice %arg7[%dma_start3A_448] : memref<128xi32, #tpu.memory_space<vmem>> -> memref<16xi32, #tpu.memory_space<vmem>>
    %dma_start3A_450 = arith.constant 0 : i32
    %dma_start3A_451 = arith.constant 0 : i32
    %dma_start3A_452 = tpu.memref_slice %arg3[%dma_start3A_450, %dma_start3A_451] : memref<10240x1024xf32, #tpu.memory_space<hbm>> -> memref<10240x1024xf32, #tpu.memory_space<hbm>>
    tpu.enqueue_indirect_dma source(%dma_start3A_452 : memref<10240x1024xf32, #tpu.memory_space<hbm>>) target(%dma_start3A_447 : memref<16x1024xf32, #tpu.memory_space<vmem>>) offsets(%dma_start3A_449 : memref<16xi32, #tpu.memory_space<vmem>>) semaphore(%arg13 : memref<!tpu.dma_semaphore, #tpu.memory_space<semaphore_mem>>)
    %dma_start3A_453 = arith.constant 1 : i32
    %dma_start3A_454 = arith.constant 0 : i32
    %dma_start3A_455 = arith.constant 0 : i32
    %dma_start3A_456 = tpu.memref_slice %arg10[%dma_start3A_453, %dma_start3A_454, %dma_start3A_455] : memref<2x16x1024xf32, #tpu.memory_space<vmem>> -> memref<1x16x1024xf32, #tpu.memory_space<vmem>>
    %dma_start3A_457 = tpu.memref_squeeze %dma_start3A_456 : memref<1x16x1024xf32, #tpu.memory_space<vmem>> -> memref<16x1024xf32, #tpu.memory_space<vmem>>
    %dma_start3A_458 = arith.constant 80 : i32
    %dma_start3A_459 = tpu.memref_slice %arg8[%dma_start3A_458] : memref<128xi32, #tpu.memory_space<vmem>> -> memref<16xi32, #tpu.memory_space<vmem>>
    %dma_start3A_460 = arith.constant 0 : i32
    %dma_start3A_461 = arith.constant 0 : i32
    %dma_start3A_462 = tpu.memref_slice %arg3[%dma_start3A_460, %dma_start3A_461] : memref<10240x1024xf32, #tpu.memory_space<hbm>> -> memref<10240x1024xf32, #tpu.memory_space<hbm>>
    tpu.enqueue_indirect_dma source(%dma_start3A_462 : memref<10240x1024xf32, #tpu.memory_space<hbm>>) target(%dma_start3A_457 : memref<16x1024xf32, #tpu.memory_space<vmem>>) offsets(%dma_start3A_459 : memref<16xi32, #tpu.memory_space<vmem>>) semaphore(%arg15 : memref<!tpu.dma_semaphore, #tpu.memory_space<semaphore_mem>>)
    %add3A_463 = arith.constant 80 : i32
    %add3A_464 = arith.addi %mul3A_2, %add3A_463 : i32
    %dma_start3A_465 = arith.constant 1 : i32
    %dma_start3A_466 = arith.constant 0 : i32
    %dma_start3A_467 = arith.constant 0 : i32
    %dma_start3A_468 = tpu.memref_slice %arg11[%dma_start3A_465, %dma_start3A_466, %dma_start3A_467] : memref<2x16x1024xf32, #tpu.memory_space<vmem>> -> memref<1x16x1024xf32, #tpu.memory_space<vmem>>
    %dma_start3A_469 = tpu.memref_squeeze %dma_start3A_468 : memref<1x16x1024xf32, #tpu.memory_space<vmem>> -> memref<16x1024xf32, #tpu.memory_space<vmem>>
    %dma_start3A_470 = arith.constant 0 : i32
    %dma_start3A_471 = tpu.memref_slice %arg2[%add3A_464, %dma_start3A_470] : memref<4096x1024xf32, #tpu.memory_space<hbm>> -> memref<16x1024xf32, #tpu.memory_space<hbm>>
    %dma_start3A_472 = arith.constant 0 : i32
    %dma_start3A_473 = arith.constant 0 : i32
    %dma_start3A_474 = tpu.memref_slice %arg11[%dma_start3A_465, %dma_start3A_472, %dma_start3A_473] : memref<2x16x1024xf32, #tpu.memory_space<vmem>> -> memref<1x16x1024xf32, #tpu.memory_space<vmem>>
    %dma_start3A_475 = tpu.memref_squeeze %dma_start3A_474 : memref<1x16x1024xf32, #tpu.memory_space<vmem>> -> memref<16x1024xf32, #tpu.memory_space<vmem>>
    %dma_start3A_476 = arith.constant 0 : i32
    %dma_start3A_477 = tpu.memref_slice %arg2[%add3A_464, %dma_start3A_476] : memref<4096x1024xf32, #tpu.memory_space<hbm>> -> memref<16x1024xf32, #tpu.memory_space<hbm>>
    tpu.enqueue_dma source(%dma_start3A_477 : memref<16x1024xf32, #tpu.memory_space<hbm>>) target(%dma_start3A_475 : memref<16x1024xf32, #tpu.memory_space<vmem>>) target_semaphore(%arg17 : memref<!tpu.dma_semaphore, #tpu.memory_space<semaphore_mem>>)
    %dma_wait3A_478 = arith.constant 0 : i32
    %dma_wait3A_479 = arith.constant 0 : i32
    %dma_wait3A_480 = arith.constant 0 : i32
    %dma_wait3A_481 = tpu.memref_slice %arg9[%dma_wait3A_478, %dma_wait3A_479, %dma_wait3A_480] : memref<2x16x1024xf32, #tpu.memory_space<vmem>> -> memref<1x16x1024xf32, #tpu.memory_space<vmem>>
    %dma_wait3A_482 = tpu.memref_squeeze %dma_wait3A_481 : memref<1x16x1024xf32, #tpu.memory_space<vmem>> -> memref<16x1024xf32, #tpu.memory_space<vmem>>
    %dma_wait3A_483 = arith.constant 64 : i32
    %dma_wait3A_484 = tpu.memref_slice %arg7[%dma_wait3A_483] : memref<128xi32, #tpu.memory_space<vmem>> -> memref<16xi32, #tpu.memory_space<vmem>>
    %dma_wait3A_485 = arith.constant 0 : i32
    %dma_wait3A_486 = arith.constant 0 : i32
    %dma_wait3A_487 = tpu.memref_slice %arg3[%dma_wait3A_485, %dma_wait3A_486] : memref<10240x1024xf32, #tpu.memory_space<hbm>> -> memref<10240x1024xf32, #tpu.memory_space<hbm>>
    tpu.wait_indirect_dma semaphore(%arg12 : memref<!tpu.dma_semaphore, #tpu.memory_space<semaphore_mem>>) src(%dma_wait3A_487 : memref<10240x1024xf32, #tpu.memory_space<hbm>>) dst(%dma_wait3A_482 : memref<16x1024xf32, #tpu.memory_space<vmem>>)
    %dma_wait3A_488 = arith.constant 0 : i32
    %dma_wait3A_489 = arith.constant 0 : i32
    %dma_wait3A_490 = arith.constant 0 : i32
    %dma_wait3A_491 = tpu.memref_slice %arg10[%dma_wait3A_488, %dma_wait3A_489, %dma_wait3A_490] : memref<2x16x1024xf32, #tpu.memory_space<vmem>> -> memref<1x16x1024xf32, #tpu.memory_space<vmem>>
    %dma_wait3A_492 = tpu.memref_squeeze %dma_wait3A_491 : memref<1x16x1024xf32, #tpu.memory_space<vmem>> -> memref<16x1024xf32, #tpu.memory_space<vmem>>
    %dma_wait3A_493 = arith.constant 64 : i32
    %dma_wait3A_494 = tpu.memref_slice %arg8[%dma_wait3A_493] : memref<128xi32, #tpu.memory_space<vmem>> -> memref<16xi32, #tpu.memory_space<vmem>>
    %dma_wait3A_495 = arith.constant 0 : i32
    %dma_wait3A_496 = arith.constant 0 : i32
    %dma_wait3A_497 = tpu.memref_slice %arg3[%dma_wait3A_495, %dma_wait3A_496] : memref<10240x1024xf32, #tpu.memory_space<hbm>> -> memref<10240x1024xf32, #tpu.memory_space<hbm>>
    tpu.wait_indirect_dma semaphore(%arg14 : memref<!tpu.dma_semaphore, #tpu.memory_space<semaphore_mem>>) src(%dma_wait3A_497 : memref<10240x1024xf32, #tpu.memory_space<hbm>>) dst(%dma_wait3A_492 : memref<16x1024xf32, #tpu.memory_space<vmem>>)
    %dma_wait3A_498 = arith.constant 0 : i32
    %dma_wait3A_499 = arith.constant 0 : i32
    %dma_wait3A_500 = arith.constant 0 : i32
    %dma_wait3A_501 = tpu.memref_slice %arg11[%dma_wait3A_498, %dma_wait3A_499, %dma_wait3A_500] : memref<2x16x1024xf32, #tpu.memory_space<vmem>> -> memref<1x16x1024xf32, #tpu.memory_space<vmem>>
    %dma_wait3A_502 = tpu.memref_squeeze %dma_wait3A_501 : memref<1x16x1024xf32, #tpu.memory_space<vmem>> -> memref<16x1024xf32, #tpu.memory_space<vmem>>
    %dma_wait3A_503 = arith.constant 0 : i32
    %dma_wait3A_504 = tpu.memref_slice %arg2[%add3A_362, %dma_wait3A_503] : memref<4096x1024xf32, #tpu.memory_space<hbm>> -> memref<16x1024xf32, #tpu.memory_space<hbm>>
    %dma_wait3A_505 = arith.constant 0 : i32
    %dma_wait3A_506 = arith.constant 0 : i32
    %dma_wait3A_507 = tpu.memref_slice %arg11[%dma_wait3A_498, %dma_wait3A_505, %dma_wait3A_506] : memref<2x16x1024xf32, #tpu.memory_space<vmem>> -> memref<1x16x1024xf32, #tpu.memory_space<vmem>>
    %dma_wait3A_508 = tpu.memref_squeeze %dma_wait3A_507 : memref<1x16x1024xf32, #tpu.memory_space<vmem>> -> memref<16x1024xf32, #tpu.memory_space<vmem>>
    %dma_wait3A_509 = arith.constant 0 : i32
    %dma_wait3A_510 = tpu.memref_slice %arg2[%add3A_362, %dma_wait3A_509] : memref<4096x1024xf32, #tpu.memory_space<hbm>> -> memref<16x1024xf32, #tpu.memory_space<hbm>>
    tpu.wait_dma2 semaphore(%arg16 : memref<!tpu.dma_semaphore, #tpu.memory_space<semaphore_mem>>) src(%dma_wait3A_510 : memref<16x1024xf32, #tpu.memory_space<hbm>>) dst(%dma_wait3A_508 : memref<16x1024xf32, #tpu.memory_space<vmem>>)
    %scan3A_511 = arith.constant 0 : i32
    %scan3A_512 = arith.constant 0 : i32
    %scan3A_513 = arith.constant 16 : i32
    %scan3A_514 = arith.addi %scan3A_512, %scan3A_513 : i32
    %scan3A_515 = arith.constant 1 : i32
    scf.for %scan3A_816 = %scan3A_512 to %scan3A_514 step %scan3A_515  : i32 {
      %scan3A_817 = arith.constant 0 : i32
      %scan3A_818 = arith.constant 16 : i32
      %scan3A_819 = arith.addi %scan3A_817, %scan3A_818 : i32
      %scan3A_820 = arith.constant 1 : i32
      scf.for %scan3A_822 = %scan3A_817 to %scan3A_819 step %scan3A_820  : i32 {
        %mul3A_823 = arith.constant 64 : i32
        %mul3A_824 = arith.muli %scan3A_822, %mul3A_823 : i32
        %add3A_825 = arith.constant 0 : i32
        %add3A_826 = arith.addi %mul3A_824, %add3A_825 : i32
        %get3A = arith.constant 0 : i32
        %get3A_827 = arith.index_cast %get3A : i32 to index
        %get3A_828 = arith.index_cast %scan3A_816 : i32 to index
        %get3A_829 = arith.index_cast %add3A_826 : i32 to index
        %get3A_830 = tpu.vector_load %arg11[%get3A_827, %get3A_828, %get3A_829] {strides = array<i32>} : memref<2x16x1024xf32, #tpu.memory_space<vmem>>, vector<1x1x16xf32>,
        %get3A_831 = vector.shape_cast %get3A_830 : vector<1x1x16xf32> to vector<16xf32>
        %get3A_832 = arith.constant 0 : i32
        %get3A_833 = arith.index_cast %get3A_832 : i32 to index
        %get3A_834 = arith.index_cast %scan3A_816 : i32 to index
        %get3A_835 = arith.index_cast %add3A_826 : i32 to index
        %get3A_836 = tpu.vector_load %arg9[%get3A_833, %get3A_834, %get3A_835] {strides = array<i32>} : memref<2x16x1024xf32, #tpu.memory_space<vmem>>, vector<1x1x16xf32>,
        %get3A_837 = vector.shape_cast %get3A_836 : vector<1x1x16xf32> to vector<16xf32>
        %add3A_838 = arith.addf %get3A_831, %get3A_837 : vector<16xf32>
        %get3A_839 = arith.constant 0 : i32
        %get3A_840 = arith.index_cast %get3A_839 : i32 to index
        %get3A_841 = arith.index_cast %scan3A_816 : i32 to index
        %get3A_842 = arith.index_cast %add3A_826 : i32 to index
        %get3A_843 = tpu.vector_load %arg10[%get3A_840, %get3A_841, %get3A_842] {strides = array<i32>} : memref<2x16x1024xf32, #tpu.memory_space<vmem>>, vector<1x1x16xf32>,
        %get3A_844 = vector.shape_cast %get3A_843 : vector<1x1x16xf32> to vector<16xf32>
        %add3A_845 = arith.addf %add3A_838, %get3A_844 : vector<16xf32>
        %swap3A = arith.constant 0 : i32
        %swap3A_846 = arith.index_cast %swap3A : i32 to index
        %swap3A_847 = arith.index_cast %scan3A_816 : i32 to index
        %swap3A_848 = arith.index_cast %add3A_826 : i32 to index
        %swap3A_849 = tpu.vector_load %arg11[%swap3A_846, %swap3A_847, %swap3A_848] {strides = array<i32>} : memref<2x16x1024xf32, #tpu.memory_space<vmem>>, vector<1x1x16xf32>,
        %swap3A_850 = vector.shape_cast %swap3A_849 : vector<1x1x16xf32> to vector<16xf32>
        %swap3A_851 = vector.shape_cast %add3A_845 : vector<16xf32> to vector<1x1x16xf32>
        tpu.vector_store %arg11[%swap3A_846, %swap3A_847, %swap3A_848], %swap3A_851 {strides = array<i32>} : memref<2x16x1024xf32, #tpu.memory_space<vmem>>, vector<1x1x16xf32>,
        %mul3A_852 = arith.constant 64 : i32
        %mul3A_853 = arith.muli %scan3A_822, %mul3A_852 : i32
        %add3A_854 = arith.constant 16 : i32
        %add3A_855 = arith.addi %mul3A_853, %add3A_854 : i32
        %get3A_856 = arith.constant 0 : i32
        %get3A_857 = arith.index_cast %get3A_856 : i32 to index
        %get3A_858 = arith.index_cast %scan3A_816 : i32 to index
        %get3A_859 = arith.index_cast %add3A_855 : i32 to index
        %get3A_860 = tpu.vector_load %arg11[%get3A_857, %get3A_858, %get3A_859] {strides = array<i32>} : memref<2x16x1024xf32, #tpu.memory_space<vmem>>, vector<1x1x16xf32>,
        %get3A_861 = vector.shape_cast %get3A_860 : vector<1x1x16xf32> to vector<16xf32>
        %get3A_862 = arith.constant 0 : i32
        %get3A_863 = arith.index_cast %get3A_862 : i32 to index
        %get3A_864 = arith.index_cast %scan3A_816 : i32 to index
        %get3A_865 = arith.index_cast %add3A_855 : i32 to index
        %get3A_866 = tpu.vector_load %arg9[%get3A_863, %get3A_864, %get3A_865] {strides = array<i32>} : memref<2x16x1024xf32, #tpu.memory_space<vmem>>, vector<1x1x16xf32>,
        %get3A_867 = vector.shape_cast %get3A_866 : vector<1x1x16xf32> to vector<16xf32>
        %add3A_868 = arith.addf %get3A_861, %get3A_867 : vector<16xf32>
        %get3A_869 = arith.constant 0 : i32
        %get3A_870 = arith.index_cast %get3A_869 : i32 to index
        %get3A_871 = arith.index_cast %scan3A_816 : i32 to index
        %get3A_872 = arith.index_cast %add3A_855 : i32 to index
        %get3A_873 = tpu.vector_load %arg10[%get3A_870, %get3A_871, %get3A_872] {strides = array<i32>} : memref<2x16x1024xf32, #tpu.memory_space<vmem>>, vector<1x1x16xf32>,
        %get3A_874 = vector.shape_cast %get3A_873 : vector<1x1x16xf32> to vector<16xf32>
        %add3A_875 = arith.addf %add3A_868, %get3A_874 : vector<16xf32>
        %swap3A_876 = arith.constant 0 : i32
        %swap3A_877 = arith.index_cast %swap3A_876 : i32 to index
        %swap3A_878 = arith.index_cast %scan3A_816 : i32 to index
        %swap3A_879 = arith.index_cast %add3A_855 : i32 to index
        %swap3A_880 = tpu.vector_load %arg11[%swap3A_877, %swap3A_878, %swap3A_879] {strides = array<i32>} : memref<2x16x1024xf32, #tpu.memory_space<vmem>>, vector<1x1x16xf32>,
        %swap3A_881 = vector.shape_cast %swap3A_880 : vector<1x1x16xf32> to vector<16xf32>
        %swap3A_882 = vector.shape_cast %add3A_875 : vector<16xf32> to vector<1x1x16xf32>
        tpu.vector_store %arg11[%swap3A_877, %swap3A_878, %swap3A_879], %swap3A_882 {strides = array<i32>} : memref<2x16x1024xf32, #tpu.memory_space<vmem>>, vector<1x1x16xf32>,
        %mul3A_883 = arith.constant 64 : i32
        %mul3A_884 = arith.muli %scan3A_822, %mul3A_883 : i32
        %add3A_885 = arith.constant 32 : i32
        %add3A_886 = arith.addi %mul3A_884, %add3A_885 : i32
        %get3A_887 = arith.constant 0 : i32
        %get3A_888 = arith.index_cast %get3A_887 : i32 to index
        %get3A_889 = arith.index_cast %scan3A_816 : i32 to index
        %get3A_890 = arith.index_cast %add3A_886 : i32 to index
        %get3A_891 = tpu.vector_load %arg11[%get3A_888, %get3A_889, %get3A_890] {strides = array<i32>} : memref<2x16x1024xf32, #tpu.memory_space<vmem>>, vector<1x1x16xf32>,
        %get3A_892 = vector.shape_cast %get3A_891 : vector<1x1x16xf32> to vector<16xf32>
        %get3A_893 = arith.constant 0 : i32
        %get3A_894 = arith.index_cast %get3A_893 : i32 to index
        %get3A_895 = arith.index_cast %scan3A_816 : i32 to index
        %get3A_896 = arith.index_cast %add3A_886 : i32 to index
        %get3A_897 = tpu.vector_load %arg9[%get3A_894, %get3A_895, %get3A_896] {strides = array<i32>} : memref<2x16x1024xf32, #tpu.memory_space<vmem>>, vector<1x1x16xf32>,
        %get3A_898 = vector.shape_cast %get3A_897 : vector<1x1x16xf32> to vector<16xf32>
        %add3A_899 = arith.addf %get3A_892, %get3A_898 : vector<16xf32>
        %get3A_900 = arith.constant 0 : i32
        %get3A_901 = arith.index_cast %get3A_900 : i32 to index
        %get3A_902 = arith.index_cast %scan3A_816 : i32 to index
        %get3A_903 = arith.index_cast %add3A_886 : i32 to index
        %get3A_904 = tpu.vector_load %arg10[%get3A_901, %get3A_902, %get3A_903] {strides = array<i32>} : memref<2x16x1024xf32, #tpu.memory_space<vmem>>, vector<1x1x16xf32>,
        %get3A_905 = vector.shape_cast %get3A_904 : vector<1x1x16xf32> to vector<16xf32>
        %add3A_906 = arith.addf %add3A_899, %get3A_905 : vector<16xf32>
        %swap3A_907 = arith.constant 0 : i32
        %swap3A_908 = arith.index_cast %swap3A_907 : i32 to index
        %swap3A_909 = arith.index_cast %scan3A_816 : i32 to index
        %swap3A_910 = arith.index_cast %add3A_886 : i32 to index
        %swap3A_911 = tpu.vector_load %arg11[%swap3A_908, %swap3A_909, %swap3A_910] {strides = array<i32>} : memref<2x16x1024xf32, #tpu.memory_space<vmem>>, vector<1x1x16xf32>,
        %swap3A_912 = vector.shape_cast %swap3A_911 : vector<1x1x16xf32> to vector<16xf32>
        %swap3A_913 = vector.shape_cast %add3A_906 : vector<16xf32> to vector<1x1x16xf32>
        tpu.vector_store %arg11[%swap3A_908, %swap3A_909, %swap3A_910], %swap3A_913 {strides = array<i32>} : memref<2x16x1024xf32, #tpu.memory_space<vmem>>, vector<1x1x16xf32>,
        %mul3A_914 = arith.constant 64 : i32
        %mul3A_915 = arith.muli %scan3A_822, %mul3A_914 : i32
        %add3A_916 = arith.constant 48 : i32
        %add3A_917 = arith.addi %mul3A_915, %add3A_916 : i32
        %get3A_918 = arith.constant 0 : i32
        %get3A_919 = arith.index_cast %get3A_918 : i32 to index
        %get3A_920 = arith.index_cast %scan3A_816 : i32 to index
        %get3A_921 = arith.index_cast %add3A_917 : i32 to index
        %get3A_922 = tpu.vector_load %arg11[%get3A_919, %get3A_920, %get3A_921] {strides = array<i32>} : memref<2x16x1024xf32, #tpu.memory_space<vmem>>, vector<1x1x16xf32>,
        %get3A_923 = vector.shape_cast %get3A_922 : vector<1x1x16xf32> to vector<16xf32>
        %get3A_924 = arith.constant 0 : i32
        %get3A_925 = arith.index_cast %get3A_924 : i32 to index
        %get3A_926 = arith.index_cast %scan3A_816 : i32 to index
        %get3A_927 = arith.index_cast %add3A_917 : i32 to index
        %get3A_928 = tpu.vector_load %arg9[%get3A_925, %get3A_926, %get3A_927] {strides = array<i32>} : memref<2x16x1024xf32, #tpu.memory_space<vmem>>, vector<1x1x16xf32>,
        %get3A_929 = vector.shape_cast %get3A_928 : vector<1x1x16xf32> to vector<16xf32>
        %add3A_930 = arith.addf %get3A_923, %get3A_929 : vector<16xf32>
        %get3A_931 = arith.constant 0 : i32
        %get3A_932 = arith.index_cast %get3A_931 : i32 to index
        %get3A_933 = arith.index_cast %scan3A_816 : i32 to index
        %get3A_934 = arith.index_cast %add3A_917 : i32 to index
        %get3A_935 = tpu.vector_load %arg10[%get3A_932, %get3A_933, %get3A_934] {strides = array<i32>} : memref<2x16x1024xf32, #tpu.memory_space<vmem>>, vector<1x1x16xf32>,
        %get3A_936 = vector.shape_cast %get3A_935 : vector<1x1x16xf32> to vector<16xf32>
        %add3A_937 = arith.addf %add3A_930, %get3A_936 : vector<16xf32>
        %swap3A_938 = arith.constant 0 : i32
        %swap3A_939 = arith.index_cast %swap3A_938 : i32 to index
        %swap3A_940 = arith.index_cast %scan3A_816 : i32 to index
        %swap3A_941 = arith.index_cast %add3A_917 : i32 to index
        %swap3A_942 = tpu.vector_load %arg11[%swap3A_939, %swap3A_940, %swap3A_941] {strides = array<i32>} : memref<2x16x1024xf32, #tpu.memory_space<vmem>>, vector<1x1x16xf32>,
        %swap3A_943 = vector.shape_cast %swap3A_942 : vector<1x1x16xf32> to vector<16xf32>
        %swap3A_944 = vector.shape_cast %add3A_937 : vector<16xf32> to vector<1x1x16xf32>
        tpu.vector_store %arg11[%swap3A_939, %swap3A_940, %swap3A_941], %swap3A_944 {strides = array<i32>} : memref<2x16x1024xf32, #tpu.memory_space<vmem>>, vector<1x1x16xf32>,
      }
      %scan3A_821 = arith.constant 16 : i32
    }
    %scan3A_516 = arith.constant 16 : i32
    %add3A_517 = arith.constant 64 : i32
    %add3A_518 = arith.addi %mul3A_2, %add3A_517 : i32
    %dma_start3A_519 = arith.constant 0 : i32
    %dma_start3A_520 = arith.constant 0 : i32
    %dma_start3A_521 = arith.constant 0 : i32
    %dma_start3A_522 = tpu.memref_slice %arg11[%dma_start3A_519, %dma_start3A_520, %dma_start3A_521] : memref<2x16x1024xf32, #tpu.memory_space<vmem>> -> memref<1x16x1024xf32, #tpu.memory_space<vmem>>
    %dma_start3A_523 = tpu.memref_squeeze %dma_start3A_522 : memref<1x16x1024xf32, #tpu.memory_space<vmem>> -> memref<16x1024xf32, #tpu.memory_space<vmem>>
    %dma_start3A_524 = arith.constant 0 : i32
    %dma_start3A_525 = tpu.memref_slice %arg6[%add3A_518, %dma_start3A_524] : memref<4096x1024xf32, #tpu.memory_space<hbm>> -> memref<16x1024xf32, #tpu.memory_space<hbm>>
    %dma_start3A_526 = arith.constant 0 : i32
    %dma_start3A_527 = tpu.memref_slice %arg6[%add3A_518, %dma_start3A_526] : memref<4096x1024xf32, #tpu.memory_space<hbm>> -> memref<16x1024xf32, #tpu.memory_space<hbm>>
    %dma_start3A_528 = arith.constant 0 : i32
    %dma_start3A_529 = arith.constant 0 : i32
    %dma_start3A_530 = tpu.memref_slice %arg11[%dma_start3A_519, %dma_start3A_528, %dma_start3A_529] : memref<2x16x1024xf32, #tpu.memory_space<vmem>> -> memref<1x16x1024xf32, #tpu.memory_space<vmem>>
    %dma_start3A_531 = tpu.memref_squeeze %dma_start3A_530 : memref<1x16x1024xf32, #tpu.memory_space<vmem>> -> memref<16x1024xf32, #tpu.memory_space<vmem>>
    tpu.enqueue_dma source(%dma_start3A_531 : memref<16x1024xf32, #tpu.memory_space<vmem>>) target(%dma_start3A_527 : memref<16x1024xf32, #tpu.memory_space<hbm>>) target_semaphore(%arg18 : memref<!tpu.dma_semaphore, #tpu.memory_space<semaphore_mem>>)
    %dma_wait3A_532 = arith.constant 0 : i32
    %dma_wait3A_533 = arith.constant 0 : i32
    %dma_wait3A_534 = arith.constant 0 : i32
    %dma_wait3A_535 = tpu.memref_slice %arg11[%dma_wait3A_532, %dma_wait3A_533, %dma_wait3A_534] : memref<2x16x1024xf32, #tpu.memory_space<vmem>> -> memref<1x16x1024xf32, #tpu.memory_space<vmem>>
    %dma_wait3A_536 = tpu.memref_squeeze %dma_wait3A_535 : memref<1x16x1024xf32, #tpu.memory_space<vmem>> -> memref<16x1024xf32, #tpu.memory_space<vmem>>
    %dma_wait3A_537 = arith.constant 0 : i32
    %dma_wait3A_538 = tpu.memref_slice %arg6[%add3A_518, %dma_wait3A_537] : memref<4096x1024xf32, #tpu.memory_space<hbm>> -> memref<16x1024xf32, #tpu.memory_space<hbm>>
    %dma_wait3A_539 = arith.constant 0 : i32
    %dma_wait3A_540 = tpu.memref_slice %arg6[%add3A_518, %dma_wait3A_539] : memref<4096x1024xf32, #tpu.memory_space<hbm>> -> memref<16x1024xf32, #tpu.memory_space<hbm>>
    %dma_wait3A_541 = arith.constant 0 : i32
    %dma_wait3A_542 = arith.constant 0 : i32
    %dma_wait3A_543 = tpu.memref_slice %arg11[%dma_wait3A_532, %dma_wait3A_541, %dma_wait3A_542] : memref<2x16x1024xf32, #tpu.memory_space<vmem>> -> memref<1x16x1024xf32, #tpu.memory_space<vmem>>
    %dma_wait3A_544 = tpu.memref_squeeze %dma_wait3A_543 : memref<1x16x1024xf32, #tpu.memory_space<vmem>> -> memref<16x1024xf32, #tpu.memory_space<vmem>>
    tpu.wait_dma2 semaphore(%arg18 : memref<!tpu.dma_semaphore, #tpu.memory_space<semaphore_mem>>) src(%dma_wait3A_544 : memref<16x1024xf32, #tpu.memory_space<vmem>>) dst(%dma_wait3A_540 : memref<16x1024xf32, #tpu.memory_space<hbm>>)
    %dma_start3A_545 = arith.constant 0 : i32
    %dma_start3A_546 = arith.constant 0 : i32
    %dma_start3A_547 = arith.constant 0 : i32
    %dma_start3A_548 = tpu.memref_slice %arg9[%dma_start3A_545, %dma_start3A_546, %dma_start3A_547] : memref<2x16x1024xf32, #tpu.memory_space<vmem>> -> memref<1x16x1024xf32, #tpu.memory_space<vmem>>
    %dma_start3A_549 = tpu.memref_squeeze %dma_start3A_548 : memref<1x16x1024xf32, #tpu.memory_space<vmem>> -> memref<16x1024xf32, #tpu.memory_space<vmem>>
    %dma_start3A_550 = arith.constant 96 : i32
    %dma_start3A_551 = tpu.memref_slice %arg7[%dma_start3A_550] : memref<128xi32, #tpu.memory_space<vmem>> -> memref<16xi32, #tpu.memory_space<vmem>>
    %dma_start3A_552 = arith.constant 0 : i32
    %dma_start3A_553 = arith.constant 0 : i32
    %dma_start3A_554 = tpu.memref_slice %arg3[%dma_start3A_552, %dma_start3A_553] : memref<10240x1024xf32, #tpu.memory_space<hbm>> -> memref<10240x1024xf32, #tpu.memory_space<hbm>>
    tpu.enqueue_indirect_dma source(%dma_start3A_554 : memref<10240x1024xf32, #tpu.memory_space<hbm>>) target(%dma_start3A_549 : memref<16x1024xf32, #tpu.memory_space<vmem>>) offsets(%dma_start3A_551 : memref<16xi32, #tpu.memory_space<vmem>>) semaphore(%arg12 : memref<!tpu.dma_semaphore, #tpu.memory_space<semaphore_mem>>)
    %dma_start3A_555 = arith.constant 0 : i32
    %dma_start3A_556 = arith.constant 0 : i32
    %dma_start3A_557 = arith.constant 0 : i32
    %dma_start3A_558 = tpu.memref_slice %arg10[%dma_start3A_555, %dma_start3A_556, %dma_start3A_557] : memref<2x16x1024xf32, #tpu.memory_space<vmem>> -> memref<1x16x1024xf32, #tpu.memory_space<vmem>>
    %dma_start3A_559 = tpu.memref_squeeze %dma_start3A_558 : memref<1x16x1024xf32, #tpu.memory_space<vmem>> -> memref<16x1024xf32, #tpu.memory_space<vmem>>
    %dma_start3A_560 = arith.constant 96 : i32
    %dma_start3A_561 = tpu.memref_slice %arg8[%dma_start3A_560] : memref<128xi32, #tpu.memory_space<vmem>> -> memref<16xi32, #tpu.memory_space<vmem>>
    %dma_start3A_562 = arith.constant 0 : i32
    %dma_start3A_563 = arith.constant 0 : i32
    %dma_start3A_564 = tpu.memref_slice %arg3[%dma_start3A_562, %dma_start3A_563] : memref<10240x1024xf32, #tpu.memory_space<hbm>> -> memref<10240x1024xf32, #tpu.memory_space<hbm>>
    tpu.enqueue_indirect_dma source(%dma_start3A_564 : memref<10240x1024xf32, #tpu.memory_space<hbm>>) target(%dma_start3A_559 : memref<16x1024xf32, #tpu.memory_space<vmem>>) offsets(%dma_start3A_561 : memref<16xi32, #tpu.memory_space<vmem>>) semaphore(%arg14 : memref<!tpu.dma_semaphore, #tpu.memory_space<semaphore_mem>>)
    %add3A_565 = arith.constant 96 : i32
    %add3A_566 = arith.addi %mul3A_2, %add3A_565 : i32
    %dma_start3A_567 = arith.constant 0 : i32
    %dma_start3A_568 = arith.constant 0 : i32
    %dma_start3A_569 = arith.constant 0 : i32
    %dma_start3A_570 = tpu.memref_slice %arg11[%dma_start3A_567, %dma_start3A_568, %dma_start3A_569] : memref<2x16x1024xf32, #tpu.memory_space<vmem>> -> memref<1x16x1024xf32, #tpu.memory_space<vmem>>
    %dma_start3A_571 = tpu.memref_squeeze %dma_start3A_570 : memref<1x16x1024xf32, #tpu.memory_space<vmem>> -> memref<16x1024xf32, #tpu.memory_space<vmem>>
    %dma_start3A_572 = arith.constant 0 : i32
    %dma_start3A_573 = tpu.memref_slice %arg2[%add3A_566, %dma_start3A_572] : memref<4096x1024xf32, #tpu.memory_space<hbm>> -> memref<16x1024xf32, #tpu.memory_space<hbm>>
    %dma_start3A_574 = arith.constant 0 : i32
    %dma_start3A_575 = arith.constant 0 : i32
    %dma_start3A_576 = tpu.memref_slice %arg11[%dma_start3A_567, %dma_start3A_574, %dma_start3A_575] : memref<2x16x1024xf32, #tpu.memory_space<vmem>> -> memref<1x16x1024xf32, #tpu.memory_space<vmem>>
    %dma_start3A_577 = tpu.memref_squeeze %dma_start3A_576 : memref<1x16x1024xf32, #tpu.memory_space<vmem>> -> memref<16x1024xf32, #tpu.memory_space<vmem>>
    %dma_start3A_578 = arith.constant 0 : i32
    %dma_start3A_579 = tpu.memref_slice %arg2[%add3A_566, %dma_start3A_578] : memref<4096x1024xf32, #tpu.memory_space<hbm>> -> memref<16x1024xf32, #tpu.memory_space<hbm>>
    tpu.enqueue_dma source(%dma_start3A_579 : memref<16x1024xf32, #tpu.memory_space<hbm>>) target(%dma_start3A_577 : memref<16x1024xf32, #tpu.memory_space<vmem>>) target_semaphore(%arg16 : memref<!tpu.dma_semaphore, #tpu.memory_space<semaphore_mem>>)
    %dma_wait3A_580 = arith.constant 1 : i32
    %dma_wait3A_581 = arith.constant 0 : i32
    %dma_wait3A_582 = arith.constant 0 : i32
    %dma_wait3A_583 = tpu.memref_slice %arg9[%dma_wait3A_580, %dma_wait3A_581, %dma_wait3A_582] : memref<2x16x1024xf32, #tpu.memory_space<vmem>> -> memref<1x16x1024xf32, #tpu.memory_space<vmem>>
    %dma_wait3A_584 = tpu.memref_squeeze %dma_wait3A_583 : memref<1x16x1024xf32, #tpu.memory_space<vmem>> -> memref<16x1024xf32, #tpu.memory_space<vmem>>
    %dma_wait3A_585 = arith.constant 80 : i32
    %dma_wait3A_586 = tpu.memref_slice %arg7[%dma_wait3A_585] : memref<128xi32, #tpu.memory_space<vmem>> -> memref<16xi32, #tpu.memory_space<vmem>>
    %dma_wait3A_587 = arith.constant 0 : i32
    %dma_wait3A_588 = arith.constant 0 : i32
    %dma_wait3A_589 = tpu.memref_slice %arg3[%dma_wait3A_587, %dma_wait3A_588] : memref<10240x1024xf32, #tpu.memory_space<hbm>> -> memref<10240x1024xf32, #tpu.memory_space<hbm>>
    tpu.wait_indirect_dma semaphore(%arg13 : memref<!tpu.dma_semaphore, #tpu.memory_space<semaphore_mem>>) src(%dma_wait3A_589 : memref<10240x1024xf32, #tpu.memory_space<hbm>>) dst(%dma_wait3A_584 : memref<16x1024xf32, #tpu.memory_space<vmem>>)
    %dma_wait3A_590 = arith.constant 1 : i32
    %dma_wait3A_591 = arith.constant 0 : i32
    %dma_wait3A_592 = arith.constant 0 : i32
    %dma_wait3A_593 = tpu.memref_slice %arg10[%dma_wait3A_590, %dma_wait3A_591, %dma_wait3A_592] : memref<2x16x1024xf32, #tpu.memory_space<vmem>> -> memref<1x16x1024xf32, #tpu.memory_space<vmem>>
    %dma_wait3A_594 = tpu.memref_squeeze %dma_wait3A_593 : memref<1x16x1024xf32, #tpu.memory_space<vmem>> -> memref<16x1024xf32, #tpu.memory_space<vmem>>
    %dma_wait3A_595 = arith.constant 80 : i32
    %dma_wait3A_596 = tpu.memref_slice %arg8[%dma_wait3A_595] : memref<128xi32, #tpu.memory_space<vmem>> -> memref<16xi32, #tpu.memory_space<vmem>>
    %dma_wait3A_597 = arith.constant 0 : i32
    %dma_wait3A_598 = arith.constant 0 : i32
    %dma_wait3A_599 = tpu.memref_slice %arg3[%dma_wait3A_597, %dma_wait3A_598] : memref<10240x1024xf32, #tpu.memory_space<hbm>> -> memref<10240x1024xf32, #tpu.memory_space<hbm>>
    tpu.wait_indirect_dma semaphore(%arg15 : memref<!tpu.dma_semaphore, #tpu.memory_space<semaphore_mem>>) src(%dma_wait3A_599 : memref<10240x1024xf32, #tpu.memory_space<hbm>>) dst(%dma_wait3A_594 : memref<16x1024xf32, #tpu.memory_space<vmem>>)
    %dma_wait3A_600 = arith.constant 1 : i32
    %dma_wait3A_601 = arith.constant 0 : i32
    %dma_wait3A_602 = arith.constant 0 : i32
    %dma_wait3A_603 = tpu.memref_slice %arg11[%dma_wait3A_600, %dma_wait3A_601, %dma_wait3A_602] : memref<2x16x1024xf32, #tpu.memory_space<vmem>> -> memref<1x16x1024xf32, #tpu.memory_space<vmem>>
    %dma_wait3A_604 = tpu.memref_squeeze %dma_wait3A_603 : memref<1x16x1024xf32, #tpu.memory_space<vmem>> -> memref<16x1024xf32, #tpu.memory_space<vmem>>
    %dma_wait3A_605 = arith.constant 0 : i32
    %dma_wait3A_606 = tpu.memref_slice %arg2[%add3A_464, %dma_wait3A_605] : memref<4096x1024xf32, #tpu.memory_space<hbm>> -> memref<16x1024xf32, #tpu.memory_space<hbm>>
    %dma_wait3A_607 = arith.constant 0 : i32
    %dma_wait3A_608 = arith.constant 0 : i32
    %dma_wait3A_609 = tpu.memref_slice %arg11[%dma_wait3A_600, %dma_wait3A_607, %dma_wait3A_608] : memref<2x16x1024xf32, #tpu.memory_space<vmem>> -> memref<1x16x1024xf32, #tpu.memory_space<vmem>>
    %dma_wait3A_610 = tpu.memref_squeeze %dma_wait3A_609 : memref<1x16x1024xf32, #tpu.memory_space<vmem>> -> memref<16x1024xf32, #tpu.memory_space<vmem>>
    %dma_wait3A_611 = arith.constant 0 : i32
    %dma_wait3A_612 = tpu.memref_slice %arg2[%add3A_464, %dma_wait3A_611] : memref<4096x1024xf32, #tpu.memory_space<hbm>> -> memref<16x1024xf32, #tpu.memory_space<hbm>>
    tpu.wait_dma2 semaphore(%arg17 : memref<!tpu.dma_semaphore, #tpu.memory_space<semaphore_mem>>) src(%dma_wait3A_612 : memref<16x1024xf32, #tpu.memory_space<hbm>>) dst(%dma_wait3A_610 : memref<16x1024xf32, #tpu.memory_space<vmem>>)
    %scan3A_613 = arith.constant 0 : i32
    %scan3A_614 = arith.constant 0 : i32
    %scan3A_615 = arith.constant 16 : i32
    %scan3A_616 = arith.addi %scan3A_614, %scan3A_615 : i32
    %scan3A_617 = arith.constant 1 : i32
    scf.for %scan3A_816 = %scan3A_614 to %scan3A_616 step %scan3A_617  : i32 {
      %scan3A_817 = arith.constant 0 : i32
      %scan3A_818 = arith.constant 16 : i32
      %scan3A_819 = arith.addi %scan3A_817, %scan3A_818 : i32
      %scan3A_820 = arith.constant 1 : i32
      scf.for %scan3A_822 = %scan3A_817 to %scan3A_819 step %scan3A_820  : i32 {
        %mul3A_823 = arith.constant 64 : i32
        %mul3A_824 = arith.muli %scan3A_822, %mul3A_823 : i32
        %add3A_825 = arith.constant 0 : i32
        %add3A_826 = arith.addi %mul3A_824, %add3A_825 : i32
        %get3A = arith.constant 1 : i32
        %get3A_827 = arith.index_cast %get3A : i32 to index
        %get3A_828 = arith.index_cast %scan3A_816 : i32 to index
        %get3A_829 = arith.index_cast %add3A_826 : i32 to index
        %get3A_830 = tpu.vector_load %arg11[%get3A_827, %get3A_828, %get3A_829] {strides = array<i32>} : memref<2x16x1024xf32, #tpu.memory_space<vmem>>, vector<1x1x16xf32>,
        %get3A_831 = vector.shape_cast %get3A_830 : vector<1x1x16xf32> to vector<16xf32>
        %get3A_832 = arith.constant 1 : i32
        %get3A_833 = arith.index_cast %get3A_832 : i32 to index
        %get3A_834 = arith.index_cast %scan3A_816 : i32 to index
        %get3A_835 = arith.index_cast %add3A_826 : i32 to index
        %get3A_836 = tpu.vector_load %arg9[%get3A_833, %get3A_834, %get3A_835] {strides = array<i32>} : memref<2x16x1024xf32, #tpu.memory_space<vmem>>, vector<1x1x16xf32>,
        %get3A_837 = vector.shape_cast %get3A_836 : vector<1x1x16xf32> to vector<16xf32>
        %add3A_838 = arith.addf %get3A_831, %get3A_837 : vector<16xf32>
        %get3A_839 = arith.constant 1 : i32
        %get3A_840 = arith.index_cast %get3A_839 : i32 to index
        %get3A_841 = arith.index_cast %scan3A_816 : i32 to index
        %get3A_842 = arith.index_cast %add3A_826 : i32 to index
        %get3A_843 = tpu.vector_load %arg10[%get3A_840, %get3A_841, %get3A_842] {strides = array<i32>} : memref<2x16x1024xf32, #tpu.memory_space<vmem>>, vector<1x1x16xf32>,
        %get3A_844 = vector.shape_cast %get3A_843 : vector<1x1x16xf32> to vector<16xf32>
        %add3A_845 = arith.addf %add3A_838, %get3A_844 : vector<16xf32>
        %swap3A = arith.constant 1 : i32
        %swap3A_846 = arith.index_cast %swap3A : i32 to index
        %swap3A_847 = arith.index_cast %scan3A_816 : i32 to index
        %swap3A_848 = arith.index_cast %add3A_826 : i32 to index
        %swap3A_849 = tpu.vector_load %arg11[%swap3A_846, %swap3A_847, %swap3A_848] {strides = array<i32>} : memref<2x16x1024xf32, #tpu.memory_space<vmem>>, vector<1x1x16xf32>,
        %swap3A_850 = vector.shape_cast %swap3A_849 : vector<1x1x16xf32> to vector<16xf32>
        %swap3A_851 = vector.shape_cast %add3A_845 : vector<16xf32> to vector<1x1x16xf32>
        tpu.vector_store %arg11[%swap3A_846, %swap3A_847, %swap3A_848], %swap3A_851 {strides = array<i32>} : memref<2x16x1024xf32, #tpu.memory_space<vmem>>, vector<1x1x16xf32>,
        %mul3A_852 = arith.constant 64 : i32
        %mul3A_853 = arith.muli %scan3A_822, %mul3A_852 : i32
        %add3A_854 = arith.constant 16 : i32
        %add3A_855 = arith.addi %mul3A_853, %add3A_854 : i32
        %get3A_856 = arith.constant 1 : i32
        %get3A_857 = arith.index_cast %get3A_856 : i32 to index
        %get3A_858 = arith.index_cast %scan3A_816 : i32 to index
        %get3A_859 = arith.index_cast %add3A_855 : i32 to index
        %get3A_860 = tpu.vector_load %arg11[%get3A_857, %get3A_858, %get3A_859] {strides = array<i32>} : memref<2x16x1024xf32, #tpu.memory_space<vmem>>, vector<1x1x16xf32>,
        %get3A_861 = vector.shape_cast %get3A_860 : vector<1x1x16xf32> to vector<16xf32>
        %get3A_862 = arith.constant 1 : i32
        %get3A_863 = arith.index_cast %get3A_862 : i32 to index
        %get3A_864 = arith.index_cast %scan3A_816 : i32 to index
        %get3A_865 = arith.index_cast %add3A_855 : i32 to index
        %get3A_866 = tpu.vector_load %arg9[%get3A_863, %get3A_864, %get3A_865] {strides = array<i32>} : memref<2x16x1024xf32, #tpu.memory_space<vmem>>, vector<1x1x16xf32>,
        %get3A_867 = vector.shape_cast %get3A_866 : vector<1x1x16xf32> to vector<16xf32>
        %add3A_868 = arith.addf %get3A_861, %get3A_867 : vector<16xf32>
        %get3A_869 = arith.constant 1 : i32
        %get3A_870 = arith.index_cast %get3A_869 : i32 to index
        %get3A_871 = arith.index_cast %scan3A_816 : i32 to index
        %get3A_872 = arith.index_cast %add3A_855 : i32 to index
        %get3A_873 = tpu.vector_load %arg10[%get3A_870, %get3A_871, %get3A_872] {strides = array<i32>} : memref<2x16x1024xf32, #tpu.memory_space<vmem>>, vector<1x1x16xf32>,
        %get3A_874 = vector.shape_cast %get3A_873 : vector<1x1x16xf32> to vector<16xf32>
        %add3A_875 = arith.addf %add3A_868, %get3A_874 : vector<16xf32>
        %swap3A_876 = arith.constant 1 : i32
        %swap3A_877 = arith.index_cast %swap3A_876 : i32 to index
        %swap3A_878 = arith.index_cast %scan3A_816 : i32 to index
        %swap3A_879 = arith.index_cast %add3A_855 : i32 to index
        %swap3A_880 = tpu.vector_load %arg11[%swap3A_877, %swap3A_878, %swap3A_879] {strides = array<i32>} : memref<2x16x1024xf32, #tpu.memory_space<vmem>>, vector<1x1x16xf32>,
        %swap3A_881 = vector.shape_cast %swap3A_880 : vector<1x1x16xf32> to vector<16xf32>
        %swap3A_882 = vector.shape_cast %add3A_875 : vector<16xf32> to vector<1x1x16xf32>
        tpu.vector_store %arg11[%swap3A_877, %swap3A_878, %swap3A_879], %swap3A_882 {strides = array<i32>} : memref<2x16x1024xf32, #tpu.memory_space<vmem>>, vector<1x1x16xf32>,
        %mul3A_883 = arith.constant 64 : i32
        %mul3A_884 = arith.muli %scan3A_822, %mul3A_883 : i32
        %add3A_885 = arith.constant 32 : i32
        %add3A_886 = arith.addi %mul3A_884, %add3A_885 : i32
        %get3A_887 = arith.constant 1 : i32
        %get3A_888 = arith.index_cast %get3A_887 : i32 to index
        %get3A_889 = arith.index_cast %scan3A_816 : i32 to index
        %get3A_890 = arith.index_cast %add3A_886 : i32 to index
        %get3A_891 = tpu.vector_load %arg11[%get3A_888, %get3A_889, %get3A_890] {strides = array<i32>} : memref<2x16x1024xf32, #tpu.memory_space<vmem>>, vector<1x1x16xf32>,
        %get3A_892 = vector.shape_cast %get3A_891 : vector<1x1x16xf32> to vector<16xf32>
        %get3A_893 = arith.constant 1 : i32
        %get3A_894 = arith.index_cast %get3A_893 : i32 to index
        %get3A_895 = arith.index_cast %scan3A_816 : i32 to index
        %get3A_896 = arith.index_cast %add3A_886 : i32 to index
        %get3A_897 = tpu.vector_load %arg9[%get3A_894, %get3A_895, %get3A_896] {strides = array<i32>} : memref<2x16x1024xf32, #tpu.memory_space<vmem>>, vector<1x1x16xf32>,
        %get3A_898 = vector.shape_cast %get3A_897 : vector<1x1x16xf32> to vector<16xf32>
        %add3A_899 = arith.addf %get3A_892, %get3A_898 : vector<16xf32>
        %get3A_900 = arith.constant 1 : i32
        %get3A_901 = arith.index_cast %get3A_900 : i32 to index
        %get3A_902 = arith.index_cast %scan3A_816 : i32 to index
        %get3A_903 = arith.index_cast %add3A_886 : i32 to index
        %get3A_904 = tpu.vector_load %arg10[%get3A_901, %get3A_902, %get3A_903] {strides = array<i32>} : memref<2x16x1024xf32, #tpu.memory_space<vmem>>, vector<1x1x16xf32>,
        %get3A_905 = vector.shape_cast %get3A_904 : vector<1x1x16xf32> to vector<16xf32>
        %add3A_906 = arith.addf %add3A_899, %get3A_905 : vector<16xf32>
        %swap3A_907 = arith.constant 1 : i32
        %swap3A_908 = arith.index_cast %swap3A_907 : i32 to index
        %swap3A_909 = arith.index_cast %scan3A_816 : i32 to index
        %swap3A_910 = arith.index_cast %add3A_886 : i32 to index
        %swap3A_911 = tpu.vector_load %arg11[%swap3A_908, %swap3A_909, %swap3A_910] {strides = array<i32>} : memref<2x16x1024xf32, #tpu.memory_space<vmem>>, vector<1x1x16xf32>,
        %swap3A_912 = vector.shape_cast %swap3A_911 : vector<1x1x16xf32> to vector<16xf32>
        %swap3A_913 = vector.shape_cast %add3A_906 : vector<16xf32> to vector<1x1x16xf32>
        tpu.vector_store %arg11[%swap3A_908, %swap3A_909, %swap3A_910], %swap3A_913 {strides = array<i32>} : memref<2x16x1024xf32, #tpu.memory_space<vmem>>, vector<1x1x16xf32>,
        %mul3A_914 = arith.constant 64 : i32
        %mul3A_915 = arith.muli %scan3A_822, %mul3A_914 : i32
        %add3A_916 = arith.constant 48 : i32
        %add3A_917 = arith.addi %mul3A_915, %add3A_916 : i32
        %get3A_918 = arith.constant 1 : i32
        %get3A_919 = arith.index_cast %get3A_918 : i32 to index
        %get3A_920 = arith.index_cast %scan3A_816 : i32 to index
        %get3A_921 = arith.index_cast %add3A_917 : i32 to index
        %get3A_922 = tpu.vector_load %arg11[%get3A_919, %get3A_920, %get3A_921] {strides = array<i32>} : memref<2x16x1024xf32, #tpu.memory_space<vmem>>, vector<1x1x16xf32>,
        %get3A_923 = vector.shape_cast %get3A_922 : vector<1x1x16xf32> to vector<16xf32>
        %get3A_924 = arith.constant 1 : i32
        %get3A_925 = arith.index_cast %get3A_924 : i32 to index
        %get3A_926 = arith.index_cast %scan3A_816 : i32 to index
        %get3A_927 = arith.index_cast %add3A_917 : i32 to index
        %get3A_928 = tpu.vector_load %arg9[%get3A_925, %get3A_926, %get3A_927] {strides = array<i32>} : memref<2x16x1024xf32, #tpu.memory_space<vmem>>, vector<1x1x16xf32>,
        %get3A_929 = vector.shape_cast %get3A_928 : vector<1x1x16xf32> to vector<16xf32>
        %add3A_930 = arith.addf %get3A_923, %get3A_929 : vector<16xf32>
        %get3A_931 = arith.constant 1 : i32
        %get3A_932 = arith.index_cast %get3A_931 : i32 to index
        %get3A_933 = arith.index_cast %scan3A_816 : i32 to index
        %get3A_934 = arith.index_cast %add3A_917 : i32 to index
        %get3A_935 = tpu.vector_load %arg10[%get3A_932, %get3A_933, %get3A_934] {strides = array<i32>} : memref<2x16x1024xf32, #tpu.memory_space<vmem>>, vector<1x1x16xf32>,
        %get3A_936 = vector.shape_cast %get3A_935 : vector<1x1x16xf32> to vector<16xf32>
        %add3A_937 = arith.addf %add3A_930, %get3A_936 : vector<16xf32>
        %swap3A_938 = arith.constant 1 : i32
        %swap3A_939 = arith.index_cast %swap3A_938 : i32 to index
        %swap3A_940 = arith.index_cast %scan3A_816 : i32 to index
        %swap3A_941 = arith.index_cast %add3A_917 : i32 to index
        %swap3A_942 = tpu.vector_load %arg11[%swap3A_939, %swap3A_940, %swap3A_941] {strides = array<i32>} : memref<2x16x1024xf32, #tpu.memory_space<vmem>>, vector<1x1x16xf32>,
        %swap3A_943 = vector.shape_cast %swap3A_942 : vector<1x1x16xf32> to vector<16xf32>
        %swap3A_944 = vector.shape_cast %add3A_937 : vector<16xf32> to vector<1x1x16xf32>
        tpu.vector_store %arg11[%swap3A_939, %swap3A_940, %swap3A_941], %swap3A_944 {strides = array<i32>} : memref<2x16x1024xf32, #tpu.memory_space<vmem>>, vector<1x1x16xf32>,
      }
      %scan3A_821 = arith.constant 16 : i32
    }
    %scan3A_618 = arith.constant 16 : i32
    %add3A_619 = arith.constant 80 : i32
    %add3A_620 = arith.addi %mul3A_2, %add3A_619 : i32
    %dma_start3A_621 = arith.constant 1 : i32
    %dma_start3A_622 = arith.constant 0 : i32
    %dma_start3A_623 = arith.constant 0 : i32
    %dma_start3A_624 = tpu.memref_slice %arg11[%dma_start3A_621, %dma_start3A_622, %dma_start3A_623] : memref<2x16x1024xf32, #tpu.memory_space<vmem>> -> memref<1x16x1024xf32, #tpu.memory_space<vmem>>
    %dma_start3A_625 = tpu.memref_squeeze %dma_start3A_624 : memref<1x16x1024xf32, #tpu.memory_space<vmem>> -> memref<16x1024xf32, #tpu.memory_space<vmem>>
    %dma_start3A_626 = arith.constant 0 : i32
    %dma_start3A_627 = tpu.memref_slice %arg6[%add3A_620, %dma_start3A_626] : memref<4096x1024xf32, #tpu.memory_space<hbm>> -> memref<16x1024xf32, #tpu.memory_space<hbm>>
    %dma_start3A_628 = arith.constant 0 : i32
    %dma_start3A_629 = tpu.memref_slice %arg6[%add3A_620, %dma_start3A_628] : memref<4096x1024xf32, #tpu.memory_space<hbm>> -> memref<16x1024xf32, #tpu.memory_space<hbm>>
    %dma_start3A_630 = arith.constant 0 : i32
    %dma_start3A_631 = arith.constant 0 : i32
    %dma_start3A_632 = tpu.memref_slice %arg11[%dma_start3A_621, %dma_start3A_630, %dma_start3A_631] : memref<2x16x1024xf32, #tpu.memory_space<vmem>> -> memref<1x16x1024xf32, #tpu.memory_space<vmem>>
    %dma_start3A_633 = tpu.memref_squeeze %dma_start3A_632 : memref<1x16x1024xf32, #tpu.memory_space<vmem>> -> memref<16x1024xf32, #tpu.memory_space<vmem>>
    tpu.enqueue_dma source(%dma_start3A_633 : memref<16x1024xf32, #tpu.memory_space<vmem>>) target(%dma_start3A_629 : memref<16x1024xf32, #tpu.memory_space<hbm>>) target_semaphore(%arg19 : memref<!tpu.dma_semaphore, #tpu.memory_space<semaphore_mem>>)
    %dma_wait3A_634 = arith.constant 1 : i32
    %dma_wait3A_635 = arith.constant 0 : i32
    %dma_wait3A_636 = arith.constant 0 : i32
    %dma_wait3A_637 = tpu.memref_slice %arg11[%dma_wait3A_634, %dma_wait3A_635, %dma_wait3A_636] : memref<2x16x1024xf32, #tpu.memory_space<vmem>> -> memref<1x16x1024xf32, #tpu.memory_space<vmem>>
    %dma_wait3A_638 = tpu.memref_squeeze %dma_wait3A_637 : memref<1x16x1024xf32, #tpu.memory_space<vmem>> -> memref<16x1024xf32, #tpu.memory_space<vmem>>
    %dma_wait3A_639 = arith.constant 0 : i32
    %dma_wait3A_640 = tpu.memref_slice %arg6[%add3A_620, %dma_wait3A_639] : memref<4096x1024xf32, #tpu.memory_space<hbm>> -> memref<16x1024xf32, #tpu.memory_space<hbm>>
    %dma_wait3A_641 = arith.constant 0 : i32
    %dma_wait3A_642 = tpu.memref_slice %arg6[%add3A_620, %dma_wait3A_641] : memref<4096x1024xf32, #tpu.memory_space<hbm>> -> memref<16x1024xf32, #tpu.memory_space<hbm>>
    %dma_wait3A_643 = arith.constant 0 : i32
    %dma_wait3A_644 = arith.constant 0 : i32
    %dma_wait3A_645 = tpu.memref_slice %arg11[%dma_wait3A_634, %dma_wait3A_643, %dma_wait3A_644] : memref<2x16x1024xf32, #tpu.memory_space<vmem>> -> memref<1x16x1024xf32, #tpu.memory_space<vmem>>
    %dma_wait3A_646 = tpu.memref_squeeze %dma_wait3A_645 : memref<1x16x1024xf32, #tpu.memory_space<vmem>> -> memref<16x1024xf32, #tpu.memory_space<vmem>>
    tpu.wait_dma2 semaphore(%arg19 : memref<!tpu.dma_semaphore, #tpu.memory_space<semaphore_mem>>) src(%dma_wait3A_646 : memref<16x1024xf32, #tpu.memory_space<vmem>>) dst(%dma_wait3A_642 : memref<16x1024xf32, #tpu.memory_space<hbm>>)
    %dma_start3A_647 = arith.constant 1 : i32
    %dma_start3A_648 = arith.constant 0 : i32
    %dma_start3A_649 = arith.constant 0 : i32
    %dma_start3A_650 = tpu.memref_slice %arg9[%dma_start3A_647, %dma_start3A_648, %dma_start3A_649] : memref<2x16x1024xf32, #tpu.memory_space<vmem>> -> memref<1x16x1024xf32, #tpu.memory_space<vmem>>
    %dma_start3A_651 = tpu.memref_squeeze %dma_start3A_650 : memref<1x16x1024xf32, #tpu.memory_space<vmem>> -> memref<16x1024xf32, #tpu.memory_space<vmem>>
    %dma_start3A_652 = arith.constant 112 : i32
    %dma_start3A_653 = tpu.memref_slice %arg7[%dma_start3A_652] : memref<128xi32, #tpu.memory_space<vmem>> -> memref<16xi32, #tpu.memory_space<vmem>>
    %dma_start3A_654 = arith.constant 0 : i32
    %dma_start3A_655 = arith.constant 0 : i32
    %dma_start3A_656 = tpu.memref_slice %arg3[%dma_start3A_654, %dma_start3A_655] : memref<10240x1024xf32, #tpu.memory_space<hbm>> -> memref<10240x1024xf32, #tpu.memory_space<hbm>>
    tpu.enqueue_indirect_dma source(%dma_start3A_656 : memref<10240x1024xf32, #tpu.memory_space<hbm>>) target(%dma_start3A_651 : memref<16x1024xf32, #tpu.memory_space<vmem>>) offsets(%dma_start3A_653 : memref<16xi32, #tpu.memory_space<vmem>>) semaphore(%arg13 : memref<!tpu.dma_semaphore, #tpu.memory_space<semaphore_mem>>)
    %dma_start3A_657 = arith.constant 1 : i32
    %dma_start3A_658 = arith.constant 0 : i32
    %dma_start3A_659 = arith.constant 0 : i32
    %dma_start3A_660 = tpu.memref_slice %arg10[%dma_start3A_657, %dma_start3A_658, %dma_start3A_659] : memref<2x16x1024xf32, #tpu.memory_space<vmem>> -> memref<1x16x1024xf32, #tpu.memory_space<vmem>>
    %dma_start3A_661 = tpu.memref_squeeze %dma_start3A_660 : memref<1x16x1024xf32, #tpu.memory_space<vmem>> -> memref<16x1024xf32, #tpu.memory_space<vmem>>
    %dma_start3A_662 = arith.constant 112 : i32
    %dma_start3A_663 = tpu.memref_slice %arg8[%dma_start3A_662] : memref<128xi32, #tpu.memory_space<vmem>> -> memref<16xi32, #tpu.memory_space<vmem>>
    %dma_start3A_664 = arith.constant 0 : i32
    %dma_start3A_665 = arith.constant 0 : i32
    %dma_start3A_666 = tpu.memref_slice %arg3[%dma_start3A_664, %dma_start3A_665] : memref<10240x1024xf32, #tpu.memory_space<hbm>> -> memref<10240x1024xf32, #tpu.memory_space<hbm>>
    tpu.enqueue_indirect_dma source(%dma_start3A_666 : memref<10240x1024xf32, #tpu.memory_space<hbm>>) target(%dma_start3A_661 : memref<16x1024xf32, #tpu.memory_space<vmem>>) offsets(%dma_start3A_663 : memref<16xi32, #tpu.memory_space<vmem>>) semaphore(%arg15 : memref<!tpu.dma_semaphore, #tpu.memory_space<semaphore_mem>>)
    %add3A_667 = arith.constant 112 : i32
    %add3A_668 = arith.addi %mul3A_2, %add3A_667 : i32
    %dma_start3A_669 = arith.constant 1 : i32
    %dma_start3A_670 = arith.constant 0 : i32
    %dma_start3A_671 = arith.constant 0 : i32
    %dma_start3A_672 = tpu.memref_slice %arg11[%dma_start3A_669, %dma_start3A_670, %dma_start3A_671] : memref<2x16x1024xf32, #tpu.memory_space<vmem>> -> memref<1x16x1024xf32, #tpu.memory_space<vmem>>
    %dma_start3A_673 = tpu.memref_squeeze %dma_start3A_672 : memref<1x16x1024xf32, #tpu.memory_space<vmem>> -> memref<16x1024xf32, #tpu.memory_space<vmem>>
    %dma_start3A_674 = arith.constant 0 : i32
    %dma_start3A_675 = tpu.memref_slice %arg2[%add3A_668, %dma_start3A_674] : memref<4096x1024xf32, #tpu.memory_space<hbm>> -> memref<16x1024xf32, #tpu.memory_space<hbm>>
    %dma_start3A_676 = arith.constant 0 : i32
    %dma_start3A_677 = arith.constant 0 : i32
    %dma_start3A_678 = tpu.memref_slice %arg11[%dma_start3A_669, %dma_start3A_676, %dma_start3A_677] : memref<2x16x1024xf32, #tpu.memory_space<vmem>> -> memref<1x16x1024xf32, #tpu.memory_space<vmem>>
    %dma_start3A_679 = tpu.memref_squeeze %dma_start3A_678 : memref<1x16x1024xf32, #tpu.memory_space<vmem>> -> memref<16x1024xf32, #tpu.memory_space<vmem>>
    %dma_start3A_680 = arith.constant 0 : i32
    %dma_start3A_681 = tpu.memref_slice %arg2[%add3A_668, %dma_start3A_680] : memref<4096x1024xf32, #tpu.memory_space<hbm>> -> memref<16x1024xf32, #tpu.memory_space<hbm>>
    tpu.enqueue_dma source(%dma_start3A_681 : memref<16x1024xf32, #tpu.memory_space<hbm>>) target(%dma_start3A_679 : memref<16x1024xf32, #tpu.memory_space<vmem>>) target_semaphore(%arg17 : memref<!tpu.dma_semaphore, #tpu.memory_space<semaphore_mem>>)
    %dma_wait3A_682 = arith.constant 0 : i32
    %dma_wait3A_683 = arith.constant 0 : i32
    %dma_wait3A_684 = arith.constant 0 : i32
    %dma_wait3A_685 = tpu.memref_slice %arg9[%dma_wait3A_682, %dma_wait3A_683, %dma_wait3A_684] : memref<2x16x1024xf32, #tpu.memory_space<vmem>> -> memref<1x16x1024xf32, #tpu.memory_space<vmem>>
    %dma_wait3A_686 = tpu.memref_squeeze %dma_wait3A_685 : memref<1x16x1024xf32, #tpu.memory_space<vmem>> -> memref<16x1024xf32, #tpu.memory_space<vmem>>
    %dma_wait3A_687 = arith.constant 96 : i32
    %dma_wait3A_688 = tpu.memref_slice %arg7[%dma_wait3A_687] : memref<128xi32, #tpu.memory_space<vmem>> -> memref<16xi32, #tpu.memory_space<vmem>>
    %dma_wait3A_689 = arith.constant 0 : i32
    %dma_wait3A_690 = arith.constant 0 : i32
    %dma_wait3A_691 = tpu.memref_slice %arg3[%dma_wait3A_689, %dma_wait3A_690] : memref<10240x1024xf32, #tpu.memory_space<hbm>> -> memref<10240x1024xf32, #tpu.memory_space<hbm>>
    tpu.wait_indirect_dma semaphore(%arg12 : memref<!tpu.dma_semaphore, #tpu.memory_space<semaphore_mem>>) src(%dma_wait3A_691 : memref<10240x1024xf32, #tpu.memory_space<hbm>>) dst(%dma_wait3A_686 : memref<16x1024xf32, #tpu.memory_space<vmem>>)
    %dma_wait3A_692 = arith.constant 0 : i32
    %dma_wait3A_693 = arith.constant 0 : i32
    %dma_wait3A_694 = arith.constant 0 : i32
    %dma_wait3A_695 = tpu.memref_slice %arg10[%dma_wait3A_692, %dma_wait3A_693, %dma_wait3A_694] : memref<2x16x1024xf32, #tpu.memory_space<vmem>> -> memref<1x16x1024xf32, #tpu.memory_space<vmem>>
    %dma_wait3A_696 = tpu.memref_squeeze %dma_wait3A_695 : memref<1x16x1024xf32, #tpu.memory_space<vmem>> -> memref<16x1024xf32, #tpu.memory_space<vmem>>
    %dma_wait3A_697 = arith.constant 96 : i32
    %dma_wait3A_698 = tpu.memref_slice %arg8[%dma_wait3A_697] : memref<128xi32, #tpu.memory_space<vmem>> -> memref<16xi32, #tpu.memory_space<vmem>>
    %dma_wait3A_699 = arith.constant 0 : i32
    %dma_wait3A_700 = arith.constant 0 : i32
    %dma_wait3A_701 = tpu.memref_slice %arg3[%dma_wait3A_699, %dma_wait3A_700] : memref<10240x1024xf32, #tpu.memory_space<hbm>> -> memref<10240x1024xf32, #tpu.memory_space<hbm>>
    tpu.wait_indirect_dma semaphore(%arg14 : memref<!tpu.dma_semaphore, #tpu.memory_space<semaphore_mem>>) src(%dma_wait3A_701 : memref<10240x1024xf32, #tpu.memory_space<hbm>>) dst(%dma_wait3A_696 : memref<16x1024xf32, #tpu.memory_space<vmem>>)
    %dma_wait3A_702 = arith.constant 0 : i32
    %dma_wait3A_703 = arith.constant 0 : i32
    %dma_wait3A_704 = arith.constant 0 : i32
    %dma_wait3A_705 = tpu.memref_slice %arg11[%dma_wait3A_702, %dma_wait3A_703, %dma_wait3A_704] : memref<2x16x1024xf32, #tpu.memory_space<vmem>> -> memref<1x16x1024xf32, #tpu.memory_space<vmem>>
    %dma_wait3A_706 = tpu.memref_squeeze %dma_wait3A_705 : memref<1x16x1024xf32, #tpu.memory_space<vmem>> -> memref<16x1024xf32, #tpu.memory_space<vmem>>
    %dma_wait3A_707 = arith.constant 0 : i32
    %dma_wait3A_708 = tpu.memref_slice %arg2[%add3A_566, %dma_wait3A_707] : memref<4096x1024xf32, #tpu.memory_space<hbm>> -> memref<16x1024xf32, #tpu.memory_space<hbm>>
    %dma_wait3A_709 = arith.constant 0 : i32
    %dma_wait3A_710 = arith.constant 0 : i32
    %dma_wait3A_711 = tpu.memref_slice %arg11[%dma_wait3A_702, %dma_wait3A_709, %dma_wait3A_710] : memref<2x16x1024xf32, #tpu.memory_space<vmem>> -> memref<1x16x1024xf32, #tpu.memory_space<vmem>>
    %dma_wait3A_712 = tpu.memref_squeeze %dma_wait3A_711 : memref<1x16x1024xf32, #tpu.memory_space<vmem>> -> memref<16x1024xf32, #tpu.memory_space<vmem>>
    %dma_wait3A_713 = arith.constant 0 : i32
    %dma_wait3A_714 = tpu.memref_slice %arg2[%add3A_566, %dma_wait3A_713] : memref<4096x1024xf32, #tpu.memory_space<hbm>> -> memref<16x1024xf32, #tpu.memory_space<hbm>>
    tpu.wait_dma2 semaphore(%arg16 : memref<!tpu.dma_semaphore, #tpu.memory_space<semaphore_mem>>) src(%dma_wait3A_714 : memref<16x1024xf32, #tpu.memory_space<hbm>>) dst(%dma_wait3A_712 : memref<16x1024xf32, #tpu.memory_space<vmem>>)
    %scan3A_715 = arith.constant 0 : i32
    %scan3A_716 = arith.constant 0 : i32
    %scan3A_717 = arith.constant 16 : i32
    %scan3A_718 = arith.addi %scan3A_716, %scan3A_717 : i32
    %scan3A_719 = arith.constant 1 : i32
    scf.for %scan3A_816 = %scan3A_716 to %scan3A_718 step %scan3A_719  : i32 {
      %scan3A_817 = arith.constant 0 : i32
      %scan3A_818 = arith.constant 16 : i32
      %scan3A_819 = arith.addi %scan3A_817, %scan3A_818 : i32
      %scan3A_820 = arith.constant 1 : i32
      scf.for %scan3A_822 = %scan3A_817 to %scan3A_819 step %scan3A_820  : i32 {
        %mul3A_823 = arith.constant 64 : i32
        %mul3A_824 = arith.muli %scan3A_822, %mul3A_823 : i32
        %add3A_825 = arith.constant 0 : i32
        %add3A_826 = arith.addi %mul3A_824, %add3A_825 : i32
        %get3A = arith.constant 0 : i32
        %get3A_827 = arith.index_cast %get3A : i32 to index
        %get3A_828 = arith.index_cast %scan3A_816 : i32 to index
        %get3A_829 = arith.index_cast %add3A_826 : i32 to index
        %get3A_830 = tpu.vector_load %arg11[%get3A_827, %get3A_828, %get3A_829] {strides = array<i32>} : memref<2x16x1024xf32, #tpu.memory_space<vmem>>, vector<1x1x16xf32>,
        %get3A_831 = vector.shape_cast %get3A_830 : vector<1x1x16xf32> to vector<16xf32>
        %get3A_832 = arith.constant 0 : i32
        %get3A_833 = arith.index_cast %get3A_832 : i32 to index
        %get3A_834 = arith.index_cast %scan3A_816 : i32 to index
        %get3A_835 = arith.index_cast %add3A_826 : i32 to index
        %get3A_836 = tpu.vector_load %arg9[%get3A_833, %get3A_834, %get3A_835] {strides = array<i32>} : memref<2x16x1024xf32, #tpu.memory_space<vmem>>, vector<1x1x16xf32>,
        %get3A_837 = vector.shape_cast %get3A_836 : vector<1x1x16xf32> to vector<16xf32>
        %add3A_838 = arith.addf %get3A_831, %get3A_837 : vector<16xf32>
        %get3A_839 = arith.constant 0 : i32
        %get3A_840 = arith.index_cast %get3A_839 : i32 to index
        %get3A_841 = arith.index_cast %scan3A_816 : i32 to index
        %get3A_842 = arith.index_cast %add3A_826 : i32 to index
        %get3A_843 = tpu.vector_load %arg10[%get3A_840, %get3A_841, %get3A_842] {strides = array<i32>} : memref<2x16x1024xf32, #tpu.memory_space<vmem>>, vector<1x1x16xf32>,
        %get3A_844 = vector.shape_cast %get3A_843 : vector<1x1x16xf32> to vector<16xf32>
        %add3A_845 = arith.addf %add3A_838, %get3A_844 : vector<16xf32>
        %swap3A = arith.constant 0 : i32
        %swap3A_846 = arith.index_cast %swap3A : i32 to index
        %swap3A_847 = arith.index_cast %scan3A_816 : i32 to index
        %swap3A_848 = arith.index_cast %add3A_826 : i32 to index
        %swap3A_849 = tpu.vector_load %arg11[%swap3A_846, %swap3A_847, %swap3A_848] {strides = array<i32>} : memref<2x16x1024xf32, #tpu.memory_space<vmem>>, vector<1x1x16xf32>,
        %swap3A_850 = vector.shape_cast %swap3A_849 : vector<1x1x16xf32> to vector<16xf32>
        %swap3A_851 = vector.shape_cast %add3A_845 : vector<16xf32> to vector<1x1x16xf32>
        tpu.vector_store %arg11[%swap3A_846, %swap3A_847, %swap3A_848], %swap3A_851 {strides = array<i32>} : memref<2x16x1024xf32, #tpu.memory_space<vmem>>, vector<1x1x16xf32>,
        %mul3A_852 = arith.constant 64 : i32
        %mul3A_853 = arith.muli %scan3A_822, %mul3A_852 : i32
        %add3A_854 = arith.constant 16 : i32
        %add3A_855 = arith.addi %mul3A_853, %add3A_854 : i32
        %get3A_856 = arith.constant 0 : i32
        %get3A_857 = arith.index_cast %get3A_856 : i32 to index
        %get3A_858 = arith.index_cast %scan3A_816 : i32 to index
        %get3A_859 = arith.index_cast %add3A_855 : i32 to index
        %get3A_860 = tpu.vector_load %arg11[%get3A_857, %get3A_858, %get3A_859] {strides = array<i32>} : memref<2x16x1024xf32, #tpu.memory_space<vmem>>, vector<1x1x16xf32>,
        %get3A_861 = vector.shape_cast %get3A_860 : vector<1x1x16xf32> to vector<16xf32>
        %get3A_862 = arith.constant 0 : i32
        %get3A_863 = arith.index_cast %get3A_862 : i32 to index
        %get3A_864 = arith.index_cast %scan3A_816 : i32 to index
        %get3A_865 = arith.index_cast %add3A_855 : i32 to index
        %get3A_866 = tpu.vector_load %arg9[%get3A_863, %get3A_864, %get3A_865] {strides = array<i32>} : memref<2x16x1024xf32, #tpu.memory_space<vmem>>, vector<1x1x16xf32>,
        %get3A_867 = vector.shape_cast %get3A_866 : vector<1x1x16xf32> to vector<16xf32>
        %add3A_868 = arith.addf %get3A_861, %get3A_867 : vector<16xf32>
        %get3A_869 = arith.constant 0 : i32
        %get3A_870 = arith.index_cast %get3A_869 : i32 to index
        %get3A_871 = arith.index_cast %scan3A_816 : i32 to index
        %get3A_872 = arith.index_cast %add3A_855 : i32 to index
        %get3A_873 = tpu.vector_load %arg10[%get3A_870, %get3A_871, %get3A_872] {strides = array<i32>} : memref<2x16x1024xf32, #tpu.memory_space<vmem>>, vector<1x1x16xf32>,
        %get3A_874 = vector.shape_cast %get3A_873 : vector<1x1x16xf32> to vector<16xf32>
        %add3A_875 = arith.addf %add3A_868, %get3A_874 : vector<16xf32>
        %swap3A_876 = arith.constant 0 : i32
        %swap3A_877 = arith.index_cast %swap3A_876 : i32 to index
        %swap3A_878 = arith.index_cast %scan3A_816 : i32 to index
        %swap3A_879 = arith.index_cast %add3A_855 : i32 to index
        %swap3A_880 = tpu.vector_load %arg11[%swap3A_877, %swap3A_878, %swap3A_879] {strides = array<i32>} : memref<2x16x1024xf32, #tpu.memory_space<vmem>>, vector<1x1x16xf32>,
        %swap3A_881 = vector.shape_cast %swap3A_880 : vector<1x1x16xf32> to vector<16xf32>
        %swap3A_882 = vector.shape_cast %add3A_875 : vector<16xf32> to vector<1x1x16xf32>
        tpu.vector_store %arg11[%swap3A_877, %swap3A_878, %swap3A_879], %swap3A_882 {strides = array<i32>} : memref<2x16x1024xf32, #tpu.memory_space<vmem>>, vector<1x1x16xf32>,
        %mul3A_883 = arith.constant 64 : i32
        %mul3A_884 = arith.muli %scan3A_822, %mul3A_883 : i32
        %add3A_885 = arith.constant 32 : i32
        %add3A_886 = arith.addi %mul3A_884, %add3A_885 : i32
        %get3A_887 = arith.constant 0 : i32
        %get3A_888 = arith.index_cast %get3A_887 : i32 to index
        %get3A_889 = arith.index_cast %scan3A_816 : i32 to index
        %get3A_890 = arith.index_cast %add3A_886 : i32 to index
        %get3A_891 = tpu.vector_load %arg11[%get3A_888, %get3A_889, %get3A_890] {strides = array<i32>} : memref<2x16x1024xf32, #tpu.memory_space<vmem>>, vector<1x1x16xf32>,
        %get3A_892 = vector.shape_cast %get3A_891 : vector<1x1x16xf32> to vector<16xf32>
        %get3A_893 = arith.constant 0 : i32
        %get3A_894 = arith.index_cast %get3A_893 : i32 to index
        %get3A_895 = arith.index_cast %scan3A_816 : i32 to index
        %get3A_896 = arith.index_cast %add3A_886 : i32 to index
        %get3A_897 = tpu.vector_load %arg9[%get3A_894, %get3A_895, %get3A_896] {strides = array<i32>} : memref<2x16x1024xf32, #tpu.memory_space<vmem>>, vector<1x1x16xf32>,
        %get3A_898 = vector.shape_cast %get3A_897 : vector<1x1x16xf32> to vector<16xf32>
        %add3A_899 = arith.addf %get3A_892, %get3A_898 : vector<16xf32>
        %get3A_900 = arith.constant 0 : i32
        %get3A_901 = arith.index_cast %get3A_900 : i32 to index
        %get3A_902 = arith.index_cast %scan3A_816 : i32 to index
        %get3A_903 = arith.index_cast %add3A_886 : i32 to index
        %get3A_904 = tpu.vector_load %arg10[%get3A_901, %get3A_902, %get3A_903] {strides = array<i32>} : memref<2x16x1024xf32, #tpu.memory_space<vmem>>, vector<1x1x16xf32>,
        %get3A_905 = vector.shape_cast %get3A_904 : vector<1x1x16xf32> to vector<16xf32>
        %add3A_906 = arith.addf %add3A_899, %get3A_905 : vector<16xf32>
        %swap3A_907 = arith.constant 0 : i32
        %swap3A_908 = arith.index_cast %swap3A_907 : i32 to index
        %swap3A_909 = arith.index_cast %scan3A_816 : i32 to index
        %swap3A_910 = arith.index_cast %add3A_886 : i32 to index
        %swap3A_911 = tpu.vector_load %arg11[%swap3A_908, %swap3A_909, %swap3A_910] {strides = array<i32>} : memref<2x16x1024xf32, #tpu.memory_space<vmem>>, vector<1x1x16xf32>,
        %swap3A_912 = vector.shape_cast %swap3A_911 : vector<1x1x16xf32> to vector<16xf32>
        %swap3A_913 = vector.shape_cast %add3A_906 : vector<16xf32> to vector<1x1x16xf32>
        tpu.vector_store %arg11[%swap3A_908, %swap3A_909, %swap3A_910], %swap3A_913 {strides = array<i32>} : memref<2x16x1024xf32, #tpu.memory_space<vmem>>, vector<1x1x16xf32>,
        %mul3A_914 = arith.constant 64 : i32
        %mul3A_915 = arith.muli %scan3A_822, %mul3A_914 : i32
        %add3A_916 = arith.constant 48 : i32
        %add3A_917 = arith.addi %mul3A_915, %add3A_916 : i32
        %get3A_918 = arith.constant 0 : i32
        %get3A_919 = arith.index_cast %get3A_918 : i32 to index
        %get3A_920 = arith.index_cast %scan3A_816 : i32 to index
        %get3A_921 = arith.index_cast %add3A_917 : i32 to index
        %get3A_922 = tpu.vector_load %arg11[%get3A_919, %get3A_920, %get3A_921] {strides = array<i32>} : memref<2x16x1024xf32, #tpu.memory_space<vmem>>, vector<1x1x16xf32>,
        %get3A_923 = vector.shape_cast %get3A_922 : vector<1x1x16xf32> to vector<16xf32>
        %get3A_924 = arith.constant 0 : i32
        %get3A_925 = arith.index_cast %get3A_924 : i32 to index
        %get3A_926 = arith.index_cast %scan3A_816 : i32 to index
        %get3A_927 = arith.index_cast %add3A_917 : i32 to index
        %get3A_928 = tpu.vector_load %arg9[%get3A_925, %get3A_926, %get3A_927] {strides = array<i32>} : memref<2x16x1024xf32, #tpu.memory_space<vmem>>, vector<1x1x16xf32>,
        %get3A_929 = vector.shape_cast %get3A_928 : vector<1x1x16xf32> to vector<16xf32>
        %add3A_930 = arith.addf %get3A_923, %get3A_929 : vector<16xf32>
        %get3A_931 = arith.constant 0 : i32
        %get3A_932 = arith.index_cast %get3A_931 : i32 to index
        %get3A_933 = arith.index_cast %scan3A_816 : i32 to index
        %get3A_934 = arith.index_cast %add3A_917 : i32 to index
        %get3A_935 = tpu.vector_load %arg10[%get3A_932, %get3A_933, %get3A_934] {strides = array<i32>} : memref<2x16x1024xf32, #tpu.memory_space<vmem>>, vector<1x1x16xf32>,
        %get3A_936 = vector.shape_cast %get3A_935 : vector<1x1x16xf32> to vector<16xf32>
        %add3A_937 = arith.addf %add3A_930, %get3A_936 : vector<16xf32>
        %swap3A_938 = arith.constant 0 : i32
        %swap3A_939 = arith.index_cast %swap3A_938 : i32 to index
        %swap3A_940 = arith.index_cast %scan3A_816 : i32 to index
        %swap3A_941 = arith.index_cast %add3A_917 : i32 to index
        %swap3A_942 = tpu.vector_load %arg11[%swap3A_939, %swap3A_940, %swap3A_941] {strides = array<i32>} : memref<2x16x1024xf32, #tpu.memory_space<vmem>>, vector<1x1x16xf32>,
        %swap3A_943 = vector.shape_cast %swap3A_942 : vector<1x1x16xf32> to vector<16xf32>
        %swap3A_944 = vector.shape_cast %add3A_937 : vector<16xf32> to vector<1x1x16xf32>
        tpu.vector_store %arg11[%swap3A_939, %swap3A_940, %swap3A_941], %swap3A_944 {strides = array<i32>} : memref<2x16x1024xf32, #tpu.memory_space<vmem>>, vector<1x1x16xf32>,
      }
      %scan3A_821 = arith.constant 16 : i32
    }
    %scan3A_720 = arith.constant 16 : i32
    %add3A_721 = arith.constant 96 : i32
    %add3A_722 = arith.addi %mul3A_2, %add3A_721 : i32
    %dma_start3A_723 = arith.constant 0 : i32
    %dma_start3A_724 = arith.constant 0 : i32
    %dma_start3A_725 = arith.constant 0 : i32
    %dma_start3A_726 = tpu.memref_slice %arg11[%dma_start3A_723, %dma_start3A_724, %dma_start3A_725] : memref<2x16x1024xf32, #tpu.memory_space<vmem>> -> memref<1x16x1024xf32, #tpu.memory_space<vmem>>
    %dma_start3A_727 = tpu.memref_squeeze %dma_start3A_726 : memref<1x16x1024xf32, #tpu.memory_space<vmem>> -> memref<16x1024xf32, #tpu.memory_space<vmem>>
    %dma_start3A_728 = arith.constant 0 : i32
    %dma_start3A_729 = tpu.memref_slice %arg6[%add3A_722, %dma_start3A_728] : memref<4096x1024xf32, #tpu.memory_space<hbm>> -> memref<16x1024xf32, #tpu.memory_space<hbm>>
    %dma_start3A_730 = arith.constant 0 : i32
    %dma_start3A_731 = tpu.memref_slice %arg6[%add3A_722, %dma_start3A_730] : memref<4096x1024xf32, #tpu.memory_space<hbm>> -> memref<16x1024xf32, #tpu.memory_space<hbm>>
    %dma_start3A_732 = arith.constant 0 : i32
    %dma_start3A_733 = arith.constant 0 : i32
    %dma_start3A_734 = tpu.memref_slice %arg11[%dma_start3A_723, %dma_start3A_732, %dma_start3A_733] : memref<2x16x1024xf32, #tpu.memory_space<vmem>> -> memref<1x16x1024xf32, #tpu.memory_space<vmem>>
    %dma_start3A_735 = tpu.memref_squeeze %dma_start3A_734 : memref<1x16x1024xf32, #tpu.memory_space<vmem>> -> memref<16x1024xf32, #tpu.memory_space<vmem>>
    tpu.enqueue_dma source(%dma_start3A_735 : memref<16x1024xf32, #tpu.memory_space<vmem>>) target(%dma_start3A_731 : memref<16x1024xf32, #tpu.memory_space<hbm>>) target_semaphore(%arg18 : memref<!tpu.dma_semaphore, #tpu.memory_space<semaphore_mem>>)
    %dma_wait3A_736 = arith.constant 1 : i32
    %dma_wait3A_737 = arith.constant 0 : i32
    %dma_wait3A_738 = arith.constant 0 : i32
    %dma_wait3A_739 = tpu.memref_slice %arg9[%dma_wait3A_736, %dma_wait3A_737, %dma_wait3A_738] : memref<2x16x1024xf32, #tpu.memory_space<vmem>> -> memref<1x16x1024xf32, #tpu.memory_space<vmem>>
    %dma_wait3A_740 = tpu.memref_squeeze %dma_wait3A_739 : memref<1x16x1024xf32, #tpu.memory_space<vmem>> -> memref<16x1024xf32, #tpu.memory_space<vmem>>
    %dma_wait3A_741 = arith.constant 112 : i32
    %dma_wait3A_742 = tpu.memref_slice %arg7[%dma_wait3A_741] : memref<128xi32, #tpu.memory_space<vmem>> -> memref<16xi32, #tpu.memory_space<vmem>>
    %dma_wait3A_743 = arith.constant 0 : i32
    %dma_wait3A_744 = arith.constant 0 : i32
    %dma_wait3A_745 = tpu.memref_slice %arg3[%dma_wait3A_743, %dma_wait3A_744] : memref<10240x1024xf32, #tpu.memory_space<hbm>> -> memref<10240x1024xf32, #tpu.memory_space<hbm>>
    tpu.wait_indirect_dma semaphore(%arg13 : memref<!tpu.dma_semaphore, #tpu.memory_space<semaphore_mem>>) src(%dma_wait3A_745 : memref<10240x1024xf32, #tpu.memory_space<hbm>>) dst(%dma_wait3A_740 : memref<16x1024xf32, #tpu.memory_space<vmem>>)
    %dma_wait3A_746 = arith.constant 1 : i32
    %dma_wait3A_747 = arith.constant 0 : i32
    %dma_wait3A_748 = arith.constant 0 : i32
    %dma_wait3A_749 = tpu.memref_slice %arg10[%dma_wait3A_746, %dma_wait3A_747, %dma_wait3A_748] : memref<2x16x1024xf32, #tpu.memory_space<vmem>> -> memref<1x16x1024xf32, #tpu.memory_space<vmem>>
    %dma_wait3A_750 = tpu.memref_squeeze %dma_wait3A_749 : memref<1x16x1024xf32, #tpu.memory_space<vmem>> -> memref<16x1024xf32, #tpu.memory_space<vmem>>
    %dma_wait3A_751 = arith.constant 112 : i32
    %dma_wait3A_752 = tpu.memref_slice %arg8[%dma_wait3A_751] : memref<128xi32, #tpu.memory_space<vmem>> -> memref<16xi32, #tpu.memory_space<vmem>>
    %dma_wait3A_753 = arith.constant 0 : i32
    %dma_wait3A_754 = arith.constant 0 : i32
    %dma_wait3A_755 = tpu.memref_slice %arg3[%dma_wait3A_753, %dma_wait3A_754] : memref<10240x1024xf32, #tpu.memory_space<hbm>> -> memref<10240x1024xf32, #tpu.memory_space<hbm>>
    tpu.wait_indirect_dma semaphore(%arg15 : memref<!tpu.dma_semaphore, #tpu.memory_space<semaphore_mem>>) src(%dma_wait3A_755 : memref<10240x1024xf32, #tpu.memory_space<hbm>>) dst(%dma_wait3A_750 : memref<16x1024xf32, #tpu.memory_space<vmem>>)
    %dma_wait3A_756 = arith.constant 1 : i32
    %dma_wait3A_757 = arith.constant 0 : i32
    %dma_wait3A_758 = arith.constant 0 : i32
    %dma_wait3A_759 = tpu.memref_slice %arg11[%dma_wait3A_756, %dma_wait3A_757, %dma_wait3A_758] : memref<2x16x1024xf32, #tpu.memory_space<vmem>> -> memref<1x16x1024xf32, #tpu.memory_space<vmem>>
    %dma_wait3A_760 = tpu.memref_squeeze %dma_wait3A_759 : memref<1x16x1024xf32, #tpu.memory_space<vmem>> -> memref<16x1024xf32, #tpu.memory_space<vmem>>
    %dma_wait3A_761 = arith.constant 0 : i32
    %dma_wait3A_762 = tpu.memref_slice %arg2[%add3A_668, %dma_wait3A_761] : memref<4096x1024xf32, #tpu.memory_space<hbm>> -> memref<16x1024xf32, #tpu.memory_space<hbm>>
    %dma_wait3A_763 = arith.constant 0 : i32
    %dma_wait3A_764 = arith.constant 0 : i32
    %dma_wait3A_765 = tpu.memref_slice %arg11[%dma_wait3A_756, %dma_wait3A_763, %dma_wait3A_764] : memref<2x16x1024xf32, #tpu.memory_space<vmem>> -> memref<1x16x1024xf32, #tpu.memory_space<vmem>>
    %dma_wait3A_766 = tpu.memref_squeeze %dma_wait3A_765 : memref<1x16x1024xf32, #tpu.memory_space<vmem>> -> memref<16x1024xf32, #tpu.memory_space<vmem>>
    %dma_wait3A_767 = arith.constant 0 : i32
    %dma_wait3A_768 = tpu.memref_slice %arg2[%add3A_668, %dma_wait3A_767] : memref<4096x1024xf32, #tpu.memory_space<hbm>> -> memref<16x1024xf32, #tpu.memory_space<hbm>>
    tpu.wait_dma2 semaphore(%arg17 : memref<!tpu.dma_semaphore, #tpu.memory_space<semaphore_mem>>) src(%dma_wait3A_768 : memref<16x1024xf32, #tpu.memory_space<hbm>>) dst(%dma_wait3A_766 : memref<16x1024xf32, #tpu.memory_space<vmem>>)
    %scan3A_769 = arith.constant 0 : i32
    %scan3A_770 = arith.constant 0 : i32
    %scan3A_771 = arith.constant 16 : i32
    %scan3A_772 = arith.addi %scan3A_770, %scan3A_771 : i32
    %scan3A_773 = arith.constant 1 : i32
    scf.for %scan3A_816 = %scan3A_770 to %scan3A_772 step %scan3A_773  : i32 {
      %scan3A_817 = arith.constant 0 : i32
      %scan3A_818 = arith.constant 16 : i32
      %scan3A_819 = arith.addi %scan3A_817, %scan3A_818 : i32
      %scan3A_820 = arith.constant 1 : i32
      scf.for %scan3A_822 = %scan3A_817 to %scan3A_819 step %scan3A_820  : i32 {
        %mul3A_823 = arith.constant 64 : i32
        %mul3A_824 = arith.muli %scan3A_822, %mul3A_823 : i32
        %add3A_825 = arith.constant 0 : i32
        %add3A_826 = arith.addi %mul3A_824, %add3A_825 : i32
        %get3A = arith.constant 1 : i32
        %get3A_827 = arith.index_cast %get3A : i32 to index
        %get3A_828 = arith.index_cast %scan3A_816 : i32 to index
        %get3A_829 = arith.index_cast %add3A_826 : i32 to index
        %get3A_830 = tpu.vector_load %arg11[%get3A_827, %get3A_828, %get3A_829] {strides = array<i32>} : memref<2x16x1024xf32, #tpu.memory_space<vmem>>, vector<1x1x16xf32>,
        %get3A_831 = vector.shape_cast %get3A_830 : vector<1x1x16xf32> to vector<16xf32>
        %get3A_832 = arith.constant 1 : i32
        %get3A_833 = arith.index_cast %get3A_832 : i32 to index
        %get3A_834 = arith.index_cast %scan3A_816 : i32 to index
        %get3A_835 = arith.index_cast %add3A_826 : i32 to index
        %get3A_836 = tpu.vector_load %arg9[%get3A_833, %get3A_834, %get3A_835] {strides = array<i32>} : memref<2x16x1024xf32, #tpu.memory_space<vmem>>, vector<1x1x16xf32>,
        %get3A_837 = vector.shape_cast %get3A_836 : vector<1x1x16xf32> to vector<16xf32>
        %add3A_838 = arith.addf %get3A_831, %get3A_837 : vector<16xf32>
        %get3A_839 = arith.constant 1 : i32
        %get3A_840 = arith.index_cast %get3A_839 : i32 to index
        %get3A_841 = arith.index_cast %scan3A_816 : i32 to index
        %get3A_842 = arith.index_cast %add3A_826 : i32 to index
        %get3A_843 = tpu.vector_load %arg10[%get3A_840, %get3A_841, %get3A_842] {strides = array<i32>} : memref<2x16x1024xf32, #tpu.memory_space<vmem>>, vector<1x1x16xf32>,
        %get3A_844 = vector.shape_cast %get3A_843 : vector<1x1x16xf32> to vector<16xf32>
        %add3A_845 = arith.addf %add3A_838, %get3A_844 : vector<16xf32>
        %swap3A = arith.constant 1 : i32
        %swap3A_846 = arith.index_cast %swap3A : i32 to index
        %swap3A_847 = arith.index_cast %scan3A_816 : i32 to index
        %swap3A_848 = arith.index_cast %add3A_826 : i32 to index
        %swap3A_849 = tpu.vector_load %arg11[%swap3A_846, %swap3A_847, %swap3A_848] {strides = array<i32>} : memref<2x16x1024xf32, #tpu.memory_space<vmem>>, vector<1x1x16xf32>,
        %swap3A_850 = vector.shape_cast %swap3A_849 : vector<1x1x16xf32> to vector<16xf32>
        %swap3A_851 = vector.shape_cast %add3A_845 : vector<16xf32> to vector<1x1x16xf32>
        tpu.vector_store %arg11[%swap3A_846, %swap3A_847, %swap3A_848], %swap3A_851 {strides = array<i32>} : memref<2x16x1024xf32, #tpu.memory_space<vmem>>, vector<1x1x16xf32>,
        %mul3A_852 = arith.constant 64 : i32
        %mul3A_853 = arith.muli %scan3A_822, %mul3A_852 : i32
        %add3A_854 = arith.constant 16 : i32
        %add3A_855 = arith.addi %mul3A_853, %add3A_854 : i32
        %get3A_856 = arith.constant 1 : i32
        %get3A_857 = arith.index_cast %get3A_856 : i32 to index
        %get3A_858 = arith.index_cast %scan3A_816 : i32 to index
        %get3A_859 = arith.index_cast %add3A_855 : i32 to index
        %get3A_860 = tpu.vector_load %arg11[%get3A_857, %get3A_858, %get3A_859] {strides = array<i32>} : memref<2x16x1024xf32, #tpu.memory_space<vmem>>, vector<1x1x16xf32>,
        %get3A_861 = vector.shape_cast %get3A_860 : vector<1x1x16xf32> to vector<16xf32>
        %get3A_862 = arith.constant 1 : i32
        %get3A_863 = arith.index_cast %get3A_862 : i32 to index
        %get3A_864 = arith.index_cast %scan3A_816 : i32 to index
        %get3A_865 = arith.index_cast %add3A_855 : i32 to index
        %get3A_866 = tpu.vector_load %arg9[%get3A_863, %get3A_864, %get3A_865] {strides = array<i32>} : memref<2x16x1024xf32, #tpu.memory_space<vmem>>, vector<1x1x16xf32>,
        %get3A_867 = vector.shape_cast %get3A_866 : vector<1x1x16xf32> to vector<16xf32>
        %add3A_868 = arith.addf %get3A_861, %get3A_867 : vector<16xf32>
        %get3A_869 = arith.constant 1 : i32
        %get3A_870 = arith.index_cast %get3A_869 : i32 to index
        %get3A_871 = arith.index_cast %scan3A_816 : i32 to index
        %get3A_872 = arith.index_cast %add3A_855 : i32 to index
        %get3A_873 = tpu.vector_load %arg10[%get3A_870, %get3A_871, %get3A_872] {strides = array<i32>} : memref<2x16x1024xf32, #tpu.memory_space<vmem>>, vector<1x1x16xf32>,
        %get3A_874 = vector.shape_cast %get3A_873 : vector<1x1x16xf32> to vector<16xf32>
        %add3A_875 = arith.addf %add3A_868, %get3A_874 : vector<16xf32>
        %swap3A_876 = arith.constant 1 : i32
        %swap3A_877 = arith.index_cast %swap3A_876 : i32 to index
        %swap3A_878 = arith.index_cast %scan3A_816 : i32 to index
        %swap3A_879 = arith.index_cast %add3A_855 : i32 to index
        %swap3A_880 = tpu.vector_load %arg11[%swap3A_877, %swap3A_878, %swap3A_879] {strides = array<i32>} : memref<2x16x1024xf32, #tpu.memory_space<vmem>>, vector<1x1x16xf32>,
        %swap3A_881 = vector.shape_cast %swap3A_880 : vector<1x1x16xf32> to vector<16xf32>
        %swap3A_882 = vector.shape_cast %add3A_875 : vector<16xf32> to vector<1x1x16xf32>
        tpu.vector_store %arg11[%swap3A_877, %swap3A_878, %swap3A_879], %swap3A_882 {strides = array<i32>} : memref<2x16x1024xf32, #tpu.memory_space<vmem>>, vector<1x1x16xf32>,
        %mul3A_883 = arith.constant 64 : i32
        %mul3A_884 = arith.muli %scan3A_822, %mul3A_883 : i32
        %add3A_885 = arith.constant 32 : i32
        %add3A_886 = arith.addi %mul3A_884, %add3A_885 : i32
        %get3A_887 = arith.constant 1 : i32
        %get3A_888 = arith.index_cast %get3A_887 : i32 to index
        %get3A_889 = arith.index_cast %scan3A_816 : i32 to index
        %get3A_890 = arith.index_cast %add3A_886 : i32 to index
        %get3A_891 = tpu.vector_load %arg11[%get3A_888, %get3A_889, %get3A_890] {strides = array<i32>} : memref<2x16x1024xf32, #tpu.memory_space<vmem>>, vector<1x1x16xf32>,
        %get3A_892 = vector.shape_cast %get3A_891 : vector<1x1x16xf32> to vector<16xf32>
        %get3A_893 = arith.constant 1 : i32
        %get3A_894 = arith.index_cast %get3A_893 : i32 to index
        %get3A_895 = arith.index_cast %scan3A_816 : i32 to index
        %get3A_896 = arith.index_cast %add3A_886 : i32 to index
        %get3A_897 = tpu.vector_load %arg9[%get3A_894, %get3A_895, %get3A_896] {strides = array<i32>} : memref<2x16x1024xf32, #tpu.memory_space<vmem>>, vector<1x1x16xf32>,
        %get3A_898 = vector.shape_cast %get3A_897 : vector<1x1x16xf32> to vector<16xf32>
        %add3A_899 = arith.addf %get3A_892, %get3A_898 : vector<16xf32>
        %get3A_900 = arith.constant 1 : i32
        %get3A_901 = arith.index_cast %get3A_900 : i32 to index
        %get3A_902 = arith.index_cast %scan3A_816 : i32 to index
        %get3A_903 = arith.index_cast %add3A_886 : i32 to index
        %get3A_904 = tpu.vector_load %arg10[%get3A_901, %get3A_902, %get3A_903] {strides = array<i32>} : memref<2x16x1024xf32, #tpu.memory_space<vmem>>, vector<1x1x16xf32>,
        %get3A_905 = vector.shape_cast %get3A_904 : vector<1x1x16xf32> to vector<16xf32>
        %add3A_906 = arith.addf %add3A_899, %get3A_905 : vector<16xf32>
        %swap3A_907 = arith.constant 1 : i32
        %swap3A_908 = arith.index_cast %swap3A_907 : i32 to index
        %swap3A_909 = arith.index_cast %scan3A_816 : i32 to index
        %swap3A_910 = arith.index_cast %add3A_886 : i32 to index
        %swap3A_911 = tpu.vector_load %arg11[%swap3A_908, %swap3A_909, %swap3A_910] {strides = array<i32>} : memref<2x16x1024xf32, #tpu.memory_space<vmem>>, vector<1x1x16xf32>,
        %swap3A_912 = vector.shape_cast %swap3A_911 : vector<1x1x16xf32> to vector<16xf32>
        %swap3A_913 = vector.shape_cast %add3A_906 : vector<16xf32> to vector<1x1x16xf32>
        tpu.vector_store %arg11[%swap3A_908, %swap3A_909, %swap3A_910], %swap3A_913 {strides = array<i32>} : memref<2x16x1024xf32, #tpu.memory_space<vmem>>, vector<1x1x16xf32>,
        %mul3A_914 = arith.constant 64 : i32
        %mul3A_915 = arith.muli %scan3A_822, %mul3A_914 : i32
        %add3A_916 = arith.constant 48 : i32
        %add3A_917 = arith.addi %mul3A_915, %add3A_916 : i32
        %get3A_918 = arith.constant 1 : i32
        %get3A_919 = arith.index_cast %get3A_918 : i32 to index
        %get3A_920 = arith.index_cast %scan3A_816 : i32 to index
        %get3A_921 = arith.index_cast %add3A_917 : i32 to index
        %get3A_922 = tpu.vector_load %arg11[%get3A_919, %get3A_920, %get3A_921] {strides = array<i32>} : memref<2x16x1024xf32, #tpu.memory_space<vmem>>, vector<1x1x16xf32>,
        %get3A_923 = vector.shape_cast %get3A_922 : vector<1x1x16xf32> to vector<16xf32>
        %get3A_924 = arith.constant 1 : i32
        %get3A_925 = arith.index_cast %get3A_924 : i32 to index
        %get3A_926 = arith.index_cast %scan3A_816 : i32 to index
        %get3A_927 = arith.index_cast %add3A_917 : i32 to index
        %get3A_928 = tpu.vector_load %arg9[%get3A_925, %get3A_926, %get3A_927] {strides = array<i32>} : memref<2x16x1024xf32, #tpu.memory_space<vmem>>, vector<1x1x16xf32>,
        %get3A_929 = vector.shape_cast %get3A_928 : vector<1x1x16xf32> to vector<16xf32>
        %add3A_930 = arith.addf %get3A_923, %get3A_929 : vector<16xf32>
        %get3A_931 = arith.constant 1 : i32
        %get3A_932 = arith.index_cast %get3A_931 : i32 to index
        %get3A_933 = arith.index_cast %scan3A_816 : i32 to index
        %get3A_934 = arith.index_cast %add3A_917 : i32 to index
        %get3A_935 = tpu.vector_load %arg10[%get3A_932, %get3A_933, %get3A_934] {strides = array<i32>} : memref<2x16x1024xf32, #tpu.memory_space<vmem>>, vector<1x1x16xf32>,
        %get3A_936 = vector.shape_cast %get3A_935 : vector<1x1x16xf32> to vector<16xf32>
        %add3A_937 = arith.addf %add3A_930, %get3A_936 : vector<16xf32>
        %swap3A_938 = arith.constant 1 : i32
        %swap3A_939 = arith.index_cast %swap3A_938 : i32 to index
        %swap3A_940 = arith.index_cast %scan3A_816 : i32 to index
        %swap3A_941 = arith.index_cast %add3A_917 : i32 to index
        %swap3A_942 = tpu.vector_load %arg11[%swap3A_939, %swap3A_940, %swap3A_941] {strides = array<i32>} : memref<2x16x1024xf32, #tpu.memory_space<vmem>>, vector<1x1x16xf32>,
        %swap3A_943 = vector.shape_cast %swap3A_942 : vector<1x1x16xf32> to vector<16xf32>
        %swap3A_944 = vector.shape_cast %add3A_937 : vector<16xf32> to vector<1x1x16xf32>
        tpu.vector_store %arg11[%swap3A_939, %swap3A_940, %swap3A_941], %swap3A_944 {strides = array<i32>} : memref<2x16x1024xf32, #tpu.memory_space<vmem>>, vector<1x1x16xf32>,
      }
      %scan3A_821 = arith.constant 16 : i32
    }
    %scan3A_774 = arith.constant 16 : i32
    %add3A_775 = arith.constant 112 : i32
    %add3A_776 = arith.addi %mul3A_2, %add3A_775 : i32
    %dma_start3A_777 = arith.constant 1 : i32
    %dma_start3A_778 = arith.constant 0 : i32
    %dma_start3A_779 = arith.constant 0 : i32
    %dma_start3A_780 = tpu.memref_slice %arg11[%dma_start3A_777, %dma_start3A_778, %dma_start3A_779] : memref<2x16x1024xf32, #tpu.memory_space<vmem>> -> memref<1x16x1024xf32, #tpu.memory_space<vmem>>
    %dma_start3A_781 = tpu.memref_squeeze %dma_start3A_780 : memref<1x16x1024xf32, #tpu.memory_space<vmem>> -> memref<16x1024xf32, #tpu.memory_space<vmem>>
    %dma_start3A_782 = arith.constant 0 : i32
    %dma_start3A_783 = tpu.memref_slice %arg6[%add3A_776, %dma_start3A_782] : memref<4096x1024xf32, #tpu.memory_space<hbm>> -> memref<16x1024xf32, #tpu.memory_space<hbm>>
    %dma_start3A_784 = arith.constant 0 : i32
    %dma_start3A_785 = tpu.memref_slice %arg6[%add3A_776, %dma_start3A_784] : memref<4096x1024xf32, #tpu.memory_space<hbm>> -> memref<16x1024xf32, #tpu.memory_space<hbm>>
    %dma_start3A_786 = arith.constant 0 : i32
    %dma_start3A_787 = arith.constant 0 : i32
    %dma_start3A_788 = tpu.memref_slice %arg11[%dma_start3A_777, %dma_start3A_786, %dma_start3A_787] : memref<2x16x1024xf32, #tpu.memory_space<vmem>> -> memref<1x16x1024xf32, #tpu.memory_space<vmem>>
    %dma_start3A_789 = tpu.memref_squeeze %dma_start3A_788 : memref<1x16x1024xf32, #tpu.memory_space<vmem>> -> memref<16x1024xf32, #tpu.memory_space<vmem>>
    tpu.enqueue_dma source(%dma_start3A_789 : memref<16x1024xf32, #tpu.memory_space<vmem>>) target(%dma_start3A_785 : memref<16x1024xf32, #tpu.memory_space<hbm>>) target_semaphore(%arg19 : memref<!tpu.dma_semaphore, #tpu.memory_space<semaphore_mem>>)
    %dma_wait3A_790 = arith.constant 0 : i32
    %dma_wait3A_791 = arith.constant 0 : i32
    %dma_wait3A_792 = arith.constant 0 : i32
    %dma_wait3A_793 = tpu.memref_slice %arg11[%dma_wait3A_790, %dma_wait3A_791, %dma_wait3A_792] : memref<2x16x1024xf32, #tpu.memory_space<vmem>> -> memref<1x16x1024xf32, #tpu.memory_space<vmem>>
    %dma_wait3A_794 = tpu.memref_squeeze %dma_wait3A_793 : memref<1x16x1024xf32, #tpu.memory_space<vmem>> -> memref<16x1024xf32, #tpu.memory_space<vmem>>
    %dma_wait3A_795 = arith.constant 0 : i32
    %dma_wait3A_796 = tpu.memref_slice %arg6[%add3A_722, %dma_wait3A_795] : memref<4096x1024xf32, #tpu.memory_space<hbm>> -> memref<16x1024xf32, #tpu.memory_space<hbm>>
    %dma_wait3A_797 = arith.constant 0 : i32
    %dma_wait3A_798 = tpu.memref_slice %arg6[%add3A_722, %dma_wait3A_797] : memref<4096x1024xf32, #tpu.memory_space<hbm>> -> memref<16x1024xf32, #tpu.memory_space<hbm>>
    %dma_wait3A_799 = arith.constant 0 : i32
    %dma_wait3A_800 = arith.constant 0 : i32
    %dma_wait3A_801 = tpu.memref_slice %arg11[%dma_wait3A_790, %dma_wait3A_799, %dma_wait3A_800] : memref<2x16x1024xf32, #tpu.memory_space<vmem>> -> memref<1x16x1024xf32, #tpu.memory_space<vmem>>
    %dma_wait3A_802 = tpu.memref_squeeze %dma_wait3A_801 : memref<1x16x1024xf32, #tpu.memory_space<vmem>> -> memref<16x1024xf32, #tpu.memory_space<vmem>>
    tpu.wait_dma2 semaphore(%arg18 : memref<!tpu.dma_semaphore, #tpu.memory_space<semaphore_mem>>) src(%dma_wait3A_802 : memref<16x1024xf32, #tpu.memory_space<vmem>>) dst(%dma_wait3A_798 : memref<16x1024xf32, #tpu.memory_space<hbm>>)
    %dma_wait3A_803 = arith.constant 1 : i32
    %dma_wait3A_804 = arith.constant 0 : i32
    %dma_wait3A_805 = arith.constant 0 : i32
    %dma_wait3A_806 = tpu.memref_slice %arg11[%dma_wait3A_803, %dma_wait3A_804, %dma_wait3A_805] : memref<2x16x1024xf32, #tpu.memory_space<vmem>> -> memref<1x16x1024xf32, #tpu.memory_space<vmem>>
    %dma_wait3A_807 = tpu.memref_squeeze %dma_wait3A_806 : memref<1x16x1024xf32, #tpu.memory_space<vmem>> -> memref<16x1024xf32, #tpu.memory_space<vmem>>
    %dma_wait3A_808 = arith.constant 0 : i32
    %dma_wait3A_809 = tpu.memref_slice %arg6[%add3A_776, %dma_wait3A_808] : memref<4096x1024xf32, #tpu.memory_space<hbm>> -> memref<16x1024xf32, #tpu.memory_space<hbm>>
    %dma_wait3A_810 = arith.constant 0 : i32
    %dma_wait3A_811 = tpu.memref_slice %arg6[%add3A_776, %dma_wait3A_810] : memref<4096x1024xf32, #tpu.memory_space<hbm>> -> memref<16x1024xf32, #tpu.memory_space<hbm>>
    %dma_wait3A_812 = arith.constant 0 : i32
    %dma_wait3A_813 = arith.constant 0 : i32
    %dma_wait3A_814 = tpu.memref_slice %arg11[%dma_wait3A_803, %dma_wait3A_812, %dma_wait3A_813] : memref<2x16x1024xf32, #tpu.memory_space<vmem>> -> memref<1x16x1024xf32, #tpu.memory_space<vmem>>
    %dma_wait3A_815 = tpu.memref_squeeze %dma_wait3A_814 : memref<1x16x1024xf32, #tpu.memory_space<vmem>> -> memref<16x1024xf32, #tpu.memory_space<vmem>>
    tpu.wait_dma2 semaphore(%arg19 : memref<!tpu.dma_semaphore, #tpu.memory_space<semaphore_mem>>) src(%dma_wait3A_815 : memref<16x1024xf32, #tpu.memory_space<vmem>>) dst(%dma_wait3A_811 : memref<16x1024xf32, #tpu.memory_space<hbm>>)
    return
  }
}

#map = affine_map<(d0, d1) -> (0, 0)>
#map1 = affine_map<(d0, d1) -> (0)>
module attributes {stable_mosaic.version = 14 : i64} {
  func.func @_gather(%arg0: i32, %arg1: i32, %arg2: memref<4096x512xi32, #tpu.memory_space<hbm>>, %arg3: memref<10240xi32, #tpu.memory_space<hbm>>, %arg4: memref<10240x512xi32, #tpu.memory_space<hbm>>, %arg5: memref<320xi32, #tpu.memory_space<vmem>>, %arg6: memref<4x40x512xi32, #tpu.memory_space<vmem>>, %arg7: memref<!tpu.dma_semaphore, #tpu.memory_space<semaphore_mem>>, %arg8: memref<!tpu.dma_semaphore, #tpu.memory_space<semaphore_mem>>, %arg9: memref<!tpu.dma_semaphore, #tpu.memory_space<semaphore_mem>>, %arg10: memref<!tpu.dma_semaphore, #tpu.memory_space<semaphore_mem>>, %arg11: memref<!tpu.dma_semaphore, #tpu.memory_space<semaphore_mem>>, %arg12: memref<!tpu.dma_semaphore, #tpu.memory_space<semaphore_mem>>, %arg13: memref<!tpu.dma_semaphore, #tpu.memory_space<semaphore_mem>>, %arg14: memref<!tpu.dma_semaphore, #tpu.memory_space<semaphore_mem>>) attributes {dimension_semantics = [#tpu.dimension_semantics<core_parallel>, #tpu.dimension_semantics<subcore_parallel>], iteration_bounds = array<i64: 2, 16>, scalar_prefetch = 0 : i64, scratch_operands = 10 : i64, tpu.core_type = #tpu.core_type<sc_vector_subcore>, window_params = [{transform_indices = #map}, {transform_indices = #map1}, {transform_indices = #map}]} {
    %mul3A = arith.constant 2 : i32
    %mul3A_0 = arith.muli %arg1, %mul3A : i32
    %add3A = arith.addi %mul3A_0, %arg0 : i32
    %mul3A_1 = arith.constant 320 : i32
    %mul3A_2 = arith.muli %add3A, %mul3A_1 : i32
    "tpu.region"() ({
      %run_scoped3A = tpu.sem_alloc : memref<!tpu.dma_semaphore, #tpu.memory_space<semaphore_mem>>
      %dma_start3A_385 = tpu.memref_slice %arg3[%mul3A_2] : memref<10240xi32, #tpu.memory_space<hbm>> -> memref<320xi32, #tpu.memory_space<hbm>>
      %dma_start3A_386 = tpu.memref_slice %arg3[%mul3A_2] : memref<10240xi32, #tpu.memory_space<hbm>> -> memref<320xi32, #tpu.memory_space<hbm>>
      tpu.enqueue_dma source(%dma_start3A_386 : memref<320xi32, #tpu.memory_space<hbm>>) target(%arg5 : memref<320xi32, #tpu.memory_space<vmem>>) target_semaphore(%run_scoped3A : memref<!tpu.dma_semaphore, #tpu.memory_space<semaphore_mem>>)
      %dma_wait3A_387 = tpu.memref_slice %arg3[%mul3A_2] : memref<10240xi32, #tpu.memory_space<hbm>> -> memref<320xi32, #tpu.memory_space<hbm>>
      %dma_wait3A_388 = tpu.memref_slice %arg3[%mul3A_2] : memref<10240xi32, #tpu.memory_space<hbm>> -> memref<320xi32, #tpu.memory_space<hbm>>
      tpu.wait_dma2 semaphore(%run_scoped3A : memref<!tpu.dma_semaphore, #tpu.memory_space<semaphore_mem>>) src(%dma_wait3A_388 : memref<320xi32, #tpu.memory_space<hbm>>) dst(%arg5 : memref<320xi32, #tpu.memory_space<vmem>>)
      tpu.yield
    }) : () -> ()
    %dma_start3A = arith.constant 0 : i32
    %dma_start3A_3 = arith.constant 0 : i32
    %dma_start3A_4 = arith.constant 0 : i32
    %dma_start3A_5 = tpu.memref_slice %arg6[%dma_start3A, %dma_start3A_3, %dma_start3A_4] : memref<4x40x512xi32, #tpu.memory_space<vmem>> -> memref<1x40x512xi32, #tpu.memory_space<vmem>>
    %dma_start3A_6 = tpu.memref_squeeze %dma_start3A_5 : memref<1x40x512xi32, #tpu.memory_space<vmem>> -> memref<40x512xi32, #tpu.memory_space<vmem>>
    %dma_start3A_7 = arith.constant 0 : i32
    %dma_start3A_8 = tpu.memref_slice %arg5[%dma_start3A_7] : memref<320xi32, #tpu.memory_space<vmem>> -> memref<40xi32, #tpu.memory_space<vmem>>
    %dma_start3A_9 = arith.constant 0 : i32
    %dma_start3A_10 = arith.constant 0 : i32
    %dma_start3A_11 = tpu.memref_slice %arg2[%dma_start3A_9, %dma_start3A_10] : memref<4096x512xi32, #tpu.memory_space<hbm>> -> memref<4096x512xi32, #tpu.memory_space<hbm>>
    tpu.enqueue_indirect_dma source(%dma_start3A_11 : memref<4096x512xi32, #tpu.memory_space<hbm>>) target(%dma_start3A_6 : memref<40x512xi32, #tpu.memory_space<vmem>>) offsets(%dma_start3A_8 : memref<40xi32, #tpu.memory_space<vmem>>) semaphore(%arg7 : memref<!tpu.dma_semaphore, #tpu.memory_space<semaphore_mem>>)
    %dma_start3A_12 = arith.constant 1 : i32
    %dma_start3A_13 = arith.constant 0 : i32
    %dma_start3A_14 = arith.constant 0 : i32
    %dma_start3A_15 = tpu.memref_slice %arg6[%dma_start3A_12, %dma_start3A_13, %dma_start3A_14] : memref<4x40x512xi32, #tpu.memory_space<vmem>> -> memref<1x40x512xi32, #tpu.memory_space<vmem>>
    %dma_start3A_16 = tpu.memref_squeeze %dma_start3A_15 : memref<1x40x512xi32, #tpu.memory_space<vmem>> -> memref<40x512xi32, #tpu.memory_space<vmem>>
    %dma_start3A_17 = arith.constant 40 : i32
    %dma_start3A_18 = tpu.memref_slice %arg5[%dma_start3A_17] : memref<320xi32, #tpu.memory_space<vmem>> -> memref<40xi32, #tpu.memory_space<vmem>>
    %dma_start3A_19 = arith.constant 0 : i32
    %dma_start3A_20 = arith.constant 0 : i32
    %dma_start3A_21 = tpu.memref_slice %arg2[%dma_start3A_19, %dma_start3A_20] : memref<4096x512xi32, #tpu.memory_space<hbm>> -> memref<4096x512xi32, #tpu.memory_space<hbm>>
    tpu.enqueue_indirect_dma source(%dma_start3A_21 : memref<4096x512xi32, #tpu.memory_space<hbm>>) target(%dma_start3A_16 : memref<40x512xi32, #tpu.memory_space<vmem>>) offsets(%dma_start3A_18 : memref<40xi32, #tpu.memory_space<vmem>>) semaphore(%arg8 : memref<!tpu.dma_semaphore, #tpu.memory_space<semaphore_mem>>)
    %dma_start3A_22 = arith.constant 2 : i32
    %dma_start3A_23 = arith.constant 0 : i32
    %dma_start3A_24 = arith.constant 0 : i32
    %dma_start3A_25 = tpu.memref_slice %arg6[%dma_start3A_22, %dma_start3A_23, %dma_start3A_24] : memref<4x40x512xi32, #tpu.memory_space<vmem>> -> memref<1x40x512xi32, #tpu.memory_space<vmem>>
    %dma_start3A_26 = tpu.memref_squeeze %dma_start3A_25 : memref<1x40x512xi32, #tpu.memory_space<vmem>> -> memref<40x512xi32, #tpu.memory_space<vmem>>
    %dma_start3A_27 = arith.constant 80 : i32
    %dma_start3A_28 = tpu.memref_slice %arg5[%dma_start3A_27] : memref<320xi32, #tpu.memory_space<vmem>> -> memref<40xi32, #tpu.memory_space<vmem>>
    %dma_start3A_29 = arith.constant 0 : i32
    %dma_start3A_30 = arith.constant 0 : i32
    %dma_start3A_31 = tpu.memref_slice %arg2[%dma_start3A_29, %dma_start3A_30] : memref<4096x512xi32, #tpu.memory_space<hbm>> -> memref<4096x512xi32, #tpu.memory_space<hbm>>
    tpu.enqueue_indirect_dma source(%dma_start3A_31 : memref<4096x512xi32, #tpu.memory_space<hbm>>) target(%dma_start3A_26 : memref<40x512xi32, #tpu.memory_space<vmem>>) offsets(%dma_start3A_28 : memref<40xi32, #tpu.memory_space<vmem>>) semaphore(%arg9 : memref<!tpu.dma_semaphore, #tpu.memory_space<semaphore_mem>>)
    %dma_start3A_32 = arith.constant 3 : i32
    %dma_start3A_33 = arith.constant 0 : i32
    %dma_start3A_34 = arith.constant 0 : i32
    %dma_start3A_35 = tpu.memref_slice %arg6[%dma_start3A_32, %dma_start3A_33, %dma_start3A_34] : memref<4x40x512xi32, #tpu.memory_space<vmem>> -> memref<1x40x512xi32, #tpu.memory_space<vmem>>
    %dma_start3A_36 = tpu.memref_squeeze %dma_start3A_35 : memref<1x40x512xi32, #tpu.memory_space<vmem>> -> memref<40x512xi32, #tpu.memory_space<vmem>>
    %dma_start3A_37 = arith.constant 120 : i32
    %dma_start3A_38 = tpu.memref_slice %arg5[%dma_start3A_37] : memref<320xi32, #tpu.memory_space<vmem>> -> memref<40xi32, #tpu.memory_space<vmem>>
    %dma_start3A_39 = arith.constant 0 : i32
    %dma_start3A_40 = arith.constant 0 : i32
    %dma_start3A_41 = tpu.memref_slice %arg2[%dma_start3A_39, %dma_start3A_40] : memref<4096x512xi32, #tpu.memory_space<hbm>> -> memref<4096x512xi32, #tpu.memory_space<hbm>>
    tpu.enqueue_indirect_dma source(%dma_start3A_41 : memref<4096x512xi32, #tpu.memory_space<hbm>>) target(%dma_start3A_36 : memref<40x512xi32, #tpu.memory_space<vmem>>) offsets(%dma_start3A_38 : memref<40xi32, #tpu.memory_space<vmem>>) semaphore(%arg10 : memref<!tpu.dma_semaphore, #tpu.memory_space<semaphore_mem>>)
    %dma_wait3A = arith.constant 0 : i32
    %dma_wait3A_42 = arith.constant 0 : i32
    %dma_wait3A_43 = arith.constant 0 : i32
    %dma_wait3A_44 = tpu.memref_slice %arg6[%dma_wait3A, %dma_wait3A_42, %dma_wait3A_43] : memref<4x40x512xi32, #tpu.memory_space<vmem>> -> memref<1x40x512xi32, #tpu.memory_space<vmem>>
    %dma_wait3A_45 = tpu.memref_squeeze %dma_wait3A_44 : memref<1x40x512xi32, #tpu.memory_space<vmem>> -> memref<40x512xi32, #tpu.memory_space<vmem>>
    %dma_wait3A_46 = arith.constant 0 : i32
    %dma_wait3A_47 = tpu.memref_slice %arg5[%dma_wait3A_46] : memref<320xi32, #tpu.memory_space<vmem>> -> memref<40xi32, #tpu.memory_space<vmem>>
    %dma_wait3A_48 = arith.constant 0 : i32
    %dma_wait3A_49 = arith.constant 0 : i32
    %dma_wait3A_50 = tpu.memref_slice %arg2[%dma_wait3A_48, %dma_wait3A_49] : memref<4096x512xi32, #tpu.memory_space<hbm>> -> memref<4096x512xi32, #tpu.memory_space<hbm>>
    tpu.wait_indirect_dma semaphore(%arg7 : memref<!tpu.dma_semaphore, #tpu.memory_space<semaphore_mem>>) src(%dma_wait3A_50 : memref<4096x512xi32, #tpu.memory_space<hbm>>) dst(%dma_wait3A_45 : memref<40x512xi32, #tpu.memory_space<vmem>>)
    %add3A_51 = arith.constant 0 : i32
    %add3A_52 = arith.addi %mul3A_2, %add3A_51 : i32
    %dma_start3A_53 = arith.constant 0 : i32
    %dma_start3A_54 = arith.constant 0 : i32
    %dma_start3A_55 = arith.constant 0 : i32
    %dma_start3A_56 = tpu.memref_slice %arg6[%dma_start3A_53, %dma_start3A_54, %dma_start3A_55] : memref<4x40x512xi32, #tpu.memory_space<vmem>> -> memref<1x40x512xi32, #tpu.memory_space<vmem>>
    %dma_start3A_57 = tpu.memref_squeeze %dma_start3A_56 : memref<1x40x512xi32, #tpu.memory_space<vmem>> -> memref<40x512xi32, #tpu.memory_space<vmem>>
    %dma_start3A_58 = arith.constant 0 : i32
    %dma_start3A_59 = tpu.memref_slice %arg4[%add3A_52, %dma_start3A_58] : memref<10240x512xi32, #tpu.memory_space<hbm>> -> memref<40x512xi32, #tpu.memory_space<hbm>>
    %dma_start3A_60 = arith.constant 0 : i32
    %dma_start3A_61 = tpu.memref_slice %arg4[%add3A_52, %dma_start3A_60] : memref<10240x512xi32, #tpu.memory_space<hbm>> -> memref<40x512xi32, #tpu.memory_space<hbm>>
    %dma_start3A_62 = arith.constant 0 : i32
    %dma_start3A_63 = arith.constant 0 : i32
    %dma_start3A_64 = tpu.memref_slice %arg6[%dma_start3A_53, %dma_start3A_62, %dma_start3A_63] : memref<4x40x512xi32, #tpu.memory_space<vmem>> -> memref<1x40x512xi32, #tpu.memory_space<vmem>>
    %dma_start3A_65 = tpu.memref_squeeze %dma_start3A_64 : memref<1x40x512xi32, #tpu.memory_space<vmem>> -> memref<40x512xi32, #tpu.memory_space<vmem>>
    tpu.enqueue_dma source(%dma_start3A_65 : memref<40x512xi32, #tpu.memory_space<vmem>>) target(%dma_start3A_61 : memref<40x512xi32, #tpu.memory_space<hbm>>) target_semaphore(%arg11 : memref<!tpu.dma_semaphore, #tpu.memory_space<semaphore_mem>>)
    %dma_wait3A_66 = arith.constant 0 : i32
    %dma_wait3A_67 = arith.constant 0 : i32
    %dma_wait3A_68 = arith.constant 0 : i32
    %dma_wait3A_69 = tpu.memref_slice %arg6[%dma_wait3A_66, %dma_wait3A_67, %dma_wait3A_68] : memref<4x40x512xi32, #tpu.memory_space<vmem>> -> memref<1x40x512xi32, #tpu.memory_space<vmem>>
    %dma_wait3A_70 = tpu.memref_squeeze %dma_wait3A_69 : memref<1x40x512xi32, #tpu.memory_space<vmem>> -> memref<40x512xi32, #tpu.memory_space<vmem>>
    %dma_wait3A_71 = arith.constant 0 : i32
    %dma_wait3A_72 = tpu.memref_slice %arg4[%add3A_52, %dma_wait3A_71] : memref<10240x512xi32, #tpu.memory_space<hbm>> -> memref<40x512xi32, #tpu.memory_space<hbm>>
    %dma_wait3A_73 = arith.constant 0 : i32
    %dma_wait3A_74 = tpu.memref_slice %arg4[%add3A_52, %dma_wait3A_73] : memref<10240x512xi32, #tpu.memory_space<hbm>> -> memref<40x512xi32, #tpu.memory_space<hbm>>
    %dma_wait3A_75 = arith.constant 0 : i32
    %dma_wait3A_76 = arith.constant 0 : i32
    %dma_wait3A_77 = tpu.memref_slice %arg6[%dma_wait3A_66, %dma_wait3A_75, %dma_wait3A_76] : memref<4x40x512xi32, #tpu.memory_space<vmem>> -> memref<1x40x512xi32, #tpu.memory_space<vmem>>
    %dma_wait3A_78 = tpu.memref_squeeze %dma_wait3A_77 : memref<1x40x512xi32, #tpu.memory_space<vmem>> -> memref<40x512xi32, #tpu.memory_space<vmem>>
    tpu.wait_dma2 semaphore(%arg11 : memref<!tpu.dma_semaphore, #tpu.memory_space<semaphore_mem>>) src(%dma_wait3A_78 : memref<40x512xi32, #tpu.memory_space<vmem>>) dst(%dma_wait3A_74 : memref<40x512xi32, #tpu.memory_space<hbm>>)
    %dma_start3A_79 = arith.constant 0 : i32
    %dma_start3A_80 = arith.constant 0 : i32
    %dma_start3A_81 = arith.constant 0 : i32
    %dma_start3A_82 = tpu.memref_slice %arg6[%dma_start3A_79, %dma_start3A_80, %dma_start3A_81] : memref<4x40x512xi32, #tpu.memory_space<vmem>> -> memref<1x40x512xi32, #tpu.memory_space<vmem>>
    %dma_start3A_83 = tpu.memref_squeeze %dma_start3A_82 : memref<1x40x512xi32, #tpu.memory_space<vmem>> -> memref<40x512xi32, #tpu.memory_space<vmem>>
    %dma_start3A_84 = arith.constant 160 : i32
    %dma_start3A_85 = tpu.memref_slice %arg5[%dma_start3A_84] : memref<320xi32, #tpu.memory_space<vmem>> -> memref<40xi32, #tpu.memory_space<vmem>>
    %dma_start3A_86 = arith.constant 0 : i32
    %dma_start3A_87 = arith.constant 0 : i32
    %dma_start3A_88 = tpu.memref_slice %arg2[%dma_start3A_86, %dma_start3A_87] : memref<4096x512xi32, #tpu.memory_space<hbm>> -> memref<4096x512xi32, #tpu.memory_space<hbm>>
    tpu.enqueue_indirect_dma source(%dma_start3A_88 : memref<4096x512xi32, #tpu.memory_space<hbm>>) target(%dma_start3A_83 : memref<40x512xi32, #tpu.memory_space<vmem>>) offsets(%dma_start3A_85 : memref<40xi32, #tpu.memory_space<vmem>>) semaphore(%arg7 : memref<!tpu.dma_semaphore, #tpu.memory_space<semaphore_mem>>)
    %dma_wait3A_89 = arith.constant 1 : i32
    %dma_wait3A_90 = arith.constant 0 : i32
    %dma_wait3A_91 = arith.constant 0 : i32
    %dma_wait3A_92 = tpu.memref_slice %arg6[%dma_wait3A_89, %dma_wait3A_90, %dma_wait3A_91] : memref<4x40x512xi32, #tpu.memory_space<vmem>> -> memref<1x40x512xi32, #tpu.memory_space<vmem>>
    %dma_wait3A_93 = tpu.memref_squeeze %dma_wait3A_92 : memref<1x40x512xi32, #tpu.memory_space<vmem>> -> memref<40x512xi32, #tpu.memory_space<vmem>>
    %dma_wait3A_94 = arith.constant 40 : i32
    %dma_wait3A_95 = tpu.memref_slice %arg5[%dma_wait3A_94] : memref<320xi32, #tpu.memory_space<vmem>> -> memref<40xi32, #tpu.memory_space<vmem>>
    %dma_wait3A_96 = arith.constant 0 : i32
    %dma_wait3A_97 = arith.constant 0 : i32
    %dma_wait3A_98 = tpu.memref_slice %arg2[%dma_wait3A_96, %dma_wait3A_97] : memref<4096x512xi32, #tpu.memory_space<hbm>> -> memref<4096x512xi32, #tpu.memory_space<hbm>>
    tpu.wait_indirect_dma semaphore(%arg8 : memref<!tpu.dma_semaphore, #tpu.memory_space<semaphore_mem>>) src(%dma_wait3A_98 : memref<4096x512xi32, #tpu.memory_space<hbm>>) dst(%dma_wait3A_93 : memref<40x512xi32, #tpu.memory_space<vmem>>)
    %add3A_99 = arith.constant 40 : i32
    %add3A_100 = arith.addi %mul3A_2, %add3A_99 : i32
    %dma_start3A_101 = arith.constant 1 : i32
    %dma_start3A_102 = arith.constant 0 : i32
    %dma_start3A_103 = arith.constant 0 : i32
    %dma_start3A_104 = tpu.memref_slice %arg6[%dma_start3A_101, %dma_start3A_102, %dma_start3A_103] : memref<4x40x512xi32, #tpu.memory_space<vmem>> -> memref<1x40x512xi32, #tpu.memory_space<vmem>>
    %dma_start3A_105 = tpu.memref_squeeze %dma_start3A_104 : memref<1x40x512xi32, #tpu.memory_space<vmem>> -> memref<40x512xi32, #tpu.memory_space<vmem>>
    %dma_start3A_106 = arith.constant 0 : i32
    %dma_start3A_107 = tpu.memref_slice %arg4[%add3A_100, %dma_start3A_106] : memref<10240x512xi32, #tpu.memory_space<hbm>> -> memref<40x512xi32, #tpu.memory_space<hbm>>
    %dma_start3A_108 = arith.constant 0 : i32
    %dma_start3A_109 = tpu.memref_slice %arg4[%add3A_100, %dma_start3A_108] : memref<10240x512xi32, #tpu.memory_space<hbm>> -> memref<40x512xi32, #tpu.memory_space<hbm>>
    %dma_start3A_110 = arith.constant 0 : i32
    %dma_start3A_111 = arith.constant 0 : i32
    %dma_start3A_112 = tpu.memref_slice %arg6[%dma_start3A_101, %dma_start3A_110, %dma_start3A_111] : memref<4x40x512xi32, #tpu.memory_space<vmem>> -> memref<1x40x512xi32, #tpu.memory_space<vmem>>
    %dma_start3A_113 = tpu.memref_squeeze %dma_start3A_112 : memref<1x40x512xi32, #tpu.memory_space<vmem>> -> memref<40x512xi32, #tpu.memory_space<vmem>>
    tpu.enqueue_dma source(%dma_start3A_113 : memref<40x512xi32, #tpu.memory_space<vmem>>) target(%dma_start3A_109 : memref<40x512xi32, #tpu.memory_space<hbm>>) target_semaphore(%arg12 : memref<!tpu.dma_semaphore, #tpu.memory_space<semaphore_mem>>)
    %dma_wait3A_114 = arith.constant 1 : i32
    %dma_wait3A_115 = arith.constant 0 : i32
    %dma_wait3A_116 = arith.constant 0 : i32
    %dma_wait3A_117 = tpu.memref_slice %arg6[%dma_wait3A_114, %dma_wait3A_115, %dma_wait3A_116] : memref<4x40x512xi32, #tpu.memory_space<vmem>> -> memref<1x40x512xi32, #tpu.memory_space<vmem>>
    %dma_wait3A_118 = tpu.memref_squeeze %dma_wait3A_117 : memref<1x40x512xi32, #tpu.memory_space<vmem>> -> memref<40x512xi32, #tpu.memory_space<vmem>>
    %dma_wait3A_119 = arith.constant 0 : i32
    %dma_wait3A_120 = tpu.memref_slice %arg4[%add3A_100, %dma_wait3A_119] : memref<10240x512xi32, #tpu.memory_space<hbm>> -> memref<40x512xi32, #tpu.memory_space<hbm>>
    %dma_wait3A_121 = arith.constant 0 : i32
    %dma_wait3A_122 = tpu.memref_slice %arg4[%add3A_100, %dma_wait3A_121] : memref<10240x512xi32, #tpu.memory_space<hbm>> -> memref<40x512xi32, #tpu.memory_space<hbm>>
    %dma_wait3A_123 = arith.constant 0 : i32
    %dma_wait3A_124 = arith.constant 0 : i32
    %dma_wait3A_125 = tpu.memref_slice %arg6[%dma_wait3A_114, %dma_wait3A_123, %dma_wait3A_124] : memref<4x40x512xi32, #tpu.memory_space<vmem>> -> memref<1x40x512xi32, #tpu.memory_space<vmem>>
    %dma_wait3A_126 = tpu.memref_squeeze %dma_wait3A_125 : memref<1x40x512xi32, #tpu.memory_space<vmem>> -> memref<40x512xi32, #tpu.memory_space<vmem>>
    tpu.wait_dma2 semaphore(%arg12 : memref<!tpu.dma_semaphore, #tpu.memory_space<semaphore_mem>>) src(%dma_wait3A_126 : memref<40x512xi32, #tpu.memory_space<vmem>>) dst(%dma_wait3A_122 : memref<40x512xi32, #tpu.memory_space<hbm>>)
    %dma_start3A_127 = arith.constant 1 : i32
    %dma_start3A_128 = arith.constant 0 : i32
    %dma_start3A_129 = arith.constant 0 : i32
    %dma_start3A_130 = tpu.memref_slice %arg6[%dma_start3A_127, %dma_start3A_128, %dma_start3A_129] : memref<4x40x512xi32, #tpu.memory_space<vmem>> -> memref<1x40x512xi32, #tpu.memory_space<vmem>>
    %dma_start3A_131 = tpu.memref_squeeze %dma_start3A_130 : memref<1x40x512xi32, #tpu.memory_space<vmem>> -> memref<40x512xi32, #tpu.memory_space<vmem>>
    %dma_start3A_132 = arith.constant 200 : i32
    %dma_start3A_133 = tpu.memref_slice %arg5[%dma_start3A_132] : memref<320xi32, #tpu.memory_space<vmem>> -> memref<40xi32, #tpu.memory_space<vmem>>
    %dma_start3A_134 = arith.constant 0 : i32
    %dma_start3A_135 = arith.constant 0 : i32
    %dma_start3A_136 = tpu.memref_slice %arg2[%dma_start3A_134, %dma_start3A_135] : memref<4096x512xi32, #tpu.memory_space<hbm>> -> memref<4096x512xi32, #tpu.memory_space<hbm>>
    tpu.enqueue_indirect_dma source(%dma_start3A_136 : memref<4096x512xi32, #tpu.memory_space<hbm>>) target(%dma_start3A_131 : memref<40x512xi32, #tpu.memory_space<vmem>>) offsets(%dma_start3A_133 : memref<40xi32, #tpu.memory_space<vmem>>) semaphore(%arg8 : memref<!tpu.dma_semaphore, #tpu.memory_space<semaphore_mem>>)
    %dma_wait3A_137 = arith.constant 2 : i32
    %dma_wait3A_138 = arith.constant 0 : i32
    %dma_wait3A_139 = arith.constant 0 : i32
    %dma_wait3A_140 = tpu.memref_slice %arg6[%dma_wait3A_137, %dma_wait3A_138, %dma_wait3A_139] : memref<4x40x512xi32, #tpu.memory_space<vmem>> -> memref<1x40x512xi32, #tpu.memory_space<vmem>>
    %dma_wait3A_141 = tpu.memref_squeeze %dma_wait3A_140 : memref<1x40x512xi32, #tpu.memory_space<vmem>> -> memref<40x512xi32, #tpu.memory_space<vmem>>
    %dma_wait3A_142 = arith.constant 80 : i32
    %dma_wait3A_143 = tpu.memref_slice %arg5[%dma_wait3A_142] : memref<320xi32, #tpu.memory_space<vmem>> -> memref<40xi32, #tpu.memory_space<vmem>>
    %dma_wait3A_144 = arith.constant 0 : i32
    %dma_wait3A_145 = arith.constant 0 : i32
    %dma_wait3A_146 = tpu.memref_slice %arg2[%dma_wait3A_144, %dma_wait3A_145] : memref<4096x512xi32, #tpu.memory_space<hbm>> -> memref<4096x512xi32, #tpu.memory_space<hbm>>
    tpu.wait_indirect_dma semaphore(%arg9 : memref<!tpu.dma_semaphore, #tpu.memory_space<semaphore_mem>>) src(%dma_wait3A_146 : memref<4096x512xi32, #tpu.memory_space<hbm>>) dst(%dma_wait3A_141 : memref<40x512xi32, #tpu.memory_space<vmem>>)
    %add3A_147 = arith.constant 80 : i32
    %add3A_148 = arith.addi %mul3A_2, %add3A_147 : i32
    %dma_start3A_149 = arith.constant 2 : i32
    %dma_start3A_150 = arith.constant 0 : i32
    %dma_start3A_151 = arith.constant 0 : i32
    %dma_start3A_152 = tpu.memref_slice %arg6[%dma_start3A_149, %dma_start3A_150, %dma_start3A_151] : memref<4x40x512xi32, #tpu.memory_space<vmem>> -> memref<1x40x512xi32, #tpu.memory_space<vmem>>
    %dma_start3A_153 = tpu.memref_squeeze %dma_start3A_152 : memref<1x40x512xi32, #tpu.memory_space<vmem>> -> memref<40x512xi32, #tpu.memory_space<vmem>>
    %dma_start3A_154 = arith.constant 0 : i32
    %dma_start3A_155 = tpu.memref_slice %arg4[%add3A_148, %dma_start3A_154] : memref<10240x512xi32, #tpu.memory_space<hbm>> -> memref<40x512xi32, #tpu.memory_space<hbm>>
    %dma_start3A_156 = arith.constant 0 : i32
    %dma_start3A_157 = tpu.memref_slice %arg4[%add3A_148, %dma_start3A_156] : memref<10240x512xi32, #tpu.memory_space<hbm>> -> memref<40x512xi32, #tpu.memory_space<hbm>>
    %dma_start3A_158 = arith.constant 0 : i32
    %dma_start3A_159 = arith.constant 0 : i32
    %dma_start3A_160 = tpu.memref_slice %arg6[%dma_start3A_149, %dma_start3A_158, %dma_start3A_159] : memref<4x40x512xi32, #tpu.memory_space<vmem>> -> memref<1x40x512xi32, #tpu.memory_space<vmem>>
    %dma_start3A_161 = tpu.memref_squeeze %dma_start3A_160 : memref<1x40x512xi32, #tpu.memory_space<vmem>> -> memref<40x512xi32, #tpu.memory_space<vmem>>
    tpu.enqueue_dma source(%dma_start3A_161 : memref<40x512xi32, #tpu.memory_space<vmem>>) target(%dma_start3A_157 : memref<40x512xi32, #tpu.memory_space<hbm>>) target_semaphore(%arg13 : memref<!tpu.dma_semaphore, #tpu.memory_space<semaphore_mem>>)
    %dma_wait3A_162 = arith.constant 2 : i32
    %dma_wait3A_163 = arith.constant 0 : i32
    %dma_wait3A_164 = arith.constant 0 : i32
    %dma_wait3A_165 = tpu.memref_slice %arg6[%dma_wait3A_162, %dma_wait3A_163, %dma_wait3A_164] : memref<4x40x512xi32, #tpu.memory_space<vmem>> -> memref<1x40x512xi32, #tpu.memory_space<vmem>>
    %dma_wait3A_166 = tpu.memref_squeeze %dma_wait3A_165 : memref<1x40x512xi32, #tpu.memory_space<vmem>> -> memref<40x512xi32, #tpu.memory_space<vmem>>
    %dma_wait3A_167 = arith.constant 0 : i32
    %dma_wait3A_168 = tpu.memref_slice %arg4[%add3A_148, %dma_wait3A_167] : memref<10240x512xi32, #tpu.memory_space<hbm>> -> memref<40x512xi32, #tpu.memory_space<hbm>>
    %dma_wait3A_169 = arith.constant 0 : i32
    %dma_wait3A_170 = tpu.memref_slice %arg4[%add3A_148, %dma_wait3A_169] : memref<10240x512xi32, #tpu.memory_space<hbm>> -> memref<40x512xi32, #tpu.memory_space<hbm>>
    %dma_wait3A_171 = arith.constant 0 : i32
    %dma_wait3A_172 = arith.constant 0 : i32
    %dma_wait3A_173 = tpu.memref_slice %arg6[%dma_wait3A_162, %dma_wait3A_171, %dma_wait3A_172] : memref<4x40x512xi32, #tpu.memory_space<vmem>> -> memref<1x40x512xi32, #tpu.memory_space<vmem>>
    %dma_wait3A_174 = tpu.memref_squeeze %dma_wait3A_173 : memref<1x40x512xi32, #tpu.memory_space<vmem>> -> memref<40x512xi32, #tpu.memory_space<vmem>>
    tpu.wait_dma2 semaphore(%arg13 : memref<!tpu.dma_semaphore, #tpu.memory_space<semaphore_mem>>) src(%dma_wait3A_174 : memref<40x512xi32, #tpu.memory_space<vmem>>) dst(%dma_wait3A_170 : memref<40x512xi32, #tpu.memory_space<hbm>>)
    %dma_start3A_175 = arith.constant 2 : i32
    %dma_start3A_176 = arith.constant 0 : i32
    %dma_start3A_177 = arith.constant 0 : i32
    %dma_start3A_178 = tpu.memref_slice %arg6[%dma_start3A_175, %dma_start3A_176, %dma_start3A_177] : memref<4x40x512xi32, #tpu.memory_space<vmem>> -> memref<1x40x512xi32, #tpu.memory_space<vmem>>
    %dma_start3A_179 = tpu.memref_squeeze %dma_start3A_178 : memref<1x40x512xi32, #tpu.memory_space<vmem>> -> memref<40x512xi32, #tpu.memory_space<vmem>>
    %dma_start3A_180 = arith.constant 240 : i32
    %dma_start3A_181 = tpu.memref_slice %arg5[%dma_start3A_180] : memref<320xi32, #tpu.memory_space<vmem>> -> memref<40xi32, #tpu.memory_space<vmem>>
    %dma_start3A_182 = arith.constant 0 : i32
    %dma_start3A_183 = arith.constant 0 : i32
    %dma_start3A_184 = tpu.memref_slice %arg2[%dma_start3A_182, %dma_start3A_183] : memref<4096x512xi32, #tpu.memory_space<hbm>> -> memref<4096x512xi32, #tpu.memory_space<hbm>>
    tpu.enqueue_indirect_dma source(%dma_start3A_184 : memref<4096x512xi32, #tpu.memory_space<hbm>>) target(%dma_start3A_179 : memref<40x512xi32, #tpu.memory_space<vmem>>) offsets(%dma_start3A_181 : memref<40xi32, #tpu.memory_space<vmem>>) semaphore(%arg9 : memref<!tpu.dma_semaphore, #tpu.memory_space<semaphore_mem>>)
    %dma_wait3A_185 = arith.constant 3 : i32
    %dma_wait3A_186 = arith.constant 0 : i32
    %dma_wait3A_187 = arith.constant 0 : i32
    %dma_wait3A_188 = tpu.memref_slice %arg6[%dma_wait3A_185, %dma_wait3A_186, %dma_wait3A_187] : memref<4x40x512xi32, #tpu.memory_space<vmem>> -> memref<1x40x512xi32, #tpu.memory_space<vmem>>
    %dma_wait3A_189 = tpu.memref_squeeze %dma_wait3A_188 : memref<1x40x512xi32, #tpu.memory_space<vmem>> -> memref<40x512xi32, #tpu.memory_space<vmem>>
    %dma_wait3A_190 = arith.constant 120 : i32
    %dma_wait3A_191 = tpu.memref_slice %arg5[%dma_wait3A_190] : memref<320xi32, #tpu.memory_space<vmem>> -> memref<40xi32, #tpu.memory_space<vmem>>
    %dma_wait3A_192 = arith.constant 0 : i32
    %dma_wait3A_193 = arith.constant 0 : i32
    %dma_wait3A_194 = tpu.memref_slice %arg2[%dma_wait3A_192, %dma_wait3A_193] : memref<4096x512xi32, #tpu.memory_space<hbm>> -> memref<4096x512xi32, #tpu.memory_space<hbm>>
    tpu.wait_indirect_dma semaphore(%arg10 : memref<!tpu.dma_semaphore, #tpu.memory_space<semaphore_mem>>) src(%dma_wait3A_194 : memref<4096x512xi32, #tpu.memory_space<hbm>>) dst(%dma_wait3A_189 : memref<40x512xi32, #tpu.memory_space<vmem>>)
    %add3A_195 = arith.constant 120 : i32
    %add3A_196 = arith.addi %mul3A_2, %add3A_195 : i32
    %dma_start3A_197 = arith.constant 3 : i32
    %dma_start3A_198 = arith.constant 0 : i32
    %dma_start3A_199 = arith.constant 0 : i32
    %dma_start3A_200 = tpu.memref_slice %arg6[%dma_start3A_197, %dma_start3A_198, %dma_start3A_199] : memref<4x40x512xi32, #tpu.memory_space<vmem>> -> memref<1x40x512xi32, #tpu.memory_space<vmem>>
    %dma_start3A_201 = tpu.memref_squeeze %dma_start3A_200 : memref<1x40x512xi32, #tpu.memory_space<vmem>> -> memref<40x512xi32, #tpu.memory_space<vmem>>
    %dma_start3A_202 = arith.constant 0 : i32
    %dma_start3A_203 = tpu.memref_slice %arg4[%add3A_196, %dma_start3A_202] : memref<10240x512xi32, #tpu.memory_space<hbm>> -> memref<40x512xi32, #tpu.memory_space<hbm>>
    %dma_start3A_204 = arith.constant 0 : i32
    %dma_start3A_205 = tpu.memref_slice %arg4[%add3A_196, %dma_start3A_204] : memref<10240x512xi32, #tpu.memory_space<hbm>> -> memref<40x512xi32, #tpu.memory_space<hbm>>
    %dma_start3A_206 = arith.constant 0 : i32
    %dma_start3A_207 = arith.constant 0 : i32
    %dma_start3A_208 = tpu.memref_slice %arg6[%dma_start3A_197, %dma_start3A_206, %dma_start3A_207] : memref<4x40x512xi32, #tpu.memory_space<vmem>> -> memref<1x40x512xi32, #tpu.memory_space<vmem>>
    %dma_start3A_209 = tpu.memref_squeeze %dma_start3A_208 : memref<1x40x512xi32, #tpu.memory_space<vmem>> -> memref<40x512xi32, #tpu.memory_space<vmem>>
    tpu.enqueue_dma source(%dma_start3A_209 : memref<40x512xi32, #tpu.memory_space<vmem>>) target(%dma_start3A_205 : memref<40x512xi32, #tpu.memory_space<hbm>>) target_semaphore(%arg14 : memref<!tpu.dma_semaphore, #tpu.memory_space<semaphore_mem>>)
    %dma_wait3A_210 = arith.constant 3 : i32
    %dma_wait3A_211 = arith.constant 0 : i32
    %dma_wait3A_212 = arith.constant 0 : i32
    %dma_wait3A_213 = tpu.memref_slice %arg6[%dma_wait3A_210, %dma_wait3A_211, %dma_wait3A_212] : memref<4x40x512xi32, #tpu.memory_space<vmem>> -> memref<1x40x512xi32, #tpu.memory_space<vmem>>
    %dma_wait3A_214 = tpu.memref_squeeze %dma_wait3A_213 : memref<1x40x512xi32, #tpu.memory_space<vmem>> -> memref<40x512xi32, #tpu.memory_space<vmem>>
    %dma_wait3A_215 = arith.constant 0 : i32
    %dma_wait3A_216 = tpu.memref_slice %arg4[%add3A_196, %dma_wait3A_215] : memref<10240x512xi32, #tpu.memory_space<hbm>> -> memref<40x512xi32, #tpu.memory_space<hbm>>
    %dma_wait3A_217 = arith.constant 0 : i32
    %dma_wait3A_218 = tpu.memref_slice %arg4[%add3A_196, %dma_wait3A_217] : memref<10240x512xi32, #tpu.memory_space<hbm>> -> memref<40x512xi32, #tpu.memory_space<hbm>>
    %dma_wait3A_219 = arith.constant 0 : i32
    %dma_wait3A_220 = arith.constant 0 : i32
    %dma_wait3A_221 = tpu.memref_slice %arg6[%dma_wait3A_210, %dma_wait3A_219, %dma_wait3A_220] : memref<4x40x512xi32, #tpu.memory_space<vmem>> -> memref<1x40x512xi32, #tpu.memory_space<vmem>>
    %dma_wait3A_222 = tpu.memref_squeeze %dma_wait3A_221 : memref<1x40x512xi32, #tpu.memory_space<vmem>> -> memref<40x512xi32, #tpu.memory_space<vmem>>
    tpu.wait_dma2 semaphore(%arg14 : memref<!tpu.dma_semaphore, #tpu.memory_space<semaphore_mem>>) src(%dma_wait3A_222 : memref<40x512xi32, #tpu.memory_space<vmem>>) dst(%dma_wait3A_218 : memref<40x512xi32, #tpu.memory_space<hbm>>)
    %dma_start3A_223 = arith.constant 3 : i32
    %dma_start3A_224 = arith.constant 0 : i32
    %dma_start3A_225 = arith.constant 0 : i32
    %dma_start3A_226 = tpu.memref_slice %arg6[%dma_start3A_223, %dma_start3A_224, %dma_start3A_225] : memref<4x40x512xi32, #tpu.memory_space<vmem>> -> memref<1x40x512xi32, #tpu.memory_space<vmem>>
    %dma_start3A_227 = tpu.memref_squeeze %dma_start3A_226 : memref<1x40x512xi32, #tpu.memory_space<vmem>> -> memref<40x512xi32, #tpu.memory_space<vmem>>
    %dma_start3A_228 = arith.constant 280 : i32
    %dma_start3A_229 = tpu.memref_slice %arg5[%dma_start3A_228] : memref<320xi32, #tpu.memory_space<vmem>> -> memref<40xi32, #tpu.memory_space<vmem>>
    %dma_start3A_230 = arith.constant 0 : i32
    %dma_start3A_231 = arith.constant 0 : i32
    %dma_start3A_232 = tpu.memref_slice %arg2[%dma_start3A_230, %dma_start3A_231] : memref<4096x512xi32, #tpu.memory_space<hbm>> -> memref<4096x512xi32, #tpu.memory_space<hbm>>
    tpu.enqueue_indirect_dma source(%dma_start3A_232 : memref<4096x512xi32, #tpu.memory_space<hbm>>) target(%dma_start3A_227 : memref<40x512xi32, #tpu.memory_space<vmem>>) offsets(%dma_start3A_229 : memref<40xi32, #tpu.memory_space<vmem>>) semaphore(%arg10 : memref<!tpu.dma_semaphore, #tpu.memory_space<semaphore_mem>>)
    %dma_wait3A_233 = arith.constant 0 : i32
    %dma_wait3A_234 = arith.constant 0 : i32
    %dma_wait3A_235 = arith.constant 0 : i32
    %dma_wait3A_236 = tpu.memref_slice %arg6[%dma_wait3A_233, %dma_wait3A_234, %dma_wait3A_235] : memref<4x40x512xi32, #tpu.memory_space<vmem>> -> memref<1x40x512xi32, #tpu.memory_space<vmem>>
    %dma_wait3A_237 = tpu.memref_squeeze %dma_wait3A_236 : memref<1x40x512xi32, #tpu.memory_space<vmem>> -> memref<40x512xi32, #tpu.memory_space<vmem>>
    %dma_wait3A_238 = arith.constant 160 : i32
    %dma_wait3A_239 = tpu.memref_slice %arg5[%dma_wait3A_238] : memref<320xi32, #tpu.memory_space<vmem>> -> memref<40xi32, #tpu.memory_space<vmem>>
    %dma_wait3A_240 = arith.constant 0 : i32
    %dma_wait3A_241 = arith.constant 0 : i32
    %dma_wait3A_242 = tpu.memref_slice %arg2[%dma_wait3A_240, %dma_wait3A_241] : memref<4096x512xi32, #tpu.memory_space<hbm>> -> memref<4096x512xi32, #tpu.memory_space<hbm>>
    tpu.wait_indirect_dma semaphore(%arg7 : memref<!tpu.dma_semaphore, #tpu.memory_space<semaphore_mem>>) src(%dma_wait3A_242 : memref<4096x512xi32, #tpu.memory_space<hbm>>) dst(%dma_wait3A_237 : memref<40x512xi32, #tpu.memory_space<vmem>>)
    %add3A_243 = arith.constant 160 : i32
    %add3A_244 = arith.addi %mul3A_2, %add3A_243 : i32
    %dma_start3A_245 = arith.constant 0 : i32
    %dma_start3A_246 = arith.constant 0 : i32
    %dma_start3A_247 = arith.constant 0 : i32
    %dma_start3A_248 = tpu.memref_slice %arg6[%dma_start3A_245, %dma_start3A_246, %dma_start3A_247] : memref<4x40x512xi32, #tpu.memory_space<vmem>> -> memref<1x40x512xi32, #tpu.memory_space<vmem>>
    %dma_start3A_249 = tpu.memref_squeeze %dma_start3A_248 : memref<1x40x512xi32, #tpu.memory_space<vmem>> -> memref<40x512xi32, #tpu.memory_space<vmem>>
    %dma_start3A_250 = arith.constant 0 : i32
    %dma_start3A_251 = tpu.memref_slice %arg4[%add3A_244, %dma_start3A_250] : memref<10240x512xi32, #tpu.memory_space<hbm>> -> memref<40x512xi32, #tpu.memory_space<hbm>>
    %dma_start3A_252 = arith.constant 0 : i32
    %dma_start3A_253 = tpu.memref_slice %arg4[%add3A_244, %dma_start3A_252] : memref<10240x512xi32, #tpu.memory_space<hbm>> -> memref<40x512xi32, #tpu.memory_space<hbm>>
    %dma_start3A_254 = arith.constant 0 : i32
    %dma_start3A_255 = arith.constant 0 : i32
    %dma_start3A_256 = tpu.memref_slice %arg6[%dma_start3A_245, %dma_start3A_254, %dma_start3A_255] : memref<4x40x512xi32, #tpu.memory_space<vmem>> -> memref<1x40x512xi32, #tpu.memory_space<vmem>>
    %dma_start3A_257 = tpu.memref_squeeze %dma_start3A_256 : memref<1x40x512xi32, #tpu.memory_space<vmem>> -> memref<40x512xi32, #tpu.memory_space<vmem>>
    tpu.enqueue_dma source(%dma_start3A_257 : memref<40x512xi32, #tpu.memory_space<vmem>>) target(%dma_start3A_253 : memref<40x512xi32, #tpu.memory_space<hbm>>) target_semaphore(%arg11 : memref<!tpu.dma_semaphore, #tpu.memory_space<semaphore_mem>>)
    %dma_wait3A_258 = arith.constant 1 : i32
    %dma_wait3A_259 = arith.constant 0 : i32
    %dma_wait3A_260 = arith.constant 0 : i32
    %dma_wait3A_261 = tpu.memref_slice %arg6[%dma_wait3A_258, %dma_wait3A_259, %dma_wait3A_260] : memref<4x40x512xi32, #tpu.memory_space<vmem>> -> memref<1x40x512xi32, #tpu.memory_space<vmem>>
    %dma_wait3A_262 = tpu.memref_squeeze %dma_wait3A_261 : memref<1x40x512xi32, #tpu.memory_space<vmem>> -> memref<40x512xi32, #tpu.memory_space<vmem>>
    %dma_wait3A_263 = arith.constant 200 : i32
    %dma_wait3A_264 = tpu.memref_slice %arg5[%dma_wait3A_263] : memref<320xi32, #tpu.memory_space<vmem>> -> memref<40xi32, #tpu.memory_space<vmem>>
    %dma_wait3A_265 = arith.constant 0 : i32
    %dma_wait3A_266 = arith.constant 0 : i32
    %dma_wait3A_267 = tpu.memref_slice %arg2[%dma_wait3A_265, %dma_wait3A_266] : memref<4096x512xi32, #tpu.memory_space<hbm>> -> memref<4096x512xi32, #tpu.memory_space<hbm>>
    tpu.wait_indirect_dma semaphore(%arg8 : memref<!tpu.dma_semaphore, #tpu.memory_space<semaphore_mem>>) src(%dma_wait3A_267 : memref<4096x512xi32, #tpu.memory_space<hbm>>) dst(%dma_wait3A_262 : memref<40x512xi32, #tpu.memory_space<vmem>>)
    %add3A_268 = arith.constant 200 : i32
    %add3A_269 = arith.addi %mul3A_2, %add3A_268 : i32
    %dma_start3A_270 = arith.constant 1 : i32
    %dma_start3A_271 = arith.constant 0 : i32
    %dma_start3A_272 = arith.constant 0 : i32
    %dma_start3A_273 = tpu.memref_slice %arg6[%dma_start3A_270, %dma_start3A_271, %dma_start3A_272] : memref<4x40x512xi32, #tpu.memory_space<vmem>> -> memref<1x40x512xi32, #tpu.memory_space<vmem>>
    %dma_start3A_274 = tpu.memref_squeeze %dma_start3A_273 : memref<1x40x512xi32, #tpu.memory_space<vmem>> -> memref<40x512xi32, #tpu.memory_space<vmem>>
    %dma_start3A_275 = arith.constant 0 : i32
    %dma_start3A_276 = tpu.memref_slice %arg4[%add3A_269, %dma_start3A_275] : memref<10240x512xi32, #tpu.memory_space<hbm>> -> memref<40x512xi32, #tpu.memory_space<hbm>>
    %dma_start3A_277 = arith.constant 0 : i32
    %dma_start3A_278 = tpu.memref_slice %arg4[%add3A_269, %dma_start3A_277] : memref<10240x512xi32, #tpu.memory_space<hbm>> -> memref<40x512xi32, #tpu.memory_space<hbm>>
    %dma_start3A_279 = arith.constant 0 : i32
    %dma_start3A_280 = arith.constant 0 : i32
    %dma_start3A_281 = tpu.memref_slice %arg6[%dma_start3A_270, %dma_start3A_279, %dma_start3A_280] : memref<4x40x512xi32, #tpu.memory_space<vmem>> -> memref<1x40x512xi32, #tpu.memory_space<vmem>>
    %dma_start3A_282 = tpu.memref_squeeze %dma_start3A_281 : memref<1x40x512xi32, #tpu.memory_space<vmem>> -> memref<40x512xi32, #tpu.memory_space<vmem>>
    tpu.enqueue_dma source(%dma_start3A_282 : memref<40x512xi32, #tpu.memory_space<vmem>>) target(%dma_start3A_278 : memref<40x512xi32, #tpu.memory_space<hbm>>) target_semaphore(%arg12 : memref<!tpu.dma_semaphore, #tpu.memory_space<semaphore_mem>>)
    %dma_wait3A_283 = arith.constant 2 : i32
    %dma_wait3A_284 = arith.constant 0 : i32
    %dma_wait3A_285 = arith.constant 0 : i32
    %dma_wait3A_286 = tpu.memref_slice %arg6[%dma_wait3A_283, %dma_wait3A_284, %dma_wait3A_285] : memref<4x40x512xi32, #tpu.memory_space<vmem>> -> memref<1x40x512xi32, #tpu.memory_space<vmem>>
    %dma_wait3A_287 = tpu.memref_squeeze %dma_wait3A_286 : memref<1x40x512xi32, #tpu.memory_space<vmem>> -> memref<40x512xi32, #tpu.memory_space<vmem>>
    %dma_wait3A_288 = arith.constant 240 : i32
    %dma_wait3A_289 = tpu.memref_slice %arg5[%dma_wait3A_288] : memref<320xi32, #tpu.memory_space<vmem>> -> memref<40xi32, #tpu.memory_space<vmem>>
    %dma_wait3A_290 = arith.constant 0 : i32
    %dma_wait3A_291 = arith.constant 0 : i32
    %dma_wait3A_292 = tpu.memref_slice %arg2[%dma_wait3A_290, %dma_wait3A_291] : memref<4096x512xi32, #tpu.memory_space<hbm>> -> memref<4096x512xi32, #tpu.memory_space<hbm>>
    tpu.wait_indirect_dma semaphore(%arg9 : memref<!tpu.dma_semaphore, #tpu.memory_space<semaphore_mem>>) src(%dma_wait3A_292 : memref<4096x512xi32, #tpu.memory_space<hbm>>) dst(%dma_wait3A_287 : memref<40x512xi32, #tpu.memory_space<vmem>>)
    %add3A_293 = arith.constant 240 : i32
    %add3A_294 = arith.addi %mul3A_2, %add3A_293 : i32
    %dma_start3A_295 = arith.constant 2 : i32
    %dma_start3A_296 = arith.constant 0 : i32
    %dma_start3A_297 = arith.constant 0 : i32
    %dma_start3A_298 = tpu.memref_slice %arg6[%dma_start3A_295, %dma_start3A_296, %dma_start3A_297] : memref<4x40x512xi32, #tpu.memory_space<vmem>> -> memref<1x40x512xi32, #tpu.memory_space<vmem>>
    %dma_start3A_299 = tpu.memref_squeeze %dma_start3A_298 : memref<1x40x512xi32, #tpu.memory_space<vmem>> -> memref<40x512xi32, #tpu.memory_space<vmem>>
    %dma_start3A_300 = arith.constant 0 : i32
    %dma_start3A_301 = tpu.memref_slice %arg4[%add3A_294, %dma_start3A_300] : memref<10240x512xi32, #tpu.memory_space<hbm>> -> memref<40x512xi32, #tpu.memory_space<hbm>>
    %dma_start3A_302 = arith.constant 0 : i32
    %dma_start3A_303 = tpu.memref_slice %arg4[%add3A_294, %dma_start3A_302] : memref<10240x512xi32, #tpu.memory_space<hbm>> -> memref<40x512xi32, #tpu.memory_space<hbm>>
    %dma_start3A_304 = arith.constant 0 : i32
    %dma_start3A_305 = arith.constant 0 : i32
    %dma_start3A_306 = tpu.memref_slice %arg6[%dma_start3A_295, %dma_start3A_304, %dma_start3A_305] : memref<4x40x512xi32, #tpu.memory_space<vmem>> -> memref<1x40x512xi32, #tpu.memory_space<vmem>>
    %dma_start3A_307 = tpu.memref_squeeze %dma_start3A_306 : memref<1x40x512xi32, #tpu.memory_space<vmem>> -> memref<40x512xi32, #tpu.memory_space<vmem>>
    tpu.enqueue_dma source(%dma_start3A_307 : memref<40x512xi32, #tpu.memory_space<vmem>>) target(%dma_start3A_303 : memref<40x512xi32, #tpu.memory_space<hbm>>) target_semaphore(%arg13 : memref<!tpu.dma_semaphore, #tpu.memory_space<semaphore_mem>>)
    %dma_wait3A_308 = arith.constant 3 : i32
    %dma_wait3A_309 = arith.constant 0 : i32
    %dma_wait3A_310 = arith.constant 0 : i32
    %dma_wait3A_311 = tpu.memref_slice %arg6[%dma_wait3A_308, %dma_wait3A_309, %dma_wait3A_310] : memref<4x40x512xi32, #tpu.memory_space<vmem>> -> memref<1x40x512xi32, #tpu.memory_space<vmem>>
    %dma_wait3A_312 = tpu.memref_squeeze %dma_wait3A_311 : memref<1x40x512xi32, #tpu.memory_space<vmem>> -> memref<40x512xi32, #tpu.memory_space<vmem>>
    %dma_wait3A_313 = arith.constant 280 : i32
    %dma_wait3A_314 = tpu.memref_slice %arg5[%dma_wait3A_313] : memref<320xi32, #tpu.memory_space<vmem>> -> memref<40xi32, #tpu.memory_space<vmem>>
    %dma_wait3A_315 = arith.constant 0 : i32
    %dma_wait3A_316 = arith.constant 0 : i32
    %dma_wait3A_317 = tpu.memref_slice %arg2[%dma_wait3A_315, %dma_wait3A_316] : memref<4096x512xi32, #tpu.memory_space<hbm>> -> memref<4096x512xi32, #tpu.memory_space<hbm>>
    tpu.wait_indirect_dma semaphore(%arg10 : memref<!tpu.dma_semaphore, #tpu.memory_space<semaphore_mem>>) src(%dma_wait3A_317 : memref<4096x512xi32, #tpu.memory_space<hbm>>) dst(%dma_wait3A_312 : memref<40x512xi32, #tpu.memory_space<vmem>>)
    %add3A_318 = arith.constant 280 : i32
    %add3A_319 = arith.addi %mul3A_2, %add3A_318 : i32
    %dma_start3A_320 = arith.constant 3 : i32
    %dma_start3A_321 = arith.constant 0 : i32
    %dma_start3A_322 = arith.constant 0 : i32
    %dma_start3A_323 = tpu.memref_slice %arg6[%dma_start3A_320, %dma_start3A_321, %dma_start3A_322] : memref<4x40x512xi32, #tpu.memory_space<vmem>> -> memref<1x40x512xi32, #tpu.memory_space<vmem>>
    %dma_start3A_324 = tpu.memref_squeeze %dma_start3A_323 : memref<1x40x512xi32, #tpu.memory_space<vmem>> -> memref<40x512xi32, #tpu.memory_space<vmem>>
    %dma_start3A_325 = arith.constant 0 : i32
    %dma_start3A_326 = tpu.memref_slice %arg4[%add3A_319, %dma_start3A_325] : memref<10240x512xi32, #tpu.memory_space<hbm>> -> memref<40x512xi32, #tpu.memory_space<hbm>>
    %dma_start3A_327 = arith.constant 0 : i32
    %dma_start3A_328 = tpu.memref_slice %arg4[%add3A_319, %dma_start3A_327] : memref<10240x512xi32, #tpu.memory_space<hbm>> -> memref<40x512xi32, #tpu.memory_space<hbm>>
    %dma_start3A_329 = arith.constant 0 : i32
    %dma_start3A_330 = arith.constant 0 : i32
    %dma_start3A_331 = tpu.memref_slice %arg6[%dma_start3A_320, %dma_start3A_329, %dma_start3A_330] : memref<4x40x512xi32, #tpu.memory_space<vmem>> -> memref<1x40x512xi32, #tpu.memory_space<vmem>>
    %dma_start3A_332 = tpu.memref_squeeze %dma_start3A_331 : memref<1x40x512xi32, #tpu.memory_space<vmem>> -> memref<40x512xi32, #tpu.memory_space<vmem>>
    tpu.enqueue_dma source(%dma_start3A_332 : memref<40x512xi32, #tpu.memory_space<vmem>>) target(%dma_start3A_328 : memref<40x512xi32, #tpu.memory_space<hbm>>) target_semaphore(%arg14 : memref<!tpu.dma_semaphore, #tpu.memory_space<semaphore_mem>>)
    %dma_wait3A_333 = arith.constant 0 : i32
    %dma_wait3A_334 = arith.constant 0 : i32
    %dma_wait3A_335 = arith.constant 0 : i32
    %dma_wait3A_336 = tpu.memref_slice %arg6[%dma_wait3A_333, %dma_wait3A_334, %dma_wait3A_335] : memref<4x40x512xi32, #tpu.memory_space<vmem>> -> memref<1x40x512xi32, #tpu.memory_space<vmem>>
    %dma_wait3A_337 = tpu.memref_squeeze %dma_wait3A_336 : memref<1x40x512xi32, #tpu.memory_space<vmem>> -> memref<40x512xi32, #tpu.memory_space<vmem>>
    %dma_wait3A_338 = arith.constant 0 : i32
    %dma_wait3A_339 = tpu.memref_slice %arg4[%add3A_244, %dma_wait3A_338] : memref<10240x512xi32, #tpu.memory_space<hbm>> -> memref<40x512xi32, #tpu.memory_space<hbm>>
    %dma_wait3A_340 = arith.constant 0 : i32
    %dma_wait3A_341 = tpu.memref_slice %arg4[%add3A_244, %dma_wait3A_340] : memref<10240x512xi32, #tpu.memory_space<hbm>> -> memref<40x512xi32, #tpu.memory_space<hbm>>
    %dma_wait3A_342 = arith.constant 0 : i32
    %dma_wait3A_343 = arith.constant 0 : i32
    %dma_wait3A_344 = tpu.memref_slice %arg6[%dma_wait3A_333, %dma_wait3A_342, %dma_wait3A_343] : memref<4x40x512xi32, #tpu.memory_space<vmem>> -> memref<1x40x512xi32, #tpu.memory_space<vmem>>
    %dma_wait3A_345 = tpu.memref_squeeze %dma_wait3A_344 : memref<1x40x512xi32, #tpu.memory_space<vmem>> -> memref<40x512xi32, #tpu.memory_space<vmem>>
    tpu.wait_dma2 semaphore(%arg11 : memref<!tpu.dma_semaphore, #tpu.memory_space<semaphore_mem>>) src(%dma_wait3A_345 : memref<40x512xi32, #tpu.memory_space<vmem>>) dst(%dma_wait3A_341 : memref<40x512xi32, #tpu.memory_space<hbm>>)
    %dma_wait3A_346 = arith.constant 1 : i32
    %dma_wait3A_347 = arith.constant 0 : i32
    %dma_wait3A_348 = arith.constant 0 : i32
    %dma_wait3A_349 = tpu.memref_slice %arg6[%dma_wait3A_346, %dma_wait3A_347, %dma_wait3A_348] : memref<4x40x512xi32, #tpu.memory_space<vmem>> -> memref<1x40x512xi32, #tpu.memory_space<vmem>>
    %dma_wait3A_350 = tpu.memref_squeeze %dma_wait3A_349 : memref<1x40x512xi32, #tpu.memory_space<vmem>> -> memref<40x512xi32, #tpu.memory_space<vmem>>
    %dma_wait3A_351 = arith.constant 0 : i32
    %dma_wait3A_352 = tpu.memref_slice %arg4[%add3A_269, %dma_wait3A_351] : memref<10240x512xi32, #tpu.memory_space<hbm>> -> memref<40x512xi32, #tpu.memory_space<hbm>>
    %dma_wait3A_353 = arith.constant 0 : i32
    %dma_wait3A_354 = tpu.memref_slice %arg4[%add3A_269, %dma_wait3A_353] : memref<10240x512xi32, #tpu.memory_space<hbm>> -> memref<40x512xi32, #tpu.memory_space<hbm>>
    %dma_wait3A_355 = arith.constant 0 : i32
    %dma_wait3A_356 = arith.constant 0 : i32
    %dma_wait3A_357 = tpu.memref_slice %arg6[%dma_wait3A_346, %dma_wait3A_355, %dma_wait3A_356] : memref<4x40x512xi32, #tpu.memory_space<vmem>> -> memref<1x40x512xi32, #tpu.memory_space<vmem>>
    %dma_wait3A_358 = tpu.memref_squeeze %dma_wait3A_357 : memref<1x40x512xi32, #tpu.memory_space<vmem>> -> memref<40x512xi32, #tpu.memory_space<vmem>>
    tpu.wait_dma2 semaphore(%arg12 : memref<!tpu.dma_semaphore, #tpu.memory_space<semaphore_mem>>) src(%dma_wait3A_358 : memref<40x512xi32, #tpu.memory_space<vmem>>) dst(%dma_wait3A_354 : memref<40x512xi32, #tpu.memory_space<hbm>>)
    %dma_wait3A_359 = arith.constant 2 : i32
    %dma_wait3A_360 = arith.constant 0 : i32
    %dma_wait3A_361 = arith.constant 0 : i32
    %dma_wait3A_362 = tpu.memref_slice %arg6[%dma_wait3A_359, %dma_wait3A_360, %dma_wait3A_361] : memref<4x40x512xi32, #tpu.memory_space<vmem>> -> memref<1x40x512xi32, #tpu.memory_space<vmem>>
    %dma_wait3A_363 = tpu.memref_squeeze %dma_wait3A_362 : memref<1x40x512xi32, #tpu.memory_space<vmem>> -> memref<40x512xi32, #tpu.memory_space<vmem>>
    %dma_wait3A_364 = arith.constant 0 : i32
    %dma_wait3A_365 = tpu.memref_slice %arg4[%add3A_294, %dma_wait3A_364] : memref<10240x512xi32, #tpu.memory_space<hbm>> -> memref<40x512xi32, #tpu.memory_space<hbm>>
    %dma_wait3A_366 = arith.constant 0 : i32
    %dma_wait3A_367 = tpu.memref_slice %arg4[%add3A_294, %dma_wait3A_366] : memref<10240x512xi32, #tpu.memory_space<hbm>> -> memref<40x512xi32, #tpu.memory_space<hbm>>
    %dma_wait3A_368 = arith.constant 0 : i32
    %dma_wait3A_369 = arith.constant 0 : i32
    %dma_wait3A_370 = tpu.memref_slice %arg6[%dma_wait3A_359, %dma_wait3A_368, %dma_wait3A_369] : memref<4x40x512xi32, #tpu.memory_space<vmem>> -> memref<1x40x512xi32, #tpu.memory_space<vmem>>
    %dma_wait3A_371 = tpu.memref_squeeze %dma_wait3A_370 : memref<1x40x512xi32, #tpu.memory_space<vmem>> -> memref<40x512xi32, #tpu.memory_space<vmem>>
    tpu.wait_dma2 semaphore(%arg13 : memref<!tpu.dma_semaphore, #tpu.memory_space<semaphore_mem>>) src(%dma_wait3A_371 : memref<40x512xi32, #tpu.memory_space<vmem>>) dst(%dma_wait3A_367 : memref<40x512xi32, #tpu.memory_space<hbm>>)
    %dma_wait3A_372 = arith.constant 3 : i32
    %dma_wait3A_373 = arith.constant 0 : i32
    %dma_wait3A_374 = arith.constant 0 : i32
    %dma_wait3A_375 = tpu.memref_slice %arg6[%dma_wait3A_372, %dma_wait3A_373, %dma_wait3A_374] : memref<4x40x512xi32, #tpu.memory_space<vmem>> -> memref<1x40x512xi32, #tpu.memory_space<vmem>>
    %dma_wait3A_376 = tpu.memref_squeeze %dma_wait3A_375 : memref<1x40x512xi32, #tpu.memory_space<vmem>> -> memref<40x512xi32, #tpu.memory_space<vmem>>
    %dma_wait3A_377 = arith.constant 0 : i32
    %dma_wait3A_378 = tpu.memref_slice %arg4[%add3A_319, %dma_wait3A_377] : memref<10240x512xi32, #tpu.memory_space<hbm>> -> memref<40x512xi32, #tpu.memory_space<hbm>>
    %dma_wait3A_379 = arith.constant 0 : i32
    %dma_wait3A_380 = tpu.memref_slice %arg4[%add3A_319, %dma_wait3A_379] : memref<10240x512xi32, #tpu.memory_space<hbm>> -> memref<40x512xi32, #tpu.memory_space<hbm>>
    %dma_wait3A_381 = arith.constant 0 : i32
    %dma_wait3A_382 = arith.constant 0 : i32
    %dma_wait3A_383 = tpu.memref_slice %arg6[%dma_wait3A_372, %dma_wait3A_381, %dma_wait3A_382] : memref<4x40x512xi32, #tpu.memory_space<vmem>> -> memref<1x40x512xi32, #tpu.memory_space<vmem>>
    %dma_wait3A_384 = tpu.memref_squeeze %dma_wait3A_383 : memref<1x40x512xi32, #tpu.memory_space<vmem>> -> memref<40x512xi32, #tpu.memory_space<vmem>>
    tpu.wait_dma2 semaphore(%arg14 : memref<!tpu.dma_semaphore, #tpu.memory_space<semaphore_mem>>) src(%dma_wait3A_384 : memref<40x512xi32, #tpu.memory_space<vmem>>) dst(%dma_wait3A_380 : memref<40x512xi32, #tpu.memory_space<hbm>>)
    return
  }
}

module attributes {stable_mosaic.version = 14 : i64} {
  func.func @_shared_kernel(%arg0: i32, %arg1: memref<256x1024xf32, #tpu.memory_space<vmem>>, %arg2: memref<128x1024xf32, #tpu.memory_space<vmem>>, %arg3: memref<512x1024xbf16, #tpu.memory_space<vmem>>, %arg4: memref<512x1024xbf16, #tpu.memory_space<vmem>>, %arg5: memref<1024x512xbf16, #tpu.memory_space<vmem>>, %arg6: memref<256x1024xf32, #tpu.memory_space<vmem>>, %arg7: memref<256x128xf32, #tpu.memory_space<vmem>>, %arg8: memref<256x512xi32, #tpu.memory_space<vmem>>) attributes {dimension_semantics = [#tpu.dimension_semantics<arbitrary>], iteration_bounds = array<i64: 16>, scalar_prefetch = 0 : i64, scratch_operands = 0 : i64, tpu.core_type = #tpu.core_type<tc>, window_params = [{transform_indices = @transform_0, window_bounds = array<i64: 256, 1024>}, {pipeline_mode = #tpu.pipeline_mode<synchronous>, transform_indices = @transform_1, window_bounds = array<i64: 128, 1024>}, {pipeline_mode = #tpu.pipeline_mode<synchronous>, transform_indices = @transform_2, window_bounds = array<i64: 512, 1024>}, {pipeline_mode = #tpu.pipeline_mode<synchronous>, transform_indices = @transform_3, window_bounds = array<i64: 512, 1024>}, {pipeline_mode = #tpu.pipeline_mode<synchronous>, transform_indices = @transform_4, window_bounds = array<i64: 1024, 512>}, {transform_indices = @transform_5, window_bounds = array<i64: 256, 1024>}, {transform_indices = @transform_6, window_bounds = array<i64: 256, 128>}, {transform_indices = @transform_7, window_bounds = array<i64: 256, 512>}]} {
    %get3A = arith.constant 0 : index
    %get3A_0 = arith.constant 0 : index
    %get3A_1 = vector.load %arg1[%get3A, %get3A_0] : memref<256x1024xf32, #tpu.memory_space<vmem>>, vector<256x1024xf32>
    %convert_element_type3A = arith.truncf %get3A_1 : vector<256x1024xf32> to vector<256x1024xbf16>
    %slice3A = vector.extract_strided_slice %convert_element_type3A {offsets = [0, 0], sizes = [256, 512], strides = [1, 1]} : vector<256x1024xbf16> to vector<256x512xbf16>
    %bitcast_convert_type3A = tpu.bitcast %slice3A : vector<256x512xbf16> -> vector<256x512xi16>
    %convert_element_type3A_2 = arith.extui %bitcast_convert_type3A : vector<256x512xi16> to vector<256x512xi32>
    %slice3A_3 = vector.extract_strided_slice %convert_element_type3A {offsets = [0, 512], sizes = [256, 512], strides = [1, 1]} : vector<256x1024xbf16> to vector<256x512xbf16>
    %bitcast_convert_type3A_4 = tpu.bitcast %slice3A_3 : vector<256x512xbf16> -> vector<256x512xi16>
    %convert_element_type3A_5 = arith.extui %bitcast_convert_type3A_4 : vector<256x512xi16> to vector<256x512xi32>
    %shift_left3A = arith.constant 16 : i32
    %shift_left3A_6 = vector.broadcast %shift_left3A : i32 to vector<256x512xi32>
    %shift_left3A_7 = arith.shli %convert_element_type3A_5, %shift_left3A_6 : vector<256x512xi32>
    %or3A = arith.ori %shift_left3A_7, %convert_element_type3A_2 : vector<256x512xi32>
    %bitcast_convert_type3A_8 = tpu.bitcast %or3A : vector<256x512xi32> -> vector<256x512xi32>
    %swap3A = arith.constant 0 : index
    %swap3A_9 = arith.constant 0 : index
    %swap3A_10 = vector.load %arg8[%swap3A, %swap3A_9] : memref<256x512xi32, #tpu.memory_space<vmem>>, vector<256x512xi32>
    tpu.vector_store %arg8[%swap3A, %swap3A_9], %bitcast_convert_type3A_8 {strides = array<i32>} : memref<256x512xi32, #tpu.memory_space<vmem>>, vector<256x512xi32>,
    %get3A_11 = arith.constant 0 : index
    %get3A_12 = arith.constant 0 : index
    %get3A_13 = vector.load %arg3[%get3A_11, %get3A_12] : memref<512x1024xbf16, #tpu.memory_space<vmem>>, vector<512x1024xbf16>
    %dot_general3A = arith.constant dense<0.000000e+00> : vector<256x512xf32>
    %dot_general3A_14 = tpu.matmul %convert_element_type3A, %get3A_13, %dot_general3A {dimension_numbers = #tpu.dot_dimension_numbers<[1], [1], [0], [0], [0, 0, 1, 0], [], []>, transpose_lhs_hint = false} : vector<256x1024xbf16>, vector<512x1024xbf16>, vector<256x512xf32> -> vector<256x512xf32>
    %get3A_15 = arith.constant 0 : index
    %get3A_16 = arith.constant 0 : index
    %get3A_17 = vector.load %arg4[%get3A_15, %get3A_16] : memref<512x1024xbf16, #tpu.memory_space<vmem>>, vector<512x1024xbf16>
    %dot_general3A_18 = arith.constant dense<0.000000e+00> : vector<256x512xf32>
    %dot_general3A_19 = tpu.matmul %convert_element_type3A, %get3A_17, %dot_general3A_18 {dimension_numbers = #tpu.dot_dimension_numbers<[1], [1], [0], [0], [0, 0, 1, 0], [], []>, transpose_lhs_hint = false} : vector<256x1024xbf16>, vector<512x1024xbf16>, vector<256x512xf32> -> vector<256x512xf32>
    %logistic3A = arith.negf %dot_general3A_14 : vector<256x512xf32>
    %logistic3A_20 = math.exp %logistic3A : vector<256x512xf32>
    %logistic3A_21 = arith.constant 1.000000e+00 : f32
    %logistic3A_22 = vector.broadcast %logistic3A_21 : f32 to vector<256x512xf32>
    %logistic3A_23 = arith.addf %logistic3A_22, %logistic3A_20 : vector<256x512xf32>
    %logistic3A_24 = arith.divf %logistic3A_22, %logistic3A_23 : vector<256x512xf32>
    %mul3A = arith.mulf %dot_general3A_14, %logistic3A_24 : vector<256x512xf32>
    %mul3A_25 = arith.mulf %mul3A, %dot_general3A_19 : vector<256x512xf32>
    %convert_element_type3A_26 = arith.truncf %mul3A_25 : vector<256x512xf32> to vector<256x512xbf16>
    %get3A_27 = arith.constant 0 : index
    %get3A_28 = arith.constant 0 : index
    %get3A_29 = vector.load %arg5[%get3A_27, %get3A_28] : memref<1024x512xbf16, #tpu.memory_space<vmem>>, vector<1024x512xbf16>
    %dot_general3A_30 = arith.constant dense<0.000000e+00> : vector<256x1024xf32>
    %dot_general3A_31 = tpu.matmul %convert_element_type3A_26, %get3A_29, %dot_general3A_30 {dimension_numbers = #tpu.dot_dimension_numbers<[1], [1], [0], [0], [0, 0, 1, 0], [], []>, transpose_lhs_hint = false} : vector<256x512xbf16>, vector<1024x512xbf16>, vector<256x1024xf32> -> vector<256x1024xf32>
    %swap3A_32 = arith.constant 0 : index
    %swap3A_33 = arith.constant 0 : index
    %swap3A_34 = vector.load %arg6[%swap3A_32, %swap3A_33] : memref<256x1024xf32, #tpu.memory_space<vmem>>, vector<256x1024xf32>
    tpu.vector_store %arg6[%swap3A_32, %swap3A_33], %dot_general3A_31 {strides = array<i32>} : memref<256x1024xf32, #tpu.memory_space<vmem>>, vector<256x1024xf32>,
    %get3A_35 = arith.constant 0 : index
    %get3A_36 = arith.constant 0 : index
    %get3A_37 = vector.load %arg2[%get3A_35, %get3A_36] : memref<128x1024xf32, #tpu.memory_space<vmem>>, vector<128x1024xf32>
    %dot_general3A_38 = arith.constant dense<0.000000e+00> : vector<256x128xf32>
    %dot_general3A_39 = tpu.matmul %get3A_1, %get3A_37, %dot_general3A_38 {dimension_numbers = #tpu.dot_dimension_numbers<[1], [1], [0], [0], [0, 0, 1, 0], [], []>, transpose_lhs_hint = false} : vector<256x1024xf32>, vector<128x1024xf32>, vector<256x128xf32> -> vector<256x128xf32>
    %swap3A_40 = arith.constant 0 : index
    %swap3A_41 = arith.constant 0 : index
    %swap3A_42 = vector.load %arg7[%swap3A_40, %swap3A_41] : memref<256x128xf32, #tpu.memory_space<vmem>>, vector<256x128xf32>
    tpu.vector_store %arg7[%swap3A_40, %swap3A_41], %dot_general3A_39 {strides = array<i32>} : memref<256x128xf32, #tpu.memory_space<vmem>>, vector<256x128xf32>,
    return
  }
  func.func @transform_0(%arg0: i32) -> (i32, i32) {
    %c0_i32 = arith.constant 0 : i32
    %c0_i32_0 = arith.constant 0 : i32
    return %arg0, %c0_i32 : i32, i32
  }
  func.func @transform_1(%arg0: i32) -> (i32, i32) {
    %c0_i32 = arith.constant 0 : i32
    %c0_i32_0 = arith.constant 0 : i32
    %c0_i32_1 = arith.constant 0 : i32
    return %c0_i32, %c0_i32_0 : i32, i32
  }
  func.func @transform_2(%arg0: i32) -> (i32, i32) {
    %c0_i32 = arith.constant 0 : i32
    %c0_i32_0 = arith.constant 0 : i32
    %c0_i32_1 = arith.constant 0 : i32
    return %c0_i32, %c0_i32_0 : i32, i32
  }
  func.func @transform_3(%arg0: i32) -> (i32, i32) {
    %c0_i32 = arith.constant 0 : i32
    %c0_i32_0 = arith.constant 0 : i32
    %c0_i32_1 = arith.constant 0 : i32
    return %c0_i32, %c0_i32_0 : i32, i32
  }
  func.func @transform_4(%arg0: i32) -> (i32, i32) {
    %c0_i32 = arith.constant 0 : i32
    %c0_i32_0 = arith.constant 0 : i32
    %c0_i32_1 = arith.constant 0 : i32
    return %c0_i32, %c0_i32_0 : i32, i32
  }
  func.func @transform_5(%arg0: i32) -> (i32, i32) {
    %c0_i32 = arith.constant 0 : i32
    %c0_i32_0 = arith.constant 0 : i32
    return %arg0, %c0_i32 : i32, i32
  }
  func.func @transform_6(%arg0: i32) -> (i32, i32) {
    %c0_i32 = arith.constant 0 : i32
    %c0_i32_0 = arith.constant 0 : i32
    return %arg0, %c0_i32 : i32, i32
  }
  func.func @transform_7(%arg0: i32) -> (i32, i32) {
    %c0_i32 = arith.constant 0 : i32
    %c0_i32_0 = arith.constant 0 : i32
    return %arg0, %c0_i32 : i32, i32
  }
}

module attributes {stable_mosaic.version = 14 : i64} {
  func.func @_gmm_kernel(%arg0: i32, %arg1: memref<40xi32, #tpu.memory_space<smem>>, %arg2: memref<256x512xi32, #tpu.memory_space<vmem>>, %arg3: memref<256x1xf32, #tpu.memory_space<vmem>>, %arg4: memref<1x512x1024xbf16, #tpu.memory_space<vmem>>, %arg5: memref<1x512x1024xbf16, #tpu.memory_space<vmem>>, %arg6: memref<1x1024x512xbf16, #tpu.memory_space<vmem>>, %arg7: memref<256x1024xf32, #tpu.memory_space<vmem>>) attributes {dimension_semantics = [#tpu.dimension_semantics<arbitrary>], iteration_bounds = array<i64: 40>, scalar_prefetch = 1 : i64, scratch_operands = 0 : i64, tpu.core_type = #tpu.core_type<tc>, window_params = [{transform_indices = @transform_0, window_bounds = array<i64: 256, 512>}, {transform_indices = @transform_1, window_bounds = array<i64: 256, 1>}, {transform_indices = @transform_2, window_bounds = array<i64: 1, 512, 1024>}, {transform_indices = @transform_3, window_bounds = array<i64: 1, 512, 1024>}, {transform_indices = @transform_4, window_bounds = array<i64: 1, 1024, 512>}, {transform_indices = @transform_5, window_bounds = array<i64: 256, 1024>}]} {
    %get3A = arith.constant 0 : index
    %get3A_0 = arith.constant 0 : index
    %get3A_1 = vector.load %arg2[%get3A, %get3A_0] : memref<256x512xi32, #tpu.memory_space<vmem>>, vector<256x512xi32>
    %bitcast_convert_type3A = tpu.bitcast %get3A_1 : vector<256x512xi32> -> vector<256x512xi32>
    %and3A = arith.constant 65535 : i32
    %and3A_2 = vector.broadcast %and3A : i32 to vector<256x512xi32>
    %and3A_3 = arith.andi %bitcast_convert_type3A, %and3A_2 : vector<256x512xi32>
    %convert_element_type3A = arith.trunci %and3A_3 : vector<256x512xi32> to vector<256x512xi16>
    %bitcast_convert_type3A_4 = tpu.bitcast %convert_element_type3A : vector<256x512xi16> -> vector<256x512xbf16>
    %shift_right_logical3A = arith.constant 16 : i32
    %shift_right_logical3A_5 = vector.broadcast %shift_right_logical3A : i32 to vector<256x512xi32>
    %shift_right_logical3A_6 = arith.shrui %bitcast_convert_type3A, %shift_right_logical3A_5 : vector<256x512xi32>
    %convert_element_type3A_7 = arith.trunci %shift_right_logical3A_6 : vector<256x512xi32> to vector<256x512xi16>
    %bitcast_convert_type3A_8 = tpu.bitcast %convert_element_type3A_7 : vector<256x512xi16> -> vector<256x512xbf16>
    %get3A_9 = arith.constant 0 : index
    %get3A_10 = arith.constant 0 : index
    %get3A_11 = arith.constant 0 : index
    %get3A_12 = vector.load %arg4[%get3A_9, %get3A_10, %get3A_11] : memref<1x512x1024xbf16, #tpu.memory_space<vmem>>, vector<1x512x1024xbf16>
    %get3A_13 = vector.shape_cast %get3A_12 : vector<1x512x1024xbf16> to vector<512x1024xbf16>
    %get3A_14 = arith.constant 0 : index
    %get3A_15 = arith.constant 0 : index
    %get3A_16 = arith.constant 0 : index
    %get3A_17 = vector.load %arg5[%get3A_14, %get3A_15, %get3A_16] : memref<1x512x1024xbf16, #tpu.memory_space<vmem>>, vector<1x512x1024xbf16>
    %get3A_18 = vector.shape_cast %get3A_17 : vector<1x512x1024xbf16> to vector<512x1024xbf16>
    %slice3A = vector.extract_strided_slice %get3A_13 {offsets = [0, 0], sizes = [512, 512], strides = [1, 1]} : vector<512x1024xbf16> to vector<512x512xbf16>
    %dot_general3A = arith.constant dense<0.000000e+00> : vector<256x512xf32>
    %dot_general3A_19 = tpu.matmul %bitcast_convert_type3A_4, %slice3A, %dot_general3A {dimension_numbers = #tpu.dot_dimension_numbers<[1], [1], [0], [0], [0, 0, 1, 0], [], []>, transpose_lhs_hint = false} : vector<256x512xbf16>, vector<512x512xbf16>, vector<256x512xf32> -> vector<256x512xf32>
    %slice3A_20 = vector.extract_strided_slice %get3A_13 {offsets = [0, 512], sizes = [512, 512], strides = [1, 1]} : vector<512x1024xbf16> to vector<512x512xbf16>
    %dot_general3A_21 = arith.constant dense<0.000000e+00> : vector<256x512xf32>
    %dot_general3A_22 = tpu.matmul %bitcast_convert_type3A_8, %slice3A_20, %dot_general3A_21 {dimension_numbers = #tpu.dot_dimension_numbers<[1], [1], [0], [0], [0, 0, 1, 0], [], []>, transpose_lhs_hint = false} : vector<256x512xbf16>, vector<512x512xbf16>, vector<256x512xf32> -> vector<256x512xf32>
    %add3A = arith.addf %dot_general3A_19, %dot_general3A_22 : vector<256x512xf32>
    %slice3A_23 = vector.extract_strided_slice %get3A_18 {offsets = [0, 0], sizes = [512, 512], strides = [1, 1]} : vector<512x1024xbf16> to vector<512x512xbf16>
    %dot_general3A_24 = arith.constant dense<0.000000e+00> : vector<256x512xf32>
    %dot_general3A_25 = tpu.matmul %bitcast_convert_type3A_4, %slice3A_23, %dot_general3A_24 {dimension_numbers = #tpu.dot_dimension_numbers<[1], [1], [0], [0], [0, 0, 1, 0], [], []>, transpose_lhs_hint = false} : vector<256x512xbf16>, vector<512x512xbf16>, vector<256x512xf32> -> vector<256x512xf32>
    %slice3A_26 = vector.extract_strided_slice %get3A_18 {offsets = [0, 512], sizes = [512, 512], strides = [1, 1]} : vector<512x1024xbf16> to vector<512x512xbf16>
    %dot_general3A_27 = arith.constant dense<0.000000e+00> : vector<256x512xf32>
    %dot_general3A_28 = tpu.matmul %bitcast_convert_type3A_8, %slice3A_26, %dot_general3A_27 {dimension_numbers = #tpu.dot_dimension_numbers<[1], [1], [0], [0], [0, 0, 1, 0], [], []>, transpose_lhs_hint = false} : vector<256x512xbf16>, vector<512x512xbf16>, vector<256x512xf32> -> vector<256x512xf32>
    %add3A_29 = arith.addf %dot_general3A_25, %dot_general3A_28 : vector<256x512xf32>
    %logistic3A = arith.negf %add3A : vector<256x512xf32>
    %logistic3A_30 = math.exp %logistic3A : vector<256x512xf32>
    %logistic3A_31 = arith.constant 1.000000e+00 : f32
    %logistic3A_32 = vector.broadcast %logistic3A_31 : f32 to vector<256x512xf32>
    %logistic3A_33 = arith.addf %logistic3A_32, %logistic3A_30 : vector<256x512xf32>
    %logistic3A_34 = arith.divf %logistic3A_32, %logistic3A_33 : vector<256x512xf32>
    %mul3A = arith.mulf %add3A, %logistic3A_34 : vector<256x512xf32>
    %mul3A_35 = arith.mulf %mul3A, %add3A_29 : vector<256x512xf32>
    %convert_element_type3A_36 = arith.truncf %mul3A_35 : vector<256x512xf32> to vector<256x512xbf16>
    %get3A_37 = arith.constant 0 : index
    %get3A_38 = arith.constant 0 : index
    %get3A_39 = arith.constant 0 : index
    %get3A_40 = vector.load %arg6[%get3A_37, %get3A_38, %get3A_39] : memref<1x1024x512xbf16, #tpu.memory_space<vmem>>, vector<1x1024x512xbf16>
    %get3A_41 = vector.shape_cast %get3A_40 : vector<1x1024x512xbf16> to vector<1024x512xbf16>
    %dot_general3A_42 = arith.constant dense<0.000000e+00> : vector<256x1024xf32>
    %dot_general3A_43 = tpu.matmul %convert_element_type3A_36, %get3A_41, %dot_general3A_42 {dimension_numbers = #tpu.dot_dimension_numbers<[1], [1], [0], [0], [0, 0, 1, 0], [], []>, transpose_lhs_hint = false} : vector<256x512xbf16>, vector<1024x512xbf16>, vector<256x1024xf32> -> vector<256x1024xf32>
    %get3A_44 = arith.constant 0 : index
    %get3A_45 = arith.constant 0 : index
    %get3A_46 = vector.load %arg3[%get3A_44, %get3A_45] : memref<256x1xf32, #tpu.memory_space<vmem>>, vector<256x1xf32>
    %mul3A_47 = vector.broadcast %get3A_46 : vector<256x1xf32> to vector<256x1024xf32>
    %mul3A_48 = arith.mulf %dot_general3A_43, %mul3A_47 : vector<256x1024xf32>
    %swap3A = arith.constant 0 : index
    %swap3A_49 = arith.constant 0 : index
    %swap3A_50 = vector.load %arg7[%swap3A, %swap3A_49] : memref<256x1024xf32, #tpu.memory_space<vmem>>, vector<256x1024xf32>
    tpu.vector_store %arg7[%swap3A, %swap3A_49], %mul3A_48 {strides = array<i32>} : memref<256x1024xf32, #tpu.memory_space<vmem>>, vector<256x1024xf32>,
    return
  }
  func.func @transform_0(%arg0: i32, %arg1: memref<40xi32, #tpu.memory_space<smem>>) -> (i32, i32) {
    %c0_i32 = arith.constant 0 : i32
    %c0_i32_0 = arith.constant 0 : i32
    return %arg0, %c0_i32 : i32, i32
  }
  func.func @transform_1(%arg0: i32, %arg1: memref<40xi32, #tpu.memory_space<smem>>) -> (i32, i32) {
    %c0_i32 = arith.constant 0 : i32
    %c0_i32_0 = arith.constant 0 : i32
    return %arg0, %c0_i32 : i32, i32
  }
  func.func @transform_2(%arg0: i32, %arg1: memref<40xi32, #tpu.memory_space<smem>>) -> (i32, i32, i32) {
    %get3A = arith.index_cast %arg0 : i32 to index
    %get3A_0 = memref.load %arg1[%get3A] : memref<40xi32, #tpu.memory_space<smem>>
    %c0_i32 = arith.constant 0 : i32
    %c0_i32_1 = arith.constant 0 : i32
    %c0_i32_2 = arith.constant 0 : i32
    return %get3A_0, %c0_i32, %c0_i32_1 : i32, i32, i32
  }
  func.func @transform_3(%arg0: i32, %arg1: memref<40xi32, #tpu.memory_space<smem>>) -> (i32, i32, i32) {
    %get3A = arith.index_cast %arg0 : i32 to index
    %get3A_0 = memref.load %arg1[%get3A] : memref<40xi32, #tpu.memory_space<smem>>
    %c0_i32 = arith.constant 0 : i32
    %c0_i32_1 = arith.constant 0 : i32
    %c0_i32_2 = arith.constant 0 : i32
    return %get3A_0, %c0_i32, %c0_i32_1 : i32, i32, i32
  }
  func.func @transform_4(%arg0: i32, %arg1: memref<40xi32, #tpu.memory_space<smem>>) -> (i32, i32, i32) {
    %get3A = arith.index_cast %arg0 : i32 to index
    %get3A_0 = memref.load %arg1[%get3A] : memref<40xi32, #tpu.memory_space<smem>>
    %c0_i32 = arith.constant 0 : i32
    %c0_i32_1 = arith.constant 0 : i32
    %c0_i32_2 = arith.constant 0 : i32
    return %get3A_0, %c0_i32, %c0_i32_1 : i32, i32, i32
  }
  func.func @transform_5(%arg0: i32, %arg1: memref<40xi32, #tpu.memory_space<smem>>) -> (i32, i32) {
    %c0_i32 = arith.constant 0 : i32
    %c0_i32_0 = arith.constant 0 : i32
    return %arg0, %c0_i32 : i32, i32
  }
}

</mosaic_0001>

<sc_bundles>
// kernel: kernel.6.cloned.1.call-start
scs
__scs_entry_jumppad:
0x0: {  	(pc) =	sbr.rel $0x88, $3  }
0x1: {  	(tag) =	ssettag $0x0;
	lr =	simm.s32 $0x1  }
0x2: {  	[smem:$0x3F99] =	sst lr;
	_ =	strace $0xD0000000  }
0x3: {  	_ = 	snop  }
0x4: {  	_ = 	snop  }
0x5: {  	_ = 	snop  }
0x6: {  	_ = 	snop  }
0x7: {  	_ = 	snop  }
__scs_overlays_trampoline_lowered:
0x8: {  	[smem:$0x3FA8] =	sst s0  }
0x9: {  	[smem:$0x3FA9] =	sst s1  }
0xa: {  	[smem:$0x3FAA] =	sst s2  }
0xb: {  	[smem:$0x3FAB] =	sst s3  }
0xc: {  	[smem:$0x3FAC] =	sst s4  }
0xd: {  	[smem:$0x3FAD] =	sst s5  }
0xe: {  	[smem:$0x3FAE] =	sst s6  }
0xf: {  	[smem:$0x3FAF] =	sst s7  }
0x10: {  	[smem:$0x3FB0] =	sst s8  }
0x11: {  	[smem:$0x3FB1] =	sst s9;
	s0 =	simm.s32 @!p0 $0x0  }
0x12: {  	s1 =	sld [smem:$0x3F97];
	s0 =	simm.s32 @p0 $0x1  }
0x13: {  	[smem:$0x3FB2] =	sst s0;
	s0 =	simm.s32 @!p1 $0x0  }
0x14: {  	s2 =	sld [smem:$0x3F96];
	s0 =	simm.s32 @p1 $0x1  }
0x15: {  	[smem:$0x3FB3] =	sst s0;
	s0 =	simm.s32 @!p2 $0x0  }
0x16: {  	s3 =	sld [smem:$0x3FDB];
	s0 =	simm.s32 @p2 $0x1  }
0x17: {  	s4 =	simm.s32 $0x1BF5;
	[smem:$0x3FB5] =	sst s0  }
0x18: {  	s0 =	sld [smem:$0x3F98];
	_ =	swait.ge [sflag:s4], $0x0  }
0x19: {  	s7 =	sld [smem:$0x3F99]  }
0x1a: {  	s8 =	sadd.s32 $0xFFFFE003, lr  }
0x1b: {  	s9 =	sadd.s32 $0xFFFFFEF7, lr;
	s5 =	simm.s32 $0xFFFFFFFF;
	p2 =	slt.u32 s8, $0xFFFFF086  }
0x1c: {  	p1 =	slt.u32 s9, $0xF7A;
	s5 =	simm.s32 @!p2 $0x0  }
0x1d: {  	s5 =	simm.s32 @p1 $0x1;
	p0 =	seq.s32 s7, s2  }
0x1e: {  	s7 =	smul.u32 @!p0 $0xF7A, s2;
	p2 =	seq.s32 @!p0 s5, $0x0  }
0x1f: {  	s9 =	smul.u32 $0xF7A, s1;
	s8 =	simm.s32 @!p0 $0x1BF5;
	p2 =	por !p2, p0  }
0x20: {  	[sflag:s8] =	ssyncset.s32 @!p0 $0xFFFFF086;
	s6 =	sadd.s32 @!p0 s3, s7;
	s7 =	simm.s32 @!p0 $0x108  }
0x21: {  	s3 =	sadd.s32 s3, s9;
	s6 =	sadd.s32 @!p0 $0x88, s6;
	s7 =	simm.s32 @p2 $0x1082  }
0x22: {  	[simem:s7], [sflag:s8] =	dma.local @!p0 [hbm:s6], $0xF7A  }
0x23: {  	s9 =	sor.u32 $0xD0000000, s2;
	s6 =	simm.s32 $0x108;
	_ =	swait.ge @!p0 [sflag:s8], $0x0  }
0x24: {  	s3 =	sadd.s32 $0x88, s3;
	s6 =	simm.s32 @!p1 $0x1082;
	[sflag:s4] =	ssyncset.s32 $0xFFFFF086  }
0x25: {  	[simem:s6], [sflag:s4] =	dma.local [hbm:s3], $0xF7A  }
0x26: {  	[smem:$0x3F99] =	sst s1;
	(tag) =	ssettag s2;
	_ =	strace s9  }
0x27: {  	s1 =	sld [smem:$0x3FA9]  }
0x28: {  	s2 =	sld [smem:$0x3FAA]  }
0x29: {  	s4 =	sld [smem:$0x3FAC]  }
0x2a: {  	p0 =	seq.s32 s5, $0x0;
	s5 =	sld [smem:$0x3FAD]  }
0x2b: {  	s6 =	sld [smem:$0x3FAE]  }
0x2c: {  	s7 =	sld [smem:$0x3FAF]  }
0x2d: {  	s3 =	simm.s32 $0x108;
	s8 =	sld [smem:$0x3FB0]  }
0x2e: {  	s3 =	simm.s32 @!p0 $0x1082;
	s9 =	sld [smem:$0x3FB1]  }
0x2f: {  	lr =	sadd.s32 s0, s3;
	s0 =	sld [smem:$0x3FA8]  }
0x30: {  	s3 =	sld [smem:$0x3FAB]  }
0x31: {  	[smem:$0x3FB4] =	sst s10  }
0x32: {  	s10 =	sld [smem:$0x3FB2];
	_ =	sdelay $0x3  }
0x33: {  	p0 =	seq.s32 s10, $0x1;
	s10 =	sld [smem:$0x3FB4];
	_ =	sdelay $0x3  }
0x34: {  	[smem:$0x3FB4] =	sst s10  }
0x35: {  	s10 =	sld [smem:$0x3FB3];
	_ =	sdelay $0x3  }
0x36: {  	p1 =	seq.s32 s10, $0x1;
	s10 =	sld [smem:$0x3FB4];
	_ =	sdelay $0x3  }
0x37: {  	[smem:$0x3FB4] =	sst s10  }
0x38: {  	s10 =	sld [smem:$0x3FB5]  }
0x39: {  	_ = 	snop;
	(pc) =	sbr.ind lr, $3  }
0x3a: {  	_ = 	snop  }
0x3b: {  	_ = 	snop  }
0x3c: {  	p2 =	seq.s32 s10, $0x1;
	s10 =	sld [smem:$0x3FB4]  }
0x3d: {  	_ =	shalt  }
0x3e: {  	_ =	shalt  }
0x3f: {  	_ =	shalt  }
0x40: {  	_ =	shalt  }
0x41: {  	_ =	shalt  }
0x42: {  	_ =	shalt  }
0x43: {  	_ =	shalt  }
0x44: {  	_ =	shalt  }
0x45: {  	_ =	shalt  }
0x46: {  	_ =	shalt  }
0x47: {  	_ =	shalt  }
0x48: {  	_ =	shalt  }
0x49: {  	_ =	shalt  }
0x4a: {  	_ =	shalt  }
0x4b: {  	_ =	shalt  }
0x4c: {  	_ =	shalt  }
0x4d: {  	_ =	shalt  }
0x4e: {  	_ =	shalt  }
0x4f: {  	_ =	shalt  }
0x50: {  	_ =	shalt  }
0x51: {  	_ =	shalt  }
0x52: {  	_ =	shalt  }
0x53: {  	_ =	shalt  }
0x54: {  	_ =	shalt  }
0x55: {  	_ =	shalt  }
0x56: {  	_ =	shalt  }
0x57: {  	_ =	shalt  }
0x58: {  	_ =	shalt  }
0x59: {  	_ =	shalt  }
0x5a: {  	_ =	shalt  }
0x5b: {  	_ =	shalt  }
0x5c: {  	_ =	shalt  }
0x5d: {  	_ =	shalt  }
0x5e: {  	_ =	shalt  }
0x5f: {  	_ =	shalt  }
0x60: {  	_ =	shalt  }
0x61: {  	_ =	shalt  }
0x62: {  	_ =	shalt  }
0x63: {  	_ =	shalt  }
0x64: {  	_ =	shalt  }
0x65: {  	_ =	shalt  }
0x66: {  	_ =	shalt  }
0x67: {  	_ =	shalt  }
0x68: {  	_ =	shalt  }
0x69: {  	_ =	shalt  }
0x6a: {  	_ =	shalt  }
0x6b: {  	_ =	shalt  }
0x6c: {  	_ =	shalt  }
0x6d: {  	_ =	shalt  }
0x6e: {  	_ =	shalt  }
0x6f: {  	_ =	shalt  }
0x70: {  	_ =	shalt  }
0x71: {  	_ =	shalt  }
0x72: {  	_ =	shalt  }
0x73: {  	_ =	shalt  }
0x74: {  	_ =	shalt  }
0x75: {  	_ =	shalt  }
0x76: {  	_ =	shalt  }
0x77: {  	_ =	shalt  }
0x78: {  	_ =	shalt  }
0x79: {  	_ =	shalt  }
0x7a: {  	_ =	shalt  }
0x7b: {  	_ =	shalt  }
0x7c: {  	_ =	shalt  }
0x7d: {  	_ =	shalt  }
0x7e: {  	_ =	shalt  }
0x7f: {  	_ =	shalt  }
0x80: {  	_ =	shalt  }
0x81: {  	_ =	shalt  }
0x82: {  	_ =	shalt  }
0x83: {  	_ =	shalt  }
0x84: {  	_ =	shalt  }
0x85: {  	_ =	shalt  }
0x86: {  	_ =	shalt  }
0x87: {  	_ =	shalt  }
.Lfunc_end0:
.L_simem_size_0:
called_computation_lowered:
.L_overlay_start_0:
0x88: {  	s2 =	sld [smem:$0x3FD9]  }
0x89: {  	s3 =	sld [smem:$0x3FFE];
	_ =	sdelay $0x1  }
0x8a: {  	s1 =	srdreg.scid  }
0x8b: {  	s0 =	sand.u32 $0x1, s1  }
0x8c: {  	s17 =	sshll.u32 s0, $0xA;
	s2 =	sadd.s32 s3, s2  }
0x8d: {  	s2 =	sadd.s32 s2, s17  }
0x8e: {  	[smem:$0x3FC0] =	sst s2  }
0x8f: {  	_ = 	snop  }
0x90: {  	s2 =	sld [smem:$0x3FD0];
	(tm) =	ssettm $0x1  }
0x91: {  	s18 =	sld [smem:$0x3FFB];
	_ =	sdelay $0x3  }
0x92: {  	_ =	strace s18  }
0x93: {  	s3 =	sld [smem:$0x3FFC];
	_ =	sdelay $0x3  }
0x94: {  	_ =	strace s3  }
0x95: {  	s3 =	sld [smem:$0x3FFD];
	_ =	sdelay $0x3  }
0x96: {  	_ =	strace s3  }
0x97: {  	_ =	strace $0x8FFFFFFF  }
0x98: {  	s19 =	sld [smem:$0x3FDB];
	_ =	sdelay $0x1  }
0x99: {  	s4 =	simm.s32 $_scs_section_size  }
0x9a: {  	s5 =	simm.s32 $_size__tile_overlayer_lowered;
	s6 =	simm.s32 $_tile_overlayer_lowered  }
0x9b: {  	s22 =	simm.s32 $0x1BFF;
	s21 =	sshll.u32 s6, $0x1;
	s3 =	sadd.s32 s4, s19  }
0x9c: {  	s7 =	simm.s32 $0x0;
	s20 =	sshll.u32 s5, $0x1;
	s5 =	sadd.s32 s21, s3  }
0x9d: {  	[timem:s7], [sflag:s22] =	dma.local [hbm:s5], s20  }
0x9e: {  	_ =	swait.ge [sflag:s22], s20  }
0x9f: {  	s4 =	ssub.s32 $0x0, s20;
	[sflag:s22] =	ssyncset.done $0x0  }
0xa0: {  	[sflag:s22] =	ssyncadd.s32 s4;
	_ =	sdelay $0x1  }
0xa1: {  	s23 =	simm.s32 $0x1B8B  }
0xa2: {  	_ =	swait.ge [sflag:s23], $0x1  }
0xa3: {  	[sflag:s23] =	ssyncset.done $0x0  }
0xa4: {  	s25 =	simm.s32 $0x1B8E;
	s24 =	sld [smem:$0x3FFE];
	[sflag:s23] =	ssyncadd.s32 $0xFFFFFFFF  }
0xa5: {  	s26 =	simm.s32 $execute0_lowered;
	[smem:$0x3FD2] =	sst s25  }
0xa6: {  	s5 =	sshll.u32 s26, $0x1;
	_ =	strace $0x80000046;
	[dreg:$0x1] =	wrdreg $0xFFFFFFFF  }
0xa7: {  	s28 =	simm.s32 $_size_execute0_lowered;
	s3 =	sadd.s32 s3, s5;
	[dreg:$0x0] =	wrdreg $0x0  }
0xa8: {  	s5 =	sshll.u32 s28, $0x1;
	[dreg:$0x2] =	wrdreg s3  }
0xa9: {  	[dreg:$0x3] =	wrdreg s5  }
0xaa: {  	[dreg:$0x4] =	wrdreg $0xC0  }
0xab: {  	_ =	task [dreg:s7], $0x5FFFF  }
0xac: {  	[dreg:$0x1] =	wrdreg $0xFFFFFFFF  }
0xad: {  	[dreg:$0x0] =	wrdreg $0x60  }
0xae: {  	[dreg:$0x2] =	wrdreg s2  }
0xaf: {  	[dreg:$0x3] =	wrdreg s24  }
0xb0: {  	[dreg:$0x4] =	wrdreg $0x9  }
0xb1: {  	_ =	task.clear_ibuf [dreg:s7], $0x5FFFF;
	_ =	strace $0x90000046  }
0xb2: {  	s29 =	simm.s32 $0x9;
	_ =	strace $0x80000048  }
0xb3: {  	_ =	swait.ge [sflag:s29], $0x1  }
0xb4: {  	[sflag:s29] =	ssyncadd.s32 $0xFFFFFFFF  }
0xb5: {  	_ =	strace $0x90000048  }
0xb6: {  	_ =	sfence  }
0xb7: {  	s30 =	sld [smem:$0x0];
	_ =	sdelay $0x2  }
0xb8: {  	s31 =	sshll.u32 s1, $0xD;
	s1 =	sshrl.u32 s1, $0x2  }
0xb9: {  	s3 =	sand.u32 $0x4000, s31;
	s1 =	sadd.s32 s1, s30  }
0xba: {  	s0 =	sor.u32 s3, s0;
	s1 =	sshll.u32 s1, $0x11  }
0xbb: {  	s0 =	sor.u32 s1, s0  }
0xbc: {  	s0 =	sadd.s32 $0x8F2B, s0  }
0xbd: {  	[sflag:s0] =	ssyncadd.remote.s32 $0x1  }
0xbe: {  	_ =	sfence.sel $0xFFFF  }
0xbf: {  	[dreg:$0x0] =	wrdreg $0xFFFFFFFF;
	(pc) =	sbr.abs _section_cstart, $3  }
0xc0: {  	[dreg:$0x1] =	wrdreg $0xFFFFFFFF  }
0xc1: {  	_ =	task.clear_ibuf [dreg:s7], $0x2FFFF;
	_ =	strace $0x9FFFFFFF  }
0xc2: {  	(tm) =	ssettm $0x7FFFFFFF  }
0xc3: {  	_ =	shalt  }
tec
execute0_lowered:
.L_overlay_start_1:
0x0: {  	(tag) =	ssettag $0x1  }
0x1: {  	s0 =	srdreg.scid;
	s2 =	rddreg [dreg:$0x0]  }
0x2: {  	s1 =	stileid.u32;
	s4 =	rddreg [dreg:$0x1]  }
0x3: {  	s3 =	simm.s32 $0x0;
	s30 =	simm.s32 $0x8;
	s12 =	simm.s32 $0x2180  }
0x4: {  	s14 =	simm.s32 $0x2980;
	s15 =	simm.s32 $0x3180;
	s16 =	simm.s32 $0x3980  }
0x5: {  	s17 =	simm.s32 $0x4180;
	s0 =	sand.u32 $0x1, s0;
	s1 =	sshll.u32 s1, $0x1  }
0x6: {  	s19 =	simm.s32 $0x4980;
	s29 =	simm.s32 $0x5180;
	s1 =	sor.u32 s0, s1  }
0x7: {  	s20 =	simm.s32 $0x5980;
	s21 =	simm.s32 $0x6180;
	s5 =	smul.u32 $0x28, s1  }
0x8: {  	s13 =	simm.s32 $0x8980;
	s18 =	simm.s32 $0x9980;
	s6 =	smul.u32 $0x5000, s1  }
0x9: {  	[smem:$0x7FF] =	sst s3;
	s1 =	smul.u32 $0x28000, s1;
	s5 =	sadd.s32 s5, s4  }
0xa: {  	_ =	strace $0x80000047;
	s4 =	sadd.s32 $0x80600, s4;
	s5 =	sadd.s32 $0x80000, s5  }
0xb: {  	s1 =	sshrl.u32 s1, $0x3;
	s6 =	sadd.s32 s4, s6;
	[dreg:$0x3] =	wrdreg s5  }
0xc: {  	s1 =	sadd.s32 s4, s1;
	[dreg:$0xb] =	wrdreg s6;
	s22 =	sadd.s32 $0xA00, s6  }
0xd: {  	s31 =	simm.s32 $0xC180;
	s4 =	sadd.s32 $0x1400, s1;
	[dreg:$0x4] =	wrdreg s22  }
0xe: {  	s0 =	ssub.s32 $0x2, s0;
	s23 =	sadd.s32 $0x1E00, s1;
	[dreg:$0x5] =	wrdreg s4  }
0xf: {  	s25 =	sshrl.u32 s0, $0x1;
	s24 =	sadd.s32 $0x2800, s1;
	[dreg:$0x6] =	wrdreg s23  }
0x10: {  	s0 =	ssub.s32 s0, s25;
	s26 =	sadd.s32 $0x3200, s1;
	[dreg:$0x7] =	wrdreg s24  }
0x11: {  	s25 =	simm.s32 $0xA180;
	s28 =	sadd.s32 $0x3C00, s1;
	[dreg:$0x8] =	wrdreg s26  }
0x12: {  	v2 =	vlaneseq.u32;
	s5 =	sadd.s32 $0x100, s2;
	s1 =	sadd.s32 $0x4600, s1;
	[dreg:$0x9] =	wrdreg s28  }
0x13: {  	vm0 =	vmmov $0xffff;
	v1 =	vshrl.u32 v2, $0x3;
	s6 =	smax.u32 s0, $0x1;
	[dreg:$0xa] =	wrdreg s1;
	s22 =	simm.s32 $0x6980  }
0x14: {  	v0 =	vand.u32 $0x7, v2;
	v2 =	vor.u32 $0x8, v2;
	v1 =	vmul.u32 $0x8, v1;
	s23 =	simm.s32 $0x7180;
	s24 =	simm.s32 $0x9180;
	s26 =	simm.s32 $0x5  }
.LBB2_1:
0x15: {  	s4 =	rddreg [dreg:$0x3];
	s0 =	simm.s32 $0x9  }
0x16: {  	[tilespmem:s3], [sflag:$0x9] =	stream.linear.gather [hbm4b:s4+s3], $0x140, $0x38;
	[tilespmem:$0x14180] =	vst v63  }
0x17: {  	_ =	swait.ge [sflag:s0], $0x140  }
0x18: {  	[sflag:s0] =	ssyncset.done $0x0  }
0x19: {  	[sflag:s0] =	ssyncadd.s32 $0xFFFFFEC0  }
0x1a: {  	v3 =	vld [tilespmem:$0x0];
	_ =	sdelay $0x4  }
0x1b: {  	v4 =	vshll.u32 v3, $0x2  }
0x1c: {  	v3 =	vand.u32 $0x7, v3;
	v4 =	vand.u32 $0xFFFFFFE0, v4  }
0x1d: {  	v3 =	vor.u32 v3, v4  }
0x1e: {  	v4 =	vperm.xlane v3, v0;
	_ =	sdelay $0x1  }
0x1f: {  	v4 =	vadd.s32 v1, v4;
	_ =	sdelay $0x1  }
0x20: {  	v3 =	vperm.xlane v3, v2;
	_ =	sdelay $0x1  }
0x21: {  	s0 =	simm.s32 $0x180;
	v3 =	vadd.s32 v1, v3  }
0x22: {  	[tilespmem:s0], [sflag:$0x1] =	stream.indirect_vreg.gather [hbm4b:s2+s3], $0x80, v4, vm0, $0xb8;
	[tilespmem:$0x14180] =	vst v63  }
0x23: {  	s9 =	simm.s32 $0x980  }
0x24: {  	[tilespmem:s9], [sflag:$0x1] =	stream.indirect_vreg.gather [hbm4b:s5+s3], $0x80, v4, vm0, $0xb8;
	[tilespmem:$0x14180] =	vst v63  }
0x25: {  	s10 =	simm.s32 $0x1180  }
0x26: {  	[tilespmem:s10], [sflag:$0x1] =	stream.indirect_vreg.gather [hbm4b:s2+s3], $0x80, v3, vm0, $0xb8;
	[tilespmem:$0x14180] =	vst v63  }
0x27: {  	s11 =	simm.s32 $0x1980  }
0x28: {  	[tilespmem:s11], [sflag:$0x1] =	stream.indirect_vreg.gather [hbm4b:s5+s3], $0x80, v3, vm0, $0xb8;
	[tilespmem:$0x14180] =	vst v63  }
0x29: {  	v3 =	vld [tilespmem:$0x10];
	_ =	sdelay $0x4  }
0x2a: {  	v41 =	vshll.u32 v3, $0x2  }
0x2b: {  	v3 =	vand.u32 $0x7, v3;
	v4 =	vand.u32 $0xFFFFFFE0, v41  }
0x2c: {  	v3 =	vor.u32 v3, v4  }
0x2d: {  	v4 =	vperm.xlane v3, v0;
	_ =	sdelay $0x1  }
0x2e: {  	v4 =	vadd.s32 v1, v4;
	_ =	sdelay $0x1  }
0x2f: {  	v3 =	vperm.xlane v3, v2;
	_ =	sdelay $0x1  }
0x30: {  	v3 =	vadd.s32 v1, v3  }
0x31: {  	[tilespmem:s12], [sflag:$0x1] =	stream.indirect_vreg.gather [hbm4b:s2+s3], $0x80, v4, vm0, $0xb8;
	[tilespmem:$0x14180] =	vst v63  }
0x32: {  	_ = 	snop  }
0x33: {  	[tilespmem:s14], [sflag:$0x1] =	stream.indirect_vreg.gather [hbm4b:s5+s3], $0x80, v4, vm0, $0xb8;
	[tilespmem:$0x14180] =	vst v63  }
0x34: {  	_ = 	snop  }
0x35: {  	[tilespmem:s15], [sflag:$0x1] =	stream.indirect_vreg.gather [hbm4b:s2+s3], $0x80, v3, vm0, $0xb8;
	[tilespmem:$0x14180] =	vst v63  }
0x36: {  	_ = 	snop  }
0x37: {  	[tilespmem:s16], [sflag:$0x1] =	stream.indirect_vreg.gather [hbm4b:s5+s3], $0x80, v3, vm0, $0xb8;
	[tilespmem:$0x14180] =	vst v63  }
0x38: {  	v3 =	vld.msk [tilespmem:$0x20], $0xff;
	_ =	sdelay $0x4  }
0x39: {  	v42 =	vshll.u32 v3, $0x2  }
0x3a: {  	v3 =	vand.u32 $0x7, v3;
	v4 =	vand.u32 $0xFFFFFFE0, v42  }
0x3b: {  	v3 =	vor.u32 v3, v4  }
0x3c: {  	v3 =	vperm.xlane v3, v0;
	_ =	sdelay $0x1  }
0x3d: {  	v3 =	vadd.s32 v1, v3;
	_ =	sdelay $0x4  }
0x3e: {  	[tilespmem:s17], [sflag:$0x1] =	stream.indirect_vreg.gather [hbm4b:s2+s3], $0x80, v3, vm0, $0xb8;
	[tilespmem:$0x14180] =	vst v63  }
0x3f: {  	_ = 	snop  }
0x40: {  	[tilespmem:s19], [sflag:$0x1] =	stream.indirect_vreg.gather [hbm4b:s5+s3], $0x80, v3, vm0, $0xb8;
	[tilespmem:$0x14180] =	vst v63  }
0x41: {  	v3 =	vld [tilespmem:$0x28];
	_ =	sdelay $0x4  }
0x42: {  	v43 =	vshll.u32 v3, $0x2  }
0x43: {  	v3 =	vand.u32 $0x7, v3;
	v4 =	vand.u32 $0xFFFFFFE0, v43  }
0x44: {  	v3 =	vor.u32 v3, v4  }
0x45: {  	v4 =	vperm.xlane v3, v0;
	_ =	sdelay $0x1  }
0x46: {  	v4 =	vadd.s32 v1, v4;
	_ =	sdelay $0x1  }
0x47: {  	v3 =	vperm.xlane v3, v2;
	_ =	sdelay $0x1  }
0x48: {  	v3 =	vadd.s32 v1, v3  }
0x49: {  	[tilespmem:s29], [sflag:$0x2] =	stream.indirect_vreg.gather [hbm4b:s2+s3], $0x80, v4, vm0, $0xb8;
	[tilespmem:$0x14180] =	vst v63  }
0x4a: {  	_ = 	snop  }
0x4b: {  	[tilespmem:s20], [sflag:$0x2] =	stream.indirect_vreg.gather [hbm4b:s5+s3], $0x80, v4, vm0, $0xb8;
	[tilespmem:$0x14180] =	vst v63  }
0x4c: {  	_ = 	snop  }
0x4d: {  	[tilespmem:s21], [sflag:$0x2] =	stream.indirect_vreg.gather [hbm4b:s2+s3], $0x80, v3, vm0, $0xb8;
	[tilespmem:$0x14180] =	vst v63  }
0x4e: {  	_ = 	snop  }
0x4f: {  	[tilespmem:s22], [sflag:$0x2] =	stream.indirect_vreg.gather [hbm4b:s5+s3], $0x80, v3, vm0, $0xb8;
	[tilespmem:$0x14180] =	vst v63  }
0x50: {  	v3 =	vld [tilespmem:$0x38];
	_ =	sdelay $0x4  }
0x51: {  	v44 =	vshll.u32 v3, $0x2  }
0x52: {  	v3 =	vand.u32 $0x7, v3;
	v4 =	vand.u32 $0xFFFFFFE0, v44  }
0x53: {  	v3 =	vor.u32 v3, v4  }
0x54: {  	v4 =	vperm.xlane v3, v0;
	_ =	sdelay $0x1  }
0x55: {  	v4 =	vadd.s32 v1, v4;
	_ =	sdelay $0x1  }
0x56: {  	v3 =	vperm.xlane v3, v2;
	_ =	sdelay $0x1  }
0x57: {  	v3 =	vadd.s32 v1, v3  }
0x58: {  	[tilespmem:s23], [sflag:$0x2] =	stream.indirect_vreg.gather [hbm4b:s2+s3], $0x80, v4, vm0, $0xb8;
	[tilespmem:$0x14180] =	vst v63  }
0x59: {  	s7 =	simm.s32 $0x7980  }
0x5a: {  	[tilespmem:s7], [sflag:$0x2] =	stream.indirect_vreg.gather [hbm4b:s5+s3], $0x80, v4, vm0, $0xb8;
	[tilespmem:$0x14180] =	vst v63  }
0x5b: {  	s8 =	simm.s32 $0x8180  }
0x5c: {  	[tilespmem:s8], [sflag:$0x2] =	stream.indirect_vreg.gather [hbm4b:s2+s3], $0x80, v3, vm0, $0xb8;
	[tilespmem:$0x14180] =	vst v63  }
0x5d: {  	_ = 	snop  }
0x5e: {  	[tilespmem:s13], [sflag:$0x2] =	stream.indirect_vreg.gather [hbm4b:s5+s3], $0x80, v3, vm0, $0xb8;
	[tilespmem:$0x14180] =	vst v63  }
0x5f: {  	v3 =	vld.msk [tilespmem:$0x48], $0xff;
	_ =	sdelay $0x4  }
0x60: {  	v45 =	vshll.u32 v3, $0x2  }
0x61: {  	v3 =	vand.u32 $0x7, v3;
	v4 =	vand.u32 $0xFFFFFFE0, v45  }
0x62: {  	v3 =	vor.u32 v3, v4  }
0x63: {  	v3 =	vperm.xlane v3, v0;
	_ =	sdelay $0x1  }
0x64: {  	v3 =	vadd.s32 v1, v3;
	_ =	sdelay $0x4  }
0x65: {  	[tilespmem:s24], [sflag:$0x2] =	stream.indirect_vreg.gather [hbm4b:s2+s3], $0x80, v3, vm0, $0xb8;
	[tilespmem:$0x14180] =	vst v63  }
0x66: {  	_ = 	snop  }
0x67: {  	[tilespmem:s18], [sflag:$0x2] =	stream.indirect_vreg.gather [hbm4b:s5+s3], $0x80, v3, vm0, $0xb8;
	[tilespmem:$0x14180] =	vst v63  }
0x68: {  	v3 =	vld [tilespmem:$0x50];
	_ =	sdelay $0x4  }
0x69: {  	v46 =	vshll.u32 v3, $0x2  }
0x6a: {  	v3 =	vand.u32 $0x7, v3;
	v4 =	vand.u32 $0xFFFFFFE0, v46  }
0x6b: {  	v3 =	vor.u32 v3, v4  }
0x6c: {  	v4 =	vperm.xlane v3, v0;
	_ =	sdelay $0x1  }
0x6d: {  	v4 =	vadd.s32 v1, v4;
	_ =	sdelay $0x1  }
0x6e: {  	v3 =	vperm.xlane v3, v2;
	_ =	sdelay $0x1  }
0x6f: {  	v3 =	vadd.s32 v1, v3  }
0x70: {  	[tilespmem:s25], [sflag:$0x3] =	stream.indirect_vreg.gather [hbm4b:s2+s3], $0x80, v4, vm0, $0xb8;
	[tilespmem:$0x14180] =	vst v63  }
0x71: {  	s1 =	simm.s32 $0xA980  }
0x72: {  	[tilespmem:s1], [sflag:$0x3] =	stream.indirect_vreg.gather [hbm4b:s5+s3], $0x80, v4, vm0, $0xb8;
	[tilespmem:$0x14180] =	vst v63  }
0x73: {  	s4 =	simm.s32 $0xB180  }
0x74: {  	[tilespmem:s4], [sflag:$0x3] =	stream.indirect_vreg.gather [hbm4b:s2+s3], $0x80, v3, vm0, $0xb8;
	[tilespmem:$0x14180] =	vst v63  }
0x75: {  	s28 =	simm.s32 $0xB980  }
0x76: {  	[tilespmem:s28], [sflag:$0x3] =	stream.indirect_vreg.gather [hbm4b:s5+s3], $0x80, v3, vm0, $0xb8;
	[tilespmem:$0x14180] =	vst v63  }
0x77: {  	v3 =	vld [tilespmem:$0x60];
	_ =	sdelay $0x4  }
0x78: {  	v47 =	vshll.u32 v3, $0x2  }
0x79: {  	v3 =	vand.u32 $0x7, v3;
	v4 =	vand.u32 $0xFFFFFFE0, v47  }
0x7a: {  	v3 =	vor.u32 v3, v4  }
0x7b: {  	v4 =	vperm.xlane v3, v0;
	_ =	sdelay $0x1  }
0x7c: {  	v4 =	vadd.s32 v1, v4;
	_ =	sdelay $0x1  }
0x7d: {  	v3 =	vperm.xlane v3, v2;
	_ =	sdelay $0x1  }
0x7e: {  	v3 =	vadd.s32 v1, v3  }
0x7f: {  	[tilespmem:s31], [sflag:$0x3] =	stream.indirect_vreg.gather [hbm4b:s2+s3], $0x80, v4, vm0, $0xb8;
	[tilespmem:$0x14180] =	vst v63  }
0x80: {  	s1 =	simm.s32 $0xC980  }
0x81: {  	[tilespmem:s1], [sflag:$0x3] =	stream.indirect_vreg.gather [hbm4b:s5+s3], $0x80, v4, vm0, $0xb8;
	[tilespmem:$0x14180] =	vst v63  }
0x82: {  	s4 =	simm.s32 $0xD180  }
0x83: {  	[tilespmem:s4], [sflag:$0x3] =	stream.indirect_vreg.gather [hbm4b:s2+s3], $0x80, v3, vm0, $0xb8;
	[tilespmem:$0x14180] =	vst v63  }
0x84: {  	s28 =	simm.s32 $0xD980  }
0x85: {  	[tilespmem:s28], [sflag:$0x3] =	stream.indirect_vreg.gather [hbm4b:s5+s3], $0x80, v3, vm0, $0xb8;
	[tilespmem:$0x14180] =	vst v63  }
0x86: {  	v3 =	vld.msk [tilespmem:$0x70], $0xff;
	_ =	sdelay $0x4  }
0x87: {  	v48 =	vshll.u32 v3, $0x2  }
0x88: {  	v3 =	vand.u32 $0x7, v3;
	v4 =	vand.u32 $0xFFFFFFE0, v48  }
0x89: {  	v3 =	vor.u32 v3, v4  }
0x8a: {  	v3 =	vperm.xlane v3, v0;
	_ =	sdelay $0x1  }
0x8b: {  	v3 =	vadd.s32 v1, v3;
	_ =	sdelay $0x3  }
0x8c: {  	s1 =	simm.s32 $0xE180  }
0x8d: {  	[tilespmem:s1], [sflag:$0x3] =	stream.indirect_vreg.gather [hbm4b:s2+s3], $0x80, v3, vm0, $0xb8;
	[tilespmem:$0x14180] =	vst v63  }
0x8e: {  	s4 =	simm.s32 $0xE980  }
0x8f: {  	[tilespmem:s4], [sflag:$0x3] =	stream.indirect_vreg.gather [hbm4b:s5+s3], $0x80, v3, vm0, $0xb8;
	[tilespmem:$0x14180] =	vst v63  }
0x90: {  	v3 =	vld [tilespmem:$0x78];
	_ =	sdelay $0x4  }
0x91: {  	v49 =	vshll.u32 v3, $0x2  }
0x92: {  	v3 =	vand.u32 $0x7, v3;
	v4 =	vand.u32 $0xFFFFFFE0, v49  }
0x93: {  	v3 =	vor.u32 v3, v4  }
0x94: {  	v4 =	vperm.xlane v3, v0;
	_ =	sdelay $0x1  }
0x95: {  	v4 =	vadd.s32 v1, v4;
	_ =	sdelay $0x1  }
0x96: {  	v3 =	vperm.xlane v3, v2;
	_ =	sdelay $0x1  }
0x97: {  	s0 =	simm.s32 $0xF180;
	v3 =	vadd.s32 v1, v3  }
0x98: {  	[tilespmem:s0], [sflag:$0x4] =	stream.indirect_vreg.gather [hbm4b:s2+s3], $0x80, v4, vm0, $0xb8;
	[tilespmem:$0x14180] =	vst v63  }
0x99: {  	s1 =	simm.s32 $0xF980  }
0x9a: {  	[tilespmem:s1], [sflag:$0x4] =	stream.indirect_vreg.gather [hbm4b:s5+s3], $0x80, v4, vm0, $0xb8;
	[tilespmem:$0x14180] =	vst v63  }
0x9b: {  	s28 =	simm.s32 $0x10180  }
0x9c: {  	[tilespmem:s28], [sflag:$0x4] =	stream.indirect_vreg.gather [hbm4b:s2+s3], $0x80, v3, vm0, $0xb8;
	[tilespmem:$0x14180] =	vst v63  }
0x9d: {  	s4 =	simm.s32 $0x10980  }
0x9e: {  	[tilespmem:s4], [sflag:$0x4] =	stream.indirect_vreg.gather [hbm4b:s5+s3], $0x80, v3, vm0, $0xb8;
	[tilespmem:$0x14180] =	vst v63  }
0x9f: {  	v3 =	vld [tilespmem:$0x88];
	_ =	sdelay $0x4  }
0xa0: {  	v50 =	vshll.u32 v3, $0x2  }
0xa1: {  	v3 =	vand.u32 $0x7, v3;
	v4 =	vand.u32 $0xFFFFFFE0, v50  }
0xa2: {  	v3 =	vor.u32 v3, v4  }
0xa3: {  	v4 =	vperm.xlane v3, v0;
	_ =	sdelay $0x1  }
0xa4: {  	v4 =	vadd.s32 v1, v4;
	_ =	sdelay $0x1  }
0xa5: {  	v3 =	vperm.xlane v3, v2;
	_ =	sdelay $0x1  }
0xa6: {  	s28 =	simm.s32 $0x11180;
	v3 =	vadd.s32 v1, v3  }
0xa7: {  	[tilespmem:s28], [sflag:$0x4] =	stream.indirect_vreg.gather [hbm4b:s2+s3], $0x80, v4, vm0, $0xb8;
	[tilespmem:$0x14180] =	vst v63  }
0xa8: {  	s4 =	simm.s32 $0x11980  }
0xa9: {  	[tilespmem:s4], [sflag:$0x4] =	stream.indirect_vreg.gather [hbm4b:s5+s3], $0x80, v4, vm0, $0xb8;
	[tilespmem:$0x14180] =	vst v63  }
0xaa: {  	s28 =	simm.s32 $0x12180  }
0xab: {  	[tilespmem:s28], [sflag:$0x4] =	stream.indirect_vreg.gather [hbm4b:s2+s3], $0x80, v3, vm0, $0xb8;
	[tilespmem:$0x14180] =	vst v63  }
0xac: {  	s4 =	simm.s32 $0x12980  }
0xad: {  	[tilespmem:s4], [sflag:$0x4] =	stream.indirect_vreg.gather [hbm4b:s5+s3], $0x80, v3, vm0, $0xb8;
	[tilespmem:$0x14180] =	vst v63  }
0xae: {  	v3 =	vld.msk [tilespmem:$0x98], $0xff;
	_ =	sdelay $0x4  }
0xaf: {  	v51 =	vshll.u32 v3, $0x2  }
0xb0: {  	v3 =	vand.u32 $0x7, v3;
	v4 =	vand.u32 $0xFFFFFFE0, v51  }
0xb1: {  	v3 =	vor.u32 v3, v4  }
0xb2: {  	v3 =	vperm.xlane v3, v0;
	_ =	sdelay $0x1  }
0xb3: {  	v3 =	vadd.s32 v1, v3;
	_ =	sdelay $0x3  }
0xb4: {  	s28 =	simm.s32 $0x13180  }
0xb5: {  	[tilespmem:s28], [sflag:$0x4] =	stream.indirect_vreg.gather [hbm4b:s2+s3], $0x80, v3, vm0, $0xb8;
	[tilespmem:$0x14180] =	vst v63  }
0xb6: {  	s1 =	simm.s32 $0x1;
	s4 =	simm.s32 $0x13980  }
0xb7: {  	[tilespmem:s4], [sflag:$0x4] =	stream.indirect_vreg.gather [hbm4b:s5+s3], $0x80, v3, vm0, $0xb8;
	[tilespmem:$0x14180] =	vst v63  }
0xb8: {  	_ =	swait.ge [sflag:s1], $0x5000  }
0xb9: {  	[sflag:s1] =	ssyncset.done $0x0  }
0xba: {  	s28 =	simm.s32 $0x180;
	s4 =	rddreg [dreg:$0xb];
	[sflag:s1] =	ssyncadd.s32 $0xFFFFB000  }
0xbb: {  	[hbm4b:s4+s3] =	stream.linear.scatter [tilespmem:s28], [sflag:$0x5], $0x5000, $0x38;
	[tilespmem:$0x14180] =	vst v63  }
0xbc: {  	_ =	swait.ge [sflag:s26], $0x5000  }
0xbd: {  	[sflag:s26] =	ssyncset.done $0x0  }
0xbe: {  	[sflag:s26] =	ssyncadd.s32 $0xFFFFB000  }
0xbf: {  	v3 =	vld [tilespmem:$0xA0];
	_ =	sdelay $0x4  }
0xc0: {  	v52 =	vshll.u32 v3, $0x2  }
0xc1: {  	v3 =	vand.u32 $0x7, v3;
	v4 =	vand.u32 $0xFFFFFFE0, v52  }
0xc2: {  	v3 =	vor.u32 v3, v4  }
0xc3: {  	v4 =	vperm.xlane v3, v0;
	_ =	sdelay $0x1  }
0xc4: {  	v4 =	vadd.s32 v1, v4;
	_ =	sdelay $0x1  }
0xc5: {  	v3 =	vperm.xlane v3, v2;
	_ =	sdelay $0x1  }
0xc6: {  	v3 =	vadd.s32 v1, v3  }
0xc7: {  	[tilespmem:s28], [sflag:$0x1] =	stream.indirect_vreg.gather [hbm4b:s2+s3], $0x80, v4, vm0, $0xb8;
	[tilespmem:$0x14180] =	vst v63  }
0xc8: {  	_ = 	snop  }
0xc9: {  	[tilespmem:s9], [sflag:$0x1] =	stream.indirect_vreg.gather [hbm4b:s5+s3], $0x80, v4, vm0, $0xb8;
	[tilespmem:$0x14180] =	vst v63  }
0xca: {  	_ = 	snop  }
0xcb: {  	[tilespmem:s10], [sflag:$0x1] =	stream.indirect_vreg.gather [hbm4b:s2+s3], $0x80, v3, vm0, $0xb8;
	[tilespmem:$0x14180] =	vst v63  }
0xcc: {  	_ = 	snop  }
0xcd: {  	[tilespmem:s11], [sflag:$0x1] =	stream.indirect_vreg.gather [hbm4b:s5+s3], $0x80, v3, vm0, $0xb8;
	[tilespmem:$0x14180] =	vst v63  }
0xce: {  	v3 =	vld [tilespmem:$0xB0];
	_ =	sdelay $0x4  }
0xcf: {  	v53 =	vshll.u32 v3, $0x2  }
0xd0: {  	v3 =	vand.u32 $0x7, v3;
	v4 =	vand.u32 $0xFFFFFFE0, v53  }
0xd1: {  	v3 =	vor.u32 v3, v4  }
0xd2: {  	v4 =	vperm.xlane v3, v0;
	_ =	sdelay $0x1  }
0xd3: {  	v4 =	vadd.s32 v1, v4;
	_ =	sdelay $0x1  }
0xd4: {  	v3 =	vperm.xlane v3, v2;
	_ =	sdelay $0x1  }
0xd5: {  	v3 =	vadd.s32 v1, v3  }
0xd6: {  	[tilespmem:s12], [sflag:$0x1] =	stream.indirect_vreg.gather [hbm4b:s2+s3], $0x80, v4, vm0, $0xb8;
	[tilespmem:$0x14180] =	vst v63  }
0xd7: {  	_ = 	snop  }
0xd8: {  	[tilespmem:s14], [sflag:$0x1] =	stream.indirect_vreg.gather [hbm4b:s5+s3], $0x80, v4, vm0, $0xb8;
	[tilespmem:$0x14180] =	vst v63  }
0xd9: {  	_ = 	snop  }
0xda: {  	[tilespmem:s15], [sflag:$0x1] =	stream.indirect_vreg.gather [hbm4b:s2+s3], $0x80, v3, vm0, $0xb8;
	[tilespmem:$0x14180] =	vst v63  }
0xdb: {  	_ = 	snop  }
0xdc: {  	[tilespmem:s16], [sflag:$0x1] =	stream.indirect_vreg.gather [hbm4b:s5+s3], $0x80, v3, vm0, $0xb8;
	[tilespmem:$0x14180] =	vst v63  }
0xdd: {  	v3 =	vld.msk [tilespmem:$0xC0], $0xff;
	_ =	sdelay $0x4  }
0xde: {  	v54 =	vshll.u32 v3, $0x2  }
0xdf: {  	v3 =	vand.u32 $0x7, v3;
	v4 =	vand.u32 $0xFFFFFFE0, v54  }
0xe0: {  	v3 =	vor.u32 v3, v4  }
0xe1: {  	v3 =	vperm.xlane v3, v0;
	_ =	sdelay $0x1  }
0xe2: {  	v3 =	vadd.s32 v1, v3;
	_ =	sdelay $0x4  }
0xe3: {  	[tilespmem:s17], [sflag:$0x1] =	stream.indirect_vreg.gather [hbm4b:s2+s3], $0x80, v3, vm0, $0xb8;
	[tilespmem:$0x14180] =	vst v63  }
0xe4: {  	s9 =	simm.s32 $0x2  }
0xe5: {  	[tilespmem:s19], [sflag:$0x1] =	stream.indirect_vreg.gather [hbm4b:s5+s3], $0x80, v3, vm0, $0xb8;
	[tilespmem:$0x14180] =	vst v63  }
0xe6: {  	_ =	swait.ge [sflag:s9], $0x5000  }
0xe7: {  	[sflag:s9] =	ssyncset.done $0x0  }
0xe8: {  	s10 =	simm.s32 $0x6;
	s11 =	rddreg [dreg:$0x4];
	[sflag:s9] =	ssyncadd.s32 $0xFFFFB000  }
0xe9: {  	[hbm4b:s11+s3] =	stream.linear.scatter [tilespmem:s29], [sflag:$0x6], $0x5000, $0x38;
	[tilespmem:$0x14180] =	vst v63  }
0xea: {  	_ =	swait.ge [sflag:s10], $0x5000  }
0xeb: {  	[sflag:s10] =	ssyncset.done $0x0  }
0xec: {  	[sflag:s10] =	ssyncadd.s32 $0xFFFFB000  }
0xed: {  	v3 =	vld [tilespmem:$0xC8];
	_ =	sdelay $0x4  }
0xee: {  	v55 =	vshll.u32 v3, $0x2  }
0xef: {  	v3 =	vand.u32 $0x7, v3;
	v4 =	vand.u32 $0xFFFFFFE0, v55  }
0xf0: {  	v3 =	vor.u32 v3, v4  }
0xf1: {  	v4 =	vperm.xlane v3, v0;
	_ =	sdelay $0x1  }
0xf2: {  	v4 =	vadd.s32 v1, v4;
	_ =	sdelay $0x1  }
0xf3: {  	v3 =	vperm.xlane v3, v2;
	_ =	sdelay $0x1  }
0xf4: {  	v3 =	vadd.s32 v1, v3  }
0xf5: {  	[tilespmem:s29], [sflag:$0x2] =	stream.indirect_vreg.gather [hbm4b:s2+s3], $0x80, v4, vm0, $0xb8;
	[tilespmem:$0x14180] =	vst v63  }
0xf6: {  	_ = 	snop  }
0xf7: {  	[tilespmem:s20], [sflag:$0x2] =	stream.indirect_vreg.gather [hbm4b:s5+s3], $0x80, v4, vm0, $0xb8;
	[tilespmem:$0x14180] =	vst v63  }
0xf8: {  	_ = 	snop  }
0xf9: {  	[tilespmem:s21], [sflag:$0x2] =	stream.indirect_vreg.gather [hbm4b:s2+s3], $0x80, v3, vm0, $0xb8;
	[tilespmem:$0x14180] =	vst v63  }
0xfa: {  	_ = 	snop  }
0xfb: {  	[tilespmem:s22], [sflag:$0x2] =	stream.indirect_vreg.gather [hbm4b:s5+s3], $0x80, v3, vm0, $0xb8;
	[tilespmem:$0x14180] =	vst v63  }
0xfc: {  	v3 =	vld [tilespmem:$0xD8];
	_ =	sdelay $0x4  }
0xfd: {  	v56 =	vshll.u32 v3, $0x2  }
0xfe: {  	v3 =	vand.u32 $0x7, v3;
	v4 =	vand.u32 $0xFFFFFFE0, v56  }
0xff: {  	v3 =	vor.u32 v3, v4  }
0x100: {  	v4 =	vperm.xlane v3, v0;
	_ =	sdelay $0x1  }
0x101: {  	v4 =	vadd.s32 v1, v4;
	_ =	sdelay $0x1  }
0x102: {  	v3 =	vperm.xlane v3, v2;
	_ =	sdelay $0x1  }
0x103: {  	v3 =	vadd.s32 v1, v3  }
0x104: {  	[tilespmem:s23], [sflag:$0x2] =	stream.indirect_vreg.gather [hbm4b:s2+s3], $0x80, v4, vm0, $0xb8;
	[tilespmem:$0x14180] =	vst v63  }
0x105: {  	_ = 	snop  }
0x106: {  	[tilespmem:s7], [sflag:$0x2] =	stream.indirect_vreg.gather [hbm4b:s5+s3], $0x80, v4, vm0, $0xb8;
	[tilespmem:$0x14180] =	vst v63  }
0x107: {  	_ = 	snop  }
0x108: {  	[tilespmem:s8], [sflag:$0x2] =	stream.indirect_vreg.gather [hbm4b:s2+s3], $0x80, v3, vm0, $0xb8;
	[tilespmem:$0x14180] =	vst v63  }
0x109: {  	_ = 	snop  }
0x10a: {  	[tilespmem:s13], [sflag:$0x2] =	stream.indirect_vreg.gather [hbm4b:s5+s3], $0x80, v3, vm0, $0xb8;
	[tilespmem:$0x14180] =	vst v63  }
0x10b: {  	v3 =	vld.msk [tilespmem:$0xE8], $0xff;
	_ =	sdelay $0x4  }
0x10c: {  	v57 =	vshll.u32 v3, $0x2  }
0x10d: {  	v3 =	vand.u32 $0x7, v3;
	v4 =	vand.u32 $0xFFFFFFE0, v57  }
0x10e: {  	v3 =	vor.u32 v3, v4  }
0x10f: {  	v3 =	vperm.xlane v3, v0;
	_ =	sdelay $0x1  }
0x110: {  	v3 =	vadd.s32 v1, v3;
	_ =	sdelay $0x4  }
0x111: {  	[tilespmem:s24], [sflag:$0x2] =	stream.indirect_vreg.gather [hbm4b:s2+s3], $0x80, v3, vm0, $0xb8;
	[tilespmem:$0x14180] =	vst v63  }
0x112: {  	s7 =	simm.s32 $0x3  }
0x113: {  	[tilespmem:s18], [sflag:$0x2] =	stream.indirect_vreg.gather [hbm4b:s5+s3], $0x80, v3, vm0, $0xb8;
	[tilespmem:$0x14180] =	vst v63  }
0x114: {  	_ =	swait.ge [sflag:s7], $0x5000  }
0x115: {  	[sflag:s7] =	ssyncset.done $0x0  }
0x116: {  	s8 =	rddreg [dreg:$0x5];
	[sflag:s7] =	ssyncadd.s32 $0xFFFFB000  }
0x117: {  	[hbm4b:s8+s3] =	stream.linear.scatter [tilespmem:s25], [sflag:$0x7], $0x5000, $0x38;
	[tilespmem:$0x14180] =	vst v63  }
0x118: {  	s8 =	simm.s32 $0x7  }
0x119: {  	_ =	swait.ge [sflag:s8], $0x5000  }
0x11a: {  	[sflag:s8] =	ssyncset.done $0x0  }
0x11b: {  	[sflag:s8] =	ssyncadd.s32 $0xFFFFB000  }
0x11c: {  	v3 =	vld [tilespmem:$0xF0];
	_ =	sdelay $0x4  }
0x11d: {  	v58 =	vshll.u32 v3, $0x2  }
0x11e: {  	v3 =	vand.u32 $0x7, v3;
	v4 =	vand.u32 $0xFFFFFFE0, v58  }
0x11f: {  	v3 =	vor.u32 v3, v4  }
0x120: {  	v4 =	vperm.xlane v3, v0;
	_ =	sdelay $0x1  }
0x121: {  	v4 =	vadd.s32 v1, v4;
	_ =	sdelay $0x1  }
0x122: {  	v3 =	vperm.xlane v3, v2;
	_ =	sdelay $0x1  }
0x123: {  	v3 =	vadd.s32 v1, v3  }
0x124: {  	[tilespmem:s25], [sflag:$0x3] =	stream.indirect_vreg.gather [hbm4b:s2+s3], $0x80, v4, vm0, $0xb8;
	[tilespmem:$0x14180] =	vst v63  }
0x125: {  	s11 =	simm.s32 $0xA980  }
0x126: {  	[tilespmem:s11], [sflag:$0x3] =	stream.indirect_vreg.gather [hbm4b:s5+s3], $0x80, v4, vm0, $0xb8;
	[tilespmem:$0x14180] =	vst v63  }
0x127: {  	s11 =	simm.s32 $0xB180  }
0x128: {  	[tilespmem:s11], [sflag:$0x3] =	stream.indirect_vreg.gather [hbm4b:s2+s3], $0x80, v3, vm0, $0xb8;
	[tilespmem:$0x14180] =	vst v63  }
0x129: {  	s11 =	simm.s32 $0xB980  }
0x12a: {  	[tilespmem:s11], [sflag:$0x3] =	stream.indirect_vreg.gather [hbm4b:s5+s3], $0x80, v3, vm0, $0xb8;
	[tilespmem:$0x14180] =	vst v63  }
0x12b: {  	v3 =	vld [tilespmem:$0x100];
	_ =	sdelay $0x4  }
0x12c: {  	v59 =	vshll.u32 v3, $0x2  }
0x12d: {  	v3 =	vand.u32 $0x7, v3;
	v4 =	vand.u32 $0xFFFFFFE0, v59  }
0x12e: {  	v3 =	vor.u32 v3, v4  }
0x12f: {  	v4 =	vperm.xlane v3, v0;
	_ =	sdelay $0x1  }
0x130: {  	v4 =	vadd.s32 v1, v4;
	_ =	sdelay $0x1  }
0x131: {  	v3 =	vperm.xlane v3, v2;
	_ =	sdelay $0x1  }
0x132: {  	v3 =	vadd.s32 v1, v3  }
0x133: {  	[tilespmem:s31], [sflag:$0x3] =	stream.indirect_vreg.gather [hbm4b:s2+s3], $0x80, v4, vm0, $0xb8;
	[tilespmem:$0x14180] =	vst v63  }
0x134: {  	s11 =	simm.s32 $0xC980  }
0x135: {  	[tilespmem:s11], [sflag:$0x3] =	stream.indirect_vreg.gather [hbm4b:s5+s3], $0x80, v4, vm0, $0xb8;
	[tilespmem:$0x14180] =	vst v63  }
0x136: {  	s11 =	simm.s32 $0xD180  }
0x137: {  	[tilespmem:s11], [sflag:$0x3] =	stream.indirect_vreg.gather [hbm4b:s2+s3], $0x80, v3, vm0, $0xb8;
	[tilespmem:$0x14180] =	vst v63  }
0x138: {  	s11 =	simm.s32 $0xD980  }
0x139: {  	[tilespmem:s11], [sflag:$0x3] =	stream.indirect_vreg.gather [hbm4b:s5+s3], $0x80, v3, vm0, $0xb8;
	[tilespmem:$0x14180] =	vst v63  }
0x13a: {  	v3 =	vld.msk [tilespmem:$0x110], $0xff;
	_ =	sdelay $0x4  }
0x13b: {  	v60 =	vshll.u32 v3, $0x2  }
0x13c: {  	v3 =	vand.u32 $0x7, v3;
	v4 =	vand.u32 $0xFFFFFFE0, v60  }
0x13d: {  	v3 =	vor.u32 v3, v4  }
0x13e: {  	v3 =	vperm.xlane v3, v0;
	_ =	sdelay $0x1  }
0x13f: {  	v3 =	vadd.s32 v1, v3;
	_ =	sdelay $0x3  }
0x140: {  	s11 =	simm.s32 $0xE180  }
0x141: {  	[tilespmem:s11], [sflag:$0x3] =	stream.indirect_vreg.gather [hbm4b:s2+s3], $0x80, v3, vm0, $0xb8;
	[tilespmem:$0x14180] =	vst v63  }
0x142: {  	s11 =	simm.s32 $0xE980  }
0x143: {  	[tilespmem:s11], [sflag:$0x3] =	stream.indirect_vreg.gather [hbm4b:s5+s3], $0x80, v3, vm0, $0xb8;
	[tilespmem:$0x14180] =	vst v63  }
0x144: {  	s11 =	simm.s32 $0x4  }
0x145: {  	_ =	swait.ge [sflag:s11], $0x5000  }
0x146: {  	[sflag:s11] =	ssyncset.done $0x0  }
0x147: {  	s4 =	rddreg [dreg:$0x6];
	[sflag:s11] =	ssyncadd.s32 $0xFFFFB000  }
0x148: {  	[hbm4b:s4+s3] =	stream.linear.scatter [tilespmem:s0], [sflag:$0x8], $0x5000, $0x38;
	[tilespmem:$0x14180] =	vst v63  }
0x149: {  	_ =	swait.ge [sflag:s30], $0x5000  }
0x14a: {  	[sflag:s30] =	ssyncset.done $0x0  }
0x14b: {  	[sflag:s30] =	ssyncadd.s32 $0xFFFFB000  }
0x14c: {  	v3 =	vld [tilespmem:$0x118];
	_ =	sdelay $0x4  }
0x14d: {  	v61 =	vshll.u32 v3, $0x2  }
0x14e: {  	v3 =	vand.u32 $0x7, v3;
	v4 =	vand.u32 $0xFFFFFFE0, v61  }
0x14f: {  	v3 =	vor.u32 v3, v4  }
0x150: {  	v4 =	vperm.xlane v3, v0;
	_ =	sdelay $0x1  }
0x151: {  	v4 =	vadd.s32 v1, v4;
	_ =	sdelay $0x1  }
0x152: {  	v3 =	vperm.xlane v3, v2;
	_ =	sdelay $0x1  }
0x153: {  	v3 =	vadd.s32 v1, v3  }
0x154: {  	[tilespmem:s0], [sflag:$0x4] =	stream.indirect_vreg.gather [hbm4b:s2+s3], $0x80, v4, vm0, $0xb8;
	[tilespmem:$0x14180] =	vst v63  }
0x155: {  	s4 =	simm.s32 $0xF980  }
0x156: {  	[tilespmem:s4], [sflag:$0x4] =	stream.indirect_vreg.gather [hbm4b:s5+s3], $0x80, v4, vm0, $0xb8;
	[tilespmem:$0x14180] =	vst v63  }
0x157: {  	s4 =	simm.s32 $0x10180  }
0x158: {  	[tilespmem:s4], [sflag:$0x4] =	stream.indirect_vreg.gather [hbm4b:s2+s3], $0x80, v3, vm0, $0xb8;
	[tilespmem:$0x14180] =	vst v63  }
0x159: {  	s4 =	simm.s32 $0x10980  }
0x15a: {  	[tilespmem:s4], [sflag:$0x4] =	stream.indirect_vreg.gather [hbm4b:s5+s3], $0x80, v3, vm0, $0xb8;
	[tilespmem:$0x14180] =	vst v63  }
0x15b: {  	v3 =	vld [tilespmem:$0x128];
	_ =	sdelay $0x4  }
0x15c: {  	v62 =	vshll.u32 v3, $0x2  }
0x15d: {  	v3 =	vand.u32 $0x7, v3;
	v4 =	vand.u32 $0xFFFFFFE0, v62  }
0x15e: {  	v3 =	vor.u32 v3, v4  }
0x15f: {  	v4 =	vperm.xlane v3, v0;
	_ =	sdelay $0x1  }
0x160: {  	v4 =	vadd.s32 v1, v4;
	_ =	sdelay $0x1  }
0x161: {  	v3 =	vperm.xlane v3, v2;
	_ =	sdelay $0x1  }
0x162: {  	s4 =	simm.s32 $0x11180;
	v3 =	vadd.s32 v1, v3  }
0x163: {  	[tilespmem:s4], [sflag:$0x4] =	stream.indirect_vreg.gather [hbm4b:s2+s3], $0x80, v4, vm0, $0xb8;
	[tilespmem:$0x14180] =	vst v63  }
0x164: {  	s4 =	simm.s32 $0x11980  }
0x165: {  	[tilespmem:s4], [sflag:$0x4] =	stream.indirect_vreg.gather [hbm4b:s5+s3], $0x80, v4, vm0, $0xb8;
	[tilespmem:$0x14180] =	vst v63  }
0x166: {  	s4 =	simm.s32 $0x12180  }
0x167: {  	[tilespmem:s4], [sflag:$0x4] =	stream.indirect_vreg.gather [hbm4b:s2+s3], $0x80, v3, vm0, $0xb8;
	[tilespmem:$0x14180] =	vst v63  }
0x168: {  	s4 =	simm.s32 $0x12980  }
0x169: {  	[tilespmem:s4], [sflag:$0x4] =	stream.indirect_vreg.gather [hbm4b:s5+s3], $0x80, v3, vm0, $0xb8;
	[tilespmem:$0x14180] =	vst v63  }
0x16a: {  	v3 =	vld.msk [tilespmem:$0x138], $0xff;
	_ =	sdelay $0x4  }
0x16b: {  	v63 =	vshll.u32 v3, $0x2  }
0x16c: {  	v3 =	vand.u32 $0x7, v3;
	v4 =	vand.u32 $0xFFFFFFE0, v63  }
0x16d: {  	v3 =	vor.u32 v3, v4  }
0x16e: {  	v3 =	vperm.xlane v3, v0;
	_ =	sdelay $0x1  }
0x16f: {  	v3 =	vadd.s32 v1, v3;
	_ =	sdelay $0x3  }
0x170: {  	s4 =	simm.s32 $0x13180  }
0x171: {  	[tilespmem:s4], [sflag:$0x4] =	stream.indirect_vreg.gather [hbm4b:s2+s3], $0x80, v3, vm0, $0xb8;
	[tilespmem:$0x14180] =	vst v63  }
0x172: {  	s4 =	simm.s32 $0x13980  }
0x173: {  	[tilespmem:s4], [sflag:$0x4] =	stream.indirect_vreg.gather [hbm4b:s5+s3], $0x80, v3, vm0, $0xb8;
	[tilespmem:$0x14180] =	vst v63  }
0x174: {  	_ =	swait.ge [sflag:s1], $0x5000  }
0x175: {  	[sflag:s1] =	ssyncset.done $0x0  }
0x176: {  	s28 =	simm.s32 $0x180;
	s4 =	rddreg [dreg:$0x7];
	[sflag:s1] =	ssyncadd.s32 $0xFFFFB000  }
0x177: {  	[hbm4b:s4+s3] =	stream.linear.scatter [tilespmem:s28], [sflag:$0x5], $0x5000, $0x38;
	[tilespmem:$0x14180] =	vst v63  }
0x178: {  	_ =	swait.ge [sflag:s9], $0x5000  }
0x179: {  	[sflag:s9] =	ssyncset.done $0x0  }
0x17a: {  	s1 =	rddreg [dreg:$0x8];
	[sflag:s9] =	ssyncadd.s32 $0xFFFFB000  }
0x17b: {  	[hbm4b:s1+s3] =	stream.linear.scatter [tilespmem:s29], [sflag:$0x6], $0x5000, $0x38;
	[tilespmem:$0x14180] =	vst v63  }
0x17c: {  	_ =	swait.ge [sflag:s7], $0x5000  }
0x17d: {  	[sflag:s7] =	ssyncset.done $0x0  }
0x17e: {  	s9 =	rddreg [dreg:$0x9];
	[sflag:s7] =	ssyncadd.s32 $0xFFFFB000  }
0x17f: {  	[hbm4b:s9+s3] =	stream.linear.scatter [tilespmem:s25], [sflag:$0x7], $0x5000, $0x38;
	[tilespmem:$0x14180] =	vst v63  }
0x180: {  	_ =	swait.ge [sflag:s11], $0x5000  }
0x181: {  	[sflag:s11] =	ssyncset.done $0x0  }
0x182: {  	s28 =	rddreg [dreg:$0xa];
	[sflag:s11] =	ssyncadd.s32 $0xFFFFB000  }
0x183: {  	[hbm4b:s28+s3] =	stream.linear.scatter [tilespmem:s0], [sflag:$0x8], $0x5000, $0x38;
	[tilespmem:$0x14180] =	vst v63  }
0x184: {  	_ =	swait.ge [sflag:s26], $0x5000  }
0x185: {  	[sflag:s26] =	ssyncset.done $0x0  }
0x186: {  	[sflag:s26] =	ssyncadd.s32 $0xFFFFB000  }
0x187: {  	_ =	swait.ge [sflag:s10], $0x5000  }
0x188: {  	[sflag:s10] =	ssyncset.done $0x0  }
0x189: {  	[sflag:s10] =	ssyncadd.s32 $0xFFFFB000  }
0x18a: {  	p0 =	sne.s32 s6, $0x1;
	_ =	swait.ge [sflag:s8], $0x5000  }
.Ltmp0:
0x18b: {  	[sflag:s8] =	ssyncset.done $0x0;
	(pc) =	sbr.rel @p0 .LBB2_1-.Ltmp0, $4  }
0x18c: {  	[sflag:s8] =	ssyncadd.s32 $0xFFFFB000  }
0x18d: {  	_ =	swait.ge [sflag:s30], $0x5000  }
0x18e: {  	[sflag:s30] =	ssyncset.done $0x0  }
0x18f: {  	s6 =	sadd.s32 $0xFFFFFFFF, s6;
	[sflag:s30] =	ssyncadd.s32 $0xFFFFB000  }
0x190: {  	_ =	sfence.sel $0x180000  }
0x191: {  	[bflag:$0x0] =	sbarrier.arrive $0xFFFF  }
0x192: {  	_ =	strace $0x90000047  }
0x193: {  	s0 =	stileid.u32;
	[bflag:$0x2] =	sbarrier.arrive $0xFFFF  }
0x194: {  	p0 =	sne.s32 s0, $0x0;
	s0 =	rddreg [dreg:$0x2]  }
0x195: {  	s0 =	sadd.s32 @!p0 $0x100000, s0  }
0x196: {  	[sflag:s0] =	ssyncadd.tile.s32 @!p0 $0x1;
	_ =	shalt  }
.Lfunc_end2:
_tile_overlayer_lowered:
.L_overlay_start_2:
0x197: {  	(tag) =	ssettag $0x2  }
0x198: {  	s0 =	rddreg [dreg:$0x0];
	s2 =	stileid.u32  }
0x199: {  	s1 =	rddreg [dreg:$0x1];
	p0 =	sne.s32 s2, $0x0  }
0x19a: {  	s3 =	rddreg [dreg:$0x2];
	[bflag:$0x3] =	sbarrier.arrive $0xFFFF;
	s2 =	simm.s32 @!p0 $0x1C09  }
0x19b: {  	[timem:s3], [sflag:s2] =	dma.local @!p0 [hbm:s0], s1  }
0x19c: {  	s0 =	simm.s32 @!p0 $0x9  }
0x19d: {  	_ =	swait.ge @!p0 [sflag:s0], s1  }
0x19e: {  	s1 =	ssub.s32 @!p0 $0x0, s1;
	[sflag:s0] =	ssyncset.done @!p0 $0x0  }
0x19f: {  	[sflag:s0] =	ssyncadd.s32 @!p0 s1  }
0x1a0: {  	[bflag:$0x3] =	sbarrier.arrive $0xFFFF  }
0x1a1: {  	_ =	shalt  }

// kernel: kernel.9.cloned.1.call-start
scs
__scs_entry_jumppad:
0x0: {  	(pc) =	sbr.rel $0x88, $3  }
0x1: {  	(tag) =	ssettag $0x0;
	lr =	simm.s32 $0x1  }
0x2: {  	[smem:$0x3F99] =	sst lr;
	_ =	strace $0xD0000000  }
0x3: {  	_ = 	snop  }
0x4: {  	_ = 	snop  }
0x5: {  	_ = 	snop  }
0x6: {  	_ = 	snop  }
0x7: {  	_ = 	snop  }
__scs_overlays_trampoline_lowered:
0x8: {  	[smem:$0x3FA8] =	sst s0  }
0x9: {  	[smem:$0x3FA9] =	sst s1  }
0xa: {  	[smem:$0x3FAA] =	sst s2  }
0xb: {  	[smem:$0x3FAB] =	sst s3  }
0xc: {  	[smem:$0x3FAC] =	sst s4  }
0xd: {  	[smem:$0x3FAD] =	sst s5  }
0xe: {  	[smem:$0x3FAE] =	sst s6  }
0xf: {  	[smem:$0x3FAF] =	sst s7  }
0x10: {  	[smem:$0x3FB0] =	sst s8  }
0x11: {  	[smem:$0x3FB1] =	sst s9;
	s0 =	simm.s32 @!p0 $0x0  }
0x12: {  	s1 =	sld [smem:$0x3F97];
	s0 =	simm.s32 @p0 $0x1  }
0x13: {  	[smem:$0x3FB2] =	sst s0;
	s0 =	simm.s32 @!p1 $0x0  }
0x14: {  	s2 =	sld [smem:$0x3F96];
	s0 =	simm.s32 @p1 $0x1  }
0x15: {  	[smem:$0x3FB3] =	sst s0;
	s0 =	simm.s32 @!p2 $0x0  }
0x16: {  	s3 =	sld [smem:$0x3FDB];
	s0 =	simm.s32 @p2 $0x1  }
0x17: {  	s4 =	simm.s32 $0x1BF5;
	[smem:$0x3FB5] =	sst s0  }
0x18: {  	s0 =	sld [smem:$0x3F98];
	_ =	swait.ge [sflag:s4], $0x0  }
0x19: {  	s7 =	sld [smem:$0x3F99]  }
0x1a: {  	s8 =	sadd.s32 $0xFFFFE003, lr  }
0x1b: {  	s9 =	sadd.s32 $0xFFFFFEF7, lr;
	s5 =	simm.s32 $0xFFFFFFFF;
	p2 =	slt.u32 s8, $0xFFFFF086  }
0x1c: {  	p1 =	slt.u32 s9, $0xF7A;
	s5 =	simm.s32 @!p2 $0x0  }
0x1d: {  	s5 =	simm.s32 @p1 $0x1;
	p0 =	seq.s32 s7, s2  }
0x1e: {  	s7 =	smul.u32 @!p0 $0xF7A, s2;
	p2 =	seq.s32 @!p0 s5, $0x0  }
0x1f: {  	s9 =	smul.u32 $0xF7A, s1;
	s8 =	simm.s32 @!p0 $0x1BF5;
	p2 =	por !p2, p0  }
0x20: {  	[sflag:s8] =	ssyncset.s32 @!p0 $0xFFFFF086;
	s6 =	sadd.s32 @!p0 s3, s7;
	s7 =	simm.s32 @!p0 $0x108  }
0x21: {  	s3 =	sadd.s32 s3, s9;
	s6 =	sadd.s32 @!p0 $0x88, s6;
	s7 =	simm.s32 @p2 $0x1082  }
0x22: {  	[simem:s7], [sflag:s8] =	dma.local @!p0 [hbm:s6], $0xF7A  }
0x23: {  	s9 =	sor.u32 $0xD0000000, s2;
	s6 =	simm.s32 $0x108;
	_ =	swait.ge @!p0 [sflag:s8], $0x0  }
0x24: {  	s3 =	sadd.s32 $0x88, s3;
	s6 =	simm.s32 @!p1 $0x1082;
	[sflag:s4] =	ssyncset.s32 $0xFFFFF086  }
0x25: {  	[simem:s6], [sflag:s4] =	dma.local [hbm:s3], $0xF7A  }
0x26: {  	[smem:$0x3F99] =	sst s1;
	(tag) =	ssettag s2;
	_ =	strace s9  }
0x27: {  	s1 =	sld [smem:$0x3FA9]  }
0x28: {  	s2 =	sld [smem:$0x3FAA]  }
0x29: {  	s4 =	sld [smem:$0x3FAC]  }
0x2a: {  	p0 =	seq.s32 s5, $0x0;
	s5 =	sld [smem:$0x3FAD]  }
0x2b: {  	s6 =	sld [smem:$0x3FAE]  }
0x2c: {  	s7 =	sld [smem:$0x3FAF]  }
0x2d: {  	s3 =	simm.s32 $0x108;
	s8 =	sld [smem:$0x3FB0]  }
0x2e: {  	s3 =	simm.s32 @!p0 $0x1082;
	s9 =	sld [smem:$0x3FB1]  }
0x2f: {  	lr =	sadd.s32 s0, s3;
	s0 =	sld [smem:$0x3FA8]  }
0x30: {  	s3 =	sld [smem:$0x3FAB]  }
0x31: {  	[smem:$0x3FB4] =	sst s10  }
0x32: {  	s10 =	sld [smem:$0x3FB2];
	_ =	sdelay $0x3  }
0x33: {  	p0 =	seq.s32 s10, $0x1;
	s10 =	sld [smem:$0x3FB4];
	_ =	sdelay $0x3  }
0x34: {  	[smem:$0x3FB4] =	sst s10  }
0x35: {  	s10 =	sld [smem:$0x3FB3];
	_ =	sdelay $0x3  }
0x36: {  	p1 =	seq.s32 s10, $0x1;
	s10 =	sld [smem:$0x3FB4];
	_ =	sdelay $0x3  }
0x37: {  	[smem:$0x3FB4] =	sst s10  }
0x38: {  	s10 =	sld [smem:$0x3FB5]  }
0x39: {  	_ = 	snop;
	(pc) =	sbr.ind lr, $3  }
0x3a: {  	_ = 	snop  }
0x3b: {  	_ = 	snop  }
0x3c: {  	p2 =	seq.s32 s10, $0x1;
	s10 =	sld [smem:$0x3FB4]  }
0x3d: {  	_ =	shalt  }
0x3e: {  	_ =	shalt  }
0x3f: {  	_ =	shalt  }
0x40: {  	_ =	shalt  }
0x41: {  	_ =	shalt  }
0x42: {  	_ =	shalt  }
0x43: {  	_ =	shalt  }
0x44: {  	_ =	shalt  }
0x45: {  	_ =	shalt  }
0x46: {  	_ =	shalt  }
0x47: {  	_ =	shalt  }
0x48: {  	_ =	shalt  }
0x49: {  	_ =	shalt  }
0x4a: {  	_ =	shalt  }
0x4b: {  	_ =	shalt  }
0x4c: {  	_ =	shalt  }
0x4d: {  	_ =	shalt  }
0x4e: {  	_ =	shalt  }
0x4f: {  	_ =	shalt  }
0x50: {  	_ =	shalt  }
0x51: {  	_ =	shalt  }
0x52: {  	_ =	shalt  }
0x53: {  	_ =	shalt  }
0x54: {  	_ =	shalt  }
0x55: {  	_ =	shalt  }
0x56: {  	_ =	shalt  }
0x57: {  	_ =	shalt  }
0x58: {  	_ =	shalt  }
0x59: {  	_ =	shalt  }
0x5a: {  	_ =	shalt  }
0x5b: {  	_ =	shalt  }
0x5c: {  	_ =	shalt  }
0x5d: {  	_ =	shalt  }
0x5e: {  	_ =	shalt  }
0x5f: {  	_ =	shalt  }
0x60: {  	_ =	shalt  }
0x61: {  	_ =	shalt  }
0x62: {  	_ =	shalt  }
0x63: {  	_ =	shalt  }
0x64: {  	_ =	shalt  }
0x65: {  	_ =	shalt  }
0x66: {  	_ =	shalt  }
0x67: {  	_ =	shalt  }
0x68: {  	_ =	shalt  }
0x69: {  	_ =	shalt  }
0x6a: {  	_ =	shalt  }
0x6b: {  	_ =	shalt  }
0x6c: {  	_ =	shalt  }
0x6d: {  	_ =	shalt  }
0x6e: {  	_ =	shalt  }
0x6f: {  	_ =	shalt  }
0x70: {  	_ =	shalt  }
0x71: {  	_ =	shalt  }
0x72: {  	_ =	shalt  }
0x73: {  	_ =	shalt  }
0x74: {  	_ =	shalt  }
0x75: {  	_ =	shalt  }
0x76: {  	_ =	shalt  }
0x77: {  	_ =	shalt  }
0x78: {  	_ =	shalt  }
0x79: {  	_ =	shalt  }
0x7a: {  	_ =	shalt  }
0x7b: {  	_ =	shalt  }
0x7c: {  	_ =	shalt  }
0x7d: {  	_ =	shalt  }
0x7e: {  	_ =	shalt  }
0x7f: {  	_ =	shalt  }
0x80: {  	_ =	shalt  }
0x81: {  	_ =	shalt  }
0x82: {  	_ =	shalt  }
0x83: {  	_ =	shalt  }
0x84: {  	_ =	shalt  }
0x85: {  	_ =	shalt  }
0x86: {  	_ =	shalt  }
0x87: {  	_ =	shalt  }
.Lfunc_end0:
.L_simem_size_0:
called_computation.1_lowered:
.L_overlay_start_0:
0x88: {  	s2 =	sld [smem:$0x3FD9]  }
0x89: {  	s3 =	sld [smem:$0x3FFE];
	_ =	sdelay $0x1  }
0x8a: {  	s1 =	srdreg.scid  }
0x8b: {  	s0 =	sand.u32 $0x1, s1  }
0x8c: {  	s17 =	sshll.u32 s0, $0xA;
	s2 =	sadd.s32 s3, s2  }
0x8d: {  	s2 =	sadd.s32 s2, s17  }
0x8e: {  	[smem:$0x3FC0] =	sst s2  }
0x8f: {  	_ = 	snop  }
0x90: {  	s2 =	sld [smem:$0x3FD0];
	(tm) =	ssettm $0x1  }
0x91: {  	s18 =	sld [smem:$0x3FFB];
	_ =	sdelay $0x3  }
0x92: {  	_ =	strace s18  }
0x93: {  	s3 =	sld [smem:$0x3FFC];
	_ =	sdelay $0x3  }
0x94: {  	_ =	strace s3  }
0x95: {  	s3 =	sld [smem:$0x3FFD];
	_ =	sdelay $0x3  }
0x96: {  	_ =	strace s3  }
0x97: {  	_ =	strace $0x8FFFFFFF  }
0x98: {  	s19 =	sld [smem:$0x3FDB];
	_ =	sdelay $0x1  }
0x99: {  	s4 =	simm.s32 $_scs_section_size  }
0x9a: {  	s5 =	simm.s32 $_size__tile_overlayer_lowered;
	s6 =	simm.s32 $_tile_overlayer_lowered  }
0x9b: {  	s22 =	simm.s32 $0x1BFF;
	s21 =	sshll.u32 s6, $0x1;
	s3 =	sadd.s32 s4, s19  }
0x9c: {  	s7 =	simm.s32 $0x0;
	s20 =	sshll.u32 s5, $0x1;
	s5 =	sadd.s32 s21, s3  }
0x9d: {  	[timem:s7], [sflag:s22] =	dma.local [hbm:s5], s20  }
0x9e: {  	_ =	swait.ge [sflag:s22], s20  }
0x9f: {  	s4 =	ssub.s32 $0x0, s20;
	[sflag:s22] =	ssyncset.done $0x0  }
0xa0: {  	[sflag:s22] =	ssyncadd.s32 s4;
	_ =	sdelay $0x1  }
0xa1: {  	s23 =	simm.s32 $0x1B8B  }
0xa2: {  	_ =	swait.ge [sflag:s23], $0x1  }
0xa3: {  	[sflag:s23] =	ssyncset.done $0x0  }
0xa4: {  	s25 =	simm.s32 $0x1B8E;
	s24 =	sld [smem:$0x3FFE];
	[sflag:s23] =	ssyncadd.s32 $0xFFFFFFFF  }
0xa5: {  	s26 =	simm.s32 $execute0_lowered;
	[smem:$0x3FD2] =	sst s25  }
0xa6: {  	s5 =	sshll.u32 s26, $0x1;
	_ =	strace $0x80000049;
	[dreg:$0x1] =	wrdreg $0xFFFFFFFF  }
0xa7: {  	s28 =	simm.s32 $_size_execute0_lowered;
	s3 =	sadd.s32 s3, s5;
	[dreg:$0x0] =	wrdreg $0x0  }
0xa8: {  	s5 =	sshll.u32 s28, $0x1;
	[dreg:$0x2] =	wrdreg s3  }
0xa9: {  	[dreg:$0x3] =	wrdreg s5  }
0xaa: {  	[dreg:$0x4] =	wrdreg $0xC0  }
0xab: {  	_ =	task [dreg:s7], $0x5FFFF  }
0xac: {  	[dreg:$0x1] =	wrdreg $0xFFFFFFFF  }
0xad: {  	[dreg:$0x0] =	wrdreg $0x60  }
0xae: {  	[dreg:$0x2] =	wrdreg s24  }
0xaf: {  	[dreg:$0x3] =	wrdreg s2  }
0xb0: {  	[dreg:$0x4] =	wrdreg $0x9  }
0xb1: {  	_ =	task.clear_ibuf [dreg:s7], $0x5FFFF;
	_ =	strace $0x90000049  }
0xb2: {  	s29 =	simm.s32 $0x9;
	_ =	strace $0x8000004B  }
0xb3: {  	_ =	swait.ge [sflag:s29], $0x1  }
0xb4: {  	[sflag:s29] =	ssyncadd.s32 $0xFFFFFFFF  }
0xb5: {  	_ =	strace $0x9000004B  }
0xb6: {  	_ =	sfence  }
0xb7: {  	s30 =	sld [smem:$0x0];
	_ =	sdelay $0x2  }
0xb8: {  	s31 =	sshll.u32 s1, $0xD;
	s1 =	sshrl.u32 s1, $0x2  }
0xb9: {  	s3 =	sand.u32 $0x4000, s31;
	s1 =	sadd.s32 s1, s30  }
0xba: {  	s0 =	sor.u32 s3, s0;
	s1 =	sshll.u32 s1, $0x11  }
0xbb: {  	s0 =	sor.u32 s1, s0  }
0xbc: {  	s0 =	sadd.s32 $0x8F2B, s0  }
0xbd: {  	[sflag:s0] =	ssyncadd.remote.s32 $0x1  }
0xbe: {  	_ =	sfence.sel $0xFFFF  }
0xbf: {  	[dreg:$0x0] =	wrdreg $0xFFFFFFFF;
	(pc) =	sbr.abs _section_cstart, $3  }
0xc0: {  	[dreg:$0x1] =	wrdreg $0xFFFFFFFF  }
0xc1: {  	_ =	task.clear_ibuf [dreg:s7], $0x2FFFF;
	_ =	strace $0x9FFFFFFF  }
0xc2: {  	(tm) =	ssettm $0x7FFFFFFF  }
0xc3: {  	_ =	shalt  }
tec
execute0_lowered:
.L_overlay_start_1:
0x0: {  	(tag) =	ssettag $0x1  }
0x1: {  	s0 =	rddreg [dreg:$0x0]  }
0x2: {  	s1 =	rddreg [dreg:$0x1];
	s2 =	srdreg.scid  }
0x3: {  	s4 =	stileid.u32;
	s31 =	simm.s32 $0xD100;
	s3 =	sand.u32 $0x1, s2  }
0x4: {  	s2 =	simm.s32 $0x0;
	s4 =	sshll.u32 s4, $0x8;
	s5 =	sshll.u32 s3, $0x7  }
0x5: {  	s28 =	simm.s32 $0xE900;
	[smem:$0x7FF] =	sst s2;
	s4 =	sor.u32 s5, s4  }
0x6: {  	s11 =	ssub.s32 $0x2, s3;
	s6 =	sshrl.u32 s4, $0x3;
	s4 =	sshll.u32 s4, $0x7  }
0x7: {  	_ =	strace $0x8000004A;
	s7 =	sshrl.u32 s11, $0x1;
	s9 =	sadd.s32 s0, s4  }
0x8: {  	s8 =	ssub.s32 s11, s7;
	s10 =	sadd.s32 s1, s4;
	[dreg:$0x5] =	wrdreg s9  }
0x9: {  	s6 =	sadd.s32 s6, s0;
	s30 =	smax.u32 s8, $0x1;
	[dreg:$0x7] =	wrdreg s10  }
0xa: {  	s3 =	sadd.s32 $0x160C00, s0;
	s12 =	sadd.s32 $0x160A00, s6;
	[dreg:$0x15] =	wrdreg s30  }
0xb: {  	s13 =	sor.u32 $0x800, s4;
	s6 =	sadd.s32 $0x160800, s6;
	[dreg:$0x3] =	wrdreg s12  }
0xc: {  	s15 =	sor.u32 $0x1000, s4;
	s14 =	sadd.s32 s0, s13;
	[dreg:$0x4] =	wrdreg s6  }
0xd: {  	s17 =	sor.u32 $0x1800, s4;
	s16 =	sadd.s32 s0, s15;
	[dreg:$0x6] =	wrdreg s14  }
0xe: {  	s5 =	sadd.s32 $0x160D00, s0;
	s18 =	sadd.s32 s0, s17;
	[dreg:$0x8] =	wrdreg s16  }
0xf: {  	s19 =	sor.u32 $0x2000, s4;
	s9 =	sadd.s32 s1, s15;
	[dreg:$0xa] =	wrdreg s18  }
0x10: {  	s7 =	sadd.s32 $0x160E00, s0;
	s20 =	sadd.s32 s0, s19;
	[dreg:$0xb] =	wrdreg s9  }
0x11: {  	s21 =	sor.u32 $0x2800, s4;
	s10 =	sadd.s32 s1, s17;
	[dreg:$0xc] =	wrdreg s20  }
0x12: {  	s23 =	sor.u32 $0x3000, s4;
	s22 =	sadd.s32 s0, s21;
	[dreg:$0xd] =	wrdreg s10  }
0x13: {  	s11 =	simm.s32 $0x5;
	s24 =	sadd.s32 s0, s23;
	[dreg:$0xe] =	wrdreg s22  }
0x14: {  	s4 =	sor.u32 $0x3800, s4;
	s25 =	sadd.s32 s1, s21;
	[dreg:$0x10] =	wrdreg s24  }
0x15: {  	s8 =	simm.s32 $0x14100;
	s26 =	sadd.s32 s1, s23;
	[dreg:$0x11] =	wrdreg s25  }
0x16: {  	s29 =	sadd.s32 s0, s4;
	s15 =	simm.s32 $0x6;
	[dreg:$0x12] =	wrdreg s26  }
0x17: {  	s17 =	simm.s32 $0x8;
	s6 =	sadd.s32 s1, s13;
	[dreg:$0x14] =	wrdreg s29  }
0x18: {  	s24 =	sadd.s32 $0x160F00, s0;
	s26 =	simm.s32 $0x9;
	s16 =	simm.s32 $0x10100  }
0x19: {  	s0 =	simm.s32 $0xD900;
	s9 =	simm.s32 $0x1;
	s10 =	simm.s32 $0x3  }
0x1a: {  	s12 =	simm.s32 $0x7;
	s13 =	simm.s32 $0x2;
	s14 =	simm.s32 $0x4  }
0x1b: {  	v2 =	vlaneseq.u32;
	s18 =	simm.s32 $0x0;
	[dreg:$0x9] =	wrdreg s6;
	s6 =	sadd.s32 s1, s19  }
0x1c: {  	vm0 =	vmmov $0xffff;
	v1 =	vshrl.u32 v2, $0x3;
	s1 =	sadd.s32 s1, s4;
	s4 =	simm.s32 $0xF100;
	[dreg:$0xf] =	wrdreg s6  }
0x1d: {  	v0 =	vand.u32 $0x7, v2;
	v2 =	vor.u32 $0x8, v2;
	v1 =	vmul.u32 $0x8, v1;
	[dreg:$0x13] =	wrdreg s1;
	s1 =	simm.s32 $0xE100;
	s6 =	simm.s32 $0xF900  }
.LBB2_1:
0x1e: {  	s19 =	rddreg [dreg:$0x3]  }
0x1f: {  	[tilespmem:s2], [sflag:$0x9] =	stream.linear.gather [hbm4b:s19+s2], $0x80, $0x38;
	[tilespmem:$0x18100] =	vst v63  }
0x20: {  	_ =	swait.ge [sflag:s26], $0x80  }
0x21: {  	[sflag:s26] =	ssyncset.done $0x0  }
0x22: {  	s20 =	simm.s32 $0x80;
	s30 =	rddreg [dreg:$0x4];
	[sflag:s26] =	ssyncadd.s32 $0xFFFFFF80  }
0x23: {  	[tilespmem:s20], [sflag:$0x9] =	stream.linear.gather [hbm4b:s30+s2], $0x80, $0x38;
	[tilespmem:$0x18100] =	vst v63  }
0x24: {  	_ =	swait.ge [sflag:s26], $0x80  }
0x25: {  	[sflag:s26] =	ssyncset.done $0x0  }
0x26: {  	[sflag:s26] =	ssyncadd.s32 $0xFFFFFF80  }
0x27: {  	v3 =	vld [tilespmem:$0x0];
	_ =	sdelay $0x4  }
0x28: {  	v4 =	vshll.u32 v3, $0x3  }
0x29: {  	v3 =	vand.u32 $0x7, v3;
	v4 =	vand.u32 $0xFFFFFFC0, v4  }
0x2a: {  	v3 =	vor.u32 v3, v4  }
0x2b: {  	v4 =	vperm.xlane v3, v0;
	_ =	sdelay $0x1  }
0x2c: {  	v4 =	vadd.s32 v1, v4;
	_ =	sdelay $0x3  }
0x2d: {  	s20 =	simm.s32 $0x100  }
0x2e: {  	[tilespmem:s20], [sflag:$0x1] =	stream.indirect_vreg.gather [hbm4b:s3+s2], $0x80, v4, vm0, $0xb8;
	[tilespmem:$0x18100] =	vst v63  }
0x2f: {  	s21 =	simm.s32 $0x900;
	v3 =	vperm.xlane v3, v2  }
0x30: {  	[tilespmem:s21], [sflag:$0x1] =	stream.indirect_vreg.gather [hbm4b:s5+s2], $0x80, v4, vm0, $0xb8;
	[tilespmem:$0x18100] =	vst v63  }
0x31: {  	s22 =	simm.s32 $0x1100;
	v3 =	vadd.s32 v1, v3  }
0x32: {  	[tilespmem:s22], [sflag:$0x1] =	stream.indirect_vreg.gather [hbm4b:s7+s2], $0x80, v4, vm0, $0xb8;
	[tilespmem:$0x18100] =	vst v63  }
0x33: {  	s23 =	simm.s32 $0x1900  }
0x34: {  	[tilespmem:s23], [sflag:$0x1] =	stream.indirect_vreg.gather [hbm4b:s24+s2], $0x80, v4, vm0, $0xb8;
	[tilespmem:$0x18100] =	vst v63  }
0x35: {  	s25 =	simm.s32 $0x2100  }
0x36: {  	[tilespmem:s25], [sflag:$0x1] =	stream.indirect_vreg.gather [hbm4b:s3+s2], $0x80, v3, vm0, $0xb8;
	[tilespmem:$0x18100] =	vst v63  }
0x37: {  	s29 =	simm.s32 $0x2900  }
0x38: {  	[tilespmem:s29], [sflag:$0x1] =	stream.indirect_vreg.gather [hbm4b:s5+s2], $0x80, v3, vm0, $0xb8;
	[tilespmem:$0x18100] =	vst v63  }
0x39: {  	s30 =	simm.s32 $0x3100  }
0x3a: {  	[tilespmem:s30], [sflag:$0x1] =	stream.indirect_vreg.gather [hbm4b:s7+s2], $0x80, v3, vm0, $0xb8;
	[tilespmem:$0x18100] =	vst v63  }
0x3b: {  	s20 =	simm.s32 $0x3900  }
0x3c: {  	[tilespmem:s20], [sflag:$0x1] =	stream.indirect_vreg.gather [hbm4b:s24+s2], $0x80, v3, vm0, $0xb8;
	[tilespmem:$0x18100] =	vst v63  }
0x3d: {  	v3 =	vld [tilespmem:$0x80];
	_ =	sdelay $0x4  }
0x3e: {  	v61 =	vshll.u32 v3, $0x3  }
0x3f: {  	v3 =	vand.u32 $0x7, v3;
	v4 =	vand.u32 $0xFFFFFFC0, v61  }
0x40: {  	v3 =	vor.u32 v3, v4  }
0x41: {  	v4 =	vperm.xlane v3, v0;
	_ =	sdelay $0x1  }
0x42: {  	v4 =	vadd.s32 v1, v4;
	_ =	sdelay $0x3  }
0x43: {  	s21 =	simm.s32 $0x8100  }
0x44: {  	[tilespmem:s21], [sflag:$0x3] =	stream.indirect_vreg.gather [hbm4b:s3+s2], $0x80, v4, vm0, $0xb8;
	[tilespmem:$0x18100] =	vst v63  }
0x45: {  	s22 =	simm.s32 $0x8900;
	v3 =	vperm.xlane v3, v2  }
0x46: {  	[tilespmem:s22], [sflag:$0x3] =	stream.indirect_vreg.gather [hbm4b:s5+s2], $0x80, v4, vm0, $0xb8;
	[tilespmem:$0x18100] =	vst v63  }
0x47: {  	s23 =	simm.s32 $0x9100;
	v3 =	vadd.s32 v1, v3  }
0x48: {  	[tilespmem:s23], [sflag:$0x3] =	stream.indirect_vreg.gather [hbm4b:s7+s2], $0x80, v4, vm0, $0xb8;
	[tilespmem:$0x18100] =	vst v63  }
0x49: {  	s25 =	simm.s32 $0x9900  }
0x4a: {  	[tilespmem:s25], [sflag:$0x3] =	stream.indirect_vreg.gather [hbm4b:s24+s2], $0x80, v4, vm0, $0xb8;
	[tilespmem:$0x18100] =	vst v63  }
0x4b: {  	s29 =	simm.s32 $0xA100  }
0x4c: {  	[tilespmem:s29], [sflag:$0x3] =	stream.indirect_vreg.gather [hbm4b:s3+s2], $0x80, v3, vm0, $0xb8;
	[tilespmem:$0x18100] =	vst v63  }
0x4d: {  	s30 =	simm.s32 $0xA900  }
0x4e: {  	[tilespmem:s30], [sflag:$0x3] =	stream.indirect_vreg.gather [hbm4b:s5+s2], $0x80, v3, vm0, $0xb8;
	[tilespmem:$0x18100] =	vst v63  }
0x4f: {  	s20 =	simm.s32 $0xB100  }
0x50: {  	[tilespmem:s20], [sflag:$0x3] =	stream.indirect_vreg.gather [hbm4b:s7+s2], $0x80, v3, vm0, $0xb8;
	[tilespmem:$0x18100] =	vst v63  }
0x51: {  	s21 =	simm.s32 $0xB900  }
0x52: {  	[tilespmem:s21], [sflag:$0x3] =	stream.indirect_vreg.gather [hbm4b:s24+s2], $0x80, v3, vm0, $0xb8;
	[tilespmem:$0x18100] =	vst v63  }
0x53: {  	s22 =	rddreg [dreg:$0x5]  }
0x54: {  	[tilespmem:s16], [sflag:$0x5] =	stream.linear.gather [hbm4b:s22+s2], $0x4000, $0x38;
	[tilespmem:$0x18100] =	vst v63  }
0x55: {  	v3 =	vld [tilespmem:$0x10];
	_ =	sdelay $0x4  }
0x56: {  	v62 =	vshll.u32 v3, $0x3  }
0x57: {  	v3 =	vand.u32 $0x7, v3;
	v4 =	vand.u32 $0xFFFFFFC0, v62  }
0x58: {  	v3 =	vor.u32 v3, v4  }
0x59: {  	v4 =	vperm.xlane v3, v0;
	_ =	sdelay $0x1  }
0x5a: {  	v4 =	vadd.s32 v1, v4;
	_ =	sdelay $0x3  }
0x5b: {  	s23 =	simm.s32 $0x4100  }
0x5c: {  	[tilespmem:s23], [sflag:$0x2] =	stream.indirect_vreg.gather [hbm4b:s3+s2], $0x80, v4, vm0, $0xb8;
	[tilespmem:$0x18100] =	vst v63  }
0x5d: {  	s25 =	simm.s32 $0x4900;
	v3 =	vperm.xlane v3, v2  }
0x5e: {  	[tilespmem:s25], [sflag:$0x2] =	stream.indirect_vreg.gather [hbm4b:s5+s2], $0x80, v4, vm0, $0xb8;
	[tilespmem:$0x18100] =	vst v63  }
0x5f: {  	s29 =	simm.s32 $0x5100;
	v3 =	vadd.s32 v1, v3  }
0x60: {  	[tilespmem:s29], [sflag:$0x2] =	stream.indirect_vreg.gather [hbm4b:s7+s2], $0x80, v4, vm0, $0xb8;
	[tilespmem:$0x18100] =	vst v63  }
0x61: {  	s30 =	simm.s32 $0x5900  }
0x62: {  	[tilespmem:s30], [sflag:$0x2] =	stream.indirect_vreg.gather [hbm4b:s24+s2], $0x80, v4, vm0, $0xb8;
	[tilespmem:$0x18100] =	vst v63  }
0x63: {  	s20 =	simm.s32 $0x6100  }
0x64: {  	[tilespmem:s20], [sflag:$0x2] =	stream.indirect_vreg.gather [hbm4b:s3+s2], $0x80, v3, vm0, $0xb8;
	[tilespmem:$0x18100] =	vst v63  }
0x65: {  	s21 =	simm.s32 $0x6900  }
0x66: {  	[tilespmem:s21], [sflag:$0x2] =	stream.indirect_vreg.gather [hbm4b:s5+s2], $0x80, v3, vm0, $0xb8;
	[tilespmem:$0x18100] =	vst v63  }
0x67: {  	s22 =	simm.s32 $0x7100  }
0x68: {  	[tilespmem:s22], [sflag:$0x2] =	stream.indirect_vreg.gather [hbm4b:s7+s2], $0x80, v3, vm0, $0xb8;
	[tilespmem:$0x18100] =	vst v63  }
0x69: {  	s23 =	simm.s32 $0x7900  }
0x6a: {  	[tilespmem:s23], [sflag:$0x2] =	stream.indirect_vreg.gather [hbm4b:s24+s2], $0x80, v3, vm0, $0xb8;
	[tilespmem:$0x18100] =	vst v63  }
0x6b: {  	v3 =	vld [tilespmem:$0x90];
	_ =	sdelay $0x4  }
0x6c: {  	v63 =	vshll.u32 v3, $0x3  }
0x6d: {  	v3 =	vand.u32 $0x7, v3;
	v4 =	vand.u32 $0xFFFFFFC0, v63  }
0x6e: {  	v3 =	vor.u32 v3, v4  }
0x6f: {  	v4 =	vperm.xlane v3, v0;
	_ =	sdelay $0x1  }
0x70: {  	v4 =	vadd.s32 v1, v4;
	_ =	sdelay $0x3  }
0x71: {  	s25 =	simm.s32 $0xC100  }
0x72: {  	[tilespmem:s25], [sflag:$0x4] =	stream.indirect_vreg.gather [hbm4b:s3+s2], $0x80, v4, vm0, $0xb8;
	[tilespmem:$0x18100] =	vst v63  }
0x73: {  	s29 =	simm.s32 $0xC900;
	v3 =	vperm.xlane v3, v2  }
0x74: {  	[tilespmem:s29], [sflag:$0x4] =	stream.indirect_vreg.gather [hbm4b:s5+s2], $0x80, v4, vm0, $0xb8;
	[tilespmem:$0x18100] =	vst v63  }
0x75: {  	v3 =	vadd.s32 v1, v3  }
0x76: {  	[tilespmem:s31], [sflag:$0x4] =	stream.indirect_vreg.gather [hbm4b:s7+s2], $0x80, v4, vm0, $0xb8;
	[tilespmem:$0x18100] =	vst v63  }
0x77: {  	_ = 	snop  }
0x78: {  	[tilespmem:s0], [sflag:$0x4] =	stream.indirect_vreg.gather [hbm4b:s24+s2], $0x80, v4, vm0, $0xb8;
	[tilespmem:$0x18100] =	vst v63  }
0x79: {  	_ = 	snop  }
0x7a: {  	[tilespmem:s1], [sflag:$0x4] =	stream.indirect_vreg.gather [hbm4b:s3+s2], $0x80, v3, vm0, $0xb8;
	[tilespmem:$0x18100] =	vst v63  }
0x7b: {  	_ = 	snop  }
0x7c: {  	[tilespmem:s28], [sflag:$0x4] =	stream.indirect_vreg.gather [hbm4b:s5+s2], $0x80, v3, vm0, $0xb8;
	[tilespmem:$0x18100] =	vst v63  }
0x7d: {  	_ = 	snop  }
0x7e: {  	[tilespmem:s4], [sflag:$0x4] =	stream.indirect_vreg.gather [hbm4b:s7+s2], $0x80, v3, vm0, $0xb8;
	[tilespmem:$0x18100] =	vst v63  }
0x7f: {  	_ = 	snop  }
0x80: {  	[tilespmem:s6], [sflag:$0x4] =	stream.indirect_vreg.gather [hbm4b:s24+s2], $0x80, v3, vm0, $0xb8;
	[tilespmem:$0x18100] =	vst v63  }
0x81: {  	s30 =	rddreg [dreg:$0x6]  }
0x82: {  	[tilespmem:s8], [sflag:$0x6] =	stream.linear.gather [hbm4b:s30+s2], $0x4000, $0x38;
	[tilespmem:$0x18100] =	vst v63  }
0x83: {  	_ =	swait.ge [sflag:s9], $0x4000  }
0x84: {  	[sflag:s9] =	ssyncset.done $0x0  }
0x85: {  	[sflag:s9] =	ssyncadd.s32 $0xFFFFC000  }
0x86: {  	_ =	swait.ge [sflag:s10], $0x4000  }
0x87: {  	[sflag:s10] =	ssyncset.done $0x0  }
0x88: {  	[sflag:s10] =	ssyncadd.s32 $0xFFFFC000  }
0x89: {  	_ =	swait.ge [sflag:s11], $0x4000  }
0x8a: {  	[sflag:s11] =	ssyncset.done $0x0  }
0x8b: {  	s19 =	simm.s32 $0x0;
	[sflag:s11] =	ssyncadd.s32 $0xFFFFC000  }
.LBB2_2:
0x8c: {  	s20 =	sshll.u32 s19, $0xA;
	s21 =	sshll.u32 s19, $0x7  }
0x8d: {  	s20 =	sand.u32 $0x2000, s20;
	s22 =	sand.u32 $0x380, s21;
	s21 =	simm.s32 $0x0  }
0x8e: {  	s22 =	sor.u32 s20, s22;
	s30 =	sand.u32 $0x40, s21  }
0x8f: {  	s23 =	sand.u32 $0x1C00, s21;
	s20 =	sor.u32 s30, s22  }
0x90: {  	s20 =	sor.u32 s23, s20  }
0x91: {  	v7 =	vld [tilespmem:s20+$0x8100]  }
0x92: {  	v8 =	vld [tilespmem:s20+$0x8110]  }
0x93: {  	v6 =	vld [tilespmem:s20+$0x100]  }
0x94: {  	v5 =	vld [tilespmem:s20+$0x110]  }
0x95: {  	v4 =	vld [tilespmem:s20+$0x120]  }
0x96: {  	v3 =	vld [tilespmem:s20+$0x130]  }
0x97: {  	s23 =	simm.s32 $0x40;
	v9 =	vld [tilespmem:s20+$0x10100]  }
.LBB2_3:
0x98: {  	p0 =	sne.s32 s23, $0x3C0;
	v10 =	vld [tilespmem:s20+$0x10110]  }
0x99: {  	v11 =	vld [tilespmem:s20+$0x10120]  }
0x9a: {  	s25 =	sand.u32 $0x40, s23;
	s21 =	sadd.s32 $0x200, s21;
	v12 =	vld [tilespmem:s20+$0x10130]  }
0x9b: {  	s29 =	sand.u32 $0x1C00, s21;
	s25 =	sor.u32 s25, s22;
	v13 =	vld [tilespmem:s20+$0x8120]  }
0x9c: {  	s25 =	sor.u32 s29, s25;
	v6 =	vadd.f32 v6, v9;
	v9 =	vld [tilespmem:s20+$0x8130]  }
0x9d: {  	v14 =	vld [tilespmem:s25+$0x8100];
	v5 =	vadd.f32 v5, v10  }
0x9e: {  	v10 =	vld [tilespmem:s25+$0x8110];
	v7 =	vadd.f32 v7, v6;
	v4 =	vadd.f32 v4, v11  }
.Ltmp0:
0x9f: {  	v6 =	vld [tilespmem:s25+$0x100];
	v8 =	vadd.f32 v8, v5;
	v3 =	vadd.f32 v3, v12;
	(pc) =	sbr.rel @p0 .LBB2_3-.Ltmp0, $4  }
0xa0: {  	v5 =	vld [tilespmem:s25+$0x110];
	[tilespmem:s20+$0x10100] =	vst v7;
	v11 =	vadd.f32 v13, v4  }
0xa1: {  	v4 =	vld [tilespmem:s25+$0x120];
	[tilespmem:s20+$0x10110] =	vst v8;
	v12 =	vadd.f32 v9, v3  }
0xa2: {  	v3 =	vld [tilespmem:s25+$0x130];
	[tilespmem:s20+$0x10120] =	vst v11;
	v7 =	vmov v14  }
0xa3: {  	s23 =	sadd.s32 $0x40, s23;
	v9 =	vld [tilespmem:s25+$0x10100];
	[tilespmem:s20+$0x10130] =	vst v12;
	v8 =	vmov v10;
	s20 =	smov.u32 s25  }
0xa4: {  	v10 =	vld [tilespmem:s20+$0x10110]  }
0xa5: {  	v11 =	vld [tilespmem:s20+$0x10120]  }
0xa6: {  	v12 =	vld [tilespmem:s20+$0x10130]  }
0xa7: {  	v13 =	vld [tilespmem:s20+$0x8120]  }
0xa8: {  	v63 =	vld [tilespmem:s20+$0x8130];
	v6 =	vadd.f32 v6, v9  }
0xa9: {  	s19 =	sadd.s32 $0x1, s19;
	v5 =	vadd.f32 v5, v10  }
0xaa: {  	p0 =	sne.s32 s19, $0x10;
	v4 =	vadd.f32 v4, v11;
	v6 =	vadd.f32 v7, v6  }
.Ltmp1:
0xab: {  	v3 =	vadd.f32 v3, v12;
	v5 =	vadd.f32 v8, v5;
	(pc) =	sbr.rel @p0 .LBB2_2-.Ltmp1, $4  }
0xac: {  	v4 =	vadd.f32 v13, v4;
	[tilespmem:s20+$0x10100] =	vst v6  }
0xad: {  	v3 =	vadd.f32 v63, v3;
	[tilespmem:s20+$0x10110] =	vst v5  }
0xae: {  	[tilespmem:s20+$0x10120] =	vst v4  }
0xaf: {  	[tilespmem:s20+$0x10130] =	vst v3  }
0xb0: {  	s19 =	simm.s32 $0x0;
	s20 =	rddreg [dreg:$0x7]  }
0xb1: {  	[hbm4b:s20+s19] =	stream.linear.scatter [tilespmem:s16], [sflag:$0x7], $0x4000, $0x38;
	[tilespmem:$0x18100] =	vst v63  }
0xb2: {  	_ =	swait.ge [sflag:s12], $0x4000  }
0xb3: {  	[sflag:s12] =	ssyncset.done $0x0  }
0xb4: {  	[sflag:s12] =	ssyncadd.s32 $0xFFFFC000  }
0xb5: {  	v3 =	vld [tilespmem:$0x20];
	_ =	sdelay $0x4  }
0xb6: {  	v4 =	vshll.u32 v3, $0x3  }
0xb7: {  	v3 =	vand.u32 $0x7, v3;
	v4 =	vand.u32 $0xFFFFFFC0, v4  }
0xb8: {  	v3 =	vor.u32 v3, v4  }
0xb9: {  	v4 =	vperm.xlane v3, v0;
	_ =	sdelay $0x1  }
0xba: {  	v4 =	vadd.s32 v1, v4;
	_ =	sdelay $0x3  }
0xbb: {  	s22 =	simm.s32 $0x100  }
0xbc: {  	[tilespmem:s22], [sflag:$0x1] =	stream.indirect_vreg.gather [hbm4b:s3+s19], $0x80, v4, vm0, $0xb8;
	[tilespmem:$0x18100] =	vst v63  }
0xbd: {  	s23 =	simm.s32 $0x900;
	v3 =	vperm.xlane v3, v2  }
0xbe: {  	[tilespmem:s23], [sflag:$0x1] =	stream.indirect_vreg.gather [hbm4b:s5+s19], $0x80, v4, vm0, $0xb8;
	[tilespmem:$0x18100] =	vst v63  }
0xbf: {  	s25 =	simm.s32 $0x1100;
	v3 =	vadd.s32 v1, v3  }
0xc0: {  	[tilespmem:s25], [sflag:$0x1] =	stream.indirect_vreg.gather [hbm4b:s7+s19], $0x80, v4, vm0, $0xb8;
	[tilespmem:$0x18100] =	vst v63  }
0xc1: {  	s29 =	simm.s32 $0x1900  }
0xc2: {  	[tilespmem:s29], [sflag:$0x1] =	stream.indirect_vreg.gather [hbm4b:s24+s19], $0x80, v4, vm0, $0xb8;
	[tilespmem:$0x18100] =	vst v63  }
0xc3: {  	s30 =	simm.s32 $0x2100  }
0xc4: {  	[tilespmem:s30], [sflag:$0x1] =	stream.indirect_vreg.gather [hbm4b:s3+s19], $0x80, v3, vm0, $0xb8;
	[tilespmem:$0x18100] =	vst v63  }
0xc5: {  	s21 =	simm.s32 $0x2900  }
0xc6: {  	[tilespmem:s21], [sflag:$0x1] =	stream.indirect_vreg.gather [hbm4b:s5+s19], $0x80, v3, vm0, $0xb8;
	[tilespmem:$0x18100] =	vst v63  }
0xc7: {  	s22 =	simm.s32 $0x3100  }
0xc8: {  	[tilespmem:s22], [sflag:$0x1] =	stream.indirect_vreg.gather [hbm4b:s7+s19], $0x80, v3, vm0, $0xb8;
	[tilespmem:$0x18100] =	vst v63  }
0xc9: {  	s23 =	simm.s32 $0x3900  }
0xca: {  	[tilespmem:s23], [sflag:$0x1] =	stream.indirect_vreg.gather [hbm4b:s24+s19], $0x80, v3, vm0, $0xb8;
	[tilespmem:$0x18100] =	vst v63  }
0xcb: {  	v3 =	vld [tilespmem:$0xA0];
	_ =	sdelay $0x4  }
0xcc: {  	v63 =	vshll.u32 v3, $0x3  }
0xcd: {  	v3 =	vand.u32 $0x7, v3;
	v4 =	vand.u32 $0xFFFFFFC0, v63  }
0xce: {  	v3 =	vor.u32 v3, v4  }
0xcf: {  	v4 =	vperm.xlane v3, v0;
	_ =	sdelay $0x1  }
0xd0: {  	v4 =	vadd.s32 v1, v4;
	_ =	sdelay $0x3  }
0xd1: {  	s25 =	simm.s32 $0x8100  }
0xd2: {  	[tilespmem:s25], [sflag:$0x3] =	stream.indirect_vreg.gather [hbm4b:s3+s19], $0x80, v4, vm0, $0xb8;
	[tilespmem:$0x18100] =	vst v63  }
0xd3: {  	s29 =	simm.s32 $0x8900;
	v3 =	vperm.xlane v3, v2  }
0xd4: {  	[tilespmem:s29], [sflag:$0x3] =	stream.indirect_vreg.gather [hbm4b:s5+s19], $0x80, v4, vm0, $0xb8;
	[tilespmem:$0x18100] =	vst v63  }
0xd5: {  	s30 =	simm.s32 $0x9100;
	v3 =	vadd.s32 v1, v3  }
0xd6: {  	[tilespmem:s30], [sflag:$0x3] =	stream.indirect_vreg.gather [hbm4b:s7+s19], $0x80, v4, vm0, $0xb8;
	[tilespmem:$0x18100] =	vst v63  }
0xd7: {  	s21 =	simm.s32 $0x9900  }
0xd8: {  	[tilespmem:s21], [sflag:$0x3] =	stream.indirect_vreg.gather [hbm4b:s24+s19], $0x80, v4, vm0, $0xb8;
	[tilespmem:$0x18100] =	vst v63  }
0xd9: {  	s22 =	simm.s32 $0xA100  }
0xda: {  	[tilespmem:s22], [sflag:$0x3] =	stream.indirect_vreg.gather [hbm4b:s3+s19], $0x80, v3, vm0, $0xb8;
	[tilespmem:$0x18100] =	vst v63  }
0xdb: {  	s23 =	simm.s32 $0xA900  }
0xdc: {  	[tilespmem:s23], [sflag:$0x3] =	stream.indirect_vreg.gather [hbm4b:s5+s19], $0x80, v3, vm0, $0xb8;
	[tilespmem:$0x18100] =	vst v63  }
0xdd: {  	s25 =	simm.s32 $0xB100  }
0xde: {  	[tilespmem:s25], [sflag:$0x3] =	stream.indirect_vreg.gather [hbm4b:s7+s19], $0x80, v3, vm0, $0xb8;
	[tilespmem:$0x18100] =	vst v63  }
0xdf: {  	s29 =	simm.s32 $0xB900  }
0xe0: {  	[tilespmem:s29], [sflag:$0x3] =	stream.indirect_vreg.gather [hbm4b:s24+s19], $0x80, v3, vm0, $0xb8;
	[tilespmem:$0x18100] =	vst v63  }
0xe1: {  	s30 =	rddreg [dreg:$0x8]  }
0xe2: {  	[tilespmem:s16], [sflag:$0x5] =	stream.linear.gather [hbm4b:s30+s19], $0x4000, $0x38;
	[tilespmem:$0x18100] =	vst v63  }
0xe3: {  	_ =	swait.ge [sflag:s13], $0x4000  }
0xe4: {  	[sflag:s13] =	ssyncset.done $0x0  }
0xe5: {  	[sflag:s13] =	ssyncadd.s32 $0xFFFFC000  }
0xe6: {  	_ =	swait.ge [sflag:s14], $0x4000  }
0xe7: {  	[sflag:s14] =	ssyncset.done $0x0  }
0xe8: {  	[sflag:s14] =	ssyncadd.s32 $0xFFFFC000  }
0xe9: {  	_ =	swait.ge [sflag:s15], $0x4000  }
0xea: {  	[sflag:s15] =	ssyncset.done $0x0  }
0xeb: {  	s20 =	simm.s32 $0x0;
	[sflag:s15] =	ssyncadd.s32 $0xFFFFC000  }
.LBB2_6:
0xec: {  	s21 =	sshll.u32 s20, $0xA;
	s22 =	sshll.u32 s20, $0x7  }
0xed: {  	s21 =	sand.u32 $0x2000, s21;
	s22 =	sand.u32 $0x380, s22  }
0xee: {  	s30 =	sand.u32 $0x40, s19;
	s22 =	sor.u32 s22, s21  }
0xef: {  	s23 =	sand.u32 $0x1C00, s19;
	s21 =	sor.u32 s30, s22  }
0xf0: {  	s21 =	sor.u32 s23, s21  }
0xf1: {  	v7 =	vld [tilespmem:s21+$0xC100]  }
0xf2: {  	v8 =	vld [tilespmem:s21+$0xC110]  }
0xf3: {  	v6 =	vld [tilespmem:s21+$0x4100]  }
0xf4: {  	v5 =	vld [tilespmem:s21+$0x4110]  }
0xf5: {  	v4 =	vld [tilespmem:s21+$0x4120]  }
0xf6: {  	v3 =	vld [tilespmem:s21+$0x4130]  }
0xf7: {  	s25 =	simm.s32 $0x0;
	s23 =	simm.s32 $0x40;
	v9 =	vld [tilespmem:s21+$0x14100]  }
.LBB2_7:
0xf8: {  	p0 =	sne.s32 s23, $0x3C0;
	v10 =	vld [tilespmem:s21+$0x14110]  }
0xf9: {  	v11 =	vld [tilespmem:s21+$0x14120]  }
0xfa: {  	s29 =	sand.u32 $0x40, s23;
	s25 =	sadd.s32 $0x200, s25;
	v12 =	vld [tilespmem:s21+$0x14130]  }
0xfb: {  	s30 =	sand.u32 $0x1C00, s25;
	s29 =	sor.u32 s29, s22;
	v13 =	vld [tilespmem:s21+$0xC120]  }
0xfc: {  	s29 =	sor.u32 s30, s29;
	v6 =	vadd.f32 v6, v9;
	v9 =	vld [tilespmem:s21+$0xC130]  }
0xfd: {  	v14 =	vld [tilespmem:s29+$0xC100];
	v5 =	vadd.f32 v5, v10  }
0xfe: {  	v10 =	vld [tilespmem:s29+$0xC110];
	v7 =	vadd.f32 v7, v6;
	v4 =	vadd.f32 v4, v11  }
.Ltmp2:
0xff: {  	v6 =	vld [tilespmem:s29+$0x4100];
	v8 =	vadd.f32 v8, v5;
	v3 =	vadd.f32 v3, v12;
	(pc) =	sbr.rel @p0 .LBB2_7-.Ltmp2, $4  }
0x100: {  	v5 =	vld [tilespmem:s29+$0x4110];
	[tilespmem:s21+$0x14100] =	vst v7;
	v11 =	vadd.f32 v13, v4  }
0x101: {  	v4 =	vld [tilespmem:s29+$0x4120];
	[tilespmem:s21+$0x14110] =	vst v8;
	v12 =	vadd.f32 v9, v3  }
0x102: {  	v3 =	vld [tilespmem:s29+$0x4130];
	[tilespmem:s21+$0x14120] =	vst v11;
	v7 =	vmov v14  }
0x103: {  	s23 =	sadd.s32 $0x40, s23;
	v9 =	vld [tilespmem:s29+$0x14100];
	[tilespmem:s21+$0x14130] =	vst v12;
	v8 =	vmov v10;
	s21 =	smov.u32 s29  }
0x104: {  	v10 =	vld [tilespmem:s21+$0x14110]  }
0x105: {  	v11 =	vld [tilespmem:s21+$0x14120]  }
0x106: {  	v12 =	vld [tilespmem:s21+$0x14130]  }
0x107: {  	v13 =	vld [tilespmem:s21+$0xC120]  }
0x108: {  	v63 =	vld [tilespmem:s21+$0xC130];
	v6 =	vadd.f32 v6, v9  }
0x109: {  	s20 =	sadd.s32 $0x1, s20;
	v5 =	vadd.f32 v5, v10  }
0x10a: {  	p0 =	sne.s32 s20, $0x10;
	v4 =	vadd.f32 v4, v11;
	v6 =	vadd.f32 v7, v6  }
.Ltmp3:
0x10b: {  	v3 =	vadd.f32 v3, v12;
	v5 =	vadd.f32 v8, v5;
	(pc) =	sbr.rel @p0 .LBB2_6-.Ltmp3, $4  }
0x10c: {  	v4 =	vadd.f32 v13, v4;
	[tilespmem:s21+$0x14100] =	vst v6  }
0x10d: {  	v3 =	vadd.f32 v63, v3;
	[tilespmem:s21+$0x14110] =	vst v5  }
0x10e: {  	[tilespmem:s21+$0x14120] =	vst v4  }
0x10f: {  	[tilespmem:s21+$0x14130] =	vst v3  }
0x110: {  	s19 =	simm.s32 $0x0;
	s20 =	rddreg [dreg:$0x9]  }
0x111: {  	[hbm4b:s20+s19] =	stream.linear.scatter [tilespmem:s8], [sflag:$0x8], $0x4000, $0x38;
	[tilespmem:$0x18100] =	vst v63  }
0x112: {  	_ =	swait.ge [sflag:s17], $0x4000  }
0x113: {  	[sflag:s17] =	ssyncset.done $0x0  }
0x114: {  	[sflag:s17] =	ssyncadd.s32 $0xFFFFC000  }
0x115: {  	v3 =	vld [tilespmem:$0x30];
	_ =	sdelay $0x4  }
0x116: {  	v4 =	vshll.u32 v3, $0x3  }
0x117: {  	v3 =	vand.u32 $0x7, v3;
	v4 =	vand.u32 $0xFFFFFFC0, v4  }
0x118: {  	v3 =	vor.u32 v3, v4  }
0x119: {  	v4 =	vperm.xlane v3, v0;
	_ =	sdelay $0x1  }
0x11a: {  	v4 =	vadd.s32 v1, v4;
	_ =	sdelay $0x3  }
0x11b: {  	s22 =	simm.s32 $0x4100  }
0x11c: {  	[tilespmem:s22], [sflag:$0x2] =	stream.indirect_vreg.gather [hbm4b:s3+s19], $0x80, v4, vm0, $0xb8;
	[tilespmem:$0x18100] =	vst v63  }
0x11d: {  	s23 =	simm.s32 $0x4900;
	v3 =	vperm.xlane v3, v2  }
0x11e: {  	[tilespmem:s23], [sflag:$0x2] =	stream.indirect_vreg.gather [hbm4b:s5+s19], $0x80, v4, vm0, $0xb8;
	[tilespmem:$0x18100] =	vst v63  }
0x11f: {  	s25 =	simm.s32 $0x5100;
	v3 =	vadd.s32 v1, v3  }
0x120: {  	[tilespmem:s25], [sflag:$0x2] =	stream.indirect_vreg.gather [hbm4b:s7+s19], $0x80, v4, vm0, $0xb8;
	[tilespmem:$0x18100] =	vst v63  }
0x121: {  	s29 =	simm.s32 $0x5900  }
0x122: {  	[tilespmem:s29], [sflag:$0x2] =	stream.indirect_vreg.gather [hbm4b:s24+s19], $0x80, v4, vm0, $0xb8;
	[tilespmem:$0x18100] =	vst v63  }
0x123: {  	s30 =	simm.s32 $0x6100  }
0x124: {  	[tilespmem:s30], [sflag:$0x2] =	stream.indirect_vreg.gather [hbm4b:s3+s19], $0x80, v3, vm0, $0xb8;
	[tilespmem:$0x18100] =	vst v63  }
0x125: {  	s21 =	simm.s32 $0x6900  }
0x126: {  	[tilespmem:s21], [sflag:$0x2] =	stream.indirect_vreg.gather [hbm4b:s5+s19], $0x80, v3, vm0, $0xb8;
	[tilespmem:$0x18100] =	vst v63  }
0x127: {  	s22 =	simm.s32 $0x7100  }
0x128: {  	[tilespmem:s22], [sflag:$0x2] =	stream.indirect_vreg.gather [hbm4b:s7+s19], $0x80, v3, vm0, $0xb8;
	[tilespmem:$0x18100] =	vst v63  }
0x129: {  	s23 =	simm.s32 $0x7900  }
0x12a: {  	[tilespmem:s23], [sflag:$0x2] =	stream.indirect_vreg.gather [hbm4b:s24+s19], $0x80, v3, vm0, $0xb8;
	[tilespmem:$0x18100] =	vst v63  }
0x12b: {  	v3 =	vld [tilespmem:$0xB0];
	_ =	sdelay $0x4  }
0x12c: {  	v63 =	vshll.u32 v3, $0x3  }
0x12d: {  	v3 =	vand.u32 $0x7, v3;
	v4 =	vand.u32 $0xFFFFFFC0, v63  }
0x12e: {  	v3 =	vor.u32 v3, v4  }
0x12f: {  	v4 =	vperm.xlane v3, v0;
	_ =	sdelay $0x1  }
0x130: {  	v4 =	vadd.s32 v1, v4;
	_ =	sdelay $0x3  }
0x131: {  	s25 =	simm.s32 $0xC100  }
0x132: {  	[tilespmem:s25], [sflag:$0x4] =	stream.indirect_vreg.gather [hbm4b:s3+s19], $0x80, v4, vm0, $0xb8;
	[tilespmem:$0x18100] =	vst v63  }
0x133: {  	s29 =	simm.s32 $0xC900;
	v3 =	vperm.xlane v3, v2  }
0x134: {  	[tilespmem:s29], [sflag:$0x4] =	stream.indirect_vreg.gather [hbm4b:s5+s19], $0x80, v4, vm0, $0xb8;
	[tilespmem:$0x18100] =	vst v63  }
0x135: {  	v3 =	vadd.s32 v1, v3  }
0x136: {  	[tilespmem:s31], [sflag:$0x4] =	stream.indirect_vreg.gather [hbm4b:s7+s19], $0x80, v4, vm0, $0xb8;
	[tilespmem:$0x18100] =	vst v63  }
0x137: {  	_ = 	snop  }
0x138: {  	[tilespmem:s0], [sflag:$0x4] =	stream.indirect_vreg.gather [hbm4b:s24+s19], $0x80, v4, vm0, $0xb8;
	[tilespmem:$0x18100] =	vst v63  }
0x139: {  	_ = 	snop  }
0x13a: {  	[tilespmem:s1], [sflag:$0x4] =	stream.indirect_vreg.gather [hbm4b:s3+s19], $0x80, v3, vm0, $0xb8;
	[tilespmem:$0x18100] =	vst v63  }
0x13b: {  	_ = 	snop  }
0x13c: {  	[tilespmem:s28], [sflag:$0x4] =	stream.indirect_vreg.gather [hbm4b:s5+s19], $0x80, v3, vm0, $0xb8;
	[tilespmem:$0x18100] =	vst v63  }
0x13d: {  	_ = 	snop  }
0x13e: {  	[tilespmem:s4], [sflag:$0x4] =	stream.indirect_vreg.gather [hbm4b:s7+s19], $0x80, v3, vm0, $0xb8;
	[tilespmem:$0x18100] =	vst v63  }
0x13f: {  	_ = 	snop  }
0x140: {  	[tilespmem:s6], [sflag:$0x4] =	stream.indirect_vreg.gather [hbm4b:s24+s19], $0x80, v3, vm0, $0xb8;
	[tilespmem:$0x18100] =	vst v63  }
0x141: {  	s30 =	rddreg [dreg:$0xa]  }
0x142: {  	[tilespmem:s8], [sflag:$0x6] =	stream.linear.gather [hbm4b:s30+s19], $0x4000, $0x38;
	[tilespmem:$0x18100] =	vst v63  }
0x143: {  	_ =	swait.ge [sflag:s9], $0x4000  }
0x144: {  	[sflag:s9] =	ssyncset.done $0x0  }
0x145: {  	[sflag:s9] =	ssyncadd.s32 $0xFFFFC000  }
0x146: {  	_ =	swait.ge [sflag:s10], $0x4000  }
0x147: {  	[sflag:s10] =	ssyncset.done $0x0  }
0x148: {  	[sflag:s10] =	ssyncadd.s32 $0xFFFFC000  }
0x149: {  	_ =	swait.ge [sflag:s11], $0x4000  }
0x14a: {  	[sflag:s11] =	ssyncset.done $0x0  }
0x14b: {  	s20 =	simm.s32 $0x0;
	[sflag:s11] =	ssyncadd.s32 $0xFFFFC000  }
.LBB2_10:
0x14c: {  	s21 =	sshll.u32 s20, $0xA;
	s22 =	sshll.u32 s20, $0x7  }
0x14d: {  	s21 =	sand.u32 $0x2000, s21;
	s22 =	sand.u32 $0x380, s22  }
0x14e: {  	s30 =	sand.u32 $0x40, s19;
	s22 =	sor.u32 s21, s22  }
0x14f: {  	s23 =	sand.u32 $0x1C00, s19;
	s21 =	sor.u32 s30, s22  }
0x150: {  	s21 =	sor.u32 s23, s21  }
0x151: {  	v7 =	vld [tilespmem:s21+$0x8100]  }
0x152: {  	v8 =	vld [tilespmem:s21+$0x8110]  }
0x153: {  	v6 =	vld [tilespmem:s21+$0x100]  }
0x154: {  	v5 =	vld [tilespmem:s21+$0x110]  }
0x155: {  	v4 =	vld [tilespmem:s21+$0x120]  }
0x156: {  	v3 =	vld [tilespmem:s21+$0x130]  }
0x157: {  	s25 =	simm.s32 $0x0;
	s23 =	simm.s32 $0x40;
	v9 =	vld [tilespmem:s21+$0x10100]  }
.LBB2_11:
0x158: {  	p0 =	sne.s32 s23, $0x3C0;
	v10 =	vld [tilespmem:s21+$0x10110]  }
0x159: {  	v11 =	vld [tilespmem:s21+$0x10120]  }
0x15a: {  	s29 =	sand.u32 $0x40, s23;
	s25 =	sadd.s32 $0x200, s25;
	v12 =	vld [tilespmem:s21+$0x10130]  }
0x15b: {  	s30 =	sand.u32 $0x1C00, s25;
	s29 =	sor.u32 s29, s22;
	v13 =	vld [tilespmem:s21+$0x8120]  }
0x15c: {  	s29 =	sor.u32 s30, s29;
	v6 =	vadd.f32 v6, v9;
	v9 =	vld [tilespmem:s21+$0x8130]  }
0x15d: {  	v14 =	vld [tilespmem:s29+$0x8100];
	v5 =	vadd.f32 v5, v10  }
0x15e: {  	v10 =	vld [tilespmem:s29+$0x8110];
	v7 =	vadd.f32 v7, v6;
	v4 =	vadd.f32 v4, v11  }
.Ltmp4:
0x15f: {  	v6 =	vld [tilespmem:s29+$0x100];
	v8 =	vadd.f32 v8, v5;
	v3 =	vadd.f32 v3, v12;
	(pc) =	sbr.rel @p0 .LBB2_11-.Ltmp4, $4  }
0x160: {  	v5 =	vld [tilespmem:s29+$0x110];
	[tilespmem:s21+$0x10100] =	vst v7;
	v11 =	vadd.f32 v13, v4  }
0x161: {  	v4 =	vld [tilespmem:s29+$0x120];
	[tilespmem:s21+$0x10110] =	vst v8;
	v12 =	vadd.f32 v9, v3  }
0x162: {  	v3 =	vld [tilespmem:s29+$0x130];
	[tilespmem:s21+$0x10120] =	vst v11;
	v7 =	vmov v14  }
0x163: {  	s23 =	sadd.s32 $0x40, s23;
	v9 =	vld [tilespmem:s29+$0x10100];
	[tilespmem:s21+$0x10130] =	vst v12;
	v8 =	vmov v10;
	s21 =	smov.u32 s29  }
0x164: {  	v10 =	vld [tilespmem:s21+$0x10110]  }
0x165: {  	v11 =	vld [tilespmem:s21+$0x10120]  }
0x166: {  	v12 =	vld [tilespmem:s21+$0x10130]  }
0x167: {  	v13 =	vld [tilespmem:s21+$0x8120]  }
0x168: {  	v63 =	vld [tilespmem:s21+$0x8130];
	v6 =	vadd.f32 v6, v9  }
0x169: {  	s20 =	sadd.s32 $0x1, s20;
	v5 =	vadd.f32 v5, v10  }
0x16a: {  	p0 =	sne.s32 s20, $0x10;
	v4 =	vadd.f32 v4, v11;
	v6 =	vadd.f32 v7, v6  }
.Ltmp5:
0x16b: {  	v3 =	vadd.f32 v3, v12;
	v5 =	vadd.f32 v8, v5;
	(pc) =	sbr.rel @p0 .LBB2_10-.Ltmp5, $4  }
0x16c: {  	v4 =	vadd.f32 v13, v4;
	[tilespmem:s21+$0x10100] =	vst v6  }
0x16d: {  	v3 =	vadd.f32 v63, v3;
	[tilespmem:s21+$0x10110] =	vst v5  }
0x16e: {  	[tilespmem:s21+$0x10120] =	vst v4  }
0x16f: {  	[tilespmem:s21+$0x10130] =	vst v3  }
0x170: {  	s19 =	simm.s32 $0x0;
	s20 =	rddreg [dreg:$0xb]  }
0x171: {  	[hbm4b:s20+s19] =	stream.linear.scatter [tilespmem:s16], [sflag:$0x7], $0x4000, $0x38;
	[tilespmem:$0x18100] =	vst v63  }
0x172: {  	_ =	swait.ge [sflag:s12], $0x4000  }
0x173: {  	[sflag:s12] =	ssyncset.done $0x0  }
0x174: {  	[sflag:s12] =	ssyncadd.s32 $0xFFFFC000  }
0x175: {  	v3 =	vld [tilespmem:$0x40];
	_ =	sdelay $0x4  }
0x176: {  	v4 =	vshll.u32 v3, $0x3  }
0x177: {  	v3 =	vand.u32 $0x7, v3;
	v4 =	vand.u32 $0xFFFFFFC0, v4  }
0x178: {  	v3 =	vor.u32 v3, v4  }
0x179: {  	v4 =	vperm.xlane v3, v0;
	_ =	sdelay $0x1  }
0x17a: {  	v4 =	vadd.s32 v1, v4;
	_ =	sdelay $0x3  }
0x17b: {  	s22 =	simm.s32 $0x100  }
0x17c: {  	[tilespmem:s22], [sflag:$0x1] =	stream.indirect_vreg.gather [hbm4b:s3+s19], $0x80, v4, vm0, $0xb8;
	[tilespmem:$0x18100] =	vst v63  }
0x17d: {  	s23 =	simm.s32 $0x900;
	v3 =	vperm.xlane v3, v2  }
0x17e: {  	[tilespmem:s23], [sflag:$0x1] =	stream.indirect_vreg.gather [hbm4b:s5+s19], $0x80, v4, vm0, $0xb8;
	[tilespmem:$0x18100] =	vst v63  }
0x17f: {  	s25 =	simm.s32 $0x1100;
	v3 =	vadd.s32 v1, v3  }
0x180: {  	[tilespmem:s25], [sflag:$0x1] =	stream.indirect_vreg.gather [hbm4b:s7+s19], $0x80, v4, vm0, $0xb8;
	[tilespmem:$0x18100] =	vst v63  }
0x181: {  	s29 =	simm.s32 $0x1900  }
0x182: {  	[tilespmem:s29], [sflag:$0x1] =	stream.indirect_vreg.gather [hbm4b:s24+s19], $0x80, v4, vm0, $0xb8;
	[tilespmem:$0x18100] =	vst v63  }
0x183: {  	s30 =	simm.s32 $0x2100  }
0x184: {  	[tilespmem:s30], [sflag:$0x1] =	stream.indirect_vreg.gather [hbm4b:s3+s19], $0x80, v3, vm0, $0xb8;
	[tilespmem:$0x18100] =	vst v63  }
0x185: {  	s21 =	simm.s32 $0x2900  }
0x186: {  	[tilespmem:s21], [sflag:$0x1] =	stream.indirect_vreg.gather [hbm4b:s5+s19], $0x80, v3, vm0, $0xb8;
	[tilespmem:$0x18100] =	vst v63  }
0x187: {  	s22 =	simm.s32 $0x3100  }
0x188: {  	[tilespmem:s22], [sflag:$0x1] =	stream.indirect_vreg.gather [hbm4b:s7+s19], $0x80, v3, vm0, $0xb8;
	[tilespmem:$0x18100] =	vst v63  }
0x189: {  	s23 =	simm.s32 $0x3900  }
0x18a: {  	[tilespmem:s23], [sflag:$0x1] =	stream.indirect_vreg.gather [hbm4b:s24+s19], $0x80, v3, vm0, $0xb8;
	[tilespmem:$0x18100] =	vst v63  }
0x18b: {  	v3 =	vld [tilespmem:$0xC0];
	_ =	sdelay $0x4  }
0x18c: {  	v63 =	vshll.u32 v3, $0x3  }
0x18d: {  	v3 =	vand.u32 $0x7, v3;
	v4 =	vand.u32 $0xFFFFFFC0, v63  }
0x18e: {  	v3 =	vor.u32 v3, v4  }
0x18f: {  	v4 =	vperm.xlane v3, v0;
	_ =	sdelay $0x1  }
0x190: {  	v4 =	vadd.s32 v1, v4;
	_ =	sdelay $0x3  }
0x191: {  	s25 =	simm.s32 $0x8100  }
0x192: {  	[tilespmem:s25], [sflag:$0x3] =	stream.indirect_vreg.gather [hbm4b:s3+s19], $0x80, v4, vm0, $0xb8;
	[tilespmem:$0x18100] =	vst v63  }
0x193: {  	s29 =	simm.s32 $0x8900;
	v3 =	vperm.xlane v3, v2  }
0x194: {  	[tilespmem:s29], [sflag:$0x3] =	stream.indirect_vreg.gather [hbm4b:s5+s19], $0x80, v4, vm0, $0xb8;
	[tilespmem:$0x18100] =	vst v63  }
0x195: {  	s30 =	simm.s32 $0x9100;
	v3 =	vadd.s32 v1, v3  }
0x196: {  	[tilespmem:s30], [sflag:$0x3] =	stream.indirect_vreg.gather [hbm4b:s7+s19], $0x80, v4, vm0, $0xb8;
	[tilespmem:$0x18100] =	vst v63  }
0x197: {  	s21 =	simm.s32 $0x9900  }
0x198: {  	[tilespmem:s21], [sflag:$0x3] =	stream.indirect_vreg.gather [hbm4b:s24+s19], $0x80, v4, vm0, $0xb8;
	[tilespmem:$0x18100] =	vst v63  }
0x199: {  	s22 =	simm.s32 $0xA100  }
0x19a: {  	[tilespmem:s22], [sflag:$0x3] =	stream.indirect_vreg.gather [hbm4b:s3+s19], $0x80, v3, vm0, $0xb8;
	[tilespmem:$0x18100] =	vst v63  }
0x19b: {  	s23 =	simm.s32 $0xA900  }
0x19c: {  	[tilespmem:s23], [sflag:$0x3] =	stream.indirect_vreg.gather [hbm4b:s5+s19], $0x80, v3, vm0, $0xb8;
	[tilespmem:$0x18100] =	vst v63  }
0x19d: {  	s25 =	simm.s32 $0xB100  }
0x19e: {  	[tilespmem:s25], [sflag:$0x3] =	stream.indirect_vreg.gather [hbm4b:s7+s19], $0x80, v3, vm0, $0xb8;
	[tilespmem:$0x18100] =	vst v63  }
0x19f: {  	s29 =	simm.s32 $0xB900  }
0x1a0: {  	[tilespmem:s29], [sflag:$0x3] =	stream.indirect_vreg.gather [hbm4b:s24+s19], $0x80, v3, vm0, $0xb8;
	[tilespmem:$0x18100] =	vst v63  }
0x1a1: {  	s30 =	rddreg [dreg:$0xc]  }
0x1a2: {  	[tilespmem:s16], [sflag:$0x5] =	stream.linear.gather [hbm4b:s30+s19], $0x4000, $0x38;
	[tilespmem:$0x18100] =	vst v63  }
0x1a3: {  	_ =	swait.ge [sflag:s13], $0x4000  }
0x1a4: {  	[sflag:s13] =	ssyncset.done $0x0  }
0x1a5: {  	[sflag:s13] =	ssyncadd.s32 $0xFFFFC000  }
0x1a6: {  	_ =	swait.ge [sflag:s14], $0x4000  }
0x1a7: {  	[sflag:s14] =	ssyncset.done $0x0  }
0x1a8: {  	[sflag:s14] =	ssyncadd.s32 $0xFFFFC000  }
0x1a9: {  	_ =	swait.ge [sflag:s15], $0x4000  }
0x1aa: {  	[sflag:s15] =	ssyncset.done $0x0  }
0x1ab: {  	s20 =	simm.s32 $0x0;
	[sflag:s15] =	ssyncadd.s32 $0xFFFFC000  }
.LBB2_14:
0x1ac: {  	s21 =	sshll.u32 s20, $0xA;
	s22 =	sshll.u32 s20, $0x7  }
0x1ad: {  	s21 =	sand.u32 $0x2000, s21;
	s22 =	sand.u32 $0x380, s22  }
0x1ae: {  	s30 =	sand.u32 $0x40, s19;
	s22 =	sor.u32 s22, s21  }
0x1af: {  	s23 =	sand.u32 $0x1C00, s19;
	s21 =	sor.u32 s30, s22  }
0x1b0: {  	s21 =	sor.u32 s23, s21  }
0x1b1: {  	v7 =	vld [tilespmem:s21+$0xC100]  }
0x1b2: {  	v8 =	vld [tilespmem:s21+$0xC110]  }
0x1b3: {  	v6 =	vld [tilespmem:s21+$0x4100]  }
0x1b4: {  	v5 =	vld [tilespmem:s21+$0x4110]  }
0x1b5: {  	v4 =	vld [tilespmem:s21+$0x4120]  }
0x1b6: {  	v3 =	vld [tilespmem:s21+$0x4130]  }
0x1b7: {  	s25 =	simm.s32 $0x0;
	s23 =	simm.s32 $0x40;
	v9 =	vld [tilespmem:s21+$0x14100]  }
.LBB2_15:
0x1b8: {  	p0 =	sne.s32 s23, $0x3C0;
	v10 =	vld [tilespmem:s21+$0x14110]  }
0x1b9: {  	v11 =	vld [tilespmem:s21+$0x14120]  }
0x1ba: {  	s29 =	sand.u32 $0x40, s23;
	s25 =	sadd.s32 $0x200, s25;
	v12 =	vld [tilespmem:s21+$0x14130]  }
0x1bb: {  	s30 =	sand.u32 $0x1C00, s25;
	s29 =	sor.u32 s29, s22;
	v13 =	vld [tilespmem:s21+$0xC120]  }
0x1bc: {  	s29 =	sor.u32 s30, s29;
	v6 =	vadd.f32 v6, v9;
	v9 =	vld [tilespmem:s21+$0xC130]  }
0x1bd: {  	v14 =	vld [tilespmem:s29+$0xC100];
	v5 =	vadd.f32 v5, v10  }
0x1be: {  	v10 =	vld [tilespmem:s29+$0xC110];
	v7 =	vadd.f32 v7, v6;
	v4 =	vadd.f32 v4, v11  }
.Ltmp6:
0x1bf: {  	v6 =	vld [tilespmem:s29+$0x4100];
	v8 =	vadd.f32 v8, v5;
	v3 =	vadd.f32 v3, v12;
	(pc) =	sbr.rel @p0 .LBB2_15-.Ltmp6, $4  }
0x1c0: {  	v5 =	vld [tilespmem:s29+$0x4110];
	[tilespmem:s21+$0x14100] =	vst v7;
	v11 =	vadd.f32 v13, v4  }
0x1c1: {  	v4 =	vld [tilespmem:s29+$0x4120];
	[tilespmem:s21+$0x14110] =	vst v8;
	v12 =	vadd.f32 v9, v3  }
0x1c2: {  	v3 =	vld [tilespmem:s29+$0x4130];
	[tilespmem:s21+$0x14120] =	vst v11;
	v7 =	vmov v14  }
0x1c3: {  	s23 =	sadd.s32 $0x40, s23;
	v9 =	vld [tilespmem:s29+$0x14100];
	[tilespmem:s21+$0x14130] =	vst v12;
	v8 =	vmov v10;
	s21 =	smov.u32 s29  }
0x1c4: {  	v10 =	vld [tilespmem:s21+$0x14110]  }
0x1c5: {  	v11 =	vld [tilespmem:s21+$0x14120]  }
0x1c6: {  	v12 =	vld [tilespmem:s21+$0x14130]  }
0x1c7: {  	v13 =	vld [tilespmem:s21+$0xC120]  }
0x1c8: {  	v63 =	vld [tilespmem:s21+$0xC130];
	v6 =	vadd.f32 v6, v9  }
0x1c9: {  	s20 =	sadd.s32 $0x1, s20;
	v5 =	vadd.f32 v5, v10  }
0x1ca: {  	p0 =	sne.s32 s20, $0x10;
	v4 =	vadd.f32 v4, v11;
	v6 =	vadd.f32 v7, v6  }
.Ltmp7:
0x1cb: {  	v3 =	vadd.f32 v3, v12;
	v5 =	vadd.f32 v8, v5;
	(pc) =	sbr.rel @p0 .LBB2_14-.Ltmp7, $4  }
0x1cc: {  	v4 =	vadd.f32 v13, v4;
	[tilespmem:s21+$0x14100] =	vst v6  }
0x1cd: {  	v3 =	vadd.f32 v63, v3;
	[tilespmem:s21+$0x14110] =	vst v5  }
0x1ce: {  	[tilespmem:s21+$0x14120] =	vst v4  }
0x1cf: {  	[tilespmem:s21+$0x14130] =	vst v3  }
0x1d0: {  	s19 =	simm.s32 $0x0;
	s20 =	rddreg [dreg:$0xd]  }
0x1d1: {  	[hbm4b:s20+s19] =	stream.linear.scatter [tilespmem:s8], [sflag:$0x8], $0x4000, $0x38;
	[tilespmem:$0x18100] =	vst v63  }
0x1d2: {  	_ =	swait.ge [sflag:s17], $0x4000  }
0x1d3: {  	[sflag:s17] =	ssyncset.done $0x0  }
0x1d4: {  	[sflag:s17] =	ssyncadd.s32 $0xFFFFC000  }
0x1d5: {  	v3 =	vld [tilespmem:$0x50];
	_ =	sdelay $0x4  }
0x1d6: {  	v4 =	vshll.u32 v3, $0x3  }
0x1d7: {  	v3 =	vand.u32 $0x7, v3;
	v4 =	vand.u32 $0xFFFFFFC0, v4  }
0x1d8: {  	v3 =	vor.u32 v3, v4  }
0x1d9: {  	v4 =	vperm.xlane v3, v0;
	_ =	sdelay $0x1  }
0x1da: {  	v4 =	vadd.s32 v1, v4;
	_ =	sdelay $0x3  }
0x1db: {  	s22 =	simm.s32 $0x4100  }
0x1dc: {  	[tilespmem:s22], [sflag:$0x2] =	stream.indirect_vreg.gather [hbm4b:s3+s19], $0x80, v4, vm0, $0xb8;
	[tilespmem:$0x18100] =	vst v63  }
0x1dd: {  	s23 =	simm.s32 $0x4900;
	v3 =	vperm.xlane v3, v2  }
0x1de: {  	[tilespmem:s23], [sflag:$0x2] =	stream.indirect_vreg.gather [hbm4b:s5+s19], $0x80, v4, vm0, $0xb8;
	[tilespmem:$0x18100] =	vst v63  }
0x1df: {  	s25 =	simm.s32 $0x5100;
	v3 =	vadd.s32 v1, v3  }
0x1e0: {  	[tilespmem:s25], [sflag:$0x2] =	stream.indirect_vreg.gather [hbm4b:s7+s19], $0x80, v4, vm0, $0xb8;
	[tilespmem:$0x18100] =	vst v63  }
0x1e1: {  	s29 =	simm.s32 $0x5900  }
0x1e2: {  	[tilespmem:s29], [sflag:$0x2] =	stream.indirect_vreg.gather [hbm4b:s24+s19], $0x80, v4, vm0, $0xb8;
	[tilespmem:$0x18100] =	vst v63  }
0x1e3: {  	s30 =	simm.s32 $0x6100  }
0x1e4: {  	[tilespmem:s30], [sflag:$0x2] =	stream.indirect_vreg.gather [hbm4b:s3+s19], $0x80, v3, vm0, $0xb8;
	[tilespmem:$0x18100] =	vst v63  }
0x1e5: {  	s21 =	simm.s32 $0x6900  }
0x1e6: {  	[tilespmem:s21], [sflag:$0x2] =	stream.indirect_vreg.gather [hbm4b:s5+s19], $0x80, v3, vm0, $0xb8;
	[tilespmem:$0x18100] =	vst v63  }
0x1e7: {  	s22 =	simm.s32 $0x7100  }
0x1e8: {  	[tilespmem:s22], [sflag:$0x2] =	stream.indirect_vreg.gather [hbm4b:s7+s19], $0x80, v3, vm0, $0xb8;
	[tilespmem:$0x18100] =	vst v63  }
0x1e9: {  	s23 =	simm.s32 $0x7900  }
0x1ea: {  	[tilespmem:s23], [sflag:$0x2] =	stream.indirect_vreg.gather [hbm4b:s24+s19], $0x80, v3, vm0, $0xb8;
	[tilespmem:$0x18100] =	vst v63  }
0x1eb: {  	v3 =	vld [tilespmem:$0xD0];
	_ =	sdelay $0x4  }
0x1ec: {  	v63 =	vshll.u32 v3, $0x3  }
0x1ed: {  	v3 =	vand.u32 $0x7, v3;
	v4 =	vand.u32 $0xFFFFFFC0, v63  }
0x1ee: {  	v3 =	vor.u32 v3, v4  }
0x1ef: {  	v4 =	vperm.xlane v3, v0;
	_ =	sdelay $0x1  }
0x1f0: {  	v4 =	vadd.s32 v1, v4;
	_ =	sdelay $0x3  }
0x1f1: {  	s25 =	simm.s32 $0xC100  }
0x1f2: {  	[tilespmem:s25], [sflag:$0x4] =	stream.indirect_vreg.gather [hbm4b:s3+s19], $0x80, v4, vm0, $0xb8;
	[tilespmem:$0x18100] =	vst v63  }
0x1f3: {  	s29 =	simm.s32 $0xC900;
	v3 =	vperm.xlane v3, v2  }
0x1f4: {  	[tilespmem:s29], [sflag:$0x4] =	stream.indirect_vreg.gather [hbm4b:s5+s19], $0x80, v4, vm0, $0xb8;
	[tilespmem:$0x18100] =	vst v63  }
0x1f5: {  	v3 =	vadd.s32 v1, v3  }
0x1f6: {  	[tilespmem:s31], [sflag:$0x4] =	stream.indirect_vreg.gather [hbm4b:s7+s19], $0x80, v4, vm0, $0xb8;
	[tilespmem:$0x18100] =	vst v63  }
0x1f7: {  	_ = 	snop  }
0x1f8: {  	[tilespmem:s0], [sflag:$0x4] =	stream.indirect_vreg.gather [hbm4b:s24+s19], $0x80, v4, vm0, $0xb8;
	[tilespmem:$0x18100] =	vst v63  }
0x1f9: {  	_ = 	snop  }
0x1fa: {  	[tilespmem:s1], [sflag:$0x4] =	stream.indirect_vreg.gather [hbm4b:s3+s19], $0x80, v3, vm0, $0xb8;
	[tilespmem:$0x18100] =	vst v63  }
0x1fb: {  	_ = 	snop  }
0x1fc: {  	[tilespmem:s28], [sflag:$0x4] =	stream.indirect_vreg.gather [hbm4b:s5+s19], $0x80, v3, vm0, $0xb8;
	[tilespmem:$0x18100] =	vst v63  }
0x1fd: {  	_ = 	snop  }
0x1fe: {  	[tilespmem:s4], [sflag:$0x4] =	stream.indirect_vreg.gather [hbm4b:s7+s19], $0x80, v3, vm0, $0xb8;
	[tilespmem:$0x18100] =	vst v63  }
0x1ff: {  	_ = 	snop  }
0x200: {  	[tilespmem:s6], [sflag:$0x4] =	stream.indirect_vreg.gather [hbm4b:s24+s19], $0x80, v3, vm0, $0xb8;
	[tilespmem:$0x18100] =	vst v63  }
0x201: {  	s30 =	rddreg [dreg:$0xe]  }
0x202: {  	[tilespmem:s8], [sflag:$0x6] =	stream.linear.gather [hbm4b:s30+s19], $0x4000, $0x38;
	[tilespmem:$0x18100] =	vst v63  }
0x203: {  	_ =	swait.ge [sflag:s9], $0x4000  }
0x204: {  	[sflag:s9] =	ssyncset.done $0x0  }
0x205: {  	[sflag:s9] =	ssyncadd.s32 $0xFFFFC000  }
0x206: {  	_ =	swait.ge [sflag:s10], $0x4000  }
0x207: {  	[sflag:s10] =	ssyncset.done $0x0  }
0x208: {  	[sflag:s10] =	ssyncadd.s32 $0xFFFFC000  }
0x209: {  	_ =	swait.ge [sflag:s11], $0x4000  }
0x20a: {  	[sflag:s11] =	ssyncset.done $0x0  }
0x20b: {  	s20 =	simm.s32 $0x0;
	[sflag:s11] =	ssyncadd.s32 $0xFFFFC000  }
.LBB2_18:
0x20c: {  	s21 =	sshll.u32 s20, $0xA;
	s22 =	sshll.u32 s20, $0x7  }
0x20d: {  	s21 =	sand.u32 $0x2000, s21;
	s22 =	sand.u32 $0x380, s22  }
0x20e: {  	s30 =	sand.u32 $0x40, s19;
	s22 =	sor.u32 s21, s22  }
0x20f: {  	s23 =	sand.u32 $0x1C00, s19;
	s21 =	sor.u32 s30, s22  }
0x210: {  	s21 =	sor.u32 s23, s21  }
0x211: {  	v7 =	vld [tilespmem:s21+$0x8100]  }
0x212: {  	v8 =	vld [tilespmem:s21+$0x8110]  }
0x213: {  	v6 =	vld [tilespmem:s21+$0x100]  }
0x214: {  	v5 =	vld [tilespmem:s21+$0x110]  }
0x215: {  	v4 =	vld [tilespmem:s21+$0x120]  }
0x216: {  	v3 =	vld [tilespmem:s21+$0x130]  }
0x217: {  	s25 =	simm.s32 $0x0;
	s23 =	simm.s32 $0x40;
	v9 =	vld [tilespmem:s21+$0x10100]  }
.LBB2_19:
0x218: {  	p0 =	sne.s32 s23, $0x3C0;
	v10 =	vld [tilespmem:s21+$0x10110]  }
0x219: {  	v11 =	vld [tilespmem:s21+$0x10120]  }
0x21a: {  	s29 =	sand.u32 $0x40, s23;
	s25 =	sadd.s32 $0x200, s25;
	v12 =	vld [tilespmem:s21+$0x10130]  }
0x21b: {  	s30 =	sand.u32 $0x1C00, s25;
	s29 =	sor.u32 s29, s22;
	v13 =	vld [tilespmem:s21+$0x8120]  }
0x21c: {  	s29 =	sor.u32 s30, s29;
	v6 =	vadd.f32 v6, v9;
	v9 =	vld [tilespmem:s21+$0x8130]  }
0x21d: {  	v14 =	vld [tilespmem:s29+$0x8100];
	v5 =	vadd.f32 v5, v10  }
0x21e: {  	v10 =	vld [tilespmem:s29+$0x8110];
	v7 =	vadd.f32 v7, v6;
	v4 =	vadd.f32 v4, v11  }
.Ltmp8:
0x21f: {  	v6 =	vld [tilespmem:s29+$0x100];
	v8 =	vadd.f32 v8, v5;
	v3 =	vadd.f32 v3, v12;
	(pc) =	sbr.rel @p0 .LBB2_19-.Ltmp8, $4  }
0x220: {  	v5 =	vld [tilespmem:s29+$0x110];
	[tilespmem:s21+$0x10100] =	vst v7;
	v11 =	vadd.f32 v13, v4  }
0x221: {  	v4 =	vld [tilespmem:s29+$0x120];
	[tilespmem:s21+$0x10110] =	vst v8;
	v12 =	vadd.f32 v9, v3  }
0x222: {  	v3 =	vld [tilespmem:s29+$0x130];
	[tilespmem:s21+$0x10120] =	vst v11;
	v7 =	vmov v14  }
0x223: {  	s23 =	sadd.s32 $0x40, s23;
	v9 =	vld [tilespmem:s29+$0x10100];
	[tilespmem:s21+$0x10130] =	vst v12;
	v8 =	vmov v10;
	s21 =	smov.u32 s29  }
0x224: {  	v10 =	vld [tilespmem:s21+$0x10110]  }
0x225: {  	v11 =	vld [tilespmem:s21+$0x10120]  }
0x226: {  	v12 =	vld [tilespmem:s21+$0x10130]  }
0x227: {  	v13 =	vld [tilespmem:s21+$0x8120]  }
0x228: {  	v63 =	vld [tilespmem:s21+$0x8130];
	v6 =	vadd.f32 v6, v9  }
0x229: {  	s20 =	sadd.s32 $0x1, s20;
	v5 =	vadd.f32 v5, v10  }
0x22a: {  	p0 =	sne.s32 s20, $0x10;
	v4 =	vadd.f32 v4, v11;
	v6 =	vadd.f32 v7, v6  }
.Ltmp9:
0x22b: {  	v3 =	vadd.f32 v3, v12;
	v5 =	vadd.f32 v8, v5;
	(pc) =	sbr.rel @p0 .LBB2_18-.Ltmp9, $4  }
0x22c: {  	v4 =	vadd.f32 v13, v4;
	[tilespmem:s21+$0x10100] =	vst v6  }
0x22d: {  	v3 =	vadd.f32 v63, v3;
	[tilespmem:s21+$0x10110] =	vst v5  }
0x22e: {  	[tilespmem:s21+$0x10120] =	vst v4  }
0x22f: {  	[tilespmem:s21+$0x10130] =	vst v3  }
0x230: {  	s19 =	simm.s32 $0x0;
	s20 =	rddreg [dreg:$0xf]  }
0x231: {  	[hbm4b:s20+s19] =	stream.linear.scatter [tilespmem:s16], [sflag:$0x7], $0x4000, $0x38;
	[tilespmem:$0x18100] =	vst v63  }
0x232: {  	_ =	swait.ge [sflag:s12], $0x4000  }
0x233: {  	[sflag:s12] =	ssyncset.done $0x0  }
0x234: {  	[sflag:s12] =	ssyncadd.s32 $0xFFFFC000  }
0x235: {  	v3 =	vld [tilespmem:$0x60];
	_ =	sdelay $0x4  }
0x236: {  	v4 =	vshll.u32 v3, $0x3  }
0x237: {  	v3 =	vand.u32 $0x7, v3;
	v4 =	vand.u32 $0xFFFFFFC0, v4  }
0x238: {  	v3 =	vor.u32 v3, v4  }
0x239: {  	v4 =	vperm.xlane v3, v0;
	_ =	sdelay $0x1  }
0x23a: {  	v4 =	vadd.s32 v1, v4;
	_ =	sdelay $0x3  }
0x23b: {  	s22 =	simm.s32 $0x100  }
0x23c: {  	[tilespmem:s22], [sflag:$0x1] =	stream.indirect_vreg.gather [hbm4b:s3+s19], $0x80, v4, vm0, $0xb8;
	[tilespmem:$0x18100] =	vst v63  }
0x23d: {  	s23 =	simm.s32 $0x900;
	v3 =	vperm.xlane v3, v2  }
0x23e: {  	[tilespmem:s23], [sflag:$0x1] =	stream.indirect_vreg.gather [hbm4b:s5+s19], $0x80, v4, vm0, $0xb8;
	[tilespmem:$0x18100] =	vst v63  }
0x23f: {  	s25 =	simm.s32 $0x1100;
	v3 =	vadd.s32 v1, v3  }
0x240: {  	[tilespmem:s25], [sflag:$0x1] =	stream.indirect_vreg.gather [hbm4b:s7+s19], $0x80, v4, vm0, $0xb8;
	[tilespmem:$0x18100] =	vst v63  }
0x241: {  	s29 =	simm.s32 $0x1900  }
0x242: {  	[tilespmem:s29], [sflag:$0x1] =	stream.indirect_vreg.gather [hbm4b:s24+s19], $0x80, v4, vm0, $0xb8;
	[tilespmem:$0x18100] =	vst v63  }
0x243: {  	s30 =	simm.s32 $0x2100  }
0x244: {  	[tilespmem:s30], [sflag:$0x1] =	stream.indirect_vreg.gather [hbm4b:s3+s19], $0x80, v3, vm0, $0xb8;
	[tilespmem:$0x18100] =	vst v63  }
0x245: {  	s21 =	simm.s32 $0x2900  }
0x246: {  	[tilespmem:s21], [sflag:$0x1] =	stream.indirect_vreg.gather [hbm4b:s5+s19], $0x80, v3, vm0, $0xb8;
	[tilespmem:$0x18100] =	vst v63  }
0x247: {  	s22 =	simm.s32 $0x3100  }
0x248: {  	[tilespmem:s22], [sflag:$0x1] =	stream.indirect_vreg.gather [hbm4b:s7+s19], $0x80, v3, vm0, $0xb8;
	[tilespmem:$0x18100] =	vst v63  }
0x249: {  	s23 =	simm.s32 $0x3900  }
0x24a: {  	[tilespmem:s23], [sflag:$0x1] =	stream.indirect_vreg.gather [hbm4b:s24+s19], $0x80, v3, vm0, $0xb8;
	[tilespmem:$0x18100] =	vst v63  }
0x24b: {  	v3 =	vld [tilespmem:$0xE0];
	_ =	sdelay $0x4  }
0x24c: {  	v63 =	vshll.u32 v3, $0x3  }
0x24d: {  	v3 =	vand.u32 $0x7, v3;
	v4 =	vand.u32 $0xFFFFFFC0, v63  }
0x24e: {  	v3 =	vor.u32 v3, v4  }
0x24f: {  	v4 =	vperm.xlane v3, v0;
	_ =	sdelay $0x1  }
0x250: {  	v4 =	vadd.s32 v1, v4;
	_ =	sdelay $0x3  }
0x251: {  	s25 =	simm.s32 $0x8100  }
0x252: {  	[tilespmem:s25], [sflag:$0x3] =	stream.indirect_vreg.gather [hbm4b:s3+s19], $0x80, v4, vm0, $0xb8;
	[tilespmem:$0x18100] =	vst v63  }
0x253: {  	s29 =	simm.s32 $0x8900;
	v3 =	vperm.xlane v3, v2  }
0x254: {  	[tilespmem:s29], [sflag:$0x3] =	stream.indirect_vreg.gather [hbm4b:s5+s19], $0x80, v4, vm0, $0xb8;
	[tilespmem:$0x18100] =	vst v63  }
0x255: {  	s30 =	simm.s32 $0x9100;
	v3 =	vadd.s32 v1, v3  }
0x256: {  	[tilespmem:s30], [sflag:$0x3] =	stream.indirect_vreg.gather [hbm4b:s7+s19], $0x80, v4, vm0, $0xb8;
	[tilespmem:$0x18100] =	vst v63  }
0x257: {  	s21 =	simm.s32 $0x9900  }
0x258: {  	[tilespmem:s21], [sflag:$0x3] =	stream.indirect_vreg.gather [hbm4b:s24+s19], $0x80, v4, vm0, $0xb8;
	[tilespmem:$0x18100] =	vst v63  }
0x259: {  	s22 =	simm.s32 $0xA100  }
0x25a: {  	[tilespmem:s22], [sflag:$0x3] =	stream.indirect_vreg.gather [hbm4b:s3+s19], $0x80, v3, vm0, $0xb8;
	[tilespmem:$0x18100] =	vst v63  }
0x25b: {  	s23 =	simm.s32 $0xA900  }
0x25c: {  	[tilespmem:s23], [sflag:$0x3] =	stream.indirect_vreg.gather [hbm4b:s5+s19], $0x80, v3, vm0, $0xb8;
	[tilespmem:$0x18100] =	vst v63  }
0x25d: {  	s25 =	simm.s32 $0xB100  }
0x25e: {  	[tilespmem:s25], [sflag:$0x3] =	stream.indirect_vreg.gather [hbm4b:s7+s19], $0x80, v3, vm0, $0xb8;
	[tilespmem:$0x18100] =	vst v63  }
0x25f: {  	s29 =	simm.s32 $0xB900  }
0x260: {  	[tilespmem:s29], [sflag:$0x3] =	stream.indirect_vreg.gather [hbm4b:s24+s19], $0x80, v3, vm0, $0xb8;
	[tilespmem:$0x18100] =	vst v63  }
0x261: {  	s30 =	rddreg [dreg:$0x10]  }
0x262: {  	[tilespmem:s16], [sflag:$0x5] =	stream.linear.gather [hbm4b:s30+s19], $0x4000, $0x38;
	[tilespmem:$0x18100] =	vst v63  }
0x263: {  	_ =	swait.ge [sflag:s13], $0x4000  }
0x264: {  	[sflag:s13] =	ssyncset.done $0x0  }
0x265: {  	[sflag:s13] =	ssyncadd.s32 $0xFFFFC000  }
0x266: {  	_ =	swait.ge [sflag:s14], $0x4000  }
0x267: {  	[sflag:s14] =	ssyncset.done $0x0  }
0x268: {  	[sflag:s14] =	ssyncadd.s32 $0xFFFFC000  }
0x269: {  	_ =	swait.ge [sflag:s15], $0x4000  }
0x26a: {  	[sflag:s15] =	ssyncset.done $0x0  }
0x26b: {  	s20 =	simm.s32 $0x0;
	[sflag:s15] =	ssyncadd.s32 $0xFFFFC000  }
.LBB2_22:
0x26c: {  	s21 =	sshll.u32 s20, $0xA;
	s22 =	sshll.u32 s20, $0x7  }
0x26d: {  	s21 =	sand.u32 $0x2000, s21;
	s22 =	sand.u32 $0x380, s22  }
0x26e: {  	s30 =	sand.u32 $0x40, s19;
	s22 =	sor.u32 s22, s21  }
0x26f: {  	s23 =	sand.u32 $0x1C00, s19;
	s21 =	sor.u32 s30, s22  }
0x270: {  	s21 =	sor.u32 s23, s21  }
0x271: {  	v7 =	vld [tilespmem:s21+$0xC100]  }
0x272: {  	v8 =	vld [tilespmem:s21+$0xC110]  }
0x273: {  	v6 =	vld [tilespmem:s21+$0x4100]  }
0x274: {  	v5 =	vld [tilespmem:s21+$0x4110]  }
0x275: {  	v4 =	vld [tilespmem:s21+$0x4120]  }
0x276: {  	v3 =	vld [tilespmem:s21+$0x4130]  }
0x277: {  	s25 =	simm.s32 $0x0;
	s23 =	simm.s32 $0x40;
	v9 =	vld [tilespmem:s21+$0x14100]  }
.LBB2_23:
0x278: {  	p0 =	sne.s32 s23, $0x3C0;
	v10 =	vld [tilespmem:s21+$0x14110]  }
0x279: {  	v11 =	vld [tilespmem:s21+$0x14120]  }
0x27a: {  	s29 =	sand.u32 $0x40, s23;
	s25 =	sadd.s32 $0x200, s25;
	v12 =	vld [tilespmem:s21+$0x14130]  }
0x27b: {  	s30 =	sand.u32 $0x1C00, s25;
	s29 =	sor.u32 s29, s22;
	v13 =	vld [tilespmem:s21+$0xC120]  }
0x27c: {  	s29 =	sor.u32 s30, s29;
	v6 =	vadd.f32 v6, v9;
	v9 =	vld [tilespmem:s21+$0xC130]  }
0x27d: {  	v14 =	vld [tilespmem:s29+$0xC100];
	v5 =	vadd.f32 v5, v10  }
0x27e: {  	v10 =	vld [tilespmem:s29+$0xC110];
	v7 =	vadd.f32 v7, v6;
	v4 =	vadd.f32 v4, v11  }
.Ltmp10:
0x27f: {  	v6 =	vld [tilespmem:s29+$0x4100];
	v8 =	vadd.f32 v8, v5;
	v3 =	vadd.f32 v3, v12;
	(pc) =	sbr.rel @p0 .LBB2_23-.Ltmp10, $4  }
0x280: {  	v5 =	vld [tilespmem:s29+$0x4110];
	[tilespmem:s21+$0x14100] =	vst v7;
	v11 =	vadd.f32 v13, v4  }
0x281: {  	v4 =	vld [tilespmem:s29+$0x4120];
	[tilespmem:s21+$0x14110] =	vst v8;
	v12 =	vadd.f32 v9, v3  }
0x282: {  	v3 =	vld [tilespmem:s29+$0x4130];
	[tilespmem:s21+$0x14120] =	vst v11;
	v7 =	vmov v14  }
0x283: {  	s23 =	sadd.s32 $0x40, s23;
	v9 =	vld [tilespmem:s29+$0x14100];
	[tilespmem:s21+$0x14130] =	vst v12;
	v8 =	vmov v10;
	s21 =	smov.u32 s29  }
0x284: {  	v10 =	vld [tilespmem:s21+$0x14110]  }
0x285: {  	v11 =	vld [tilespmem:s21+$0x14120]  }
0x286: {  	v12 =	vld [tilespmem:s21+$0x14130]  }
0x287: {  	v13 =	vld [tilespmem:s21+$0xC120]  }
0x288: {  	v63 =	vld [tilespmem:s21+$0xC130];
	v6 =	vadd.f32 v6, v9  }
0x289: {  	s20 =	sadd.s32 $0x1, s20;
	v5 =	vadd.f32 v5, v10  }
0x28a: {  	p0 =	sne.s32 s20, $0x10;
	v4 =	vadd.f32 v4, v11;
	v6 =	vadd.f32 v7, v6  }
.Ltmp11:
0x28b: {  	v3 =	vadd.f32 v3, v12;
	v5 =	vadd.f32 v8, v5;
	(pc) =	sbr.rel @p0 .LBB2_22-.Ltmp11, $4  }
0x28c: {  	v4 =	vadd.f32 v13, v4;
	[tilespmem:s21+$0x14100] =	vst v6  }
0x28d: {  	v3 =	vadd.f32 v63, v3;
	[tilespmem:s21+$0x14110] =	vst v5  }
0x28e: {  	[tilespmem:s21+$0x14120] =	vst v4  }
0x28f: {  	[tilespmem:s21+$0x14130] =	vst v3  }
0x290: {  	s19 =	simm.s32 $0x0;
	s20 =	rddreg [dreg:$0x11]  }
0x291: {  	[hbm4b:s20+s19] =	stream.linear.scatter [tilespmem:s8], [sflag:$0x8], $0x4000, $0x38;
	[tilespmem:$0x18100] =	vst v63  }
0x292: {  	_ =	swait.ge [sflag:s17], $0x4000  }
0x293: {  	[sflag:s17] =	ssyncset.done $0x0  }
0x294: {  	[sflag:s17] =	ssyncadd.s32 $0xFFFFC000  }
0x295: {  	v3 =	vld [tilespmem:$0x70];
	_ =	sdelay $0x4  }
0x296: {  	v4 =	vshll.u32 v3, $0x3  }
0x297: {  	v3 =	vand.u32 $0x7, v3;
	v4 =	vand.u32 $0xFFFFFFC0, v4  }
0x298: {  	v3 =	vor.u32 v3, v4  }
0x299: {  	v4 =	vperm.xlane v3, v0;
	_ =	sdelay $0x1  }
0x29a: {  	v4 =	vadd.s32 v1, v4;
	_ =	sdelay $0x3  }
0x29b: {  	s22 =	simm.s32 $0x4100  }
0x29c: {  	[tilespmem:s22], [sflag:$0x2] =	stream.indirect_vreg.gather [hbm4b:s3+s19], $0x80, v4, vm0, $0xb8;
	[tilespmem:$0x18100] =	vst v63  }
0x29d: {  	s23 =	simm.s32 $0x4900;
	v3 =	vperm.xlane v3, v2  }
0x29e: {  	[tilespmem:s23], [sflag:$0x2] =	stream.indirect_vreg.gather [hbm4b:s5+s19], $0x80, v4, vm0, $0xb8;
	[tilespmem:$0x18100] =	vst v63  }
0x29f: {  	s25 =	simm.s32 $0x5100;
	v3 =	vadd.s32 v1, v3  }
0x2a0: {  	[tilespmem:s25], [sflag:$0x2] =	stream.indirect_vreg.gather [hbm4b:s7+s19], $0x80, v4, vm0, $0xb8;
	[tilespmem:$0x18100] =	vst v63  }
0x2a1: {  	s29 =	simm.s32 $0x5900  }
0x2a2: {  	[tilespmem:s29], [sflag:$0x2] =	stream.indirect_vreg.gather [hbm4b:s24+s19], $0x80, v4, vm0, $0xb8;
	[tilespmem:$0x18100] =	vst v63  }
0x2a3: {  	s30 =	simm.s32 $0x6100  }
0x2a4: {  	[tilespmem:s30], [sflag:$0x2] =	stream.indirect_vreg.gather [hbm4b:s3+s19], $0x80, v3, vm0, $0xb8;
	[tilespmem:$0x18100] =	vst v63  }
0x2a5: {  	s21 =	simm.s32 $0x6900  }
0x2a6: {  	[tilespmem:s21], [sflag:$0x2] =	stream.indirect_vreg.gather [hbm4b:s5+s19], $0x80, v3, vm0, $0xb8;
	[tilespmem:$0x18100] =	vst v63  }
0x2a7: {  	s22 =	simm.s32 $0x7100  }
0x2a8: {  	[tilespmem:s22], [sflag:$0x2] =	stream.indirect_vreg.gather [hbm4b:s7+s19], $0x80, v3, vm0, $0xb8;
	[tilespmem:$0x18100] =	vst v63  }
0x2a9: {  	s23 =	simm.s32 $0x7900  }
0x2aa: {  	[tilespmem:s23], [sflag:$0x2] =	stream.indirect_vreg.gather [hbm4b:s24+s19], $0x80, v3, vm0, $0xb8;
	[tilespmem:$0x18100] =	vst v63  }
0x2ab: {  	v3 =	vld [tilespmem:$0xF0];
	_ =	sdelay $0x4  }
0x2ac: {  	v63 =	vshll.u32 v3, $0x3  }
0x2ad: {  	v3 =	vand.u32 $0x7, v3;
	v4 =	vand.u32 $0xFFFFFFC0, v63  }
0x2ae: {  	v3 =	vor.u32 v3, v4  }
0x2af: {  	v4 =	vperm.xlane v3, v0;
	_ =	sdelay $0x1  }
0x2b0: {  	v4 =	vadd.s32 v1, v4;
	_ =	sdelay $0x3  }
0x2b1: {  	s25 =	simm.s32 $0xC100  }
0x2b2: {  	[tilespmem:s25], [sflag:$0x4] =	stream.indirect_vreg.gather [hbm4b:s3+s19], $0x80, v4, vm0, $0xb8;
	[tilespmem:$0x18100] =	vst v63  }
0x2b3: {  	s29 =	simm.s32 $0xC900;
	v3 =	vperm.xlane v3, v2  }
0x2b4: {  	[tilespmem:s29], [sflag:$0x4] =	stream.indirect_vreg.gather [hbm4b:s5+s19], $0x80, v4, vm0, $0xb8;
	[tilespmem:$0x18100] =	vst v63  }
0x2b5: {  	v3 =	vadd.s32 v1, v3  }
0x2b6: {  	[tilespmem:s31], [sflag:$0x4] =	stream.indirect_vreg.gather [hbm4b:s7+s19], $0x80, v4, vm0, $0xb8;
	[tilespmem:$0x18100] =	vst v63  }
0x2b7: {  	_ = 	snop  }
0x2b8: {  	[tilespmem:s0], [sflag:$0x4] =	stream.indirect_vreg.gather [hbm4b:s24+s19], $0x80, v4, vm0, $0xb8;
	[tilespmem:$0x18100] =	vst v63  }
0x2b9: {  	_ = 	snop  }
0x2ba: {  	[tilespmem:s1], [sflag:$0x4] =	stream.indirect_vreg.gather [hbm4b:s3+s19], $0x80, v3, vm0, $0xb8;
	[tilespmem:$0x18100] =	vst v63  }
0x2bb: {  	_ = 	snop  }
0x2bc: {  	[tilespmem:s28], [sflag:$0x4] =	stream.indirect_vreg.gather [hbm4b:s5+s19], $0x80, v3, vm0, $0xb8;
	[tilespmem:$0x18100] =	vst v63  }
0x2bd: {  	_ = 	snop  }
0x2be: {  	[tilespmem:s4], [sflag:$0x4] =	stream.indirect_vreg.gather [hbm4b:s7+s19], $0x80, v3, vm0, $0xb8;
	[tilespmem:$0x18100] =	vst v63  }
0x2bf: {  	_ = 	snop  }
0x2c0: {  	[tilespmem:s6], [sflag:$0x4] =	stream.indirect_vreg.gather [hbm4b:s24+s19], $0x80, v3, vm0, $0xb8;
	[tilespmem:$0x18100] =	vst v63  }
0x2c1: {  	s30 =	rddreg [dreg:$0x14]  }
0x2c2: {  	[tilespmem:s8], [sflag:$0x6] =	stream.linear.gather [hbm4b:s30+s19], $0x4000, $0x38;
	[tilespmem:$0x18100] =	vst v63  }
0x2c3: {  	_ =	swait.ge [sflag:s9], $0x4000  }
0x2c4: {  	[sflag:s9] =	ssyncset.done $0x0  }
0x2c5: {  	[sflag:s9] =	ssyncadd.s32 $0xFFFFC000  }
0x2c6: {  	_ =	swait.ge [sflag:s10], $0x4000  }
0x2c7: {  	[sflag:s10] =	ssyncset.done $0x0  }
0x2c8: {  	[sflag:s10] =	ssyncadd.s32 $0xFFFFC000  }
0x2c9: {  	_ =	swait.ge [sflag:s11], $0x4000  }
0x2ca: {  	[sflag:s11] =	ssyncset.done $0x0  }
0x2cb: {  	s20 =	simm.s32 $0x0;
	[sflag:s11] =	ssyncadd.s32 $0xFFFFC000  }
.LBB2_26:
0x2cc: {  	s21 =	sshll.u32 s20, $0xA;
	s22 =	sshll.u32 s20, $0x7  }
0x2cd: {  	s21 =	sand.u32 $0x2000, s21;
	s22 =	sand.u32 $0x380, s22  }
0x2ce: {  	s30 =	sand.u32 $0x40, s19;
	s22 =	sor.u32 s21, s22  }
0x2cf: {  	s23 =	sand.u32 $0x1C00, s19;
	s21 =	sor.u32 s30, s22  }
0x2d0: {  	s21 =	sor.u32 s23, s21  }
0x2d1: {  	v7 =	vld [tilespmem:s21+$0x8100]  }
0x2d2: {  	v8 =	vld [tilespmem:s21+$0x8110]  }
0x2d3: {  	v6 =	vld [tilespmem:s21+$0x100]  }
0x2d4: {  	v5 =	vld [tilespmem:s21+$0x110]  }
0x2d5: {  	v4 =	vld [tilespmem:s21+$0x120]  }
0x2d6: {  	v3 =	vld [tilespmem:s21+$0x130]  }
0x2d7: {  	s25 =	simm.s32 $0x0;
	s23 =	simm.s32 $0x40;
	v9 =	vld [tilespmem:s21+$0x10100]  }
.LBB2_27:
0x2d8: {  	p0 =	sne.s32 s23, $0x3C0;
	v10 =	vld [tilespmem:s21+$0x10110]  }
0x2d9: {  	v11 =	vld [tilespmem:s21+$0x10120]  }
0x2da: {  	s29 =	sand.u32 $0x40, s23;
	s25 =	sadd.s32 $0x200, s25;
	v12 =	vld [tilespmem:s21+$0x10130]  }
0x2db: {  	s30 =	sand.u32 $0x1C00, s25;
	s29 =	sor.u32 s29, s22;
	v13 =	vld [tilespmem:s21+$0x8120]  }
0x2dc: {  	s29 =	sor.u32 s30, s29;
	v6 =	vadd.f32 v6, v9;
	v9 =	vld [tilespmem:s21+$0x8130]  }
0x2dd: {  	v14 =	vld [tilespmem:s29+$0x8100];
	v5 =	vadd.f32 v5, v10  }
0x2de: {  	v10 =	vld [tilespmem:s29+$0x8110];
	v7 =	vadd.f32 v7, v6;
	v4 =	vadd.f32 v4, v11  }
.Ltmp12:
0x2df: {  	v6 =	vld [tilespmem:s29+$0x100];
	v8 =	vadd.f32 v8, v5;
	v3 =	vadd.f32 v3, v12;
	(pc) =	sbr.rel @p0 .LBB2_27-.Ltmp12, $4  }
0x2e0: {  	v5 =	vld [tilespmem:s29+$0x110];
	[tilespmem:s21+$0x10100] =	vst v7;
	v11 =	vadd.f32 v13, v4  }
0x2e1: {  	v4 =	vld [tilespmem:s29+$0x120];
	[tilespmem:s21+$0x10110] =	vst v8;
	v12 =	vadd.f32 v9, v3  }
0x2e2: {  	v3 =	vld [tilespmem:s29+$0x130];
	[tilespmem:s21+$0x10120] =	vst v11;
	v7 =	vmov v14  }
0x2e3: {  	s23 =	sadd.s32 $0x40, s23;
	v9 =	vld [tilespmem:s29+$0x10100];
	[tilespmem:s21+$0x10130] =	vst v12;
	v8 =	vmov v10;
	s21 =	smov.u32 s29  }
0x2e4: {  	v10 =	vld [tilespmem:s21+$0x10110]  }
0x2e5: {  	v11 =	vld [tilespmem:s21+$0x10120]  }
0x2e6: {  	v12 =	vld [tilespmem:s21+$0x10130]  }
0x2e7: {  	v13 =	vld [tilespmem:s21+$0x8120]  }
0x2e8: {  	v63 =	vld [tilespmem:s21+$0x8130];
	v6 =	vadd.f32 v6, v9  }
0x2e9: {  	s20 =	sadd.s32 $0x1, s20;
	v5 =	vadd.f32 v5, v10  }
0x2ea: {  	p0 =	sne.s32 s20, $0x10;
	v4 =	vadd.f32 v4, v11;
	v6 =	vadd.f32 v7, v6  }
.Ltmp13:
0x2eb: {  	v3 =	vadd.f32 v3, v12;
	v5 =	vadd.f32 v8, v5;
	(pc) =	sbr.rel @p0 .LBB2_26-.Ltmp13, $4  }
0x2ec: {  	v4 =	vadd.f32 v13, v4;
	[tilespmem:s21+$0x10100] =	vst v6  }
0x2ed: {  	v3 =	vadd.f32 v63, v3;
	[tilespmem:s21+$0x10110] =	vst v5  }
0x2ee: {  	[tilespmem:s21+$0x10120] =	vst v4  }
0x2ef: {  	[tilespmem:s21+$0x10130] =	vst v3  }
0x2f0: {  	s19 =	simm.s32 $0x0;
	s20 =	rddreg [dreg:$0x12]  }
0x2f1: {  	[hbm4b:s20+s19] =	stream.linear.scatter [tilespmem:s16], [sflag:$0x7], $0x4000, $0x38;
	[tilespmem:$0x18100] =	vst v63  }
0x2f2: {  	_ =	swait.ge [sflag:s13], $0x4000  }
0x2f3: {  	[sflag:s13] =	ssyncset.done $0x0  }
0x2f4: {  	[sflag:s13] =	ssyncadd.s32 $0xFFFFC000  }
0x2f5: {  	_ =	swait.ge [sflag:s14], $0x4000  }
0x2f6: {  	[sflag:s14] =	ssyncset.done $0x0  }
0x2f7: {  	[sflag:s14] =	ssyncadd.s32 $0xFFFFC000  }
0x2f8: {  	_ =	swait.ge [sflag:s15], $0x4000  }
0x2f9: {  	[sflag:s15] =	ssyncset.done $0x0  }
0x2fa: {  	s20 =	simm.s32 $0x0;
	[sflag:s15] =	ssyncadd.s32 $0xFFFFC000  }
.LBB2_30:
0x2fb: {  	s21 =	sshll.u32 s20, $0xA;
	s22 =	sshll.u32 s20, $0x7  }
0x2fc: {  	s21 =	sand.u32 $0x2000, s21;
	s22 =	sand.u32 $0x380, s22  }
0x2fd: {  	s30 =	sand.u32 $0x40, s19;
	s22 =	sor.u32 s22, s21  }
0x2fe: {  	s23 =	sand.u32 $0x1C00, s19;
	s21 =	sor.u32 s30, s22  }
0x2ff: {  	s21 =	sor.u32 s23, s21  }
0x300: {  	v7 =	vld [tilespmem:s21+$0xC100]  }
0x301: {  	v8 =	vld [tilespmem:s21+$0xC110]  }
0x302: {  	v6 =	vld [tilespmem:s21+$0x4100]  }
0x303: {  	v5 =	vld [tilespmem:s21+$0x4110]  }
0x304: {  	v4 =	vld [tilespmem:s21+$0x4120]  }
0x305: {  	v3 =	vld [tilespmem:s21+$0x4130]  }
0x306: {  	s25 =	simm.s32 $0x0;
	s23 =	simm.s32 $0x40;
	v9 =	vld [tilespmem:s21+$0x14100]  }
.LBB2_31:
0x307: {  	p0 =	sne.s32 s23, $0x3C0;
	v10 =	vld [tilespmem:s21+$0x14110]  }
0x308: {  	v11 =	vld [tilespmem:s21+$0x14120]  }
0x309: {  	s29 =	sand.u32 $0x40, s23;
	s25 =	sadd.s32 $0x200, s25;
	v12 =	vld [tilespmem:s21+$0x14130]  }
0x30a: {  	s30 =	sand.u32 $0x1C00, s25;
	s29 =	sor.u32 s29, s22;
	v13 =	vld [tilespmem:s21+$0xC120]  }
0x30b: {  	s29 =	sor.u32 s30, s29;
	v6 =	vadd.f32 v6, v9;
	v9 =	vld [tilespmem:s21+$0xC130]  }
0x30c: {  	v14 =	vld [tilespmem:s29+$0xC100];
	v5 =	vadd.f32 v5, v10  }
0x30d: {  	v10 =	vld [tilespmem:s29+$0xC110];
	v7 =	vadd.f32 v7, v6;
	v4 =	vadd.f32 v4, v11  }
.Ltmp14:
0x30e: {  	v6 =	vld [tilespmem:s29+$0x4100];
	v8 =	vadd.f32 v8, v5;
	v3 =	vadd.f32 v3, v12;
	(pc) =	sbr.rel @p0 .LBB2_31-.Ltmp14, $4  }
0x30f: {  	v5 =	vld [tilespmem:s29+$0x4110];
	[tilespmem:s21+$0x14100] =	vst v7;
	v11 =	vadd.f32 v13, v4  }
0x310: {  	v4 =	vld [tilespmem:s29+$0x4120];
	[tilespmem:s21+$0x14110] =	vst v8;
	v12 =	vadd.f32 v9, v3  }
0x311: {  	v3 =	vld [tilespmem:s29+$0x4130];
	[tilespmem:s21+$0x14120] =	vst v11;
	v7 =	vmov v14  }
0x312: {  	s23 =	sadd.s32 $0x40, s23;
	v9 =	vld [tilespmem:s29+$0x14100];
	[tilespmem:s21+$0x14130] =	vst v12;
	v8 =	vmov v10;
	s21 =	smov.u32 s29  }
0x313: {  	v10 =	vld [tilespmem:s21+$0x14110]  }
0x314: {  	v11 =	vld [tilespmem:s21+$0x14120]  }
0x315: {  	v12 =	vld [tilespmem:s21+$0x14130]  }
0x316: {  	v13 =	vld [tilespmem:s21+$0xC120]  }
0x317: {  	v63 =	vld [tilespmem:s21+$0xC130];
	v6 =	vadd.f32 v6, v9  }
0x318: {  	s20 =	sadd.s32 $0x1, s20;
	v5 =	vadd.f32 v5, v10  }
0x319: {  	p0 =	sne.s32 s20, $0x10;
	v4 =	vadd.f32 v4, v11;
	v6 =	vadd.f32 v7, v6  }
.Ltmp15:
0x31a: {  	v3 =	vadd.f32 v3, v12;
	v5 =	vadd.f32 v8, v5;
	(pc) =	sbr.rel @p0 .LBB2_30-.Ltmp15, $4  }
0x31b: {  	v4 =	vadd.f32 v13, v4;
	[tilespmem:s21+$0x14100] =	vst v6  }
0x31c: {  	v3 =	vadd.f32 v63, v3;
	[tilespmem:s21+$0x14110] =	vst v5  }
0x31d: {  	[tilespmem:s21+$0x14120] =	vst v4  }
0x31e: {  	[tilespmem:s21+$0x14130] =	vst v3  }
0x31f: {  	s19 =	rddreg [dreg:$0x13]  }
0x320: {  	[hbm4b:s19+s2] =	stream.linear.scatter [tilespmem:s8], [sflag:$0x8], $0x4000, $0x38;
	[tilespmem:$0x18100] =	vst v63  }
0x321: {  	_ =	swait.ge [sflag:s12], $0x4000  }
0x322: {  	[sflag:s12] =	ssyncset.done $0x0  }
0x323: {  	[sflag:s12] =	ssyncadd.s32 $0xFFFFC000  }
0x324: {  	_ =	swait.ge [sflag:s17], $0x4000  }
0x325: {  	s18 =	sadd.s32 $0x1, s18;
	s30 =	rddreg [dreg:$0x15]  }
0x326: {  	p0 =	sne.s32 s18, s30  }
.Ltmp16:
0x327: {  	_ = 	snop;
	(pc) =	sbr.rel @p0 .LBB2_1-.Ltmp16, $3  }
0x328: {  	_ =	sdelay $0x1  }
0x329: {  	[sflag:s17] =	ssyncset.done $0x0  }
0x32a: {  	[sflag:s17] =	ssyncadd.s32 $0xFFFFC000  }
0x32b: {  	_ =	sfence.sel $0x180000  }
0x32c: {  	[bflag:$0x0] =	sbarrier.arrive $0xFFFF  }
0x32d: {  	_ =	strace $0x9000004A  }
0x32e: {  	s0 =	stileid.u32;
	[bflag:$0x2] =	sbarrier.arrive $0xFFFF  }
0x32f: {  	p0 =	sne.s32 s0, $0x0;
	s0 =	rddreg [dreg:$0x2]  }
0x330: {  	s0 =	sadd.s32 @!p0 $0x100000, s0  }
0x331: {  	[sflag:s0] =	ssyncadd.tile.s32 @!p0 $0x1;
	_ =	shalt  }
.Lfunc_end2:
_tile_overlayer_lowered:
.L_overlay_start_2:
0x332: {  	(tag) =	ssettag $0x2  }
0x333: {  	s0 =	rddreg [dreg:$0x0];
	s2 =	stileid.u32  }
0x334: {  	s1 =	rddreg [dreg:$0x1];
	p0 =	sne.s32 s2, $0x0  }
0x335: {  	s3 =	rddreg [dreg:$0x2];
	[bflag:$0x3] =	sbarrier.arrive $0xFFFF;
	s2 =	simm.s32 @!p0 $0x1C09  }
0x336: {  	[timem:s3], [sflag:s2] =	dma.local @!p0 [hbm:s0], s1  }
0x337: {  	s0 =	simm.s32 @!p0 $0x9  }
0x338: {  	_ =	swait.ge @!p0 [sflag:s0], s1  }
0x339: {  	s1 =	ssub.s32 @!p0 $0x0, s1;
	[sflag:s0] =	ssyncset.done @!p0 $0x0  }
0x33a: {  	[sflag:s0] =	ssyncadd.s32 @!p0 s1  }
0x33b: {  	[bflag:$0x3] =	sbarrier.arrive $0xFFFF  }
0x33c: {  	_ =	shalt  }

</sc_bundles>
